<compile_context>
chip_gen: v7x
topology: tpu7x:2x2x1
jax: 0.10.2.dev20260603
libtpu: 0.0.44.dev20260713+nightly
codegen_flags: <defaults>
</compile_context>

<pallas_src>
import functools

import jax
import jax.numpy as jnp
from jax import lax
from jax.experimental import pallas as pl
from jax.experimental.pallas import tpu as pltpu
from jax.experimental.pallas import tpu_sc as plsc

N = 1048576
TOT = 2 * N
NC = 2
NS = 16
NW = NC * NS
CHUNK = TOT // NW
K0 = N // 2 - 1
K1 = N // 2

H1 = 4096
H2 = 8192
H3 = 4096

M31 = 0x7FFFFFFF

_mesh = plsc.VectorSubcoreMesh(core_axis_name="c", subcore_axis_name="s")
_cparams = pltpu.CompilerParams(needs_layout_passes=False)


def _ids():
    cid = lax.axis_index("c")
    sid = lax.axis_index("s")
    return cid, sid, sid * NC + cid


def _key16(v):
    u = plsc.bitcast(v, jnp.int32)
    return u ^ ((u >> 31) & M31)


def _lane_iota():
    return lax.iota(jnp.int32, 16)


def _pick(vec, i):
    return jnp.sum(jnp.where(_lane_iota() == i, vec, jnp.int32(0)))


def _zero_flat(ref, n):
    z = jnp.zeros((16,), jnp.int32)

    @plsc.parallel_loop(0, n // 16)
    def _(j):
        ref[pl.ds(j * 16, 16)] = z


def _cum_select2(acc, base, nb, ka, kb):

    def body(i, carry):
        run, bca, rsa, bcb, rsb = carry
        s = pl.ds(base + i * 16, 16)
        v = acc[0, s] + acc[1, s]
        cs = plsc.cumsum(v) + run
        ma = cs <= ka
        mb = cs <= kb
        one = jnp.int32(1)
        zero = jnp.int32(0)
        bca = bca + jnp.where(ma, one, zero)
        rsa = rsa + jnp.where(ma, v, zero)
        bcb = bcb + jnp.where(mb, one, zero)
        rsb = rsb + jnp.where(mb, v, zero)
        run = run + jnp.sum(v)
        return run, bca, rsa, bcb, rsb

    z = jnp.zeros((16,), jnp.int32)
    _, bca, rsa, bcb, rsb = lax.fori_loop(
        0, nb // 16, body, (jnp.int32(0), z, z, z, z)
    )
    return jnp.sum(bca), ka - jnp.sum(rsa), jnp.sum(bcb), kb - jnp.sum(rsb)


def _pass_epilogue(out, hist, shared, tmp, red, sem, h):
    cid, sid, _ = _ids()
    w = h // 16
    pltpu.sync_copy(hist, shared.at[sid])
    plsc.subcore_barrier()
    base = sid * w
    pltpu.sync_copy(shared.at[:, pl.ds(base, w)], tmp)

    @plsc.parallel_loop(0, w // 16)
    def _(j):
        s = pl.ds(j * 16, 16)
        acc = tmp[0, s]
        for r in range(1, 16):
            acc = acc + tmp[r, s]
        red[s] = acc

    pltpu.sync_copy(red, out.at[cid, pl.ds(base, w)])


def _pass_scratch(h):
    return [
        pltpu.VMEM((CHUNK,), jnp.float32),
        pltpu.VMEM((h,), jnp.int32),
        pltpu.VMEM_SHARED((16, h), jnp.int32),
        pltpu.VMEM((16, h // 16), jnp.int32),
        pltpu.VMEM((h // 16,), jnp.int32),
        pltpu.SemaphoreType.DMA,
    ]


def _write_selvec(outsv, svm, pref, resid):
    _, _, wid = _ids()

    @pl.when(wid == 0)
    def _():
        lane = _lane_iota()
        par = lane & 1
        svm[0] = jnp.where(par == 0, pref[0][0], pref[0][1])
        svm[1] = jnp.where(par == 0, pref[1][0], pref[1][1])
        resids = jnp.zeros((16,), jnp.int32)
        for c in range(2):
            for k in range(2):
                resids = jnp.where(lane == 2 * c + k, resid[k][c], resids)
        svm[2] = resids
        pltpu.sync_copy(svm, outsv)



@functools.partial(
    pl.kernel,
    out_type=jax.ShapeDtypeStruct((NC, H1), jnp.int32),
    mesh=_mesh,
    compiler_params=_cparams,
    scratch_types=_pass_scratch(H1),
)
def _pass1(data, out, buf, hist, shared, tmp, red, sem):
    _, _, wid = _ids()
    cp = pltpu.async_copy(data.at[pl.ds(wid * CHUNK, CHUNK)], buf, sem)
    _zero_flat(hist, H1)
    cp.wait()
    ones = jnp.ones((16,), jnp.int32)

    @plsc.parallel_loop(0, CHUNK // 64, unroll=4)
    def _(t):
        base = t * 64
        coff = ((t >> 1) & 1) * 2048 + 1024
        for jj in range(4):
            v = buf[pl.ds(base + jj * 16, 16)]
            key = _key16(v)
            idx = (key >> 21) + coff
            plsc.addupdate_scatter(hist, [idx], ones)

    _pass_epilogue(out, hist, shared, tmp, red, sem, H1)



@functools.partial(
    pl.kernel,
    out_type=(
        jax.ShapeDtypeStruct((NC, H2), jnp.int32),
        jax.ShapeDtypeStruct((3, 16), jnp.int32),
    ),
    mesh=_mesh,
    compiler_params=_cparams,
    scratch_types=_pass_scratch(H2) + [
        pltpu.VMEM((NC, H1), jnp.int32),
        pltpu.VMEM((3, 16), jnp.int32),
    ],
)
def _pass2(data, h1, outh, outsv, buf, hist, shared, tmp, red, sem, accv, svm):
    _, _, wid = _ids()
    cp = pltpu.async_copy(data.at[pl.ds(wid * CHUNK, CHUNK)], buf, sem)
    pltpu.sync_copy(h1, accv)
    _zero_flat(hist, H2)
    pref = [[None, None], [None, None]]
    resid = [[None, None], [None, None]]
    for c in range(2):
        b0, r0, b1, r1 = _cum_select2(
            accv, c * 2048, 2048, jnp.int32(K0), jnp.int32(K1)
        )
        pref[0][c], resid[0][c] = b0, r0
        pref[1][c], resid[1][c] = b1, r1
    eq = jnp.logical_and(pref[0][0] == pref[1][0], pref[0][1] == pref[1][1])
    cp.wait()
    ones = jnp.ones((16,), jnp.int32)

    prefv = [
        [jnp.broadcast_to(pref[k][c], (16,)) for c in range(2)]
        for k in range(2)
    ]

    def scan(dual):
        @plsc.parallel_loop(0, CHUNK // 64, unroll=4)
        def _(t):
            base = t * 64
            cc = (t >> 1) & 1
            p0 = jnp.where(cc == 0, prefv[0][0], prefv[0][1])
            p1 = jnp.where(cc == 0, prefv[1][0], prefv[1][1])
            coff = cc * 2048
            for jj in range(4):
                v = buf[pl.ds(base + jj * 16, 16)]
                key = _key16(v)
                b1v = (key >> 21) + 1024
                idx = ((key >> 10) & 0x7FF) + coff
                plsc.addupdate_scatter(hist, [idx], ones, mask=b1v == p0)
                if dual:
                    plsc.addupdate_scatter(
                        hist, [idx + 4096], ones, mask=b1v == p1
                    )

    @pl.when(eq)
    def _():
        scan(False)

    @pl.when(jnp.logical_not(eq))
    def _():
        scan(True)

    _pass_epilogue(outh, hist, shared, tmp, red, sem, H2)
    _write_selvec(outsv, svm, pref, resid)



@functools.partial(
    pl.kernel,
    out_type=(
        jax.ShapeDtypeStruct((NC, H3), jnp.int32),
        jax.ShapeDtypeStruct((3, 16), jnp.int32),
    ),
    mesh=_mesh,
    compiler_params=_cparams,
    scratch_types=_pass_scratch(H3) + [
        pltpu.VMEM((NC, H2), jnp.int32),
        pltpu.VMEM((3, 16), jnp.int32),
        pltpu.VMEM((3, 16), jnp.int32),
    ],
)
def _pass3(data, h2, sv1, outh, outsv, buf, hist, shared, tmp, red, sem,
           accv, svin, svm):
    _, _, wid = _ids()
    cp = pltpu.async_copy(data.at[pl.ds(wid * CHUNK, CHUNK)], buf, sem)
    pltpu.sync_copy(h2, accv)
    pltpu.sync_copy(sv1, svin)
    _zero_flat(hist, H3)
    b1s = [[_pick(svin[k], c) for c in range(2)] for k in range(2)]
    rins = [[_pick(svin[2], 2 * c + k) for c in range(2)] for k in range(2)]
    eq2 = jnp.logical_and(b1s[0][0] == b1s[1][0], b1s[0][1] == b1s[1][1])
    pref = [[None, None], [None, None]]
    resid = [[None, None], [None, None]]
    for k in range(2):
        for c in range(2):
            kbase = k * 4096 if k == 0 else jnp.where(eq2, 0, 4096)
            b2, r2, _, _ = _cum_select2(
                accv, kbase + c * 2048, 2048, rins[k][c], rins[k][c]
            )
            pref[k][c] = (((b1s[k][c] + 1024) & 0x7FF) << 11) | b2
            resid[k][c] = r2
    eq3 = jnp.logical_and(pref[0][0] == pref[1][0], pref[0][1] == pref[1][1])
    cp.wait()
    ones = jnp.ones((16,), jnp.int32)

    prefv = [
        [jnp.broadcast_to(pref[k][c], (16,)) for c in range(2)]
        for k in range(2)
    ]

    def scan(dual):
        @plsc.parallel_loop(0, CHUNK // 64, unroll=4)
        def _(t):
            base = t * 64
            cc = (t >> 1) & 1
            p0 = jnp.where(cc == 0, prefv[0][0], prefv[0][1])
            p1 = jnp.where(cc == 0, prefv[1][0], prefv[1][1])
            coff = cc * 1024
            for jj in range(4):
                v = buf[pl.ds(base + jj * 16, 16)]
                key = _key16(v)
                p22 = (key >> 10) & 0x3FFFFF
                idx = (key & 0x3FF) + coff
                plsc.addupdate_scatter(hist, [idx], ones, mask=p22 == p0)
                if dual:
                    plsc.addupdate_scatter(
                        hist, [idx + 2048], ones, mask=p22 == p1
                    )

    @pl.when(eq3)
    def _():
        scan(False)

    @pl.when(jnp.logical_not(eq3))
    def _():
        scan(True)

    _pass_epilogue(outh, hist, shared, tmp, red, sem, H3)
    _write_selvec(outsv, svm, pref, resid)



@functools.partial(
    pl.kernel,
    out_type=jax.ShapeDtypeStruct((16,), jnp.float32),
    mesh=_mesh,
    compiler_params=_cparams,
    scratch_types=[
        pltpu.VMEM((NC, H3), jnp.int32),
        pltpu.VMEM((3, 16), jnp.int32),
        pltpu.VMEM((16,), jnp.float32),
    ],
)
def _sel3(hin, sel, out, acc, svin, ovm):
    _, _, wid = _ids()

    @pl.when(wid == 0)
    def _():
        pltpu.sync_copy(hin, acc)
        pltpu.sync_copy(sel, svin)
        lane = _lane_iota()
        p22s = [[_pick(svin[k], c) for c in range(2)] for k in range(2)]
        rins = [[_pick(svin[2], 2 * c + k) for c in range(2)] for k in range(2)]
        eq3 = jnp.logical_and(
            p22s[0][0] == p22s[1][0], p22s[0][1] == p22s[1][1]
        )
        meds = []
        for c in range(2):
            vals = []
            for k in range(2):
                kbase = k * 2048 if k == 0 else jnp.where(eq3, 0, 2048)
                b3, _, _, _ = _cum_select2(
                    acc, kbase + c * 1024, 1024, rins[k][c], rins[k][c]
                )
                key = (p22s[k][c] << 10) | b3
                u = key ^ ((key >> 31) & M31)
                vals.append(lax.bitcast_convert_type(u, jnp.float32))
            meds.append((vals[0] + vals[1]) * jnp.float32(0.5))
        zv = jnp.zeros((16,), jnp.float32)
        res = jnp.where(lane == 0, meds[0], zv)
        res = jnp.where(lane == 1, meds[1], res)
        ovm[pl.ds(0, 16)] = res
        pltpu.sync_copy(ovm, out)


def kernel(inputs):
    flat = inputs.reshape(8192, 128, 2).transpose(0, 2, 1).reshape(-1)
    h1 = _pass1(flat)
    h2, sv1 = _pass2(flat, h1)
    h3, sv2 = _pass3(flat, h2, sv1)
    med = _sel3(h3, sv2)
    return med[:2]

# --- scband reference (transcript-rebuilt; emitter-appended) ---
"""Pipeline reference for scband-median-model-44796508898087 (READ-ONLY COPY).

The authoritative reference and input builder live on the scoring server;
editing this copy changes nothing except your own understanding.
"""

import jax, jax.numpy as jnp
import numpy as np

def setup_inputs(seed: int = 0) -> dict:
    key = jax.random.key(seed)
    inputs = jax.random.normal(key, (1048576, 2), dtype=jnp.float32)
    return {"inputs": inputs}

def reference(inputs):
    sorted_lat = jnp.sort(inputs[:, 0])
    sorted_lon = jnp.sort(inputs[:, 1])
    n = sorted_lat.shape[0]
    middle = n // 2
    if n % 2 == 0:
        median_lat = (sorted_lat[middle - 1] + sorted_lat[middle]) / 2
        median_lon = (sorted_lon[middle - 1] + sorted_lon[middle]) / 2
    else:
        median_lat = sorted_lat[middle]
        median_lon = sorted_lon[middle]
    return jnp.stack([median_lat, median_lon])

if __name__ == "__main__":
    import jax
    _d = setup_inputs()
    print(jax.jit(kernel)(*tuple(_d.values())))

</pallas_src>

<mosaic_0001>
#map = affine_map<(d0, d1) -> (0)>
#map1 = affine_map<(d0, d1) -> (0, 0)>
module attributes {stable_mosaic.version = 14 : i64} {
  func.func @_pass1(%arg0: i32, %arg1: i32, %arg2: memref<2097152xf32, #tpu.memory_space<hbm>>, %arg3: memref<2x4096xi32, #tpu.memory_space<hbm>>, %arg4: memref<65536xf32, #tpu.memory_space<vmem>>, %arg5: memref<4096xi32, #tpu.memory_space<vmem>>, %arg6: memref<16x4096xi32, #tpu.memory_space<vmem_shared>>, %arg7: memref<16x256xi32, #tpu.memory_space<vmem>>, %arg8: memref<256xi32, #tpu.memory_space<vmem>>, %arg9: memref<!tpu.dma_semaphore, #tpu.memory_space<semaphore_mem>>) attributes {dimension_semantics = [#tpu.dimension_semantics<core_parallel>, #tpu.dimension_semantics<subcore_parallel>], iteration_bounds = array<i64: 2, 16>, scalar_prefetch = 0 : i64, scratch_operands = 6 : i64, tpu.core_type = #tpu.core_type<sc_vector_subcore>, window_params = [{transform_indices = #map}, {transform_indices = #map1}]} {
    %mul3A = arith.constant 2 : i32
    %mul3A_0 = arith.muli %arg1, %mul3A : i32
    %add3A = arith.addi %mul3A_0, %arg0 : i32
    %mul3A_1 = arith.constant 65536 : i32
    %mul3A_2 = arith.muli %add3A, %mul3A_1 : i32
    %dma_start3A = tpu.memref_slice %arg2[%mul3A_2] : memref<2097152xf32, #tpu.memory_space<hbm>> -> memref<65536xf32, #tpu.memory_space<hbm>>
    %dma_start3A_3 = tpu.memref_slice %arg2[%mul3A_2] : memref<2097152xf32, #tpu.memory_space<hbm>> -> memref<65536xf32, #tpu.memory_space<hbm>>
    tpu.enqueue_dma source(%dma_start3A_3 : memref<65536xf32, #tpu.memory_space<hbm>>) target(%arg4 : memref<65536xf32, #tpu.memory_space<vmem>>) target_semaphore(%arg9 : memref<!tpu.dma_semaphore, #tpu.memory_space<semaphore_mem>>)
    %broadcast_in_dim3A = arith.constant 0 : i32
    %broadcast_in_dim3A_4 = vector.broadcast %broadcast_in_dim3A : i32 to vector<16xi32>
    %parallel_loop3A = arith.constant 0 : i32
    %parallel_loop3A_5 = arith.constant 256 : i32
    %parallel_loop3A_6 = arith.constant 1 : i32
    scf.for %parallel_loop3A_21 = %parallel_loop3A to %parallel_loop3A_5 step %parallel_loop3A_6  : i32 {
      %parallel_loop3A_22 = arith.constant 16 : i32
      %parallel_loop3A_23 = arith.muli %parallel_loop3A_21, %parallel_loop3A_22 : i32
      %parallel_loop3A_24 = arith.index_cast %parallel_loop3A_23 : i32 to index
      %parallel_loop3A_25 = tpu.vector_load %arg5[%parallel_loop3A_24] {strides = array<i32>} : memref<4096xi32, #tpu.memory_space<vmem>>, vector<16xi32>,
      tpu.vector_store %arg5[%parallel_loop3A_24], %broadcast_in_dim3A_4 {strides = array<i32>} : memref<4096xi32, #tpu.memory_space<vmem>>, vector<16xi32>,
    } {sc.loop_unroll_factor = 1 : i64, sc.parallel_access}
    %dma_wait3A = tpu.memref_slice %arg2[%mul3A_2] : memref<2097152xf32, #tpu.memory_space<hbm>> -> memref<65536xf32, #tpu.memory_space<hbm>>
    %dma_wait3A_7 = tpu.memref_slice %arg2[%mul3A_2] : memref<2097152xf32, #tpu.memory_space<hbm>> -> memref<65536xf32, #tpu.memory_space<hbm>>
    tpu.wait_dma2 semaphore(%arg9 : memref<!tpu.dma_semaphore, #tpu.memory_space<semaphore_mem>>) src(%dma_wait3A_7 : memref<65536xf32, #tpu.memory_space<hbm>>) dst(%arg4 : memref<65536xf32, #tpu.memory_space<vmem>>)
    %broadcast_in_dim3A_8 = arith.constant 1 : i32
    %broadcast_in_dim3A_9 = vector.broadcast %broadcast_in_dim3A_8 : i32 to vector<16xi32>
    %parallel_loop3A_10 = arith.constant 0 : i32
    %parallel_loop3A_11 = arith.constant 1024 : i32
    %parallel_loop3A_12 = arith.constant 1 : i32
    scf.for %parallel_loop3A_21 = %parallel_loop3A_10 to %parallel_loop3A_11 step %parallel_loop3A_12  : i32 {
      %parallel_loop3A_22 = arith.constant 64 : i32
      %parallel_loop3A_23 = arith.muli %parallel_loop3A_21, %parallel_loop3A_22 : i32
      %parallel_loop3A_24 = arith.constant 1 : i32
      %parallel_loop3A_25 = arith.shrsi %parallel_loop3A_21, %parallel_loop3A_24 : i32
      %parallel_loop3A_26 = arith.constant 1 : i32
      %parallel_loop3A_27 = arith.andi %parallel_loop3A_25, %parallel_loop3A_26 : i32
      %parallel_loop3A_28 = arith.constant 2048 : i32
      %parallel_loop3A_29 = arith.muli %parallel_loop3A_27, %parallel_loop3A_28 : i32
      %parallel_loop3A_30 = arith.constant 1024 : i32
      %parallel_loop3A_31 = arith.addi %parallel_loop3A_29, %parallel_loop3A_30 : i32
      %parallel_loop3A_32 = arith.constant 0 : i32
      %parallel_loop3A_33 = arith.addi %parallel_loop3A_23, %parallel_loop3A_32 : i32
      %parallel_loop3A_34 = arith.index_cast %parallel_loop3A_33 : i32 to index
      %parallel_loop3A_35 = tpu.vector_load %arg4[%parallel_loop3A_34] {strides = array<i32>} : memref<65536xf32, #tpu.memory_space<vmem>>, vector<16xf32>,
      %parallel_loop3A_36 = vector.bitcast %parallel_loop3A_35 : vector<16xf32> to vector<16xi32>
      %parallel_loop3A_37 = arith.constant 31 : i32
      %parallel_loop3A_38 = vector.broadcast %parallel_loop3A_37 : i32 to vector<16xi32>
      %parallel_loop3A_39 = arith.shrsi %parallel_loop3A_36, %parallel_loop3A_38 : vector<16xi32>
      %parallel_loop3A_40 = arith.constant 2147483647 : i32
      %parallel_loop3A_41 = vector.broadcast %parallel_loop3A_40 : i32 to vector<16xi32>
      %parallel_loop3A_42 = arith.andi %parallel_loop3A_39, %parallel_loop3A_41 : vector<16xi32>
      %parallel_loop3A_43 = arith.xori %parallel_loop3A_36, %parallel_loop3A_42 : vector<16xi32>
      %parallel_loop3A_44 = arith.constant 21 : i32
      %parallel_loop3A_45 = vector.broadcast %parallel_loop3A_44 : i32 to vector<16xi32>
      %parallel_loop3A_46 = arith.shrsi %parallel_loop3A_43, %parallel_loop3A_45 : vector<16xi32>
      %parallel_loop3A_47 = vector.broadcast %parallel_loop3A_31 : i32 to vector<16xi32>
      %parallel_loop3A_48 = arith.addi %parallel_loop3A_46, %parallel_loop3A_47 : vector<16xi32>
      tpu.vector_store_idx %arg5[%parallel_loop3A_48], %broadcast_in_dim3A_9 {add = true} : memref<4096xi32, #tpu.memory_space<vmem>>[vector<16xi32>], vector<16xi32>,
      %parallel_loop3A_49 = arith.constant 16 : i32
      %parallel_loop3A_50 = arith.addi %parallel_loop3A_23, %parallel_loop3A_49 : i32
      %parallel_loop3A_51 = arith.index_cast %parallel_loop3A_50 : i32 to index
      %parallel_loop3A_52 = tpu.vector_load %arg4[%parallel_loop3A_51] {strides = array<i32>} : memref<65536xf32, #tpu.memory_space<vmem>>, vector<16xf32>,
      %parallel_loop3A_53 = vector.bitcast %parallel_loop3A_52 : vector<16xf32> to vector<16xi32>
      %parallel_loop3A_54 = arith.constant 31 : i32
      %parallel_loop3A_55 = vector.broadcast %parallel_loop3A_54 : i32 to vector<16xi32>
      %parallel_loop3A_56 = arith.shrsi %parallel_loop3A_53, %parallel_loop3A_55 : vector<16xi32>
      %parallel_loop3A_57 = arith.constant 2147483647 : i32
      %parallel_loop3A_58 = vector.broadcast %parallel_loop3A_57 : i32 to vector<16xi32>
      %parallel_loop3A_59 = arith.andi %parallel_loop3A_56, %parallel_loop3A_58 : vector<16xi32>
      %parallel_loop3A_60 = arith.xori %parallel_loop3A_53, %parallel_loop3A_59 : vector<16xi32>
      %parallel_loop3A_61 = arith.constant 21 : i32
      %parallel_loop3A_62 = vector.broadcast %parallel_loop3A_61 : i32 to vector<16xi32>
      %parallel_loop3A_63 = arith.shrsi %parallel_loop3A_60, %parallel_loop3A_62 : vector<16xi32>
      %parallel_loop3A_64 = vector.broadcast %parallel_loop3A_31 : i32 to vector<16xi32>
      %parallel_loop3A_65 = arith.addi %parallel_loop3A_63, %parallel_loop3A_64 : vector<16xi32>
      tpu.vector_store_idx %arg5[%parallel_loop3A_65], %broadcast_in_dim3A_9 {add = true} : memref<4096xi32, #tpu.memory_space<vmem>>[vector<16xi32>], vector<16xi32>,
      %parallel_loop3A_66 = arith.constant 32 : i32
      %parallel_loop3A_67 = arith.addi %parallel_loop3A_23, %parallel_loop3A_66 : i32
      %parallel_loop3A_68 = arith.index_cast %parallel_loop3A_67 : i32 to index
      %parallel_loop3A_69 = tpu.vector_load %arg4[%parallel_loop3A_68] {strides = array<i32>} : memref<65536xf32, #tpu.memory_space<vmem>>, vector<16xf32>,
      %parallel_loop3A_70 = vector.bitcast %parallel_loop3A_69 : vector<16xf32> to vector<16xi32>
      %parallel_loop3A_71 = arith.constant 31 : i32
      %parallel_loop3A_72 = vector.broadcast %parallel_loop3A_71 : i32 to vector<16xi32>
      %parallel_loop3A_73 = arith.shrsi %parallel_loop3A_70, %parallel_loop3A_72 : vector<16xi32>
      %parallel_loop3A_74 = arith.constant 2147483647 : i32
      %parallel_loop3A_75 = vector.broadcast %parallel_loop3A_74 : i32 to vector<16xi32>
      %parallel_loop3A_76 = arith.andi %parallel_loop3A_73, %parallel_loop3A_75 : vector<16xi32>
      %parallel_loop3A_77 = arith.xori %parallel_loop3A_70, %parallel_loop3A_76 : vector<16xi32>
      %parallel_loop3A_78 = arith.constant 21 : i32
      %parallel_loop3A_79 = vector.broadcast %parallel_loop3A_78 : i32 to vector<16xi32>
      %parallel_loop3A_80 = arith.shrsi %parallel_loop3A_77, %parallel_loop3A_79 : vector<16xi32>
      %parallel_loop3A_81 = vector.broadcast %parallel_loop3A_31 : i32 to vector<16xi32>
      %parallel_loop3A_82 = arith.addi %parallel_loop3A_80, %parallel_loop3A_81 : vector<16xi32>
      tpu.vector_store_idx %arg5[%parallel_loop3A_82], %broadcast_in_dim3A_9 {add = true} : memref<4096xi32, #tpu.memory_space<vmem>>[vector<16xi32>], vector<16xi32>,
      %parallel_loop3A_83 = arith.constant 48 : i32
      %parallel_loop3A_84 = arith.addi %parallel_loop3A_23, %parallel_loop3A_83 : i32
      %parallel_loop3A_85 = arith.index_cast %parallel_loop3A_84 : i32 to index
      %parallel_loop3A_86 = tpu.vector_load %arg4[%parallel_loop3A_85] {strides = array<i32>} : memref<65536xf32, #tpu.memory_space<vmem>>, vector<16xf32>,
      %parallel_loop3A_87 = vector.bitcast %parallel_loop3A_86 : vector<16xf32> to vector<16xi32>
      %parallel_loop3A_88 = arith.constant 31 : i32
      %parallel_loop3A_89 = vector.broadcast %parallel_loop3A_88 : i32 to vector<16xi32>
      %parallel_loop3A_90 = arith.shrsi %parallel_loop3A_87, %parallel_loop3A_89 : vector<16xi32>
      %parallel_loop3A_91 = arith.constant 2147483647 : i32
      %parallel_loop3A_92 = vector.broadcast %parallel_loop3A_91 : i32 to vector<16xi32>
      %parallel_loop3A_93 = arith.andi %parallel_loop3A_90, %parallel_loop3A_92 : vector<16xi32>
      %parallel_loop3A_94 = arith.xori %parallel_loop3A_87, %parallel_loop3A_93 : vector<16xi32>
      %parallel_loop3A_95 = arith.constant 21 : i32
      %parallel_loop3A_96 = vector.broadcast %parallel_loop3A_95 : i32 to vector<16xi32>
      %parallel_loop3A_97 = arith.shrsi %parallel_loop3A_94, %parallel_loop3A_96 : vector<16xi32>
      %parallel_loop3A_98 = vector.broadcast %parallel_loop3A_31 : i32 to vector<16xi32>
      %parallel_loop3A_99 = arith.addi %parallel_loop3A_97, %parallel_loop3A_98 : vector<16xi32>
      tpu.vector_store_idx %arg5[%parallel_loop3A_99], %broadcast_in_dim3A_9 {add = true} : memref<4096xi32, #tpu.memory_space<vmem>>[vector<16xi32>], vector<16xi32>,
    } {sc.loop_unroll_factor = 4 : i64, sc.parallel_access}
    %mul3A_13 = arith.constant 2 : i32
    %mul3A_14 = arith.muli %arg1, %mul3A_13 : i32
    %add3A_15 = arith.addi %mul3A_14, %arg0 : i32
    "tpu.region"() ({
      %run_scoped3A = tpu.sem_alloc : memref<!tpu.dma_semaphore, #tpu.memory_space<semaphore_mem>>
      %dma_start3A_21 = arith.constant 0 : i32
      %dma_start3A_22 = tpu.memref_slice %arg6[%arg1, %dma_start3A_21] : memref<16x4096xi32, #tpu.memory_space<vmem_shared>> -> memref<1x4096xi32, #tpu.memory_space<vmem_shared>>
      %dma_start3A_23 = tpu.memref_squeeze %dma_start3A_22 : memref<1x4096xi32, #tpu.memory_space<vmem_shared>> -> memref<4096xi32, #tpu.memory_space<vmem_shared>>
      %dma_start3A_24 = arith.constant 0 : i32
      %dma_start3A_25 = tpu.memref_slice %arg6[%arg1, %dma_start3A_24] : memref<16x4096xi32, #tpu.memory_space<vmem_shared>> -> memref<1x4096xi32, #tpu.memory_space<vmem_shared>>
      %dma_start3A_26 = tpu.memref_squeeze %dma_start3A_25 : memref<1x4096xi32, #tpu.memory_space<vmem_shared>> -> memref<4096xi32, #tpu.memory_space<vmem_shared>>
      tpu.enqueue_dma source(%arg5 : memref<4096xi32, #tpu.memory_space<vmem>>) target(%dma_start3A_26 : memref<4096xi32, #tpu.memory_space<vmem_shared>>) target_semaphore(%run_scoped3A : memref<!tpu.dma_semaphore, #tpu.memory_space<semaphore_mem>>)
      %dma_wait3A_27 = arith.constant 0 : i32
      %dma_wait3A_28 = tpu.memref_slice %arg6[%arg1, %dma_wait3A_27] : memref<16x4096xi32, #tpu.memory_space<vmem_shared>> -> memref<1x4096xi32, #tpu.memory_space<vmem_shared>>
      %dma_wait3A_29 = tpu.memref_squeeze %dma_wait3A_28 : memref<1x4096xi32, #tpu.memory_space<vmem_shared>> -> memref<4096xi32, #tpu.memory_space<vmem_shared>>
      %dma_wait3A_30 = arith.constant 0 : i32
      %dma_wait3A_31 = tpu.memref_slice %arg6[%arg1, %dma_wait3A_30] : memref<16x4096xi32, #tpu.memory_space<vmem_shared>> -> memref<1x4096xi32, #tpu.memory_space<vmem_shared>>
      %dma_wait3A_32 = tpu.memref_squeeze %dma_wait3A_31 : memref<1x4096xi32, #tpu.memory_space<vmem_shared>> -> memref<4096xi32, #tpu.memory_space<vmem_shared>>
      tpu.wait_dma2 semaphore(%run_scoped3A : memref<!tpu.dma_semaphore, #tpu.memory_space<semaphore_mem>>) src(%arg5 : memref<4096xi32, #tpu.memory_space<vmem>>) dst(%dma_wait3A_32 : memref<4096xi32, #tpu.memory_space<vmem_shared>>)
      tpu.yield
    }) : () -> ()
    %barrier3A = arith.constant 0 : index
    tpu.barrier barrier_id(%barrier3A)
    %mul3A_16 = arith.constant 256 : i32
    %mul3A_17 = arith.muli %arg1, %mul3A_16 : i32
    "tpu.region"() ({
      %run_scoped3A = tpu.sem_alloc : memref<!tpu.dma_semaphore, #tpu.memory_space<semaphore_mem>>
      %dma_start3A_21 = arith.constant 0 : i32
      %dma_start3A_22 = tpu.memref_slice %arg6[%dma_start3A_21, %mul3A_17] : memref<16x4096xi32, #tpu.memory_space<vmem_shared>> -> memref<16x256xi32, #tpu.memory_space<vmem_shared>>
      %dma_start3A_23 = arith.constant 0 : i32
      %dma_start3A_24 = tpu.memref_slice %arg6[%dma_start3A_23, %mul3A_17] : memref<16x4096xi32, #tpu.memory_space<vmem_shared>> -> memref<16x256xi32, #tpu.memory_space<vmem_shared>>
      tpu.enqueue_dma source(%dma_start3A_24 : memref<16x256xi32, #tpu.memory_space<vmem_shared>>) target(%arg7 : memref<16x256xi32, #tpu.memory_space<vmem>>) target_semaphore(%run_scoped3A : memref<!tpu.dma_semaphore, #tpu.memory_space<semaphore_mem>>)
      %dma_wait3A_25 = arith.constant 0 : i32
      %dma_wait3A_26 = tpu.memref_slice %arg6[%dma_wait3A_25, %mul3A_17] : memref<16x4096xi32, #tpu.memory_space<vmem_shared>> -> memref<16x256xi32, #tpu.memory_space<vmem_shared>>
      %dma_wait3A_27 = arith.constant 0 : i32
      %dma_wait3A_28 = tpu.memref_slice %arg6[%dma_wait3A_27, %mul3A_17] : memref<16x4096xi32, #tpu.memory_space<vmem_shared>> -> memref<16x256xi32, #tpu.memory_space<vmem_shared>>
      tpu.wait_dma2 semaphore(%run_scoped3A : memref<!tpu.dma_semaphore, #tpu.memory_space<semaphore_mem>>) src(%dma_wait3A_28 : memref<16x256xi32, #tpu.memory_space<vmem_shared>>) dst(%arg7 : memref<16x256xi32, #tpu.memory_space<vmem>>)
      tpu.yield
    }) : () -> ()
    %parallel_loop3A_18 = arith.constant 0 : i32
    %parallel_loop3A_19 = arith.constant 16 : i32
    %parallel_loop3A_20 = arith.constant 1 : i32
    scf.for %parallel_loop3A_21 = %parallel_loop3A_18 to %parallel_loop3A_19 step %parallel_loop3A_20  : i32 {
      %parallel_loop3A_22 = arith.constant 16 : i32
      %parallel_loop3A_23 = arith.muli %parallel_loop3A_21, %parallel_loop3A_22 : i32
      %parallel_loop3A_24 = arith.constant 0 : i32
      %parallel_loop3A_25 = arith.index_cast %parallel_loop3A_24 : i32 to index
      %parallel_loop3A_26 = arith.index_cast %parallel_loop3A_23 : i32 to index
      %parallel_loop3A_27 = tpu.vector_load %arg7[%parallel_loop3A_25, %parallel_loop3A_26] {strides = array<i32>} : memref<16x256xi32, #tpu.memory_space<vmem>>, vector<16xi32>,
      %parallel_loop3A_28 = arith.constant 1 : i32
      %parallel_loop3A_29 = arith.index_cast %parallel_loop3A_28 : i32 to index
      %parallel_loop3A_30 = arith.index_cast %parallel_loop3A_23 : i32 to index
      %parallel_loop3A_31 = tpu.vector_load %arg7[%parallel_loop3A_29, %parallel_loop3A_30] {strides = array<i32>} : memref<16x256xi32, #tpu.memory_space<vmem>>, vector<16xi32>,
      %parallel_loop3A_32 = arith.addi %parallel_loop3A_27, %parallel_loop3A_31 : vector<16xi32>
      %parallel_loop3A_33 = arith.constant 2 : i32
      %parallel_loop3A_34 = arith.index_cast %parallel_loop3A_33 : i32 to index
      %parallel_loop3A_35 = arith.index_cast %parallel_loop3A_23 : i32 to index
      %parallel_loop3A_36 = tpu.vector_load %arg7[%parallel_loop3A_34, %parallel_loop3A_35] {strides = array<i32>} : memref<16x256xi32, #tpu.memory_space<vmem>>, vector<16xi32>,
      %parallel_loop3A_37 = arith.addi %parallel_loop3A_32, %parallel_loop3A_36 : vector<16xi32>
      %parallel_loop3A_38 = arith.constant 3 : i32
      %parallel_loop3A_39 = arith.index_cast %parallel_loop3A_38 : i32 to index
      %parallel_loop3A_40 = arith.index_cast %parallel_loop3A_23 : i32 to index
      %parallel_loop3A_41 = tpu.vector_load %arg7[%parallel_loop3A_39, %parallel_loop3A_40] {strides = array<i32>} : memref<16x256xi32, #tpu.memory_space<vmem>>, vector<16xi32>,
      %parallel_loop3A_42 = arith.addi %parallel_loop3A_37, %parallel_loop3A_41 : vector<16xi32>
      %parallel_loop3A_43 = arith.constant 4 : i32
      %parallel_loop3A_44 = arith.index_cast %parallel_loop3A_43 : i32 to index
      %parallel_loop3A_45 = arith.index_cast %parallel_loop3A_23 : i32 to index
      %parallel_loop3A_46 = tpu.vector_load %arg7[%parallel_loop3A_44, %parallel_loop3A_45] {strides = array<i32>} : memref<16x256xi32, #tpu.memory_space<vmem>>, vector<16xi32>,
      %parallel_loop3A_47 = arith.addi %parallel_loop3A_42, %parallel_loop3A_46 : vector<16xi32>
      %parallel_loop3A_48 = arith.constant 5 : i32
      %parallel_loop3A_49 = arith.index_cast %parallel_loop3A_48 : i32 to index
      %parallel_loop3A_50 = arith.index_cast %parallel_loop3A_23 : i32 to index
      %parallel_loop3A_51 = tpu.vector_load %arg7[%parallel_loop3A_49, %parallel_loop3A_50] {strides = array<i32>} : memref<16x256xi32, #tpu.memory_space<vmem>>, vector<16xi32>,
      %parallel_loop3A_52 = arith.addi %parallel_loop3A_47, %parallel_loop3A_51 : vector<16xi32>
      %parallel_loop3A_53 = arith.constant 6 : i32
      %parallel_loop3A_54 = arith.index_cast %parallel_loop3A_53 : i32 to index
      %parallel_loop3A_55 = arith.index_cast %parallel_loop3A_23 : i32 to index
      %parallel_loop3A_56 = tpu.vector_load %arg7[%parallel_loop3A_54, %parallel_loop3A_55] {strides = array<i32>} : memref<16x256xi32, #tpu.memory_space<vmem>>, vector<16xi32>,
      %parallel_loop3A_57 = arith.addi %parallel_loop3A_52, %parallel_loop3A_56 : vector<16xi32>
      %parallel_loop3A_58 = arith.constant 7 : i32
      %parallel_loop3A_59 = arith.index_cast %parallel_loop3A_58 : i32 to index
      %parallel_loop3A_60 = arith.index_cast %parallel_loop3A_23 : i32 to index
      %parallel_loop3A_61 = tpu.vector_load %arg7[%parallel_loop3A_59, %parallel_loop3A_60] {strides = array<i32>} : memref<16x256xi32, #tpu.memory_space<vmem>>, vector<16xi32>,
      %parallel_loop3A_62 = arith.addi %parallel_loop3A_57, %parallel_loop3A_61 : vector<16xi32>
      %parallel_loop3A_63 = arith.constant 8 : i32
      %parallel_loop3A_64 = arith.index_cast %parallel_loop3A_63 : i32 to index
      %parallel_loop3A_65 = arith.index_cast %parallel_loop3A_23 : i32 to index
      %parallel_loop3A_66 = tpu.vector_load %arg7[%parallel_loop3A_64, %parallel_loop3A_65] {strides = array<i32>} : memref<16x256xi32, #tpu.memory_space<vmem>>, vector<16xi32>,
      %parallel_loop3A_67 = arith.addi %parallel_loop3A_62, %parallel_loop3A_66 : vector<16xi32>
      %parallel_loop3A_68 = arith.constant 9 : i32
      %parallel_loop3A_69 = arith.index_cast %parallel_loop3A_68 : i32 to index
      %parallel_loop3A_70 = arith.index_cast %parallel_loop3A_23 : i32 to index
      %parallel_loop3A_71 = tpu.vector_load %arg7[%parallel_loop3A_69, %parallel_loop3A_70] {strides = array<i32>} : memref<16x256xi32, #tpu.memory_space<vmem>>, vector<16xi32>,
      %parallel_loop3A_72 = arith.addi %parallel_loop3A_67, %parallel_loop3A_71 : vector<16xi32>
      %parallel_loop3A_73 = arith.constant 10 : i32
      %parallel_loop3A_74 = arith.index_cast %parallel_loop3A_73 : i32 to index
      %parallel_loop3A_75 = arith.index_cast %parallel_loop3A_23 : i32 to index
      %parallel_loop3A_76 = tpu.vector_load %arg7[%parallel_loop3A_74, %parallel_loop3A_75] {strides = array<i32>} : memref<16x256xi32, #tpu.memory_space<vmem>>, vector<16xi32>,
      %parallel_loop3A_77 = arith.addi %parallel_loop3A_72, %parallel_loop3A_76 : vector<16xi32>
      %parallel_loop3A_78 = arith.constant 11 : i32
      %parallel_loop3A_79 = arith.index_cast %parallel_loop3A_78 : i32 to index
      %parallel_loop3A_80 = arith.index_cast %parallel_loop3A_23 : i32 to index
      %parallel_loop3A_81 = tpu.vector_load %arg7[%parallel_loop3A_79, %parallel_loop3A_80] {strides = array<i32>} : memref<16x256xi32, #tpu.memory_space<vmem>>, vector<16xi32>,
      %parallel_loop3A_82 = arith.addi %parallel_loop3A_77, %parallel_loop3A_81 : vector<16xi32>
      %parallel_loop3A_83 = arith.constant 12 : i32
      %parallel_loop3A_84 = arith.index_cast %parallel_loop3A_83 : i32 to index
      %parallel_loop3A_85 = arith.index_cast %parallel_loop3A_23 : i32 to index
      %parallel_loop3A_86 = tpu.vector_load %arg7[%parallel_loop3A_84, %parallel_loop3A_85] {strides = array<i32>} : memref<16x256xi32, #tpu.memory_space<vmem>>, vector<16xi32>,
      %parallel_loop3A_87 = arith.addi %parallel_loop3A_82, %parallel_loop3A_86 : vector<16xi32>
      %parallel_loop3A_88 = arith.constant 13 : i32
      %parallel_loop3A_89 = arith.index_cast %parallel_loop3A_88 : i32 to index
      %parallel_loop3A_90 = arith.index_cast %parallel_loop3A_23 : i32 to index
      %parallel_loop3A_91 = tpu.vector_load %arg7[%parallel_loop3A_89, %parallel_loop3A_90] {strides = array<i32>} : memref<16x256xi32, #tpu.memory_space<vmem>>, vector<16xi32>,
      %parallel_loop3A_92 = arith.addi %parallel_loop3A_87, %parallel_loop3A_91 : vector<16xi32>
      %parallel_loop3A_93 = arith.constant 14 : i32
      %parallel_loop3A_94 = arith.index_cast %parallel_loop3A_93 : i32 to index
      %parallel_loop3A_95 = arith.index_cast %parallel_loop3A_23 : i32 to index
      %parallel_loop3A_96 = tpu.vector_load %arg7[%parallel_loop3A_94, %parallel_loop3A_95] {strides = array<i32>} : memref<16x256xi32, #tpu.memory_space<vmem>>, vector<16xi32>,
      %parallel_loop3A_97 = arith.addi %parallel_loop3A_92, %parallel_loop3A_96 : vector<16xi32>
      %parallel_loop3A_98 = arith.constant 15 : i32
      %parallel_loop3A_99 = arith.index_cast %parallel_loop3A_98 : i32 to index
      %parallel_loop3A_100 = arith.index_cast %parallel_loop3A_23 : i32 to index
      %parallel_loop3A_101 = tpu.vector_load %arg7[%parallel_loop3A_99, %parallel_loop3A_100] {strides = array<i32>} : memref<16x256xi32, #tpu.memory_space<vmem>>, vector<16xi32>,
      %parallel_loop3A_102 = arith.addi %parallel_loop3A_97, %parallel_loop3A_101 : vector<16xi32>
      %parallel_loop3A_103 = arith.index_cast %parallel_loop3A_23 : i32 to index
      %parallel_loop3A_104 = tpu.vector_load %arg8[%parallel_loop3A_103] {strides = array<i32>} : memref<256xi32, #tpu.memory_space<vmem>>, vector<16xi32>,
      tpu.vector_store %arg8[%parallel_loop3A_103], %parallel_loop3A_102 {strides = array<i32>} : memref<256xi32, #tpu.memory_space<vmem>>, vector<16xi32>,
    } {sc.loop_unroll_factor = 1 : i64, sc.parallel_access}
    "tpu.region"() ({
      %run_scoped3A = tpu.sem_alloc : memref<!tpu.dma_semaphore, #tpu.memory_space<semaphore_mem>>
      %dma_start3A_21 = tpu.memref_slice %arg3[%arg0, %mul3A_17] : memref<2x4096xi32, #tpu.memory_space<hbm>> -> memref<1x256xi32, #tpu.memory_space<hbm>>
      %dma_start3A_22 = tpu.memref_squeeze %dma_start3A_21 : memref<1x256xi32, #tpu.memory_space<hbm>> -> memref<256xi32, #tpu.memory_space<hbm>>
      %dma_start3A_23 = tpu.memref_slice %arg3[%arg0, %mul3A_17] : memref<2x4096xi32, #tpu.memory_space<hbm>> -> memref<1x256xi32, #tpu.memory_space<hbm>>
      %dma_start3A_24 = tpu.memref_squeeze %dma_start3A_23 : memref<1x256xi32, #tpu.memory_space<hbm>> -> memref<256xi32, #tpu.memory_space<hbm>>
      tpu.enqueue_dma source(%arg8 : memref<256xi32, #tpu.memory_space<vmem>>) target(%dma_start3A_24 : memref<256xi32, #tpu.memory_space<hbm>>) target_semaphore(%run_scoped3A : memref<!tpu.dma_semaphore, #tpu.memory_space<semaphore_mem>>)
      %dma_wait3A_25 = tpu.memref_slice %arg3[%arg0, %mul3A_17] : memref<2x4096xi32, #tpu.memory_space<hbm>> -> memref<1x256xi32, #tpu.memory_space<hbm>>
      %dma_wait3A_26 = tpu.memref_squeeze %dma_wait3A_25 : memref<1x256xi32, #tpu.memory_space<hbm>> -> memref<256xi32, #tpu.memory_space<hbm>>
      %dma_wait3A_27 = tpu.memref_slice %arg3[%arg0, %mul3A_17] : memref<2x4096xi32, #tpu.memory_space<hbm>> -> memref<1x256xi32, #tpu.memory_space<hbm>>
      %dma_wait3A_28 = tpu.memref_squeeze %dma_wait3A_27 : memref<1x256xi32, #tpu.memory_space<hbm>> -> memref<256xi32, #tpu.memory_space<hbm>>
      tpu.wait_dma2 semaphore(%run_scoped3A : memref<!tpu.dma_semaphore, #tpu.memory_space<semaphore_mem>>) src(%arg8 : memref<256xi32, #tpu.memory_space<vmem>>) dst(%dma_wait3A_28 : memref<256xi32, #tpu.memory_space<hbm>>)
      tpu.yield
    }) : () -> ()
    return
  }
}

#map = affine_map<(d0, d1) -> (0, 0)>
#map1 = affine_map<(d0, d1) -> (0)>
module attributes {stable_mosaic.version = 14 : i64} {
  func.func @_sel3(%arg0: i32, %arg1: i32, %arg2: memref<2x4096xi32, #tpu.memory_space<hbm>>, %arg3: memref<3x16xi32, #tpu.memory_space<hbm>>, %arg4: memref<16xf32, #tpu.memory_space<hbm>>, %arg5: memref<2x4096xi32, #tpu.memory_space<vmem>>, %arg6: memref<3x16xi32, #tpu.memory_space<vmem>>, %arg7: memref<16xf32, #tpu.memory_space<vmem>>) attributes {dimension_semantics = [#tpu.dimension_semantics<core_parallel>, #tpu.dimension_semantics<subcore_parallel>], iteration_bounds = array<i64: 2, 16>, scalar_prefetch = 0 : i64, scratch_operands = 3 : i64, tpu.core_type = #tpu.core_type<sc_vector_subcore>, window_params = [{transform_indices = #map}, {transform_indices = #map}, {transform_indices = #map1}]} {
    %mul3A = arith.constant 2 : i32
    %mul3A_0 = arith.muli %arg1, %mul3A : i32
    %add3A = arith.addi %mul3A_0, %arg0 : i32
    %eq3A = arith.constant 0 : i32
    %eq3A_1 = arith.cmpi eq, %add3A, %eq3A : i32
    %convert_element_type3A = arith.extui %eq3A_1 : i1 to i32
    %cond3A = arith.constant 0 : i32
    %cond3A_2 = arith.cmpi ne, %convert_element_type3A, %cond3A : i32
    scf.if %cond3A_2 {
      "tpu.region"() ({
        %run_scoped3A = tpu.sem_alloc : memref<!tpu.dma_semaphore, #tpu.memory_space<semaphore_mem>>
        tpu.enqueue_dma source(%arg2 : memref<2x4096xi32, #tpu.memory_space<hbm>>) target(%arg5 : memref<2x4096xi32, #tpu.memory_space<vmem>>) target_semaphore(%run_scoped3A : memref<!tpu.dma_semaphore, #tpu.memory_space<semaphore_mem>>)
        tpu.wait_dma2 semaphore(%run_scoped3A : memref<!tpu.dma_semaphore, #tpu.memory_space<semaphore_mem>>) src(%arg2 : memref<2x4096xi32, #tpu.memory_space<hbm>>) dst(%arg5 : memref<2x4096xi32, #tpu.memory_space<vmem>>)
        tpu.yield
      }) : () -> ()
      "tpu.region"() ({
        %run_scoped3A = tpu.sem_alloc : memref<!tpu.dma_semaphore, #tpu.memory_space<semaphore_mem>>
        tpu.enqueue_dma source(%arg3 : memref<3x16xi32, #tpu.memory_space<hbm>>) target(%arg6 : memref<3x16xi32, #tpu.memory_space<vmem>>) target_semaphore(%run_scoped3A : memref<!tpu.dma_semaphore, #tpu.memory_space<semaphore_mem>>)
        tpu.wait_dma2 semaphore(%run_scoped3A : memref<!tpu.dma_semaphore, #tpu.memory_space<semaphore_mem>>) src(%arg3 : memref<3x16xi32, #tpu.memory_space<hbm>>) dst(%arg6 : memref<3x16xi32, #tpu.memory_space<vmem>>)
        tpu.yield
      }) : () -> ()
      %iota3A = tpu.iota {dimensions = array<i32: 0>} : vector<16xi32>
      %get3A = arith.constant 0 : i32
      %get3A_3 = arith.index_cast %get3A : i32 to index
      %get3A_4 = arith.constant 0 : index
      %get3A_5 = tpu.vector_load %arg6[%get3A_3, %get3A_4] {strides = array<i32>} : memref<3x16xi32, #tpu.memory_space<vmem>>, vector<16xi32>,
      %iota3A_6 = tpu.iota {dimensions = array<i32: 0>} : vector<16xi32>
      %eq3A_7 = arith.constant 0 : i32
      %eq3A_8 = vector.broadcast %eq3A_7 : i32 to vector<16xi32>
      %eq3A_9 = arith.cmpi eq, %iota3A_6, %eq3A_8 : vector<16xi32>
      %jit3A = arith.constant 0 : i32
      %broadcast_in_dim3A = vector.broadcast %jit3A : i32 to vector<16xi32>
      %select_n3A = arith.select %eq3A_9, %get3A_5, %broadcast_in_dim3A : vector<16xi1>, vector<16xi32>
      %reduce_sum3A = arith.constant true
      %reduce_sum3A_10 = vector.broadcast %reduce_sum3A : i1 to vector<16xi1>
      %reduce_sum3A_11 = tpu.scan <sum>, %select_n3A masked %reduce_sum3A_10 : vector<16xi32>, vector<16xi1> -> vector<16xi32>
      %reduce_sum3A_12 = vector.extract %reduce_sum3A_11[15] : i32 from vector<16xi32>
      %get3A_13 = arith.constant 0 : i32
      %get3A_14 = arith.index_cast %get3A_13 : i32 to index
      %get3A_15 = arith.constant 0 : index
      %get3A_16 = tpu.vector_load %arg6[%get3A_14, %get3A_15] {strides = array<i32>} : memref<3x16xi32, #tpu.memory_space<vmem>>, vector<16xi32>,
      %iota3A_17 = tpu.iota {dimensions = array<i32: 0>} : vector<16xi32>
      %eq3A_18 = arith.constant 1 : i32
      %eq3A_19 = vector.broadcast %eq3A_18 : i32 to vector<16xi32>
      %eq3A_20 = arith.cmpi eq, %iota3A_17, %eq3A_19 : vector<16xi32>
      %jit3A_21 = arith.constant 0 : i32
      %broadcast_in_dim3A_22 = vector.broadcast %jit3A_21 : i32 to vector<16xi32>
      %select_n3A_23 = arith.select %eq3A_20, %get3A_16, %broadcast_in_dim3A_22 : vector<16xi1>, vector<16xi32>
      %reduce_sum3A_24 = arith.constant true
      %reduce_sum3A_25 = vector.broadcast %reduce_sum3A_24 : i1 to vector<16xi1>
      %reduce_sum3A_26 = tpu.scan <sum>, %select_n3A_23 masked %reduce_sum3A_25 : vector<16xi32>, vector<16xi1> -> vector<16xi32>
      %reduce_sum3A_27 = vector.extract %reduce_sum3A_26[15] : i32 from vector<16xi32>
      %get3A_28 = arith.constant 1 : i32
      %get3A_29 = arith.index_cast %get3A_28 : i32 to index
      %get3A_30 = arith.constant 0 : index
      %get3A_31 = tpu.vector_load %arg6[%get3A_29, %get3A_30] {strides = array<i32>} : memref<3x16xi32, #tpu.memory_space<vmem>>, vector<16xi32>,
      %iota3A_32 = tpu.iota {dimensions = array<i32: 0>} : vector<16xi32>
      %eq3A_33 = arith.constant 0 : i32
      %eq3A_34 = vector.broadcast %eq3A_33 : i32 to vector<16xi32>
      %eq3A_35 = arith.cmpi eq, %iota3A_32, %eq3A_34 : vector<16xi32>
      %jit3A_36 = arith.constant 0 : i32
      %broadcast_in_dim3A_37 = vector.broadcast %jit3A_36 : i32 to vector<16xi32>
      %select_n3A_38 = arith.select %eq3A_35, %get3A_31, %broadcast_in_dim3A_37 : vector<16xi1>, vector<16xi32>
      %reduce_sum3A_39 = arith.constant true
      %reduce_sum3A_40 = vector.broadcast %reduce_sum3A_39 : i1 to vector<16xi1>
      %reduce_sum3A_41 = tpu.scan <sum>, %select_n3A_38 masked %reduce_sum3A_40 : vector<16xi32>, vector<16xi1> -> vector<16xi32>
      %reduce_sum3A_42 = vector.extract %reduce_sum3A_41[15] : i32 from vector<16xi32>
      %get3A_43 = arith.constant 1 : i32
      %get3A_44 = arith.index_cast %get3A_43 : i32 to index
      %get3A_45 = arith.constant 0 : index
      %get3A_46 = tpu.vector_load %arg6[%get3A_44, %get3A_45] {strides = array<i32>} : memref<3x16xi32, #tpu.memory_space<vmem>>, vector<16xi32>,
      %iota3A_47 = tpu.iota {dimensions = array<i32: 0>} : vector<16xi32>
      %eq3A_48 = arith.constant 1 : i32
      %eq3A_49 = vector.broadcast %eq3A_48 : i32 to vector<16xi32>
      %eq3A_50 = arith.cmpi eq, %iota3A_47, %eq3A_49 : vector<16xi32>
      %jit3A_51 = arith.constant 0 : i32
      %broadcast_in_dim3A_52 = vector.broadcast %jit3A_51 : i32 to vector<16xi32>
      %select_n3A_53 = arith.select %eq3A_50, %get3A_46, %broadcast_in_dim3A_52 : vector<16xi1>, vector<16xi32>
      %reduce_sum3A_54 = arith.constant true
      %reduce_sum3A_55 = vector.broadcast %reduce_sum3A_54 : i1 to vector<16xi1>
      %reduce_sum3A_56 = tpu.scan <sum>, %select_n3A_53 masked %reduce_sum3A_55 : vector<16xi32>, vector<16xi1> -> vector<16xi32>
      %reduce_sum3A_57 = vector.extract %reduce_sum3A_56[15] : i32 from vector<16xi32>
      %get3A_58 = arith.constant 2 : i32
      %get3A_59 = arith.index_cast %get3A_58 : i32 to index
      %get3A_60 = arith.constant 0 : index
      %get3A_61 = tpu.vector_load %arg6[%get3A_59, %get3A_60] {strides = array<i32>} : memref<3x16xi32, #tpu.memory_space<vmem>>, vector<16xi32>,
      %iota3A_62 = tpu.iota {dimensions = array<i32: 0>} : vector<16xi32>
      %eq3A_63 = arith.constant 0 : i32
      %eq3A_64 = vector.broadcast %eq3A_63 : i32 to vector<16xi32>
      %eq3A_65 = arith.cmpi eq, %iota3A_62, %eq3A_64 : vector<16xi32>
      %jit3A_66 = arith.constant 0 : i32
      %broadcast_in_dim3A_67 = vector.broadcast %jit3A_66 : i32 to vector<16xi32>
      %select_n3A_68 = arith.select %eq3A_65, %get3A_61, %broadcast_in_dim3A_67 : vector<16xi1>, vector<16xi32>
      %reduce_sum3A_69 = arith.constant true
      %reduce_sum3A_70 = vector.broadcast %reduce_sum3A_69 : i1 to vector<16xi1>
      %reduce_sum3A_71 = tpu.scan <sum>, %select_n3A_68 masked %reduce_sum3A_70 : vector<16xi32>, vector<16xi1> -> vector<16xi32>
      %reduce_sum3A_72 = vector.extract %reduce_sum3A_71[15] : i32 from vector<16xi32>
      %get3A_73 = arith.constant 2 : i32
      %get3A_74 = arith.index_cast %get3A_73 : i32 to index
      %get3A_75 = arith.constant 0 : index
      %get3A_76 = tpu.vector_load %arg6[%get3A_74, %get3A_75] {strides = array<i32>} : memref<3x16xi32, #tpu.memory_space<vmem>>, vector<16xi32>,
      %iota3A_77 = tpu.iota {dimensions = array<i32: 0>} : vector<16xi32>
      %eq3A_78 = arith.constant 2 : i32
      %eq3A_79 = vector.broadcast %eq3A_78 : i32 to vector<16xi32>
      %eq3A_80 = arith.cmpi eq, %iota3A_77, %eq3A_79 : vector<16xi32>
      %jit3A_81 = arith.constant 0 : i32
      %broadcast_in_dim3A_82 = vector.broadcast %jit3A_81 : i32 to vector<16xi32>
      %select_n3A_83 = arith.select %eq3A_80, %get3A_76, %broadcast_in_dim3A_82 : vector<16xi1>, vector<16xi32>
      %reduce_sum3A_84 = arith.constant true
      %reduce_sum3A_85 = vector.broadcast %reduce_sum3A_84 : i1 to vector<16xi1>
      %reduce_sum3A_86 = tpu.scan <sum>, %select_n3A_83 masked %reduce_sum3A_85 : vector<16xi32>, vector<16xi1> -> vector<16xi32>
      %reduce_sum3A_87 = vector.extract %reduce_sum3A_86[15] : i32 from vector<16xi32>
      %get3A_88 = arith.constant 2 : i32
      %get3A_89 = arith.index_cast %get3A_88 : i32 to index
      %get3A_90 = arith.constant 0 : index
      %get3A_91 = tpu.vector_load %arg6[%get3A_89, %get3A_90] {strides = array<i32>} : memref<3x16xi32, #tpu.memory_space<vmem>>, vector<16xi32>,
      %iota3A_92 = tpu.iota {dimensions = array<i32: 0>} : vector<16xi32>
      %eq3A_93 = arith.constant 1 : i32
      %eq3A_94 = vector.broadcast %eq3A_93 : i32 to vector<16xi32>
      %eq3A_95 = arith.cmpi eq, %iota3A_92, %eq3A_94 : vector<16xi32>
      %jit3A_96 = arith.constant 0 : i32
      %broadcast_in_dim3A_97 = vector.broadcast %jit3A_96 : i32 to vector<16xi32>
      %select_n3A_98 = arith.select %eq3A_95, %get3A_91, %broadcast_in_dim3A_97 : vector<16xi1>, vector<16xi32>
      %reduce_sum3A_99 = arith.constant true
      %reduce_sum3A_100 = vector.broadcast %reduce_sum3A_99 : i1 to vector<16xi1>
      %reduce_sum3A_101 = tpu.scan <sum>, %select_n3A_98 masked %reduce_sum3A_100 : vector<16xi32>, vector<16xi1> -> vector<16xi32>
      %reduce_sum3A_102 = vector.extract %reduce_sum3A_101[15] : i32 from vector<16xi32>
      %get3A_103 = arith.constant 2 : i32
      %get3A_104 = arith.index_cast %get3A_103 : i32 to index
      %get3A_105 = arith.constant 0 : index
      %get3A_106 = tpu.vector_load %arg6[%get3A_104, %get3A_105] {strides = array<i32>} : memref<3x16xi32, #tpu.memory_space<vmem>>, vector<16xi32>,
      %iota3A_107 = tpu.iota {dimensions = array<i32: 0>} : vector<16xi32>
      %eq3A_108 = arith.constant 3 : i32
      %eq3A_109 = vector.broadcast %eq3A_108 : i32 to vector<16xi32>
      %eq3A_110 = arith.cmpi eq, %iota3A_107, %eq3A_109 : vector<16xi32>
      %jit3A_111 = arith.constant 0 : i32
      %broadcast_in_dim3A_112 = vector.broadcast %jit3A_111 : i32 to vector<16xi32>
      %select_n3A_113 = arith.select %eq3A_110, %get3A_106, %broadcast_in_dim3A_112 : vector<16xi1>, vector<16xi32>
      %reduce_sum3A_114 = arith.constant true
      %reduce_sum3A_115 = vector.broadcast %reduce_sum3A_114 : i1 to vector<16xi1>
      %reduce_sum3A_116 = tpu.scan <sum>, %select_n3A_113 masked %reduce_sum3A_115 : vector<16xi32>, vector<16xi1> -> vector<16xi32>
      %reduce_sum3A_117 = vector.extract %reduce_sum3A_116[15] : i32 from vector<16xi32>
      %eq3A_118 = arith.cmpi eq, %reduce_sum3A_12, %reduce_sum3A_42 : i32
      %eq3A_119 = arith.cmpi eq, %reduce_sum3A_27, %reduce_sum3A_57 : i32
      %and3A = arith.andi %eq3A_118, %eq3A_119 : i1
      %broadcast_in_dim3A_120 = arith.constant 0 : i32
      %broadcast_in_dim3A_121 = vector.broadcast %broadcast_in_dim3A_120 : i32 to vector<16xi32>
      %scan3A = arith.constant 0 : i32
      %scan3A_122 = arith.constant 0 : i32
      %scan3A_123 = arith.constant 64 : i32
      %scan3A_124 = arith.addi %scan3A_122, %scan3A_123 : i32
      %scan3A_125 = arith.constant 1 : i32
      %scan3A_126:5 = scf.for %scan3A_286 = %scan3A_122 to %scan3A_124 step %scan3A_125 iter_args(%scan3A_287 = %scan3A, %scan3A_288 = %broadcast_in_dim3A_121, %scan3A_289 = %broadcast_in_dim3A_121, %scan3A_290 = %broadcast_in_dim3A_121, %scan3A_291 = %broadcast_in_dim3A_121) -> (i32, vector<16xi32>, vector<16xi32>, vector<16xi32>, vector<16xi32>)  : i32 {
        %mul3A_292 = arith.constant 16 : i32
        %mul3A_293 = arith.muli %scan3A_286, %mul3A_292 : i32
        %add3A_294 = arith.constant 0 : i32
        %add3A_295 = arith.addi %add3A_294, %mul3A_293 : i32
        %get3A_296 = arith.constant 0 : i32
        %get3A_297 = arith.index_cast %get3A_296 : i32 to index
        %get3A_298 = arith.index_cast %add3A_295 : i32 to index
        %get3A_299 = tpu.vector_load %arg5[%get3A_297, %get3A_298] {strides = array<i32>} : memref<2x4096xi32, #tpu.memory_space<vmem>>, vector<16xi32>,
        %get3A_300 = arith.constant 1 : i32
        %get3A_301 = arith.index_cast %get3A_300 : i32 to index
        %get3A_302 = arith.index_cast %add3A_295 : i32 to index
        %get3A_303 = tpu.vector_load %arg5[%get3A_301, %get3A_302] {strides = array<i32>} : memref<2x4096xi32, #tpu.memory_space<vmem>>, vector<16xi32>,
        %add3A_304 = arith.addi %get3A_299, %get3A_303 : vector<16xi32>
        %broadcast_in_dim3A_305 = arith.constant true
        %broadcast_in_dim3A_306 = vector.broadcast %broadcast_in_dim3A_305 : i1 to vector<16xi1>
        %masked_cumsum3A = tpu.scan <sum>, %add3A_304 masked %broadcast_in_dim3A_306 : vector<16xi32>, vector<16xi1> -> vector<16xi32>
        %add3A_307 = vector.broadcast %scan3A_287 : i32 to vector<16xi32>
        %add3A_308 = arith.addi %masked_cumsum3A, %add3A_307 : vector<16xi32>
        %le3A = vector.broadcast %reduce_sum3A_72 : i32 to vector<16xi32>
        %le3A_309 = arith.cmpi sle, %add3A_308, %le3A : vector<16xi32>
        %le3A_310 = vector.broadcast %reduce_sum3A_72 : i32 to vector<16xi32>
        %le3A_311 = arith.cmpi sle, %add3A_308, %le3A_310 : vector<16xi32>
        %jit3A_312 = arith.constant 1 : i32
        %jit3A_313 = arith.constant 0 : i32
        %broadcast_in_dim3A_314 = vector.broadcast %jit3A_312 : i32 to vector<16xi32>
        %broadcast_in_dim3A_315 = vector.broadcast %jit3A_313 : i32 to vector<16xi32>
        %select_n3A_316 = arith.select %le3A_309, %broadcast_in_dim3A_314, %broadcast_in_dim3A_315 : vector<16xi1>, vector<16xi32>
        %add3A_317 = arith.addi %scan3A_288, %select_n3A_316 : vector<16xi32>
        %jit3A_318 = arith.constant 0 : i32
        %broadcast_in_dim3A_319 = vector.broadcast %jit3A_318 : i32 to vector<16xi32>
        %select_n3A_320 = arith.select %le3A_309, %add3A_304, %broadcast_in_dim3A_319 : vector<16xi1>, vector<16xi32>
        %add3A_321 = arith.addi %scan3A_289, %select_n3A_320 : vector<16xi32>
        %jit3A_322 = arith.constant 1 : i32
        %jit3A_323 = arith.constant 0 : i32
        %broadcast_in_dim3A_324 = vector.broadcast %jit3A_322 : i32 to vector<16xi32>
        %broadcast_in_dim3A_325 = vector.broadcast %jit3A_323 : i32 to vector<16xi32>
        %select_n3A_326 = arith.select %le3A_311, %broadcast_in_dim3A_324, %broadcast_in_dim3A_325 : vector<16xi1>, vector<16xi32>
        %add3A_327 = arith.addi %scan3A_290, %select_n3A_326 : vector<16xi32>
        %jit3A_328 = arith.constant 0 : i32
        %broadcast_in_dim3A_329 = vector.broadcast %jit3A_328 : i32 to vector<16xi32>
        %select_n3A_330 = arith.select %le3A_311, %add3A_304, %broadcast_in_dim3A_329 : vector<16xi1>, vector<16xi32>
        %add3A_331 = arith.addi %scan3A_291, %select_n3A_330 : vector<16xi32>
        %reduce_sum3A_332 = arith.constant true
        %reduce_sum3A_333 = vector.broadcast %reduce_sum3A_332 : i1 to vector<16xi1>
        %reduce_sum3A_334 = tpu.scan <sum>, %add3A_304 masked %reduce_sum3A_333 : vector<16xi32>, vector<16xi1> -> vector<16xi32>
        %reduce_sum3A_335 = vector.extract %reduce_sum3A_334[15] : i32 from vector<16xi32>
        %add3A_336 = arith.addi %scan3A_287, %reduce_sum3A_335 : i32
        scf.yield %add3A_336, %add3A_317, %add3A_321, %add3A_327, %add3A_331 : i32, vector<16xi32>, vector<16xi32>, vector<16xi32>, vector<16xi32>
      }
      %scan3A_127 = arith.constant 64 : i32
      %reduce_sum3A_128 = arith.constant true
      %reduce_sum3A_129 = vector.broadcast %reduce_sum3A_128 : i1 to vector<16xi1>
      %reduce_sum3A_130 = tpu.scan <sum>, %scan3A_126#1 masked %reduce_sum3A_129 : vector<16xi32>, vector<16xi1> -> vector<16xi32>
      %reduce_sum3A_131 = vector.extract %reduce_sum3A_130[15] : i32 from vector<16xi32>
      %reduce_sum3A_132 = arith.constant true
      %reduce_sum3A_133 = vector.broadcast %reduce_sum3A_132 : i1 to vector<16xi1>
      %reduce_sum3A_134 = tpu.scan <sum>, %scan3A_126#2 masked %reduce_sum3A_133 : vector<16xi32>, vector<16xi1> -> vector<16xi32>
      %reduce_sum3A_135 = vector.extract %reduce_sum3A_134[15] : i32 from vector<16xi32>
      %sub3A = arith.subi %reduce_sum3A_72, %reduce_sum3A_135 : i32
      %reduce_sum3A_136 = arith.constant true
      %reduce_sum3A_137 = vector.broadcast %reduce_sum3A_136 : i1 to vector<16xi1>
      %reduce_sum3A_138 = tpu.scan <sum>, %scan3A_126#3 masked %reduce_sum3A_137 : vector<16xi32>, vector<16xi1> -> vector<16xi32>
      %reduce_sum3A_139 = vector.extract %reduce_sum3A_138[15] : i32 from vector<16xi32>
      %reduce_sum3A_140 = arith.constant true
      %reduce_sum3A_141 = vector.broadcast %reduce_sum3A_140 : i1 to vector<16xi1>
      %reduce_sum3A_142 = tpu.scan <sum>, %scan3A_126#4 masked %reduce_sum3A_141 : vector<16xi32>, vector<16xi1> -> vector<16xi32>
      %reduce_sum3A_143 = vector.extract %reduce_sum3A_142[15] : i32 from vector<16xi32>
      %sub3A_144 = arith.subi %reduce_sum3A_72, %reduce_sum3A_143 : i32
      %shift_left3A = arith.constant 10 : i32
      %shift_left3A_145 = arith.shli %reduce_sum3A_12, %shift_left3A : i32
      %or3A = arith.ori %shift_left3A_145, %reduce_sum3A_131 : i32
      %shift_right_arithmetic3A = arith.constant 31 : i32
      %shift_right_arithmetic3A_146 = arith.shrsi %or3A, %shift_right_arithmetic3A : i32
      %and3A_147 = arith.constant 2147483647 : i32
      %and3A_148 = arith.andi %shift_right_arithmetic3A_146, %and3A_147 : i32
      %xor3A = arith.xori %or3A, %and3A_148 : i32
      %bitcast_convert_type3A = arith.bitcast %xor3A : i32 to f32
      %jit3A_149 = arith.constant 0 : i32
      %jit3A_150 = arith.constant 2048 : i32
      %select_n3A_151 = arith.select %and3A, %jit3A_149, %jit3A_150 : i32
      %add3A_152 = arith.constant 0 : i32
      %add3A_153 = arith.addi %select_n3A_151, %add3A_152 : i32
      %broadcast_in_dim3A_154 = arith.constant 0 : i32
      %broadcast_in_dim3A_155 = vector.broadcast %broadcast_in_dim3A_154 : i32 to vector<16xi32>
      %scan3A_156 = arith.constant 0 : i32
      %scan3A_157 = arith.constant 0 : i32
      %scan3A_158 = arith.constant 64 : i32
      %scan3A_159 = arith.addi %scan3A_157, %scan3A_158 : i32
      %scan3A_160 = arith.constant 1 : i32
      %scan3A_161:5 = scf.for %scan3A_286 = %scan3A_157 to %scan3A_159 step %scan3A_160 iter_args(%scan3A_287 = %scan3A_156, %scan3A_288 = %broadcast_in_dim3A_155, %scan3A_289 = %broadcast_in_dim3A_155, %scan3A_290 = %broadcast_in_dim3A_155, %scan3A_291 = %broadcast_in_dim3A_155) -> (i32, vector<16xi32>, vector<16xi32>, vector<16xi32>, vector<16xi32>)  : i32 {
        %mul3A_292 = arith.constant 16 : i32
        %mul3A_293 = arith.muli %scan3A_286, %mul3A_292 : i32
        %add3A_294 = arith.addi %add3A_153, %mul3A_293 : i32
        %get3A_295 = arith.constant 0 : i32
        %get3A_296 = arith.index_cast %get3A_295 : i32 to index
        %get3A_297 = arith.index_cast %add3A_294 : i32 to index
        %get3A_298 = tpu.vector_load %arg5[%get3A_296, %get3A_297] {strides = array<i32>} : memref<2x4096xi32, #tpu.memory_space<vmem>>, vector<16xi32>,
        %get3A_299 = arith.constant 1 : i32
        %get3A_300 = arith.index_cast %get3A_299 : i32 to index
        %get3A_301 = arith.index_cast %add3A_294 : i32 to index
        %get3A_302 = tpu.vector_load %arg5[%get3A_300, %get3A_301] {strides = array<i32>} : memref<2x4096xi32, #tpu.memory_space<vmem>>, vector<16xi32>,
        %add3A_303 = arith.addi %get3A_298, %get3A_302 : vector<16xi32>
        %broadcast_in_dim3A_304 = arith.constant true
        %broadcast_in_dim3A_305 = vector.broadcast %broadcast_in_dim3A_304 : i1 to vector<16xi1>
        %masked_cumsum3A = tpu.scan <sum>, %add3A_303 masked %broadcast_in_dim3A_305 : vector<16xi32>, vector<16xi1> -> vector<16xi32>
        %add3A_306 = vector.broadcast %scan3A_287 : i32 to vector<16xi32>
        %add3A_307 = arith.addi %masked_cumsum3A, %add3A_306 : vector<16xi32>
        %le3A = vector.broadcast %reduce_sum3A_102 : i32 to vector<16xi32>
        %le3A_308 = arith.cmpi sle, %add3A_307, %le3A : vector<16xi32>
        %le3A_309 = vector.broadcast %reduce_sum3A_102 : i32 to vector<16xi32>
        %le3A_310 = arith.cmpi sle, %add3A_307, %le3A_309 : vector<16xi32>
        %jit3A_311 = arith.constant 1 : i32
        %jit3A_312 = arith.constant 0 : i32
        %broadcast_in_dim3A_313 = vector.broadcast %jit3A_311 : i32 to vector<16xi32>
        %broadcast_in_dim3A_314 = vector.broadcast %jit3A_312 : i32 to vector<16xi32>
        %select_n3A_315 = arith.select %le3A_308, %broadcast_in_dim3A_313, %broadcast_in_dim3A_314 : vector<16xi1>, vector<16xi32>
        %add3A_316 = arith.addi %scan3A_288, %select_n3A_315 : vector<16xi32>
        %jit3A_317 = arith.constant 0 : i32
        %broadcast_in_dim3A_318 = vector.broadcast %jit3A_317 : i32 to vector<16xi32>
        %select_n3A_319 = arith.select %le3A_308, %add3A_303, %broadcast_in_dim3A_318 : vector<16xi1>, vector<16xi32>
        %add3A_320 = arith.addi %scan3A_289, %select_n3A_319 : vector<16xi32>
        %jit3A_321 = arith.constant 1 : i32
        %jit3A_322 = arith.constant 0 : i32
        %broadcast_in_dim3A_323 = vector.broadcast %jit3A_321 : i32 to vector<16xi32>
        %broadcast_in_dim3A_324 = vector.broadcast %jit3A_322 : i32 to vector<16xi32>
        %select_n3A_325 = arith.select %le3A_310, %broadcast_in_dim3A_323, %broadcast_in_dim3A_324 : vector<16xi1>, vector<16xi32>
        %add3A_326 = arith.addi %scan3A_290, %select_n3A_325 : vector<16xi32>
        %jit3A_327 = arith.constant 0 : i32
        %broadcast_in_dim3A_328 = vector.broadcast %jit3A_327 : i32 to vector<16xi32>
        %select_n3A_329 = arith.select %le3A_310, %add3A_303, %broadcast_in_dim3A_328 : vector<16xi1>, vector<16xi32>
        %add3A_330 = arith.addi %scan3A_291, %select_n3A_329 : vector<16xi32>
        %reduce_sum3A_331 = arith.constant true
        %reduce_sum3A_332 = vector.broadcast %reduce_sum3A_331 : i1 to vector<16xi1>
        %reduce_sum3A_333 = tpu.scan <sum>, %add3A_303 masked %reduce_sum3A_332 : vector<16xi32>, vector<16xi1> -> vector<16xi32>
        %reduce_sum3A_334 = vector.extract %reduce_sum3A_333[15] : i32 from vector<16xi32>
        %add3A_335 = arith.addi %scan3A_287, %reduce_sum3A_334 : i32
        scf.yield %add3A_335, %add3A_316, %add3A_320, %add3A_326, %add3A_330 : i32, vector<16xi32>, vector<16xi32>, vector<16xi32>, vector<16xi32>
      }
      %scan3A_162 = arith.constant 64 : i32
      %reduce_sum3A_163 = arith.constant true
      %reduce_sum3A_164 = vector.broadcast %reduce_sum3A_163 : i1 to vector<16xi1>
      %reduce_sum3A_165 = tpu.scan <sum>, %scan3A_161#1 masked %reduce_sum3A_164 : vector<16xi32>, vector<16xi1> -> vector<16xi32>
      %reduce_sum3A_166 = vector.extract %reduce_sum3A_165[15] : i32 from vector<16xi32>
      %reduce_sum3A_167 = arith.constant true
      %reduce_sum3A_168 = vector.broadcast %reduce_sum3A_167 : i1 to vector<16xi1>
      %reduce_sum3A_169 = tpu.scan <sum>, %scan3A_161#2 masked %reduce_sum3A_168 : vector<16xi32>, vector<16xi1> -> vector<16xi32>
      %reduce_sum3A_170 = vector.extract %reduce_sum3A_169[15] : i32 from vector<16xi32>
      %sub3A_171 = arith.subi %reduce_sum3A_102, %reduce_sum3A_170 : i32
      %reduce_sum3A_172 = arith.constant true
      %reduce_sum3A_173 = vector.broadcast %reduce_sum3A_172 : i1 to vector<16xi1>
      %reduce_sum3A_174 = tpu.scan <sum>, %scan3A_161#3 masked %reduce_sum3A_173 : vector<16xi32>, vector<16xi1> -> vector<16xi32>
      %reduce_sum3A_175 = vector.extract %reduce_sum3A_174[15] : i32 from vector<16xi32>
      %reduce_sum3A_176 = arith.constant true
      %reduce_sum3A_177 = vector.broadcast %reduce_sum3A_176 : i1 to vector<16xi1>
      %reduce_sum3A_178 = tpu.scan <sum>, %scan3A_161#4 masked %reduce_sum3A_177 : vector<16xi32>, vector<16xi1> -> vector<16xi32>
      %reduce_sum3A_179 = vector.extract %reduce_sum3A_178[15] : i32 from vector<16xi32>
      %sub3A_180 = arith.subi %reduce_sum3A_102, %reduce_sum3A_179 : i32
      %shift_left3A_181 = arith.constant 10 : i32
      %shift_left3A_182 = arith.shli %reduce_sum3A_42, %shift_left3A_181 : i32
      %or3A_183 = arith.ori %shift_left3A_182, %reduce_sum3A_166 : i32
      %shift_right_arithmetic3A_184 = arith.constant 31 : i32
      %shift_right_arithmetic3A_185 = arith.shrsi %or3A_183, %shift_right_arithmetic3A_184 : i32
      %and3A_186 = arith.constant 2147483647 : i32
      %and3A_187 = arith.andi %shift_right_arithmetic3A_185, %and3A_186 : i32
      %xor3A_188 = arith.xori %or3A_183, %and3A_187 : i32
      %bitcast_convert_type3A_189 = arith.bitcast %xor3A_188 : i32 to f32
      %add3A_190 = arith.addf %bitcast_convert_type3A, %bitcast_convert_type3A_189 : f32
      %mul3A_191 = arith.constant 5.000000e-01 : f32
      %mul3A_192 = arith.mulf %add3A_190, %mul3A_191 : f32
      %broadcast_in_dim3A_193 = arith.constant 0 : i32
      %broadcast_in_dim3A_194 = vector.broadcast %broadcast_in_dim3A_193 : i32 to vector<16xi32>
      %scan3A_195 = arith.constant 0 : i32
      %scan3A_196 = arith.constant 0 : i32
      %scan3A_197 = arith.constant 64 : i32
      %scan3A_198 = arith.addi %scan3A_196, %scan3A_197 : i32
      %scan3A_199 = arith.constant 1 : i32
      %scan3A_200:5 = scf.for %scan3A_286 = %scan3A_196 to %scan3A_198 step %scan3A_199 iter_args(%scan3A_287 = %scan3A_195, %scan3A_288 = %broadcast_in_dim3A_194, %scan3A_289 = %broadcast_in_dim3A_194, %scan3A_290 = %broadcast_in_dim3A_194, %scan3A_291 = %broadcast_in_dim3A_194) -> (i32, vector<16xi32>, vector<16xi32>, vector<16xi32>, vector<16xi32>)  : i32 {
        %mul3A_292 = arith.constant 16 : i32
        %mul3A_293 = arith.muli %scan3A_286, %mul3A_292 : i32
        %add3A_294 = arith.constant 1024 : i32
        %add3A_295 = arith.addi %add3A_294, %mul3A_293 : i32
        %get3A_296 = arith.constant 0 : i32
        %get3A_297 = arith.index_cast %get3A_296 : i32 to index
        %get3A_298 = arith.index_cast %add3A_295 : i32 to index
        %get3A_299 = tpu.vector_load %arg5[%get3A_297, %get3A_298] {strides = array<i32>} : memref<2x4096xi32, #tpu.memory_space<vmem>>, vector<16xi32>,
        %get3A_300 = arith.constant 1 : i32
        %get3A_301 = arith.index_cast %get3A_300 : i32 to index
        %get3A_302 = arith.index_cast %add3A_295 : i32 to index
        %get3A_303 = tpu.vector_load %arg5[%get3A_301, %get3A_302] {strides = array<i32>} : memref<2x4096xi32, #tpu.memory_space<vmem>>, vector<16xi32>,
        %add3A_304 = arith.addi %get3A_299, %get3A_303 : vector<16xi32>
        %broadcast_in_dim3A_305 = arith.constant true
        %broadcast_in_dim3A_306 = vector.broadcast %broadcast_in_dim3A_305 : i1 to vector<16xi1>
        %masked_cumsum3A = tpu.scan <sum>, %add3A_304 masked %broadcast_in_dim3A_306 : vector<16xi32>, vector<16xi1> -> vector<16xi32>
        %add3A_307 = vector.broadcast %scan3A_287 : i32 to vector<16xi32>
        %add3A_308 = arith.addi %masked_cumsum3A, %add3A_307 : vector<16xi32>
        %le3A = vector.broadcast %reduce_sum3A_87 : i32 to vector<16xi32>
        %le3A_309 = arith.cmpi sle, %add3A_308, %le3A : vector<16xi32>
        %le3A_310 = vector.broadcast %reduce_sum3A_87 : i32 to vector<16xi32>
        %le3A_311 = arith.cmpi sle, %add3A_308, %le3A_310 : vector<16xi32>
        %jit3A_312 = arith.constant 1 : i32
        %jit3A_313 = arith.constant 0 : i32
        %broadcast_in_dim3A_314 = vector.broadcast %jit3A_312 : i32 to vector<16xi32>
        %broadcast_in_dim3A_315 = vector.broadcast %jit3A_313 : i32 to vector<16xi32>
        %select_n3A_316 = arith.select %le3A_309, %broadcast_in_dim3A_314, %broadcast_in_dim3A_315 : vector<16xi1>, vector<16xi32>
        %add3A_317 = arith.addi %scan3A_288, %select_n3A_316 : vector<16xi32>
        %jit3A_318 = arith.constant 0 : i32
        %broadcast_in_dim3A_319 = vector.broadcast %jit3A_318 : i32 to vector<16xi32>
        %select_n3A_320 = arith.select %le3A_309, %add3A_304, %broadcast_in_dim3A_319 : vector<16xi1>, vector<16xi32>
        %add3A_321 = arith.addi %scan3A_289, %select_n3A_320 : vector<16xi32>
        %jit3A_322 = arith.constant 1 : i32
        %jit3A_323 = arith.constant 0 : i32
        %broadcast_in_dim3A_324 = vector.broadcast %jit3A_322 : i32 to vector<16xi32>
        %broadcast_in_dim3A_325 = vector.broadcast %jit3A_323 : i32 to vector<16xi32>
        %select_n3A_326 = arith.select %le3A_311, %broadcast_in_dim3A_324, %broadcast_in_dim3A_325 : vector<16xi1>, vector<16xi32>
        %add3A_327 = arith.addi %scan3A_290, %select_n3A_326 : vector<16xi32>
        %jit3A_328 = arith.constant 0 : i32
        %broadcast_in_dim3A_329 = vector.broadcast %jit3A_328 : i32 to vector<16xi32>
        %select_n3A_330 = arith.select %le3A_311, %add3A_304, %broadcast_in_dim3A_329 : vector<16xi1>, vector<16xi32>
        %add3A_331 = arith.addi %scan3A_291, %select_n3A_330 : vector<16xi32>
        %reduce_sum3A_332 = arith.constant true
        %reduce_sum3A_333 = vector.broadcast %reduce_sum3A_332 : i1 to vector<16xi1>
        %reduce_sum3A_334 = tpu.scan <sum>, %add3A_304 masked %reduce_sum3A_333 : vector<16xi32>, vector<16xi1> -> vector<16xi32>
        %reduce_sum3A_335 = vector.extract %reduce_sum3A_334[15] : i32 from vector<16xi32>
        %add3A_336 = arith.addi %scan3A_287, %reduce_sum3A_335 : i32
        scf.yield %add3A_336, %add3A_317, %add3A_321, %add3A_327, %add3A_331 : i32, vector<16xi32>, vector<16xi32>, vector<16xi32>, vector<16xi32>
      }
      %scan3A_201 = arith.constant 64 : i32
      %reduce_sum3A_202 = arith.constant true
      %reduce_sum3A_203 = vector.broadcast %reduce_sum3A_202 : i1 to vector<16xi1>
      %reduce_sum3A_204 = tpu.scan <sum>, %scan3A_200#1 masked %reduce_sum3A_203 : vector<16xi32>, vector<16xi1> -> vector<16xi32>
      %reduce_sum3A_205 = vector.extract %reduce_sum3A_204[15] : i32 from vector<16xi32>
      %reduce_sum3A_206 = arith.constant true
      %reduce_sum3A_207 = vector.broadcast %reduce_sum3A_206 : i1 to vector<16xi1>
      %reduce_sum3A_208 = tpu.scan <sum>, %scan3A_200#2 masked %reduce_sum3A_207 : vector<16xi32>, vector<16xi1> -> vector<16xi32>
      %reduce_sum3A_209 = vector.extract %reduce_sum3A_208[15] : i32 from vector<16xi32>
      %sub3A_210 = arith.subi %reduce_sum3A_87, %reduce_sum3A_209 : i32
      %reduce_sum3A_211 = arith.constant true
      %reduce_sum3A_212 = vector.broadcast %reduce_sum3A_211 : i1 to vector<16xi1>
      %reduce_sum3A_213 = tpu.scan <sum>, %scan3A_200#3 masked %reduce_sum3A_212 : vector<16xi32>, vector<16xi1> -> vector<16xi32>
      %reduce_sum3A_214 = vector.extract %reduce_sum3A_213[15] : i32 from vector<16xi32>
      %reduce_sum3A_215 = arith.constant true
      %reduce_sum3A_216 = vector.broadcast %reduce_sum3A_215 : i1 to vector<16xi1>
      %reduce_sum3A_217 = tpu.scan <sum>, %scan3A_200#4 masked %reduce_sum3A_216 : vector<16xi32>, vector<16xi1> -> vector<16xi32>
      %reduce_sum3A_218 = vector.extract %reduce_sum3A_217[15] : i32 from vector<16xi32>
      %sub3A_219 = arith.subi %reduce_sum3A_87, %reduce_sum3A_218 : i32
      %shift_left3A_220 = arith.constant 10 : i32
      %shift_left3A_221 = arith.shli %reduce_sum3A_27, %shift_left3A_220 : i32
      %or3A_222 = arith.ori %shift_left3A_221, %reduce_sum3A_205 : i32
      %shift_right_arithmetic3A_223 = arith.constant 31 : i32
      %shift_right_arithmetic3A_224 = arith.shrsi %or3A_222, %shift_right_arithmetic3A_223 : i32
      %and3A_225 = arith.constant 2147483647 : i32
      %and3A_226 = arith.andi %shift_right_arithmetic3A_224, %and3A_225 : i32
      %xor3A_227 = arith.xori %or3A_222, %and3A_226 : i32
      %bitcast_convert_type3A_228 = arith.bitcast %xor3A_227 : i32 to f32
      %jit3A_229 = arith.constant 0 : i32
      %jit3A_230 = arith.constant 2048 : i32
      %select_n3A_231 = arith.select %and3A, %jit3A_229, %jit3A_230 : i32
      %add3A_232 = arith.constant 1024 : i32
      %add3A_233 = arith.addi %select_n3A_231, %add3A_232 : i32
      %broadcast_in_dim3A_234 = arith.constant 0 : i32
      %broadcast_in_dim3A_235 = vector.broadcast %broadcast_in_dim3A_234 : i32 to vector<16xi32>
      %scan3A_236 = arith.constant 0 : i32
      %scan3A_237 = arith.constant 0 : i32
      %scan3A_238 = arith.constant 64 : i32
      %scan3A_239 = arith.addi %scan3A_237, %scan3A_238 : i32
      %scan3A_240 = arith.constant 1 : i32
      %scan3A_241:5 = scf.for %scan3A_286 = %scan3A_237 to %scan3A_239 step %scan3A_240 iter_args(%scan3A_287 = %scan3A_236, %scan3A_288 = %broadcast_in_dim3A_235, %scan3A_289 = %broadcast_in_dim3A_235, %scan3A_290 = %broadcast_in_dim3A_235, %scan3A_291 = %broadcast_in_dim3A_235) -> (i32, vector<16xi32>, vector<16xi32>, vector<16xi32>, vector<16xi32>)  : i32 {
        %mul3A_292 = arith.constant 16 : i32
        %mul3A_293 = arith.muli %scan3A_286, %mul3A_292 : i32
        %add3A_294 = arith.addi %add3A_233, %mul3A_293 : i32
        %get3A_295 = arith.constant 0 : i32
        %get3A_296 = arith.index_cast %get3A_295 : i32 to index
        %get3A_297 = arith.index_cast %add3A_294 : i32 to index
        %get3A_298 = tpu.vector_load %arg5[%get3A_296, %get3A_297] {strides = array<i32>} : memref<2x4096xi32, #tpu.memory_space<vmem>>, vector<16xi32>,
        %get3A_299 = arith.constant 1 : i32
        %get3A_300 = arith.index_cast %get3A_299 : i32 to index
        %get3A_301 = arith.index_cast %add3A_294 : i32 to index
        %get3A_302 = tpu.vector_load %arg5[%get3A_300, %get3A_301] {strides = array<i32>} : memref<2x4096xi32, #tpu.memory_space<vmem>>, vector<16xi32>,
        %add3A_303 = arith.addi %get3A_298, %get3A_302 : vector<16xi32>
        %broadcast_in_dim3A_304 = arith.constant true
        %broadcast_in_dim3A_305 = vector.broadcast %broadcast_in_dim3A_304 : i1 to vector<16xi1>
        %masked_cumsum3A = tpu.scan <sum>, %add3A_303 masked %broadcast_in_dim3A_305 : vector<16xi32>, vector<16xi1> -> vector<16xi32>
        %add3A_306 = vector.broadcast %scan3A_287 : i32 to vector<16xi32>
        %add3A_307 = arith.addi %masked_cumsum3A, %add3A_306 : vector<16xi32>
        %le3A = vector.broadcast %reduce_sum3A_117 : i32 to vector<16xi32>
        %le3A_308 = arith.cmpi sle, %add3A_307, %le3A : vector<16xi32>
        %le3A_309 = vector.broadcast %reduce_sum3A_117 : i32 to vector<16xi32>
        %le3A_310 = arith.cmpi sle, %add3A_307, %le3A_309 : vector<16xi32>
        %jit3A_311 = arith.constant 1 : i32
        %jit3A_312 = arith.constant 0 : i32
        %broadcast_in_dim3A_313 = vector.broadcast %jit3A_311 : i32 to vector<16xi32>
        %broadcast_in_dim3A_314 = vector.broadcast %jit3A_312 : i32 to vector<16xi32>
        %select_n3A_315 = arith.select %le3A_308, %broadcast_in_dim3A_313, %broadcast_in_dim3A_314 : vector<16xi1>, vector<16xi32>
        %add3A_316 = arith.addi %scan3A_288, %select_n3A_315 : vector<16xi32>
        %jit3A_317 = arith.constant 0 : i32
        %broadcast_in_dim3A_318 = vector.broadcast %jit3A_317 : i32 to vector<16xi32>
        %select_n3A_319 = arith.select %le3A_308, %add3A_303, %broadcast_in_dim3A_318 : vector<16xi1>, vector<16xi32>
        %add3A_320 = arith.addi %scan3A_289, %select_n3A_319 : vector<16xi32>
        %jit3A_321 = arith.constant 1 : i32
        %jit3A_322 = arith.constant 0 : i32
        %broadcast_in_dim3A_323 = vector.broadcast %jit3A_321 : i32 to vector<16xi32>
        %broadcast_in_dim3A_324 = vector.broadcast %jit3A_322 : i32 to vector<16xi32>
        %select_n3A_325 = arith.select %le3A_310, %broadcast_in_dim3A_323, %broadcast_in_dim3A_324 : vector<16xi1>, vector<16xi32>
        %add3A_326 = arith.addi %scan3A_290, %select_n3A_325 : vector<16xi32>
        %jit3A_327 = arith.constant 0 : i32
        %broadcast_in_dim3A_328 = vector.broadcast %jit3A_327 : i32 to vector<16xi32>
        %select_n3A_329 = arith.select %le3A_310, %add3A_303, %broadcast_in_dim3A_328 : vector<16xi1>, vector<16xi32>
        %add3A_330 = arith.addi %scan3A_291, %select_n3A_329 : vector<16xi32>
        %reduce_sum3A_331 = arith.constant true
        %reduce_sum3A_332 = vector.broadcast %reduce_sum3A_331 : i1 to vector<16xi1>
        %reduce_sum3A_333 = tpu.scan <sum>, %add3A_303 masked %reduce_sum3A_332 : vector<16xi32>, vector<16xi1> -> vector<16xi32>
        %reduce_sum3A_334 = vector.extract %reduce_sum3A_333[15] : i32 from vector<16xi32>
        %add3A_335 = arith.addi %scan3A_287, %reduce_sum3A_334 : i32
        scf.yield %add3A_335, %add3A_316, %add3A_320, %add3A_326, %add3A_330 : i32, vector<16xi32>, vector<16xi32>, vector<16xi32>, vector<16xi32>
      }
      %scan3A_242 = arith.constant 64 : i32
      %reduce_sum3A_243 = arith.constant true
      %reduce_sum3A_244 = vector.broadcast %reduce_sum3A_243 : i1 to vector<16xi1>
      %reduce_sum3A_245 = tpu.scan <sum>, %scan3A_241#1 masked %reduce_sum3A_244 : vector<16xi32>, vector<16xi1> -> vector<16xi32>
      %reduce_sum3A_246 = vector.extract %reduce_sum3A_245[15] : i32 from vector<16xi32>
      %reduce_sum3A_247 = arith.constant true
      %reduce_sum3A_248 = vector.broadcast %reduce_sum3A_247 : i1 to vector<16xi1>
      %reduce_sum3A_249 = tpu.scan <sum>, %scan3A_241#2 masked %reduce_sum3A_248 : vector<16xi32>, vector<16xi1> -> vector<16xi32>
      %reduce_sum3A_250 = vector.extract %reduce_sum3A_249[15] : i32 from vector<16xi32>
      %sub3A_251 = arith.subi %reduce_sum3A_117, %reduce_sum3A_250 : i32
      %reduce_sum3A_252 = arith.constant true
      %reduce_sum3A_253 = vector.broadcast %reduce_sum3A_252 : i1 to vector<16xi1>
      %reduce_sum3A_254 = tpu.scan <sum>, %scan3A_241#3 masked %reduce_sum3A_253 : vector<16xi32>, vector<16xi1> -> vector<16xi32>
      %reduce_sum3A_255 = vector.extract %reduce_sum3A_254[15] : i32 from vector<16xi32>
      %reduce_sum3A_256 = arith.constant true
      %reduce_sum3A_257 = vector.broadcast %reduce_sum3A_256 : i1 to vector<16xi1>
      %reduce_sum3A_258 = tpu.scan <sum>, %scan3A_241#4 masked %reduce_sum3A_257 : vector<16xi32>, vector<16xi1> -> vector<16xi32>
      %reduce_sum3A_259 = vector.extract %reduce_sum3A_258[15] : i32 from vector<16xi32>
      %sub3A_260 = arith.subi %reduce_sum3A_117, %reduce_sum3A_259 : i32
      %shift_left3A_261 = arith.constant 10 : i32
      %shift_left3A_262 = arith.shli %reduce_sum3A_57, %shift_left3A_261 : i32
      %or3A_263 = arith.ori %shift_left3A_262, %reduce_sum3A_246 : i32
      %shift_right_arithmetic3A_264 = arith.constant 31 : i32
      %shift_right_arithmetic3A_265 = arith.shrsi %or3A_263, %shift_right_arithmetic3A_264 : i32
      %and3A_266 = arith.constant 2147483647 : i32
      %and3A_267 = arith.andi %shift_right_arithmetic3A_265, %and3A_266 : i32
      %xor3A_268 = arith.xori %or3A_263, %and3A_267 : i32
      %bitcast_convert_type3A_269 = arith.bitcast %xor3A_268 : i32 to f32
      %add3A_270 = arith.addf %bitcast_convert_type3A_228, %bitcast_convert_type3A_269 : f32
      %mul3A_271 = arith.constant 5.000000e-01 : f32
      %mul3A_272 = arith.mulf %add3A_270, %mul3A_271 : f32
      %broadcast_in_dim3A_273 = arith.constant 0.000000e+00 : f32
      %broadcast_in_dim3A_274 = vector.broadcast %broadcast_in_dim3A_273 : f32 to vector<16xf32>
      %eq3A_275 = arith.constant 0 : i32
      %eq3A_276 = vector.broadcast %eq3A_275 : i32 to vector<16xi32>
      %eq3A_277 = arith.cmpi eq, %iota3A, %eq3A_276 : vector<16xi32>
      %broadcast_in_dim3A_278 = vector.broadcast %mul3A_192 : f32 to vector<16xf32>
      %select_n3A_279 = arith.select %eq3A_277, %broadcast_in_dim3A_278, %broadcast_in_dim3A_274 : vector<16xi1>, vector<16xf32>
      %eq3A_280 = arith.constant 1 : i32
      %eq3A_281 = vector.broadcast %eq3A_280 : i32 to vector<16xi32>
      %eq3A_282 = arith.cmpi eq, %iota3A, %eq3A_281 : vector<16xi32>
      %broadcast_in_dim3A_283 = vector.broadcast %mul3A_272 : f32 to vector<16xf32>
      %select_n3A_284 = arith.select %eq3A_282, %broadcast_in_dim3A_283, %select_n3A_279 : vector<16xi1>, vector<16xf32>
      %swap3A = arith.constant 0 : index
      %swap3A_285 = tpu.vector_load %arg7[%swap3A] {strides = array<i32>} : memref<16xf32, #tpu.memory_space<vmem>>, vector<16xf32>,
      tpu.vector_store %arg7[%swap3A], %select_n3A_284 {strides = array<i32>} : memref<16xf32, #tpu.memory_space<vmem>>, vector<16xf32>,
      "tpu.region"() ({
        %run_scoped3A = tpu.sem_alloc : memref<!tpu.dma_semaphore, #tpu.memory_space<semaphore_mem>>
        tpu.enqueue_dma source(%arg7 : memref<16xf32, #tpu.memory_space<vmem>>) target(%arg4 : memref<16xf32, #tpu.memory_space<hbm>>) target_semaphore(%run_scoped3A : memref<!tpu.dma_semaphore, #tpu.memory_space<semaphore_mem>>)
        tpu.wait_dma2 semaphore(%run_scoped3A : memref<!tpu.dma_semaphore, #tpu.memory_space<semaphore_mem>>) src(%arg7 : memref<16xf32, #tpu.memory_space<vmem>>) dst(%arg4 : memref<16xf32, #tpu.memory_space<hbm>>)
        tpu.yield
      }) : () -> ()
    } else {
    }
    return
  }
}

#map = affine_map<(d0, d1) -> (0)>
#map1 = affine_map<(d0, d1) -> (0, 0)>
module attributes {stable_mosaic.version = 14 : i64} {
  func.func @_pass2(%arg0: i32, %arg1: i32, %arg2: memref<2097152xf32, #tpu.memory_space<hbm>>, %arg3: memref<2x4096xi32, #tpu.memory_space<hbm>>, %arg4: memref<2x8192xi32, #tpu.memory_space<hbm>>, %arg5: memref<3x16xi32, #tpu.memory_space<hbm>>, %arg6: memref<65536xf32, #tpu.memory_space<vmem>>, %arg7: memref<8192xi32, #tpu.memory_space<vmem>>, %arg8: memref<16x8192xi32, #tpu.memory_space<vmem_shared>>, %arg9: memref<16x512xi32, #tpu.memory_space<vmem>>, %arg10: memref<512xi32, #tpu.memory_space<vmem>>, %arg11: memref<!tpu.dma_semaphore, #tpu.memory_space<semaphore_mem>>, %arg12: memref<2x4096xi32, #tpu.memory_space<vmem>>, %arg13: memref<3x16xi32, #tpu.memory_space<vmem>>) attributes {dimension_semantics = [#tpu.dimension_semantics<core_parallel>, #tpu.dimension_semantics<subcore_parallel>], iteration_bounds = array<i64: 2, 16>, scalar_prefetch = 0 : i64, scratch_operands = 8 : i64, tpu.core_type = #tpu.core_type<sc_vector_subcore>, window_params = [{transform_indices = #map}, {transform_indices = #map1}, {transform_indices = #map1}, {transform_indices = #map1}]} {
    %mul3A = arith.constant 2 : i32
    %mul3A_0 = arith.muli %arg1, %mul3A : i32
    %add3A = arith.addi %mul3A_0, %arg0 : i32
    %mul3A_1 = arith.constant 65536 : i32
    %mul3A_2 = arith.muli %add3A, %mul3A_1 : i32
    %dma_start3A = tpu.memref_slice %arg2[%mul3A_2] : memref<2097152xf32, #tpu.memory_space<hbm>> -> memref<65536xf32, #tpu.memory_space<hbm>>
    %dma_start3A_3 = tpu.memref_slice %arg2[%mul3A_2] : memref<2097152xf32, #tpu.memory_space<hbm>> -> memref<65536xf32, #tpu.memory_space<hbm>>
    tpu.enqueue_dma source(%dma_start3A_3 : memref<65536xf32, #tpu.memory_space<hbm>>) target(%arg6 : memref<65536xf32, #tpu.memory_space<vmem>>) target_semaphore(%arg11 : memref<!tpu.dma_semaphore, #tpu.memory_space<semaphore_mem>>)
    "tpu.region"() ({
      %run_scoped3A = tpu.sem_alloc : memref<!tpu.dma_semaphore, #tpu.memory_space<semaphore_mem>>
      tpu.enqueue_dma source(%arg3 : memref<2x4096xi32, #tpu.memory_space<hbm>>) target(%arg12 : memref<2x4096xi32, #tpu.memory_space<vmem>>) target_semaphore(%run_scoped3A : memref<!tpu.dma_semaphore, #tpu.memory_space<semaphore_mem>>)
      tpu.wait_dma2 semaphore(%run_scoped3A : memref<!tpu.dma_semaphore, #tpu.memory_space<semaphore_mem>>) src(%arg3 : memref<2x4096xi32, #tpu.memory_space<hbm>>) dst(%arg12 : memref<2x4096xi32, #tpu.memory_space<vmem>>)
      tpu.yield
    }) : () -> ()
    %broadcast_in_dim3A = arith.constant 0 : i32
    %broadcast_in_dim3A_4 = vector.broadcast %broadcast_in_dim3A : i32 to vector<16xi32>
    %parallel_loop3A = arith.constant 0 : i32
    %parallel_loop3A_5 = arith.constant 512 : i32
    %parallel_loop3A_6 = arith.constant 1 : i32
    scf.for %parallel_loop3A_95 = %parallel_loop3A to %parallel_loop3A_5 step %parallel_loop3A_6  : i32 {
      %parallel_loop3A_96 = arith.constant 16 : i32
      %parallel_loop3A_97 = arith.muli %parallel_loop3A_95, %parallel_loop3A_96 : i32
      %parallel_loop3A_98 = arith.index_cast %parallel_loop3A_97 : i32 to index
      %parallel_loop3A_99 = tpu.vector_load %arg7[%parallel_loop3A_98] {strides = array<i32>} : memref<8192xi32, #tpu.memory_space<vmem>>, vector<16xi32>,
      tpu.vector_store %arg7[%parallel_loop3A_98], %broadcast_in_dim3A_4 {strides = array<i32>} : memref<8192xi32, #tpu.memory_space<vmem>>, vector<16xi32>,
    } {sc.loop_unroll_factor = 1 : i64, sc.parallel_access}
    %broadcast_in_dim3A_7 = arith.constant 0 : i32
    %broadcast_in_dim3A_8 = vector.broadcast %broadcast_in_dim3A_7 : i32 to vector<16xi32>
    %scan3A = arith.constant 524287 : i32
    %scan3A_9 = arith.constant 524288 : i32
    %scan3A_10 = arith.constant 0 : i32
    %scan3A_11 = arith.constant 0 : i32
    %scan3A_12 = arith.constant 128 : i32
    %scan3A_13 = arith.addi %scan3A_11, %scan3A_12 : i32
    %scan3A_14 = arith.constant 1 : i32
    %scan3A_15:5 = scf.for %scan3A_95 = %scan3A_11 to %scan3A_13 step %scan3A_14 iter_args(%scan3A_96 = %scan3A_10, %scan3A_97 = %broadcast_in_dim3A_8, %scan3A_98 = %broadcast_in_dim3A_8, %scan3A_99 = %broadcast_in_dim3A_8, %scan3A_100 = %broadcast_in_dim3A_8) -> (i32, vector<16xi32>, vector<16xi32>, vector<16xi32>, vector<16xi32>)  : i32 {
      %mul3A_101 = arith.constant 16 : i32
      %mul3A_102 = arith.muli %scan3A_95, %mul3A_101 : i32
      %add3A_103 = arith.constant 0 : i32
      %add3A_104 = arith.addi %add3A_103, %mul3A_102 : i32
      %get3A = arith.constant 0 : i32
      %get3A_105 = arith.index_cast %get3A : i32 to index
      %get3A_106 = arith.index_cast %add3A_104 : i32 to index
      %get3A_107 = tpu.vector_load %arg12[%get3A_105, %get3A_106] {strides = array<i32>} : memref<2x4096xi32, #tpu.memory_space<vmem>>, vector<16xi32>,
      %get3A_108 = arith.constant 1 : i32
      %get3A_109 = arith.index_cast %get3A_108 : i32 to index
      %get3A_110 = arith.index_cast %add3A_104 : i32 to index
      %get3A_111 = tpu.vector_load %arg12[%get3A_109, %get3A_110] {strides = array<i32>} : memref<2x4096xi32, #tpu.memory_space<vmem>>, vector<16xi32>,
      %add3A_112 = arith.addi %get3A_107, %get3A_111 : vector<16xi32>
      %broadcast_in_dim3A_113 = arith.constant true
      %broadcast_in_dim3A_114 = vector.broadcast %broadcast_in_dim3A_113 : i1 to vector<16xi1>
      %masked_cumsum3A = tpu.scan <sum>, %add3A_112 masked %broadcast_in_dim3A_114 : vector<16xi32>, vector<16xi1> -> vector<16xi32>
      %add3A_115 = vector.broadcast %scan3A_96 : i32 to vector<16xi32>
      %add3A_116 = arith.addi %masked_cumsum3A, %add3A_115 : vector<16xi32>
      %le3A = vector.broadcast %scan3A : i32 to vector<16xi32>
      %le3A_117 = arith.cmpi sle, %add3A_116, %le3A : vector<16xi32>
      %le3A_118 = vector.broadcast %scan3A_9 : i32 to vector<16xi32>
      %le3A_119 = arith.cmpi sle, %add3A_116, %le3A_118 : vector<16xi32>
      %jit3A = arith.constant 1 : i32
      %jit3A_120 = arith.constant 0 : i32
      %broadcast_in_dim3A_121 = vector.broadcast %jit3A : i32 to vector<16xi32>
      %broadcast_in_dim3A_122 = vector.broadcast %jit3A_120 : i32 to vector<16xi32>
      %select_n3A = arith.select %le3A_117, %broadcast_in_dim3A_121, %broadcast_in_dim3A_122 : vector<16xi1>, vector<16xi32>
      %add3A_123 = arith.addi %scan3A_97, %select_n3A : vector<16xi32>
      %jit3A_124 = arith.constant 0 : i32
      %broadcast_in_dim3A_125 = vector.broadcast %jit3A_124 : i32 to vector<16xi32>
      %select_n3A_126 = arith.select %le3A_117, %add3A_112, %broadcast_in_dim3A_125 : vector<16xi1>, vector<16xi32>
      %add3A_127 = arith.addi %scan3A_98, %select_n3A_126 : vector<16xi32>
      %jit3A_128 = arith.constant 1 : i32
      %jit3A_129 = arith.constant 0 : i32
      %broadcast_in_dim3A_130 = vector.broadcast %jit3A_128 : i32 to vector<16xi32>
      %broadcast_in_dim3A_131 = vector.broadcast %jit3A_129 : i32 to vector<16xi32>
      %select_n3A_132 = arith.select %le3A_119, %broadcast_in_dim3A_130, %broadcast_in_dim3A_131 : vector<16xi1>, vector<16xi32>
      %add3A_133 = arith.addi %scan3A_99, %select_n3A_132 : vector<16xi32>
      %jit3A_134 = arith.constant 0 : i32
      %broadcast_in_dim3A_135 = vector.broadcast %jit3A_134 : i32 to vector<16xi32>
      %select_n3A_136 = arith.select %le3A_119, %add3A_112, %broadcast_in_dim3A_135 : vector<16xi1>, vector<16xi32>
      %add3A_137 = arith.addi %scan3A_100, %select_n3A_136 : vector<16xi32>
      %reduce_sum3A_138 = arith.constant true
      %reduce_sum3A_139 = vector.broadcast %reduce_sum3A_138 : i1 to vector<16xi1>
      %reduce_sum3A_140 = tpu.scan <sum>, %add3A_112 masked %reduce_sum3A_139 : vector<16xi32>, vector<16xi1> -> vector<16xi32>
      %reduce_sum3A_141 = vector.extract %reduce_sum3A_140[15] : i32 from vector<16xi32>
      %add3A_142 = arith.addi %scan3A_96, %reduce_sum3A_141 : i32
      scf.yield %add3A_142, %add3A_123, %add3A_127, %add3A_133, %add3A_137 : i32, vector<16xi32>, vector<16xi32>, vector<16xi32>, vector<16xi32>
    }
    %scan3A_16 = arith.constant 128 : i32
    %reduce_sum3A = arith.constant true
    %reduce_sum3A_17 = vector.broadcast %reduce_sum3A : i1 to vector<16xi1>
    %reduce_sum3A_18 = tpu.scan <sum>, %scan3A_15#1 masked %reduce_sum3A_17 : vector<16xi32>, vector<16xi1> -> vector<16xi32>
    %reduce_sum3A_19 = vector.extract %reduce_sum3A_18[15] : i32 from vector<16xi32>
    %reduce_sum3A_20 = arith.constant true
    %reduce_sum3A_21 = vector.broadcast %reduce_sum3A_20 : i1 to vector<16xi1>
    %reduce_sum3A_22 = tpu.scan <sum>, %scan3A_15#2 masked %reduce_sum3A_21 : vector<16xi32>, vector<16xi1> -> vector<16xi32>
    %reduce_sum3A_23 = vector.extract %reduce_sum3A_22[15] : i32 from vector<16xi32>
    %sub3A = arith.constant 524287 : i32
    %sub3A_24 = arith.subi %sub3A, %reduce_sum3A_23 : i32
    %reduce_sum3A_25 = arith.constant true
    %reduce_sum3A_26 = vector.broadcast %reduce_sum3A_25 : i1 to vector<16xi1>
    %reduce_sum3A_27 = tpu.scan <sum>, %scan3A_15#3 masked %reduce_sum3A_26 : vector<16xi32>, vector<16xi1> -> vector<16xi32>
    %reduce_sum3A_28 = vector.extract %reduce_sum3A_27[15] : i32 from vector<16xi32>
    %reduce_sum3A_29 = arith.constant true
    %reduce_sum3A_30 = vector.broadcast %reduce_sum3A_29 : i1 to vector<16xi1>
    %reduce_sum3A_31 = tpu.scan <sum>, %scan3A_15#4 masked %reduce_sum3A_30 : vector<16xi32>, vector<16xi1> -> vector<16xi32>
    %reduce_sum3A_32 = vector.extract %reduce_sum3A_31[15] : i32 from vector<16xi32>
    %sub3A_33 = arith.constant 524288 : i32
    %sub3A_34 = arith.subi %sub3A_33, %reduce_sum3A_32 : i32
    %broadcast_in_dim3A_35 = arith.constant 0 : i32
    %broadcast_in_dim3A_36 = vector.broadcast %broadcast_in_dim3A_35 : i32 to vector<16xi32>
    %scan3A_37 = arith.constant 524287 : i32
    %scan3A_38 = arith.constant 524288 : i32
    %scan3A_39 = arith.constant 0 : i32
    %scan3A_40 = arith.constant 0 : i32
    %scan3A_41 = arith.constant 128 : i32
    %scan3A_42 = arith.addi %scan3A_40, %scan3A_41 : i32
    %scan3A_43 = arith.constant 1 : i32
    %scan3A_44:5 = scf.for %scan3A_95 = %scan3A_40 to %scan3A_42 step %scan3A_43 iter_args(%scan3A_96 = %scan3A_39, %scan3A_97 = %broadcast_in_dim3A_36, %scan3A_98 = %broadcast_in_dim3A_36, %scan3A_99 = %broadcast_in_dim3A_36, %scan3A_100 = %broadcast_in_dim3A_36) -> (i32, vector<16xi32>, vector<16xi32>, vector<16xi32>, vector<16xi32>)  : i32 {
      %mul3A_101 = arith.constant 16 : i32
      %mul3A_102 = arith.muli %scan3A_95, %mul3A_101 : i32
      %add3A_103 = arith.constant 2048 : i32
      %add3A_104 = arith.addi %add3A_103, %mul3A_102 : i32
      %get3A = arith.constant 0 : i32
      %get3A_105 = arith.index_cast %get3A : i32 to index
      %get3A_106 = arith.index_cast %add3A_104 : i32 to index
      %get3A_107 = tpu.vector_load %arg12[%get3A_105, %get3A_106] {strides = array<i32>} : memref<2x4096xi32, #tpu.memory_space<vmem>>, vector<16xi32>,
      %get3A_108 = arith.constant 1 : i32
      %get3A_109 = arith.index_cast %get3A_108 : i32 to index
      %get3A_110 = arith.index_cast %add3A_104 : i32 to index
      %get3A_111 = tpu.vector_load %arg12[%get3A_109, %get3A_110] {strides = array<i32>} : memref<2x4096xi32, #tpu.memory_space<vmem>>, vector<16xi32>,
      %add3A_112 = arith.addi %get3A_107, %get3A_111 : vector<16xi32>
      %broadcast_in_dim3A_113 = arith.constant true
      %broadcast_in_dim3A_114 = vector.broadcast %broadcast_in_dim3A_113 : i1 to vector<16xi1>
      %masked_cumsum3A = tpu.scan <sum>, %add3A_112 masked %broadcast_in_dim3A_114 : vector<16xi32>, vector<16xi1> -> vector<16xi32>
      %add3A_115 = vector.broadcast %scan3A_96 : i32 to vector<16xi32>
      %add3A_116 = arith.addi %masked_cumsum3A, %add3A_115 : vector<16xi32>
      %le3A = vector.broadcast %scan3A_37 : i32 to vector<16xi32>
      %le3A_117 = arith.cmpi sle, %add3A_116, %le3A : vector<16xi32>
      %le3A_118 = vector.broadcast %scan3A_38 : i32 to vector<16xi32>
      %le3A_119 = arith.cmpi sle, %add3A_116, %le3A_118 : vector<16xi32>
      %jit3A = arith.constant 1 : i32
      %jit3A_120 = arith.constant 0 : i32
      %broadcast_in_dim3A_121 = vector.broadcast %jit3A : i32 to vector<16xi32>
      %broadcast_in_dim3A_122 = vector.broadcast %jit3A_120 : i32 to vector<16xi32>
      %select_n3A = arith.select %le3A_117, %broadcast_in_dim3A_121, %broadcast_in_dim3A_122 : vector<16xi1>, vector<16xi32>
      %add3A_123 = arith.addi %scan3A_97, %select_n3A : vector<16xi32>
      %jit3A_124 = arith.constant 0 : i32
      %broadcast_in_dim3A_125 = vector.broadcast %jit3A_124 : i32 to vector<16xi32>
      %select_n3A_126 = arith.select %le3A_117, %add3A_112, %broadcast_in_dim3A_125 : vector<16xi1>, vector<16xi32>
      %add3A_127 = arith.addi %scan3A_98, %select_n3A_126 : vector<16xi32>
      %jit3A_128 = arith.constant 1 : i32
      %jit3A_129 = arith.constant 0 : i32
      %broadcast_in_dim3A_130 = vector.broadcast %jit3A_128 : i32 to vector<16xi32>
      %broadcast_in_dim3A_131 = vector.broadcast %jit3A_129 : i32 to vector<16xi32>
      %select_n3A_132 = arith.select %le3A_119, %broadcast_in_dim3A_130, %broadcast_in_dim3A_131 : vector<16xi1>, vector<16xi32>
      %add3A_133 = arith.addi %scan3A_99, %select_n3A_132 : vector<16xi32>
      %jit3A_134 = arith.constant 0 : i32
      %broadcast_in_dim3A_135 = vector.broadcast %jit3A_134 : i32 to vector<16xi32>
      %select_n3A_136 = arith.select %le3A_119, %add3A_112, %broadcast_in_dim3A_135 : vector<16xi1>, vector<16xi32>
      %add3A_137 = arith.addi %scan3A_100, %select_n3A_136 : vector<16xi32>
      %reduce_sum3A_138 = arith.constant true
      %reduce_sum3A_139 = vector.broadcast %reduce_sum3A_138 : i1 to vector<16xi1>
      %reduce_sum3A_140 = tpu.scan <sum>, %add3A_112 masked %reduce_sum3A_139 : vector<16xi32>, vector<16xi1> -> vector<16xi32>
      %reduce_sum3A_141 = vector.extract %reduce_sum3A_140[15] : i32 from vector<16xi32>
      %add3A_142 = arith.addi %scan3A_96, %reduce_sum3A_141 : i32
      scf.yield %add3A_142, %add3A_123, %add3A_127, %add3A_133, %add3A_137 : i32, vector<16xi32>, vector<16xi32>, vector<16xi32>, vector<16xi32>
    }
    %scan3A_45 = arith.constant 128 : i32
    %reduce_sum3A_46 = arith.constant true
    %reduce_sum3A_47 = vector.broadcast %reduce_sum3A_46 : i1 to vector<16xi1>
    %reduce_sum3A_48 = tpu.scan <sum>, %scan3A_44#1 masked %reduce_sum3A_47 : vector<16xi32>, vector<16xi1> -> vector<16xi32>
    %reduce_sum3A_49 = vector.extract %reduce_sum3A_48[15] : i32 from vector<16xi32>
    %reduce_sum3A_50 = arith.constant true
    %reduce_sum3A_51 = vector.broadcast %reduce_sum3A_50 : i1 to vector<16xi1>
    %reduce_sum3A_52 = tpu.scan <sum>, %scan3A_44#2 masked %reduce_sum3A_51 : vector<16xi32>, vector<16xi1> -> vector<16xi32>
    %reduce_sum3A_53 = vector.extract %reduce_sum3A_52[15] : i32 from vector<16xi32>
    %sub3A_54 = arith.constant 524287 : i32
    %sub3A_55 = arith.subi %sub3A_54, %reduce_sum3A_53 : i32
    %reduce_sum3A_56 = arith.constant true
    %reduce_sum3A_57 = vector.broadcast %reduce_sum3A_56 : i1 to vector<16xi1>
    %reduce_sum3A_58 = tpu.scan <sum>, %scan3A_44#3 masked %reduce_sum3A_57 : vector<16xi32>, vector<16xi1> -> vector<16xi32>
    %reduce_sum3A_59 = vector.extract %reduce_sum3A_58[15] : i32 from vector<16xi32>
    %reduce_sum3A_60 = arith.constant true
    %reduce_sum3A_61 = vector.broadcast %reduce_sum3A_60 : i1 to vector<16xi1>
    %reduce_sum3A_62 = tpu.scan <sum>, %scan3A_44#4 masked %reduce_sum3A_61 : vector<16xi32>, vector<16xi1> -> vector<16xi32>
    %reduce_sum3A_63 = vector.extract %reduce_sum3A_62[15] : i32 from vector<16xi32>
    %sub3A_64 = arith.constant 524288 : i32
    %sub3A_65 = arith.subi %sub3A_64, %reduce_sum3A_63 : i32
    %eq3A = arith.cmpi eq, %reduce_sum3A_19, %reduce_sum3A_28 : i32
    %eq3A_66 = arith.cmpi eq, %reduce_sum3A_49, %reduce_sum3A_59 : i32
    %and3A = arith.andi %eq3A, %eq3A_66 : i1
    %dma_wait3A = tpu.memref_slice %arg2[%mul3A_2] : memref<2097152xf32, #tpu.memory_space<hbm>> -> memref<65536xf32, #tpu.memory_space<hbm>>
    %dma_wait3A_67 = tpu.memref_slice %arg2[%mul3A_2] : memref<2097152xf32, #tpu.memory_space<hbm>> -> memref<65536xf32, #tpu.memory_space<hbm>>
    tpu.wait_dma2 semaphore(%arg11 : memref<!tpu.dma_semaphore, #tpu.memory_space<semaphore_mem>>) src(%dma_wait3A_67 : memref<65536xf32, #tpu.memory_space<hbm>>) dst(%arg6 : memref<65536xf32, #tpu.memory_space<vmem>>)
    %broadcast_in_dim3A_68 = arith.constant 1 : i32
    %broadcast_in_dim3A_69 = vector.broadcast %broadcast_in_dim3A_68 : i32 to vector<16xi32>
    %broadcast_in_dim3A_70 = vector.broadcast %reduce_sum3A_19 : i32 to vector<16xi32>
    %broadcast_in_dim3A_71 = vector.broadcast %reduce_sum3A_49 : i32 to vector<16xi32>
    %broadcast_in_dim3A_72 = vector.broadcast %reduce_sum3A_28 : i32 to vector<16xi32>
    %broadcast_in_dim3A_73 = vector.broadcast %reduce_sum3A_59 : i32 to vector<16xi32>
    %convert_element_type3A = arith.extui %and3A : i1 to i32
    %cond3A = arith.constant 0 : i32
    %cond3A_74 = arith.cmpi ne, %convert_element_type3A, %cond3A : i32
    scf.if %cond3A_74 {
      %parallel_loop3A_95 = arith.constant 0 : i32
      %parallel_loop3A_96 = arith.constant 1024 : i32
      %parallel_loop3A_97 = arith.constant 1 : i32
      scf.for %parallel_loop3A_98 = %parallel_loop3A_95 to %parallel_loop3A_96 step %parallel_loop3A_97  : i32 {
        %parallel_loop3A_99 = arith.constant 64 : i32
        %parallel_loop3A_100 = arith.muli %parallel_loop3A_98, %parallel_loop3A_99 : i32
        %parallel_loop3A_101 = arith.constant 1 : i32
        %parallel_loop3A_102 = arith.shrsi %parallel_loop3A_98, %parallel_loop3A_101 : i32
        %parallel_loop3A_103 = arith.constant 1 : i32
        %parallel_loop3A_104 = arith.andi %parallel_loop3A_102, %parallel_loop3A_103 : i32
        %parallel_loop3A_105 = arith.constant 0 : i32
        %parallel_loop3A_106 = arith.cmpi eq, %parallel_loop3A_104, %parallel_loop3A_105 : i32
        %parallel_loop3A_107 = arith.select %parallel_loop3A_106, %broadcast_in_dim3A_70, %broadcast_in_dim3A_71 : vector<16xi32>
        %parallel_loop3A_108 = arith.constant 0 : i32
        %parallel_loop3A_109 = arith.cmpi eq, %parallel_loop3A_104, %parallel_loop3A_108 : i32
        %parallel_loop3A_110 = arith.select %parallel_loop3A_109, %broadcast_in_dim3A_72, %broadcast_in_dim3A_73 : vector<16xi32>
        %parallel_loop3A_111 = arith.constant 2048 : i32
        %parallel_loop3A_112 = arith.muli %parallel_loop3A_104, %parallel_loop3A_111 : i32
        %parallel_loop3A_113 = arith.constant 0 : i32
        %parallel_loop3A_114 = arith.addi %parallel_loop3A_100, %parallel_loop3A_113 : i32
        %parallel_loop3A_115 = arith.index_cast %parallel_loop3A_114 : i32 to index
        %parallel_loop3A_116 = tpu.vector_load %arg6[%parallel_loop3A_115] {strides = array<i32>} : memref<65536xf32, #tpu.memory_space<vmem>>, vector<16xf32>,
        %parallel_loop3A_117 = vector.bitcast %parallel_loop3A_116 : vector<16xf32> to vector<16xi32>
        %parallel_loop3A_118 = arith.constant 31 : i32
        %parallel_loop3A_119 = vector.broadcast %parallel_loop3A_118 : i32 to vector<16xi32>
        %parallel_loop3A_120 = arith.shrsi %parallel_loop3A_117, %parallel_loop3A_119 : vector<16xi32>
        %parallel_loop3A_121 = arith.constant 2147483647 : i32
        %parallel_loop3A_122 = vector.broadcast %parallel_loop3A_121 : i32 to vector<16xi32>
        %parallel_loop3A_123 = arith.andi %parallel_loop3A_120, %parallel_loop3A_122 : vector<16xi32>
        %parallel_loop3A_124 = arith.xori %parallel_loop3A_117, %parallel_loop3A_123 : vector<16xi32>
        %parallel_loop3A_125 = arith.constant 21 : i32
        %parallel_loop3A_126 = vector.broadcast %parallel_loop3A_125 : i32 to vector<16xi32>
        %parallel_loop3A_127 = arith.shrsi %parallel_loop3A_124, %parallel_loop3A_126 : vector<16xi32>
        %parallel_loop3A_128 = arith.constant 1024 : i32
        %parallel_loop3A_129 = vector.broadcast %parallel_loop3A_128 : i32 to vector<16xi32>
        %parallel_loop3A_130 = arith.addi %parallel_loop3A_127, %parallel_loop3A_129 : vector<16xi32>
        %parallel_loop3A_131 = arith.constant 10 : i32
        %parallel_loop3A_132 = vector.broadcast %parallel_loop3A_131 : i32 to vector<16xi32>
        %parallel_loop3A_133 = arith.shrsi %parallel_loop3A_124, %parallel_loop3A_132 : vector<16xi32>
        %parallel_loop3A_134 = arith.constant 2047 : i32
        %parallel_loop3A_135 = vector.broadcast %parallel_loop3A_134 : i32 to vector<16xi32>
        %parallel_loop3A_136 = arith.andi %parallel_loop3A_133, %parallel_loop3A_135 : vector<16xi32>
        %parallel_loop3A_137 = vector.broadcast %parallel_loop3A_112 : i32 to vector<16xi32>
        %parallel_loop3A_138 = arith.addi %parallel_loop3A_136, %parallel_loop3A_137 : vector<16xi32>
        %parallel_loop3A_139 = arith.cmpi eq, %parallel_loop3A_130, %parallel_loop3A_107 : vector<16xi32>
        tpu.vector_store_idx %arg7[%parallel_loop3A_138], %broadcast_in_dim3A_69 masked %parallel_loop3A_139 {add = true} : memref<8192xi32, #tpu.memory_space<vmem>>[vector<16xi32>], vector<16xi32>, vector<16xi1>
        %parallel_loop3A_140 = arith.constant 16 : i32
        %parallel_loop3A_141 = arith.addi %parallel_loop3A_100, %parallel_loop3A_140 : i32
        %parallel_loop3A_142 = arith.index_cast %parallel_loop3A_141 : i32 to index
        %parallel_loop3A_143 = tpu.vector_load %arg6[%parallel_loop3A_142] {strides = array<i32>} : memref<65536xf32, #tpu.memory_space<vmem>>, vector<16xf32>,
        %parallel_loop3A_144 = vector.bitcast %parallel_loop3A_143 : vector<16xf32> to vector<16xi32>
        %parallel_loop3A_145 = arith.constant 31 : i32
        %parallel_loop3A_146 = vector.broadcast %parallel_loop3A_145 : i32 to vector<16xi32>
        %parallel_loop3A_147 = arith.shrsi %parallel_loop3A_144, %parallel_loop3A_146 : vector<16xi32>
        %parallel_loop3A_148 = arith.constant 2147483647 : i32
        %parallel_loop3A_149 = vector.broadcast %parallel_loop3A_148 : i32 to vector<16xi32>
        %parallel_loop3A_150 = arith.andi %parallel_loop3A_147, %parallel_loop3A_149 : vector<16xi32>
        %parallel_loop3A_151 = arith.xori %parallel_loop3A_144, %parallel_loop3A_150 : vector<16xi32>
        %parallel_loop3A_152 = arith.constant 21 : i32
        %parallel_loop3A_153 = vector.broadcast %parallel_loop3A_152 : i32 to vector<16xi32>
        %parallel_loop3A_154 = arith.shrsi %parallel_loop3A_151, %parallel_loop3A_153 : vector<16xi32>
        %parallel_loop3A_155 = arith.constant 1024 : i32
        %parallel_loop3A_156 = vector.broadcast %parallel_loop3A_155 : i32 to vector<16xi32>
        %parallel_loop3A_157 = arith.addi %parallel_loop3A_154, %parallel_loop3A_156 : vector<16xi32>
        %parallel_loop3A_158 = arith.constant 10 : i32
        %parallel_loop3A_159 = vector.broadcast %parallel_loop3A_158 : i32 to vector<16xi32>
        %parallel_loop3A_160 = arith.shrsi %parallel_loop3A_151, %parallel_loop3A_159 : vector<16xi32>
        %parallel_loop3A_161 = arith.constant 2047 : i32
        %parallel_loop3A_162 = vector.broadcast %parallel_loop3A_161 : i32 to vector<16xi32>
        %parallel_loop3A_163 = arith.andi %parallel_loop3A_160, %parallel_loop3A_162 : vector<16xi32>
        %parallel_loop3A_164 = vector.broadcast %parallel_loop3A_112 : i32 to vector<16xi32>
        %parallel_loop3A_165 = arith.addi %parallel_loop3A_163, %parallel_loop3A_164 : vector<16xi32>
        %parallel_loop3A_166 = arith.cmpi eq, %parallel_loop3A_157, %parallel_loop3A_107 : vector<16xi32>
        tpu.vector_store_idx %arg7[%parallel_loop3A_165], %broadcast_in_dim3A_69 masked %parallel_loop3A_166 {add = true} : memref<8192xi32, #tpu.memory_space<vmem>>[vector<16xi32>], vector<16xi32>, vector<16xi1>
        %parallel_loop3A_167 = arith.constant 32 : i32
        %parallel_loop3A_168 = arith.addi %parallel_loop3A_100, %parallel_loop3A_167 : i32
        %parallel_loop3A_169 = arith.index_cast %parallel_loop3A_168 : i32 to index
        %parallel_loop3A_170 = tpu.vector_load %arg6[%parallel_loop3A_169] {strides = array<i32>} : memref<65536xf32, #tpu.memory_space<vmem>>, vector<16xf32>,
        %parallel_loop3A_171 = vector.bitcast %parallel_loop3A_170 : vector<16xf32> to vector<16xi32>
        %parallel_loop3A_172 = arith.constant 31 : i32
        %parallel_loop3A_173 = vector.broadcast %parallel_loop3A_172 : i32 to vector<16xi32>
        %parallel_loop3A_174 = arith.shrsi %parallel_loop3A_171, %parallel_loop3A_173 : vector<16xi32>
        %parallel_loop3A_175 = arith.constant 2147483647 : i32
        %parallel_loop3A_176 = vector.broadcast %parallel_loop3A_175 : i32 to vector<16xi32>
        %parallel_loop3A_177 = arith.andi %parallel_loop3A_174, %parallel_loop3A_176 : vector<16xi32>
        %parallel_loop3A_178 = arith.xori %parallel_loop3A_171, %parallel_loop3A_177 : vector<16xi32>
        %parallel_loop3A_179 = arith.constant 21 : i32
        %parallel_loop3A_180 = vector.broadcast %parallel_loop3A_179 : i32 to vector<16xi32>
        %parallel_loop3A_181 = arith.shrsi %parallel_loop3A_178, %parallel_loop3A_180 : vector<16xi32>
        %parallel_loop3A_182 = arith.constant 1024 : i32
        %parallel_loop3A_183 = vector.broadcast %parallel_loop3A_182 : i32 to vector<16xi32>
        %parallel_loop3A_184 = arith.addi %parallel_loop3A_181, %parallel_loop3A_183 : vector<16xi32>
        %parallel_loop3A_185 = arith.constant 10 : i32
        %parallel_loop3A_186 = vector.broadcast %parallel_loop3A_185 : i32 to vector<16xi32>
        %parallel_loop3A_187 = arith.shrsi %parallel_loop3A_178, %parallel_loop3A_186 : vector<16xi32>
        %parallel_loop3A_188 = arith.constant 2047 : i32
        %parallel_loop3A_189 = vector.broadcast %parallel_loop3A_188 : i32 to vector<16xi32>
        %parallel_loop3A_190 = arith.andi %parallel_loop3A_187, %parallel_loop3A_189 : vector<16xi32>
        %parallel_loop3A_191 = vector.broadcast %parallel_loop3A_112 : i32 to vector<16xi32>
        %parallel_loop3A_192 = arith.addi %parallel_loop3A_190, %parallel_loop3A_191 : vector<16xi32>
        %parallel_loop3A_193 = arith.cmpi eq, %parallel_loop3A_184, %parallel_loop3A_107 : vector<16xi32>
        tpu.vector_store_idx %arg7[%parallel_loop3A_192], %broadcast_in_dim3A_69 masked %parallel_loop3A_193 {add = true} : memref<8192xi32, #tpu.memory_space<vmem>>[vector<16xi32>], vector<16xi32>, vector<16xi1>
        %parallel_loop3A_194 = arith.constant 48 : i32
        %parallel_loop3A_195 = arith.addi %parallel_loop3A_100, %parallel_loop3A_194 : i32
        %parallel_loop3A_196 = arith.index_cast %parallel_loop3A_195 : i32 to index
        %parallel_loop3A_197 = tpu.vector_load %arg6[%parallel_loop3A_196] {strides = array<i32>} : memref<65536xf32, #tpu.memory_space<vmem>>, vector<16xf32>,
        %parallel_loop3A_198 = vector.bitcast %parallel_loop3A_197 : vector<16xf32> to vector<16xi32>
        %parallel_loop3A_199 = arith.constant 31 : i32
        %parallel_loop3A_200 = vector.broadcast %parallel_loop3A_199 : i32 to vector<16xi32>
        %parallel_loop3A_201 = arith.shrsi %parallel_loop3A_198, %parallel_loop3A_200 : vector<16xi32>
        %parallel_loop3A_202 = arith.constant 2147483647 : i32
        %parallel_loop3A_203 = vector.broadcast %parallel_loop3A_202 : i32 to vector<16xi32>
        %parallel_loop3A_204 = arith.andi %parallel_loop3A_201, %parallel_loop3A_203 : vector<16xi32>
        %parallel_loop3A_205 = arith.xori %parallel_loop3A_198, %parallel_loop3A_204 : vector<16xi32>
        %parallel_loop3A_206 = arith.constant 21 : i32
        %parallel_loop3A_207 = vector.broadcast %parallel_loop3A_206 : i32 to vector<16xi32>
        %parallel_loop3A_208 = arith.shrsi %parallel_loop3A_205, %parallel_loop3A_207 : vector<16xi32>
        %parallel_loop3A_209 = arith.constant 1024 : i32
        %parallel_loop3A_210 = vector.broadcast %parallel_loop3A_209 : i32 to vector<16xi32>
        %parallel_loop3A_211 = arith.addi %parallel_loop3A_208, %parallel_loop3A_210 : vector<16xi32>
        %parallel_loop3A_212 = arith.constant 10 : i32
        %parallel_loop3A_213 = vector.broadcast %parallel_loop3A_212 : i32 to vector<16xi32>
        %parallel_loop3A_214 = arith.shrsi %parallel_loop3A_205, %parallel_loop3A_213 : vector<16xi32>
        %parallel_loop3A_215 = arith.constant 2047 : i32
        %parallel_loop3A_216 = vector.broadcast %parallel_loop3A_215 : i32 to vector<16xi32>
        %parallel_loop3A_217 = arith.andi %parallel_loop3A_214, %parallel_loop3A_216 : vector<16xi32>
        %parallel_loop3A_218 = vector.broadcast %parallel_loop3A_112 : i32 to vector<16xi32>
        %parallel_loop3A_219 = arith.addi %parallel_loop3A_217, %parallel_loop3A_218 : vector<16xi32>
        %parallel_loop3A_220 = arith.cmpi eq, %parallel_loop3A_211, %parallel_loop3A_107 : vector<16xi32>
        tpu.vector_store_idx %arg7[%parallel_loop3A_219], %broadcast_in_dim3A_69 masked %parallel_loop3A_220 {add = true} : memref<8192xi32, #tpu.memory_space<vmem>>[vector<16xi32>], vector<16xi32>, vector<16xi1>
      } {sc.loop_unroll_factor = 4 : i64, sc.parallel_access}
    } else {
    }
    %not3A = arith.constant true
    %not3A_75 = arith.xori %and3A, %not3A : i1
    %convert_element_type3A_76 = arith.extui %not3A_75 : i1 to i32
    %cond3A_77 = arith.constant 0 : i32
    %cond3A_78 = arith.cmpi ne, %convert_element_type3A_76, %cond3A_77 : i32
    scf.if %cond3A_78 {
      %parallel_loop3A_95 = arith.constant 0 : i32
      %parallel_loop3A_96 = arith.constant 1024 : i32
      %parallel_loop3A_97 = arith.constant 1 : i32
      scf.for %parallel_loop3A_98 = %parallel_loop3A_95 to %parallel_loop3A_96 step %parallel_loop3A_97  : i32 {
        %parallel_loop3A_99 = arith.constant 64 : i32
        %parallel_loop3A_100 = arith.muli %parallel_loop3A_98, %parallel_loop3A_99 : i32
        %parallel_loop3A_101 = arith.constant 1 : i32
        %parallel_loop3A_102 = arith.shrsi %parallel_loop3A_98, %parallel_loop3A_101 : i32
        %parallel_loop3A_103 = arith.constant 1 : i32
        %parallel_loop3A_104 = arith.andi %parallel_loop3A_102, %parallel_loop3A_103 : i32
        %parallel_loop3A_105 = arith.constant 0 : i32
        %parallel_loop3A_106 = arith.cmpi eq, %parallel_loop3A_104, %parallel_loop3A_105 : i32
        %parallel_loop3A_107 = arith.select %parallel_loop3A_106, %broadcast_in_dim3A_70, %broadcast_in_dim3A_71 : vector<16xi32>
        %parallel_loop3A_108 = arith.constant 0 : i32
        %parallel_loop3A_109 = arith.cmpi eq, %parallel_loop3A_104, %parallel_loop3A_108 : i32
        %parallel_loop3A_110 = arith.select %parallel_loop3A_109, %broadcast_in_dim3A_72, %broadcast_in_dim3A_73 : vector<16xi32>
        %parallel_loop3A_111 = arith.constant 2048 : i32
        %parallel_loop3A_112 = arith.muli %parallel_loop3A_104, %parallel_loop3A_111 : i32
        %parallel_loop3A_113 = arith.constant 0 : i32
        %parallel_loop3A_114 = arith.addi %parallel_loop3A_100, %parallel_loop3A_113 : i32
        %parallel_loop3A_115 = arith.index_cast %parallel_loop3A_114 : i32 to index
        %parallel_loop3A_116 = tpu.vector_load %arg6[%parallel_loop3A_115] {strides = array<i32>} : memref<65536xf32, #tpu.memory_space<vmem>>, vector<16xf32>,
        %parallel_loop3A_117 = vector.bitcast %parallel_loop3A_116 : vector<16xf32> to vector<16xi32>
        %parallel_loop3A_118 = arith.constant 31 : i32
        %parallel_loop3A_119 = vector.broadcast %parallel_loop3A_118 : i32 to vector<16xi32>
        %parallel_loop3A_120 = arith.shrsi %parallel_loop3A_117, %parallel_loop3A_119 : vector<16xi32>
        %parallel_loop3A_121 = arith.constant 2147483647 : i32
        %parallel_loop3A_122 = vector.broadcast %parallel_loop3A_121 : i32 to vector<16xi32>
        %parallel_loop3A_123 = arith.andi %parallel_loop3A_120, %parallel_loop3A_122 : vector<16xi32>
        %parallel_loop3A_124 = arith.xori %parallel_loop3A_117, %parallel_loop3A_123 : vector<16xi32>
        %parallel_loop3A_125 = arith.constant 21 : i32
        %parallel_loop3A_126 = vector.broadcast %parallel_loop3A_125 : i32 to vector<16xi32>
        %parallel_loop3A_127 = arith.shrsi %parallel_loop3A_124, %parallel_loop3A_126 : vector<16xi32>
        %parallel_loop3A_128 = arith.constant 1024 : i32
        %parallel_loop3A_129 = vector.broadcast %parallel_loop3A_128 : i32 to vector<16xi32>
        %parallel_loop3A_130 = arith.addi %parallel_loop3A_127, %parallel_loop3A_129 : vector<16xi32>
        %parallel_loop3A_131 = arith.constant 10 : i32
        %parallel_loop3A_132 = vector.broadcast %parallel_loop3A_131 : i32 to vector<16xi32>
        %parallel_loop3A_133 = arith.shrsi %parallel_loop3A_124, %parallel_loop3A_132 : vector<16xi32>
        %parallel_loop3A_134 = arith.constant 2047 : i32
        %parallel_loop3A_135 = vector.broadcast %parallel_loop3A_134 : i32 to vector<16xi32>
        %parallel_loop3A_136 = arith.andi %parallel_loop3A_133, %parallel_loop3A_135 : vector<16xi32>
        %parallel_loop3A_137 = vector.broadcast %parallel_loop3A_112 : i32 to vector<16xi32>
        %parallel_loop3A_138 = arith.addi %parallel_loop3A_136, %parallel_loop3A_137 : vector<16xi32>
        %parallel_loop3A_139 = arith.cmpi eq, %parallel_loop3A_130, %parallel_loop3A_107 : vector<16xi32>
        tpu.vector_store_idx %arg7[%parallel_loop3A_138], %broadcast_in_dim3A_69 masked %parallel_loop3A_139 {add = true} : memref<8192xi32, #tpu.memory_space<vmem>>[vector<16xi32>], vector<16xi32>, vector<16xi1>
        %parallel_loop3A_140 = arith.constant 4096 : i32
        %parallel_loop3A_141 = vector.broadcast %parallel_loop3A_140 : i32 to vector<16xi32>
        %parallel_loop3A_142 = arith.addi %parallel_loop3A_138, %parallel_loop3A_141 : vector<16xi32>
        %parallel_loop3A_143 = arith.cmpi eq, %parallel_loop3A_130, %parallel_loop3A_110 : vector<16xi32>
        tpu.vector_store_idx %arg7[%parallel_loop3A_142], %broadcast_in_dim3A_69 masked %parallel_loop3A_143 {add = true} : memref<8192xi32, #tpu.memory_space<vmem>>[vector<16xi32>], vector<16xi32>, vector<16xi1>
        %parallel_loop3A_144 = arith.constant 16 : i32
        %parallel_loop3A_145 = arith.addi %parallel_loop3A_100, %parallel_loop3A_144 : i32
        %parallel_loop3A_146 = arith.index_cast %parallel_loop3A_145 : i32 to index
        %parallel_loop3A_147 = tpu.vector_load %arg6[%parallel_loop3A_146] {strides = array<i32>} : memref<65536xf32, #tpu.memory_space<vmem>>, vector<16xf32>,
        %parallel_loop3A_148 = vector.bitcast %parallel_loop3A_147 : vector<16xf32> to vector<16xi32>
        %parallel_loop3A_149 = arith.constant 31 : i32
        %parallel_loop3A_150 = vector.broadcast %parallel_loop3A_149 : i32 to vector<16xi32>
        %parallel_loop3A_151 = arith.shrsi %parallel_loop3A_148, %parallel_loop3A_150 : vector<16xi32>
        %parallel_loop3A_152 = arith.constant 2147483647 : i32
        %parallel_loop3A_153 = vector.broadcast %parallel_loop3A_152 : i32 to vector<16xi32>
        %parallel_loop3A_154 = arith.andi %parallel_loop3A_151, %parallel_loop3A_153 : vector<16xi32>
        %parallel_loop3A_155 = arith.xori %parallel_loop3A_148, %parallel_loop3A_154 : vector<16xi32>
        %parallel_loop3A_156 = arith.constant 21 : i32
        %parallel_loop3A_157 = vector.broadcast %parallel_loop3A_156 : i32 to vector<16xi32>
        %parallel_loop3A_158 = arith.shrsi %parallel_loop3A_155, %parallel_loop3A_157 : vector<16xi32>
        %parallel_loop3A_159 = arith.constant 1024 : i32
        %parallel_loop3A_160 = vector.broadcast %parallel_loop3A_159 : i32 to vector<16xi32>
        %parallel_loop3A_161 = arith.addi %parallel_loop3A_158, %parallel_loop3A_160 : vector<16xi32>
        %parallel_loop3A_162 = arith.constant 10 : i32
        %parallel_loop3A_163 = vector.broadcast %parallel_loop3A_162 : i32 to vector<16xi32>
        %parallel_loop3A_164 = arith.shrsi %parallel_loop3A_155, %parallel_loop3A_163 : vector<16xi32>
        %parallel_loop3A_165 = arith.constant 2047 : i32
        %parallel_loop3A_166 = vector.broadcast %parallel_loop3A_165 : i32 to vector<16xi32>
        %parallel_loop3A_167 = arith.andi %parallel_loop3A_164, %parallel_loop3A_166 : vector<16xi32>
        %parallel_loop3A_168 = vector.broadcast %parallel_loop3A_112 : i32 to vector<16xi32>
        %parallel_loop3A_169 = arith.addi %parallel_loop3A_167, %parallel_loop3A_168 : vector<16xi32>
        %parallel_loop3A_170 = arith.cmpi eq, %parallel_loop3A_161, %parallel_loop3A_107 : vector<16xi32>
        tpu.vector_store_idx %arg7[%parallel_loop3A_169], %broadcast_in_dim3A_69 masked %parallel_loop3A_170 {add = true} : memref<8192xi32, #tpu.memory_space<vmem>>[vector<16xi32>], vector<16xi32>, vector<16xi1>
        %parallel_loop3A_171 = arith.constant 4096 : i32
        %parallel_loop3A_172 = vector.broadcast %parallel_loop3A_171 : i32 to vector<16xi32>
        %parallel_loop3A_173 = arith.addi %parallel_loop3A_169, %parallel_loop3A_172 : vector<16xi32>
        %parallel_loop3A_174 = arith.cmpi eq, %parallel_loop3A_161, %parallel_loop3A_110 : vector<16xi32>
        tpu.vector_store_idx %arg7[%parallel_loop3A_173], %broadcast_in_dim3A_69 masked %parallel_loop3A_174 {add = true} : memref<8192xi32, #tpu.memory_space<vmem>>[vector<16xi32>], vector<16xi32>, vector<16xi1>
        %parallel_loop3A_175 = arith.constant 32 : i32
        %parallel_loop3A_176 = arith.addi %parallel_loop3A_100, %parallel_loop3A_175 : i32
        %parallel_loop3A_177 = arith.index_cast %parallel_loop3A_176 : i32 to index
        %parallel_loop3A_178 = tpu.vector_load %arg6[%parallel_loop3A_177] {strides = array<i32>} : memref<65536xf32, #tpu.memory_space<vmem>>, vector<16xf32>,
        %parallel_loop3A_179 = vector.bitcast %parallel_loop3A_178 : vector<16xf32> to vector<16xi32>
        %parallel_loop3A_180 = arith.constant 31 : i32
        %parallel_loop3A_181 = vector.broadcast %parallel_loop3A_180 : i32 to vector<16xi32>
        %parallel_loop3A_182 = arith.shrsi %parallel_loop3A_179, %parallel_loop3A_181 : vector<16xi32>
        %parallel_loop3A_183 = arith.constant 2147483647 : i32
        %parallel_loop3A_184 = vector.broadcast %parallel_loop3A_183 : i32 to vector<16xi32>
        %parallel_loop3A_185 = arith.andi %parallel_loop3A_182, %parallel_loop3A_184 : vector<16xi32>
        %parallel_loop3A_186 = arith.xori %parallel_loop3A_179, %parallel_loop3A_185 : vector<16xi32>
        %parallel_loop3A_187 = arith.constant 21 : i32
        %parallel_loop3A_188 = vector.broadcast %parallel_loop3A_187 : i32 to vector<16xi32>
        %parallel_loop3A_189 = arith.shrsi %parallel_loop3A_186, %parallel_loop3A_188 : vector<16xi32>
        %parallel_loop3A_190 = arith.constant 1024 : i32
        %parallel_loop3A_191 = vector.broadcast %parallel_loop3A_190 : i32 to vector<16xi32>
        %parallel_loop3A_192 = arith.addi %parallel_loop3A_189, %parallel_loop3A_191 : vector<16xi32>
        %parallel_loop3A_193 = arith.constant 10 : i32
        %parallel_loop3A_194 = vector.broadcast %parallel_loop3A_193 : i32 to vector<16xi32>
        %parallel_loop3A_195 = arith.shrsi %parallel_loop3A_186, %parallel_loop3A_194 : vector<16xi32>
        %parallel_loop3A_196 = arith.constant 2047 : i32
        %parallel_loop3A_197 = vector.broadcast %parallel_loop3A_196 : i32 to vector<16xi32>
        %parallel_loop3A_198 = arith.andi %parallel_loop3A_195, %parallel_loop3A_197 : vector<16xi32>
        %parallel_loop3A_199 = vector.broadcast %parallel_loop3A_112 : i32 to vector<16xi32>
        %parallel_loop3A_200 = arith.addi %parallel_loop3A_198, %parallel_loop3A_199 : vector<16xi32>
        %parallel_loop3A_201 = arith.cmpi eq, %parallel_loop3A_192, %parallel_loop3A_107 : vector<16xi32>
        tpu.vector_store_idx %arg7[%parallel_loop3A_200], %broadcast_in_dim3A_69 masked %parallel_loop3A_201 {add = true} : memref<8192xi32, #tpu.memory_space<vmem>>[vector<16xi32>], vector<16xi32>, vector<16xi1>
        %parallel_loop3A_202 = arith.constant 4096 : i32
        %parallel_loop3A_203 = vector.broadcast %parallel_loop3A_202 : i32 to vector<16xi32>
        %parallel_loop3A_204 = arith.addi %parallel_loop3A_200, %parallel_loop3A_203 : vector<16xi32>
        %parallel_loop3A_205 = arith.cmpi eq, %parallel_loop3A_192, %parallel_loop3A_110 : vector<16xi32>
        tpu.vector_store_idx %arg7[%parallel_loop3A_204], %broadcast_in_dim3A_69 masked %parallel_loop3A_205 {add = true} : memref<8192xi32, #tpu.memory_space<vmem>>[vector<16xi32>], vector<16xi32>, vector<16xi1>
        %parallel_loop3A_206 = arith.constant 48 : i32
        %parallel_loop3A_207 = arith.addi %parallel_loop3A_100, %parallel_loop3A_206 : i32
        %parallel_loop3A_208 = arith.index_cast %parallel_loop3A_207 : i32 to index
        %parallel_loop3A_209 = tpu.vector_load %arg6[%parallel_loop3A_208] {strides = array<i32>} : memref<65536xf32, #tpu.memory_space<vmem>>, vector<16xf32>,
        %parallel_loop3A_210 = vector.bitcast %parallel_loop3A_209 : vector<16xf32> to vector<16xi32>
        %parallel_loop3A_211 = arith.constant 31 : i32
        %parallel_loop3A_212 = vector.broadcast %parallel_loop3A_211 : i32 to vector<16xi32>
        %parallel_loop3A_213 = arith.shrsi %parallel_loop3A_210, %parallel_loop3A_212 : vector<16xi32>
        %parallel_loop3A_214 = arith.constant 2147483647 : i32
        %parallel_loop3A_215 = vector.broadcast %parallel_loop3A_214 : i32 to vector<16xi32>
        %parallel_loop3A_216 = arith.andi %parallel_loop3A_213, %parallel_loop3A_215 : vector<16xi32>
        %parallel_loop3A_217 = arith.xori %parallel_loop3A_210, %parallel_loop3A_216 : vector<16xi32>
        %parallel_loop3A_218 = arith.constant 21 : i32
        %parallel_loop3A_219 = vector.broadcast %parallel_loop3A_218 : i32 to vector<16xi32>
        %parallel_loop3A_220 = arith.shrsi %parallel_loop3A_217, %parallel_loop3A_219 : vector<16xi32>
        %parallel_loop3A_221 = arith.constant 1024 : i32
        %parallel_loop3A_222 = vector.broadcast %parallel_loop3A_221 : i32 to vector<16xi32>
        %parallel_loop3A_223 = arith.addi %parallel_loop3A_220, %parallel_loop3A_222 : vector<16xi32>
        %parallel_loop3A_224 = arith.constant 10 : i32
        %parallel_loop3A_225 = vector.broadcast %parallel_loop3A_224 : i32 to vector<16xi32>
        %parallel_loop3A_226 = arith.shrsi %parallel_loop3A_217, %parallel_loop3A_225 : vector<16xi32>
        %parallel_loop3A_227 = arith.constant 2047 : i32
        %parallel_loop3A_228 = vector.broadcast %parallel_loop3A_227 : i32 to vector<16xi32>
        %parallel_loop3A_229 = arith.andi %parallel_loop3A_226, %parallel_loop3A_228 : vector<16xi32>
        %parallel_loop3A_230 = vector.broadcast %parallel_loop3A_112 : i32 to vector<16xi32>
        %parallel_loop3A_231 = arith.addi %parallel_loop3A_229, %parallel_loop3A_230 : vector<16xi32>
        %parallel_loop3A_232 = arith.cmpi eq, %parallel_loop3A_223, %parallel_loop3A_107 : vector<16xi32>
        tpu.vector_store_idx %arg7[%parallel_loop3A_231], %broadcast_in_dim3A_69 masked %parallel_loop3A_232 {add = true} : memref<8192xi32, #tpu.memory_space<vmem>>[vector<16xi32>], vector<16xi32>, vector<16xi1>
        %parallel_loop3A_233 = arith.constant 4096 : i32
        %parallel_loop3A_234 = vector.broadcast %parallel_loop3A_233 : i32 to vector<16xi32>
        %parallel_loop3A_235 = arith.addi %parallel_loop3A_231, %parallel_loop3A_234 : vector<16xi32>
        %parallel_loop3A_236 = arith.cmpi eq, %parallel_loop3A_223, %parallel_loop3A_110 : vector<16xi32>
        tpu.vector_store_idx %arg7[%parallel_loop3A_235], %broadcast_in_dim3A_69 masked %parallel_loop3A_236 {add = true} : memref<8192xi32, #tpu.memory_space<vmem>>[vector<16xi32>], vector<16xi32>, vector<16xi1>
      } {sc.loop_unroll_factor = 4 : i64, sc.parallel_access}
    } else {
    }
    %mul3A_79 = arith.constant 2 : i32
    %mul3A_80 = arith.muli %arg1, %mul3A_79 : i32
    %add3A_81 = arith.addi %mul3A_80, %arg0 : i32
    "tpu.region"() ({
      %run_scoped3A = tpu.sem_alloc : memref<!tpu.dma_semaphore, #tpu.memory_space<semaphore_mem>>
      %dma_start3A_95 = arith.constant 0 : i32
      %dma_start3A_96 = tpu.memref_slice %arg8[%arg1, %dma_start3A_95] : memref<16x8192xi32, #tpu.memory_space<vmem_shared>> -> memref<1x8192xi32, #tpu.memory_space<vmem_shared>>
      %dma_start3A_97 = tpu.memref_squeeze %dma_start3A_96 : memref<1x8192xi32, #tpu.memory_space<vmem_shared>> -> memref<8192xi32, #tpu.memory_space<vmem_shared>>
      %dma_start3A_98 = arith.constant 0 : i32
      %dma_start3A_99 = tpu.memref_slice %arg8[%arg1, %dma_start3A_98] : memref<16x8192xi32, #tpu.memory_space<vmem_shared>> -> memref<1x8192xi32, #tpu.memory_space<vmem_shared>>
      %dma_start3A_100 = tpu.memref_squeeze %dma_start3A_99 : memref<1x8192xi32, #tpu.memory_space<vmem_shared>> -> memref<8192xi32, #tpu.memory_space<vmem_shared>>
      tpu.enqueue_dma source(%arg7 : memref<8192xi32, #tpu.memory_space<vmem>>) target(%dma_start3A_100 : memref<8192xi32, #tpu.memory_space<vmem_shared>>) target_semaphore(%run_scoped3A : memref<!tpu.dma_semaphore, #tpu.memory_space<semaphore_mem>>)
      %dma_wait3A_101 = arith.constant 0 : i32
      %dma_wait3A_102 = tpu.memref_slice %arg8[%arg1, %dma_wait3A_101] : memref<16x8192xi32, #tpu.memory_space<vmem_shared>> -> memref<1x8192xi32, #tpu.memory_space<vmem_shared>>
      %dma_wait3A_103 = tpu.memref_squeeze %dma_wait3A_102 : memref<1x8192xi32, #tpu.memory_space<vmem_shared>> -> memref<8192xi32, #tpu.memory_space<vmem_shared>>
      %dma_wait3A_104 = arith.constant 0 : i32
      %dma_wait3A_105 = tpu.memref_slice %arg8[%arg1, %dma_wait3A_104] : memref<16x8192xi32, #tpu.memory_space<vmem_shared>> -> memref<1x8192xi32, #tpu.memory_space<vmem_shared>>
      %dma_wait3A_106 = tpu.memref_squeeze %dma_wait3A_105 : memref<1x8192xi32, #tpu.memory_space<vmem_shared>> -> memref<8192xi32, #tpu.memory_space<vmem_shared>>
      tpu.wait_dma2 semaphore(%run_scoped3A : memref<!tpu.dma_semaphore, #tpu.memory_space<semaphore_mem>>) src(%arg7 : memref<8192xi32, #tpu.memory_space<vmem>>) dst(%dma_wait3A_106 : memref<8192xi32, #tpu.memory_space<vmem_shared>>)
      tpu.yield
    }) : () -> ()
    %barrier3A = arith.constant 0 : index
    tpu.barrier barrier_id(%barrier3A)
    %mul3A_82 = arith.constant 512 : i32
    %mul3A_83 = arith.muli %arg1, %mul3A_82 : i32
    "tpu.region"() ({
      %run_scoped3A = tpu.sem_alloc : memref<!tpu.dma_semaphore, #tpu.memory_space<semaphore_mem>>
      %dma_start3A_95 = arith.constant 0 : i32
      %dma_start3A_96 = tpu.memref_slice %arg8[%dma_start3A_95, %mul3A_83] : memref<16x8192xi32, #tpu.memory_space<vmem_shared>> -> memref<16x512xi32, #tpu.memory_space<vmem_shared>>
      %dma_start3A_97 = arith.constant 0 : i32
      %dma_start3A_98 = tpu.memref_slice %arg8[%dma_start3A_97, %mul3A_83] : memref<16x8192xi32, #tpu.memory_space<vmem_shared>> -> memref<16x512xi32, #tpu.memory_space<vmem_shared>>
      tpu.enqueue_dma source(%dma_start3A_98 : memref<16x512xi32, #tpu.memory_space<vmem_shared>>) target(%arg9 : memref<16x512xi32, #tpu.memory_space<vmem>>) target_semaphore(%run_scoped3A : memref<!tpu.dma_semaphore, #tpu.memory_space<semaphore_mem>>)
      %dma_wait3A_99 = arith.constant 0 : i32
      %dma_wait3A_100 = tpu.memref_slice %arg8[%dma_wait3A_99, %mul3A_83] : memref<16x8192xi32, #tpu.memory_space<vmem_shared>> -> memref<16x512xi32, #tpu.memory_space<vmem_shared>>
      %dma_wait3A_101 = arith.constant 0 : i32
      %dma_wait3A_102 = tpu.memref_slice %arg8[%dma_wait3A_101, %mul3A_83] : memref<16x8192xi32, #tpu.memory_space<vmem_shared>> -> memref<16x512xi32, #tpu.memory_space<vmem_shared>>
      tpu.wait_dma2 semaphore(%run_scoped3A : memref<!tpu.dma_semaphore, #tpu.memory_space<semaphore_mem>>) src(%dma_wait3A_102 : memref<16x512xi32, #tpu.memory_space<vmem_shared>>) dst(%arg9 : memref<16x512xi32, #tpu.memory_space<vmem>>)
      tpu.yield
    }) : () -> ()
    %parallel_loop3A_84 = arith.constant 0 : i32
    %parallel_loop3A_85 = arith.constant 32 : i32
    %parallel_loop3A_86 = arith.constant 1 : i32
    scf.for %parallel_loop3A_95 = %parallel_loop3A_84 to %parallel_loop3A_85 step %parallel_loop3A_86  : i32 {
      %parallel_loop3A_96 = arith.constant 16 : i32
      %parallel_loop3A_97 = arith.muli %parallel_loop3A_95, %parallel_loop3A_96 : i32
      %parallel_loop3A_98 = arith.constant 0 : i32
      %parallel_loop3A_99 = arith.index_cast %parallel_loop3A_98 : i32 to index
      %parallel_loop3A_100 = arith.index_cast %parallel_loop3A_97 : i32 to index
      %parallel_loop3A_101 = tpu.vector_load %arg9[%parallel_loop3A_99, %parallel_loop3A_100] {strides = array<i32>} : memref<16x512xi32, #tpu.memory_space<vmem>>, vector<16xi32>,
      %parallel_loop3A_102 = arith.constant 1 : i32
      %parallel_loop3A_103 = arith.index_cast %parallel_loop3A_102 : i32 to index
      %parallel_loop3A_104 = arith.index_cast %parallel_loop3A_97 : i32 to index
      %parallel_loop3A_105 = tpu.vector_load %arg9[%parallel_loop3A_103, %parallel_loop3A_104] {strides = array<i32>} : memref<16x512xi32, #tpu.memory_space<vmem>>, vector<16xi32>,
      %parallel_loop3A_106 = arith.addi %parallel_loop3A_101, %parallel_loop3A_105 : vector<16xi32>
      %parallel_loop3A_107 = arith.constant 2 : i32
      %parallel_loop3A_108 = arith.index_cast %parallel_loop3A_107 : i32 to index
      %parallel_loop3A_109 = arith.index_cast %parallel_loop3A_97 : i32 to index
      %parallel_loop3A_110 = tpu.vector_load %arg9[%parallel_loop3A_108, %parallel_loop3A_109] {strides = array<i32>} : memref<16x512xi32, #tpu.memory_space<vmem>>, vector<16xi32>,
      %parallel_loop3A_111 = arith.addi %parallel_loop3A_106, %parallel_loop3A_110 : vector<16xi32>
      %parallel_loop3A_112 = arith.constant 3 : i32
      %parallel_loop3A_113 = arith.index_cast %parallel_loop3A_112 : i32 to index
      %parallel_loop3A_114 = arith.index_cast %parallel_loop3A_97 : i32 to index
      %parallel_loop3A_115 = tpu.vector_load %arg9[%parallel_loop3A_113, %parallel_loop3A_114] {strides = array<i32>} : memref<16x512xi32, #tpu.memory_space<vmem>>, vector<16xi32>,
      %parallel_loop3A_116 = arith.addi %parallel_loop3A_111, %parallel_loop3A_115 : vector<16xi32>
      %parallel_loop3A_117 = arith.constant 4 : i32
      %parallel_loop3A_118 = arith.index_cast %parallel_loop3A_117 : i32 to index
      %parallel_loop3A_119 = arith.index_cast %parallel_loop3A_97 : i32 to index
      %parallel_loop3A_120 = tpu.vector_load %arg9[%parallel_loop3A_118, %parallel_loop3A_119] {strides = array<i32>} : memref<16x512xi32, #tpu.memory_space<vmem>>, vector<16xi32>,
      %parallel_loop3A_121 = arith.addi %parallel_loop3A_116, %parallel_loop3A_120 : vector<16xi32>
      %parallel_loop3A_122 = arith.constant 5 : i32
      %parallel_loop3A_123 = arith.index_cast %parallel_loop3A_122 : i32 to index
      %parallel_loop3A_124 = arith.index_cast %parallel_loop3A_97 : i32 to index
      %parallel_loop3A_125 = tpu.vector_load %arg9[%parallel_loop3A_123, %parallel_loop3A_124] {strides = array<i32>} : memref<16x512xi32, #tpu.memory_space<vmem>>, vector<16xi32>,
      %parallel_loop3A_126 = arith.addi %parallel_loop3A_121, %parallel_loop3A_125 : vector<16xi32>
      %parallel_loop3A_127 = arith.constant 6 : i32
      %parallel_loop3A_128 = arith.index_cast %parallel_loop3A_127 : i32 to index
      %parallel_loop3A_129 = arith.index_cast %parallel_loop3A_97 : i32 to index
      %parallel_loop3A_130 = tpu.vector_load %arg9[%parallel_loop3A_128, %parallel_loop3A_129] {strides = array<i32>} : memref<16x512xi32, #tpu.memory_space<vmem>>, vector<16xi32>,
      %parallel_loop3A_131 = arith.addi %parallel_loop3A_126, %parallel_loop3A_130 : vector<16xi32>
      %parallel_loop3A_132 = arith.constant 7 : i32
      %parallel_loop3A_133 = arith.index_cast %parallel_loop3A_132 : i32 to index
      %parallel_loop3A_134 = arith.index_cast %parallel_loop3A_97 : i32 to index
      %parallel_loop3A_135 = tpu.vector_load %arg9[%parallel_loop3A_133, %parallel_loop3A_134] {strides = array<i32>} : memref<16x512xi32, #tpu.memory_space<vmem>>, vector<16xi32>,
      %parallel_loop3A_136 = arith.addi %parallel_loop3A_131, %parallel_loop3A_135 : vector<16xi32>
      %parallel_loop3A_137 = arith.constant 8 : i32
      %parallel_loop3A_138 = arith.index_cast %parallel_loop3A_137 : i32 to index
      %parallel_loop3A_139 = arith.index_cast %parallel_loop3A_97 : i32 to index
      %parallel_loop3A_140 = tpu.vector_load %arg9[%parallel_loop3A_138, %parallel_loop3A_139] {strides = array<i32>} : memref<16x512xi32, #tpu.memory_space<vmem>>, vector<16xi32>,
      %parallel_loop3A_141 = arith.addi %parallel_loop3A_136, %parallel_loop3A_140 : vector<16xi32>
      %parallel_loop3A_142 = arith.constant 9 : i32
      %parallel_loop3A_143 = arith.index_cast %parallel_loop3A_142 : i32 to index
      %parallel_loop3A_144 = arith.index_cast %parallel_loop3A_97 : i32 to index
      %parallel_loop3A_145 = tpu.vector_load %arg9[%parallel_loop3A_143, %parallel_loop3A_144] {strides = array<i32>} : memref<16x512xi32, #tpu.memory_space<vmem>>, vector<16xi32>,
      %parallel_loop3A_146 = arith.addi %parallel_loop3A_141, %parallel_loop3A_145 : vector<16xi32>
      %parallel_loop3A_147 = arith.constant 10 : i32
      %parallel_loop3A_148 = arith.index_cast %parallel_loop3A_147 : i32 to index
      %parallel_loop3A_149 = arith.index_cast %parallel_loop3A_97 : i32 to index
      %parallel_loop3A_150 = tpu.vector_load %arg9[%parallel_loop3A_148, %parallel_loop3A_149] {strides = array<i32>} : memref<16x512xi32, #tpu.memory_space<vmem>>, vector<16xi32>,
      %parallel_loop3A_151 = arith.addi %parallel_loop3A_146, %parallel_loop3A_150 : vector<16xi32>
      %parallel_loop3A_152 = arith.constant 11 : i32
      %parallel_loop3A_153 = arith.index_cast %parallel_loop3A_152 : i32 to index
      %parallel_loop3A_154 = arith.index_cast %parallel_loop3A_97 : i32 to index
      %parallel_loop3A_155 = tpu.vector_load %arg9[%parallel_loop3A_153, %parallel_loop3A_154] {strides = array<i32>} : memref<16x512xi32, #tpu.memory_space<vmem>>, vector<16xi32>,
      %parallel_loop3A_156 = arith.addi %parallel_loop3A_151, %parallel_loop3A_155 : vector<16xi32>
      %parallel_loop3A_157 = arith.constant 12 : i32
      %parallel_loop3A_158 = arith.index_cast %parallel_loop3A_157 : i32 to index
      %parallel_loop3A_159 = arith.index_cast %parallel_loop3A_97 : i32 to index
      %parallel_loop3A_160 = tpu.vector_load %arg9[%parallel_loop3A_158, %parallel_loop3A_159] {strides = array<i32>} : memref<16x512xi32, #tpu.memory_space<vmem>>, vector<16xi32>,
      %parallel_loop3A_161 = arith.addi %parallel_loop3A_156, %parallel_loop3A_160 : vector<16xi32>
      %parallel_loop3A_162 = arith.constant 13 : i32
      %parallel_loop3A_163 = arith.index_cast %parallel_loop3A_162 : i32 to index
      %parallel_loop3A_164 = arith.index_cast %parallel_loop3A_97 : i32 to index
      %parallel_loop3A_165 = tpu.vector_load %arg9[%parallel_loop3A_163, %parallel_loop3A_164] {strides = array<i32>} : memref<16x512xi32, #tpu.memory_space<vmem>>, vector<16xi32>,
      %parallel_loop3A_166 = arith.addi %parallel_loop3A_161, %parallel_loop3A_165 : vector<16xi32>
      %parallel_loop3A_167 = arith.constant 14 : i32
      %parallel_loop3A_168 = arith.index_cast %parallel_loop3A_167 : i32 to index
      %parallel_loop3A_169 = arith.index_cast %parallel_loop3A_97 : i32 to index
      %parallel_loop3A_170 = tpu.vector_load %arg9[%parallel_loop3A_168, %parallel_loop3A_169] {strides = array<i32>} : memref<16x512xi32, #tpu.memory_space<vmem>>, vector<16xi32>,
      %parallel_loop3A_171 = arith.addi %parallel_loop3A_166, %parallel_loop3A_170 : vector<16xi32>
      %parallel_loop3A_172 = arith.constant 15 : i32
      %parallel_loop3A_173 = arith.index_cast %parallel_loop3A_172 : i32 to index
      %parallel_loop3A_174 = arith.index_cast %parallel_loop3A_97 : i32 to index
      %parallel_loop3A_175 = tpu.vector_load %arg9[%parallel_loop3A_173, %parallel_loop3A_174] {strides = array<i32>} : memref<16x512xi32, #tpu.memory_space<vmem>>, vector<16xi32>,
      %parallel_loop3A_176 = arith.addi %parallel_loop3A_171, %parallel_loop3A_175 : vector<16xi32>
      %parallel_loop3A_177 = arith.index_cast %parallel_loop3A_97 : i32 to index
      %parallel_loop3A_178 = tpu.vector_load %arg10[%parallel_loop3A_177] {strides = array<i32>} : memref<512xi32, #tpu.memory_space<vmem>>, vector<16xi32>,
      tpu.vector_store %arg10[%parallel_loop3A_177], %parallel_loop3A_176 {strides = array<i32>} : memref<512xi32, #tpu.memory_space<vmem>>, vector<16xi32>,
    } {sc.loop_unroll_factor = 1 : i64, sc.parallel_access}
    "tpu.region"() ({
      %run_scoped3A = tpu.sem_alloc : memref<!tpu.dma_semaphore, #tpu.memory_space<semaphore_mem>>
      %dma_start3A_95 = tpu.memref_slice %arg4[%arg0, %mul3A_83] : memref<2x8192xi32, #tpu.memory_space<hbm>> -> memref<1x512xi32, #tpu.memory_space<hbm>>
      %dma_start3A_96 = tpu.memref_squeeze %dma_start3A_95 : memref<1x512xi32, #tpu.memory_space<hbm>> -> memref<512xi32, #tpu.memory_space<hbm>>
      %dma_start3A_97 = tpu.memref_slice %arg4[%arg0, %mul3A_83] : memref<2x8192xi32, #tpu.memory_space<hbm>> -> memref<1x512xi32, #tpu.memory_space<hbm>>
      %dma_start3A_98 = tpu.memref_squeeze %dma_start3A_97 : memref<1x512xi32, #tpu.memory_space<hbm>> -> memref<512xi32, #tpu.memory_space<hbm>>
      tpu.enqueue_dma source(%arg10 : memref<512xi32, #tpu.memory_space<vmem>>) target(%dma_start3A_98 : memref<512xi32, #tpu.memory_space<hbm>>) target_semaphore(%run_scoped3A : memref<!tpu.dma_semaphore, #tpu.memory_space<semaphore_mem>>)
      %dma_wait3A_99 = tpu.memref_slice %arg4[%arg0, %mul3A_83] : memref<2x8192xi32, #tpu.memory_space<hbm>> -> memref<1x512xi32, #tpu.memory_space<hbm>>
      %dma_wait3A_100 = tpu.memref_squeeze %dma_wait3A_99 : memref<1x512xi32, #tpu.memory_space<hbm>> -> memref<512xi32, #tpu.memory_space<hbm>>
      %dma_wait3A_101 = tpu.memref_slice %arg4[%arg0, %mul3A_83] : memref<2x8192xi32, #tpu.memory_space<hbm>> -> memref<1x512xi32, #tpu.memory_space<hbm>>
      %dma_wait3A_102 = tpu.memref_squeeze %dma_wait3A_101 : memref<1x512xi32, #tpu.memory_space<hbm>> -> memref<512xi32, #tpu.memory_space<hbm>>
      tpu.wait_dma2 semaphore(%run_scoped3A : memref<!tpu.dma_semaphore, #tpu.memory_space<semaphore_mem>>) src(%arg10 : memref<512xi32, #tpu.memory_space<vmem>>) dst(%dma_wait3A_102 : memref<512xi32, #tpu.memory_space<hbm>>)
      tpu.yield
    }) : () -> ()
    %mul3A_87 = arith.constant 2 : i32
    %mul3A_88 = arith.muli %arg1, %mul3A_87 : i32
    %add3A_89 = arith.addi %mul3A_88, %arg0 : i32
    %eq3A_90 = arith.constant 0 : i32
    %eq3A_91 = arith.cmpi eq, %add3A_89, %eq3A_90 : i32
    %convert_element_type3A_92 = arith.extui %eq3A_91 : i1 to i32
    %cond3A_93 = arith.constant 0 : i32
    %cond3A_94 = arith.cmpi ne, %convert_element_type3A_92, %cond3A_93 : i32
    scf.if %cond3A_94 {
      %iota3A = tpu.iota {dimensions = array<i32: 0>} : vector<16xi32>
      %and3A_95 = arith.constant 1 : i32
      %and3A_96 = vector.broadcast %and3A_95 : i32 to vector<16xi32>
      %and3A_97 = arith.andi %iota3A, %and3A_96 : vector<16xi32>
      %eq3A_98 = arith.constant 0 : i32
      %eq3A_99 = vector.broadcast %eq3A_98 : i32 to vector<16xi32>
      %eq3A_100 = arith.cmpi eq, %and3A_97, %eq3A_99 : vector<16xi32>
      %broadcast_in_dim3A_101 = vector.broadcast %reduce_sum3A_19 : i32 to vector<16xi32>
      %broadcast_in_dim3A_102 = vector.broadcast %reduce_sum3A_49 : i32 to vector<16xi32>
      %select_n3A = arith.select %eq3A_100, %broadcast_in_dim3A_101, %broadcast_in_dim3A_102 : vector<16xi1>, vector<16xi32>
      %swap3A = arith.constant 0 : i32
      %swap3A_103 = arith.index_cast %swap3A : i32 to index
      %swap3A_104 = arith.constant 0 : index
      %swap3A_105 = tpu.vector_load %arg13[%swap3A_103, %swap3A_104] {strides = array<i32>} : memref<3x16xi32, #tpu.memory_space<vmem>>, vector<16xi32>,
      tpu.vector_store %arg13[%swap3A_103, %swap3A_104], %select_n3A {strides = array<i32>} : memref<3x16xi32, #tpu.memory_space<vmem>>, vector<16xi32>,
      %eq3A_106 = arith.constant 0 : i32
      %eq3A_107 = vector.broadcast %eq3A_106 : i32 to vector<16xi32>
      %eq3A_108 = arith.cmpi eq, %and3A_97, %eq3A_107 : vector<16xi32>
      %broadcast_in_dim3A_109 = vector.broadcast %reduce_sum3A_28 : i32 to vector<16xi32>
      %broadcast_in_dim3A_110 = vector.broadcast %reduce_sum3A_59 : i32 to vector<16xi32>
      %select_n3A_111 = arith.select %eq3A_108, %broadcast_in_dim3A_109, %broadcast_in_dim3A_110 : vector<16xi1>, vector<16xi32>
      %swap3A_112 = arith.constant 1 : i32
      %swap3A_113 = arith.index_cast %swap3A_112 : i32 to index
      %swap3A_114 = arith.constant 0 : index
      %swap3A_115 = tpu.vector_load %arg13[%swap3A_113, %swap3A_114] {strides = array<i32>} : memref<3x16xi32, #tpu.memory_space<vmem>>, vector<16xi32>,
      tpu.vector_store %arg13[%swap3A_113, %swap3A_114], %select_n3A_111 {strides = array<i32>} : memref<3x16xi32, #tpu.memory_space<vmem>>, vector<16xi32>,
      %broadcast_in_dim3A_116 = arith.constant 0 : i32
      %broadcast_in_dim3A_117 = vector.broadcast %broadcast_in_dim3A_116 : i32 to vector<16xi32>
      %eq3A_118 = arith.constant 0 : i32
      %eq3A_119 = vector.broadcast %eq3A_118 : i32 to vector<16xi32>
      %eq3A_120 = arith.cmpi eq, %iota3A, %eq3A_119 : vector<16xi32>
      %broadcast_in_dim3A_121 = vector.broadcast %sub3A_24 : i32 to vector<16xi32>
      %select_n3A_122 = arith.select %eq3A_120, %broadcast_in_dim3A_121, %broadcast_in_dim3A_117 : vector<16xi1>, vector<16xi32>
      %eq3A_123 = arith.constant 1 : i32
      %eq3A_124 = vector.broadcast %eq3A_123 : i32 to vector<16xi32>
      %eq3A_125 = arith.cmpi eq, %iota3A, %eq3A_124 : vector<16xi32>
      %broadcast_in_dim3A_126 = vector.broadcast %sub3A_34 : i32 to vector<16xi32>
      %select_n3A_127 = arith.select %eq3A_125, %broadcast_in_dim3A_126, %select_n3A_122 : vector<16xi1>, vector<16xi32>
      %eq3A_128 = arith.constant 2 : i32
      %eq3A_129 = vector.broadcast %eq3A_128 : i32 to vector<16xi32>
      %eq3A_130 = arith.cmpi eq, %iota3A, %eq3A_129 : vector<16xi32>
      %broadcast_in_dim3A_131 = vector.broadcast %sub3A_55 : i32 to vector<16xi32>
      %select_n3A_132 = arith.select %eq3A_130, %broadcast_in_dim3A_131, %select_n3A_127 : vector<16xi1>, vector<16xi32>
      %eq3A_133 = arith.constant 3 : i32
      %eq3A_134 = vector.broadcast %eq3A_133 : i32 to vector<16xi32>
      %eq3A_135 = arith.cmpi eq, %iota3A, %eq3A_134 : vector<16xi32>
      %broadcast_in_dim3A_136 = vector.broadcast %sub3A_65 : i32 to vector<16xi32>
      %select_n3A_137 = arith.select %eq3A_135, %broadcast_in_dim3A_136, %select_n3A_132 : vector<16xi1>, vector<16xi32>
      %swap3A_138 = arith.constant 2 : i32
      %swap3A_139 = arith.index_cast %swap3A_138 : i32 to index
      %swap3A_140 = arith.constant 0 : index
      %swap3A_141 = tpu.vector_load %arg13[%swap3A_139, %swap3A_140] {strides = array<i32>} : memref<3x16xi32, #tpu.memory_space<vmem>>, vector<16xi32>,
      tpu.vector_store %arg13[%swap3A_139, %swap3A_140], %select_n3A_137 {strides = array<i32>} : memref<3x16xi32, #tpu.memory_space<vmem>>, vector<16xi32>,
      "tpu.region"() ({
        %run_scoped3A = tpu.sem_alloc : memref<!tpu.dma_semaphore, #tpu.memory_space<semaphore_mem>>
        tpu.enqueue_dma source(%arg13 : memref<3x16xi32, #tpu.memory_space<vmem>>) target(%arg5 : memref<3x16xi32, #tpu.memory_space<hbm>>) target_semaphore(%run_scoped3A : memref<!tpu.dma_semaphore, #tpu.memory_space<semaphore_mem>>)
        tpu.wait_dma2 semaphore(%run_scoped3A : memref<!tpu.dma_semaphore, #tpu.memory_space<semaphore_mem>>) src(%arg13 : memref<3x16xi32, #tpu.memory_space<vmem>>) dst(%arg5 : memref<3x16xi32, #tpu.memory_space<hbm>>)
        tpu.yield
      }) : () -> ()
    } else {
    }
    return
  }
}

#map = affine_map<(d0, d1) -> (0)>
#map1 = affine_map<(d0, d1) -> (0, 0)>
module attributes {stable_mosaic.version = 14 : i64} {
  func.func @_pass3(%arg0: i32, %arg1: i32, %arg2: memref<2097152xf32, #tpu.memory_space<hbm>>, %arg3: memref<2x8192xi32, #tpu.memory_space<hbm>>, %arg4: memref<3x16xi32, #tpu.memory_space<hbm>>, %arg5: memref<2x4096xi32, #tpu.memory_space<hbm>>, %arg6: memref<3x16xi32, #tpu.memory_space<hbm>>, %arg7: memref<65536xf32, #tpu.memory_space<vmem>>, %arg8: memref<4096xi32, #tpu.memory_space<vmem>>, %arg9: memref<16x4096xi32, #tpu.memory_space<vmem_shared>>, %arg10: memref<16x256xi32, #tpu.memory_space<vmem>>, %arg11: memref<256xi32, #tpu.memory_space<vmem>>, %arg12: memref<!tpu.dma_semaphore, #tpu.memory_space<semaphore_mem>>, %arg13: memref<2x8192xi32, #tpu.memory_space<vmem>>, %arg14: memref<3x16xi32, #tpu.memory_space<vmem>>, %arg15: memref<3x16xi32, #tpu.memory_space<vmem>>) attributes {dimension_semantics = [#tpu.dimension_semantics<core_parallel>, #tpu.dimension_semantics<subcore_parallel>], iteration_bounds = array<i64: 2, 16>, scalar_prefetch = 0 : i64, scratch_operands = 9 : i64, tpu.core_type = #tpu.core_type<sc_vector_subcore>, window_params = [{transform_indices = #map}, {transform_indices = #map1}, {transform_indices = #map1}, {transform_indices = #map1}, {transform_indices = #map1}]} {
    %mul3A = arith.constant 2 : i32
    %mul3A_0 = arith.muli %arg1, %mul3A : i32
    %add3A = arith.addi %mul3A_0, %arg0 : i32
    %mul3A_1 = arith.constant 65536 : i32
    %mul3A_2 = arith.muli %add3A, %mul3A_1 : i32
    %dma_start3A = tpu.memref_slice %arg2[%mul3A_2] : memref<2097152xf32, #tpu.memory_space<hbm>> -> memref<65536xf32, #tpu.memory_space<hbm>>
    %dma_start3A_3 = tpu.memref_slice %arg2[%mul3A_2] : memref<2097152xf32, #tpu.memory_space<hbm>> -> memref<65536xf32, #tpu.memory_space<hbm>>
    tpu.enqueue_dma source(%dma_start3A_3 : memref<65536xf32, #tpu.memory_space<hbm>>) target(%arg7 : memref<65536xf32, #tpu.memory_space<vmem>>) target_semaphore(%arg12 : memref<!tpu.dma_semaphore, #tpu.memory_space<semaphore_mem>>)
    "tpu.region"() ({
      %run_scoped3A = tpu.sem_alloc : memref<!tpu.dma_semaphore, #tpu.memory_space<semaphore_mem>>
      tpu.enqueue_dma source(%arg3 : memref<2x8192xi32, #tpu.memory_space<hbm>>) target(%arg13 : memref<2x8192xi32, #tpu.memory_space<vmem>>) target_semaphore(%run_scoped3A : memref<!tpu.dma_semaphore, #tpu.memory_space<semaphore_mem>>)
      tpu.wait_dma2 semaphore(%run_scoped3A : memref<!tpu.dma_semaphore, #tpu.memory_space<semaphore_mem>>) src(%arg3 : memref<2x8192xi32, #tpu.memory_space<hbm>>) dst(%arg13 : memref<2x8192xi32, #tpu.memory_space<vmem>>)
      tpu.yield
    }) : () -> ()
    "tpu.region"() ({
      %run_scoped3A = tpu.sem_alloc : memref<!tpu.dma_semaphore, #tpu.memory_space<semaphore_mem>>
      tpu.enqueue_dma source(%arg4 : memref<3x16xi32, #tpu.memory_space<hbm>>) target(%arg14 : memref<3x16xi32, #tpu.memory_space<vmem>>) target_semaphore(%run_scoped3A : memref<!tpu.dma_semaphore, #tpu.memory_space<semaphore_mem>>)
      tpu.wait_dma2 semaphore(%run_scoped3A : memref<!tpu.dma_semaphore, #tpu.memory_space<semaphore_mem>>) src(%arg4 : memref<3x16xi32, #tpu.memory_space<hbm>>) dst(%arg14 : memref<3x16xi32, #tpu.memory_space<vmem>>)
      tpu.yield
    }) : () -> ()
    %broadcast_in_dim3A = arith.constant 0 : i32
    %broadcast_in_dim3A_4 = vector.broadcast %broadcast_in_dim3A : i32 to vector<16xi32>
    %parallel_loop3A = arith.constant 0 : i32
    %parallel_loop3A_5 = arith.constant 256 : i32
    %parallel_loop3A_6 = arith.constant 1 : i32
    scf.for %parallel_loop3A_296 = %parallel_loop3A to %parallel_loop3A_5 step %parallel_loop3A_6  : i32 {
      %parallel_loop3A_297 = arith.constant 16 : i32
      %parallel_loop3A_298 = arith.muli %parallel_loop3A_296, %parallel_loop3A_297 : i32
      %parallel_loop3A_299 = arith.index_cast %parallel_loop3A_298 : i32 to index
      %parallel_loop3A_300 = tpu.vector_load %arg8[%parallel_loop3A_299] {strides = array<i32>} : memref<4096xi32, #tpu.memory_space<vmem>>, vector<16xi32>,
      tpu.vector_store %arg8[%parallel_loop3A_299], %broadcast_in_dim3A_4 {strides = array<i32>} : memref<4096xi32, #tpu.memory_space<vmem>>, vector<16xi32>,
    } {sc.loop_unroll_factor = 1 : i64, sc.parallel_access}
    %get3A = arith.constant 0 : i32
    %get3A_7 = arith.index_cast %get3A : i32 to index
    %get3A_8 = arith.constant 0 : index
    %get3A_9 = tpu.vector_load %arg14[%get3A_7, %get3A_8] {strides = array<i32>} : memref<3x16xi32, #tpu.memory_space<vmem>>, vector<16xi32>,
    %iota3A = tpu.iota {dimensions = array<i32: 0>} : vector<16xi32>
    %eq3A = arith.constant 0 : i32
    %eq3A_10 = vector.broadcast %eq3A : i32 to vector<16xi32>
    %eq3A_11 = arith.cmpi eq, %iota3A, %eq3A_10 : vector<16xi32>
    %jit3A = arith.constant 0 : i32
    %broadcast_in_dim3A_12 = vector.broadcast %jit3A : i32 to vector<16xi32>
    %select_n3A = arith.select %eq3A_11, %get3A_9, %broadcast_in_dim3A_12 : vector<16xi1>, vector<16xi32>
    %reduce_sum3A = arith.constant true
    %reduce_sum3A_13 = vector.broadcast %reduce_sum3A : i1 to vector<16xi1>
    %reduce_sum3A_14 = tpu.scan <sum>, %select_n3A masked %reduce_sum3A_13 : vector<16xi32>, vector<16xi1> -> vector<16xi32>
    %reduce_sum3A_15 = vector.extract %reduce_sum3A_14[15] : i32 from vector<16xi32>
    %get3A_16 = arith.constant 0 : i32
    %get3A_17 = arith.index_cast %get3A_16 : i32 to index
    %get3A_18 = arith.constant 0 : index
    %get3A_19 = tpu.vector_load %arg14[%get3A_17, %get3A_18] {strides = array<i32>} : memref<3x16xi32, #tpu.memory_space<vmem>>, vector<16xi32>,
    %iota3A_20 = tpu.iota {dimensions = array<i32: 0>} : vector<16xi32>
    %eq3A_21 = arith.constant 1 : i32
    %eq3A_22 = vector.broadcast %eq3A_21 : i32 to vector<16xi32>
    %eq3A_23 = arith.cmpi eq, %iota3A_20, %eq3A_22 : vector<16xi32>
    %jit3A_24 = arith.constant 0 : i32
    %broadcast_in_dim3A_25 = vector.broadcast %jit3A_24 : i32 to vector<16xi32>
    %select_n3A_26 = arith.select %eq3A_23, %get3A_19, %broadcast_in_dim3A_25 : vector<16xi1>, vector<16xi32>
    %reduce_sum3A_27 = arith.constant true
    %reduce_sum3A_28 = vector.broadcast %reduce_sum3A_27 : i1 to vector<16xi1>
    %reduce_sum3A_29 = tpu.scan <sum>, %select_n3A_26 masked %reduce_sum3A_28 : vector<16xi32>, vector<16xi1> -> vector<16xi32>
    %reduce_sum3A_30 = vector.extract %reduce_sum3A_29[15] : i32 from vector<16xi32>
    %get3A_31 = arith.constant 1 : i32
    %get3A_32 = arith.index_cast %get3A_31 : i32 to index
    %get3A_33 = arith.constant 0 : index
    %get3A_34 = tpu.vector_load %arg14[%get3A_32, %get3A_33] {strides = array<i32>} : memref<3x16xi32, #tpu.memory_space<vmem>>, vector<16xi32>,
    %iota3A_35 = tpu.iota {dimensions = array<i32: 0>} : vector<16xi32>
    %eq3A_36 = arith.constant 0 : i32
    %eq3A_37 = vector.broadcast %eq3A_36 : i32 to vector<16xi32>
    %eq3A_38 = arith.cmpi eq, %iota3A_35, %eq3A_37 : vector<16xi32>
    %jit3A_39 = arith.constant 0 : i32
    %broadcast_in_dim3A_40 = vector.broadcast %jit3A_39 : i32 to vector<16xi32>
    %select_n3A_41 = arith.select %eq3A_38, %get3A_34, %broadcast_in_dim3A_40 : vector<16xi1>, vector<16xi32>
    %reduce_sum3A_42 = arith.constant true
    %reduce_sum3A_43 = vector.broadcast %reduce_sum3A_42 : i1 to vector<16xi1>
    %reduce_sum3A_44 = tpu.scan <sum>, %select_n3A_41 masked %reduce_sum3A_43 : vector<16xi32>, vector<16xi1> -> vector<16xi32>
    %reduce_sum3A_45 = vector.extract %reduce_sum3A_44[15] : i32 from vector<16xi32>
    %get3A_46 = arith.constant 1 : i32
    %get3A_47 = arith.index_cast %get3A_46 : i32 to index
    %get3A_48 = arith.constant 0 : index
    %get3A_49 = tpu.vector_load %arg14[%get3A_47, %get3A_48] {strides = array<i32>} : memref<3x16xi32, #tpu.memory_space<vmem>>, vector<16xi32>,
    %iota3A_50 = tpu.iota {dimensions = array<i32: 0>} : vector<16xi32>
    %eq3A_51 = arith.constant 1 : i32
    %eq3A_52 = vector.broadcast %eq3A_51 : i32 to vector<16xi32>
    %eq3A_53 = arith.cmpi eq, %iota3A_50, %eq3A_52 : vector<16xi32>
    %jit3A_54 = arith.constant 0 : i32
    %broadcast_in_dim3A_55 = vector.broadcast %jit3A_54 : i32 to vector<16xi32>
    %select_n3A_56 = arith.select %eq3A_53, %get3A_49, %broadcast_in_dim3A_55 : vector<16xi1>, vector<16xi32>
    %reduce_sum3A_57 = arith.constant true
    %reduce_sum3A_58 = vector.broadcast %reduce_sum3A_57 : i1 to vector<16xi1>
    %reduce_sum3A_59 = tpu.scan <sum>, %select_n3A_56 masked %reduce_sum3A_58 : vector<16xi32>, vector<16xi1> -> vector<16xi32>
    %reduce_sum3A_60 = vector.extract %reduce_sum3A_59[15] : i32 from vector<16xi32>
    %get3A_61 = arith.constant 2 : i32
    %get3A_62 = arith.index_cast %get3A_61 : i32 to index
    %get3A_63 = arith.constant 0 : index
    %get3A_64 = tpu.vector_load %arg14[%get3A_62, %get3A_63] {strides = array<i32>} : memref<3x16xi32, #tpu.memory_space<vmem>>, vector<16xi32>,
    %iota3A_65 = tpu.iota {dimensions = array<i32: 0>} : vector<16xi32>
    %eq3A_66 = arith.constant 0 : i32
    %eq3A_67 = vector.broadcast %eq3A_66 : i32 to vector<16xi32>
    %eq3A_68 = arith.cmpi eq, %iota3A_65, %eq3A_67 : vector<16xi32>
    %jit3A_69 = arith.constant 0 : i32
    %broadcast_in_dim3A_70 = vector.broadcast %jit3A_69 : i32 to vector<16xi32>
    %select_n3A_71 = arith.select %eq3A_68, %get3A_64, %broadcast_in_dim3A_70 : vector<16xi1>, vector<16xi32>
    %reduce_sum3A_72 = arith.constant true
    %reduce_sum3A_73 = vector.broadcast %reduce_sum3A_72 : i1 to vector<16xi1>
    %reduce_sum3A_74 = tpu.scan <sum>, %select_n3A_71 masked %reduce_sum3A_73 : vector<16xi32>, vector<16xi1> -> vector<16xi32>
    %reduce_sum3A_75 = vector.extract %reduce_sum3A_74[15] : i32 from vector<16xi32>
    %get3A_76 = arith.constant 2 : i32
    %get3A_77 = arith.index_cast %get3A_76 : i32 to index
    %get3A_78 = arith.constant 0 : index
    %get3A_79 = tpu.vector_load %arg14[%get3A_77, %get3A_78] {strides = array<i32>} : memref<3x16xi32, #tpu.memory_space<vmem>>, vector<16xi32>,
    %iota3A_80 = tpu.iota {dimensions = array<i32: 0>} : vector<16xi32>
    %eq3A_81 = arith.constant 2 : i32
    %eq3A_82 = vector.broadcast %eq3A_81 : i32 to vector<16xi32>
    %eq3A_83 = arith.cmpi eq, %iota3A_80, %eq3A_82 : vector<16xi32>
    %jit3A_84 = arith.constant 0 : i32
    %broadcast_in_dim3A_85 = vector.broadcast %jit3A_84 : i32 to vector<16xi32>
    %select_n3A_86 = arith.select %eq3A_83, %get3A_79, %broadcast_in_dim3A_85 : vector<16xi1>, vector<16xi32>
    %reduce_sum3A_87 = arith.constant true
    %reduce_sum3A_88 = vector.broadcast %reduce_sum3A_87 : i1 to vector<16xi1>
    %reduce_sum3A_89 = tpu.scan <sum>, %select_n3A_86 masked %reduce_sum3A_88 : vector<16xi32>, vector<16xi1> -> vector<16xi32>
    %reduce_sum3A_90 = vector.extract %reduce_sum3A_89[15] : i32 from vector<16xi32>
    %get3A_91 = arith.constant 2 : i32
    %get3A_92 = arith.index_cast %get3A_91 : i32 to index
    %get3A_93 = arith.constant 0 : index
    %get3A_94 = tpu.vector_load %arg14[%get3A_92, %get3A_93] {strides = array<i32>} : memref<3x16xi32, #tpu.memory_space<vmem>>, vector<16xi32>,
    %iota3A_95 = tpu.iota {dimensions = array<i32: 0>} : vector<16xi32>
    %eq3A_96 = arith.constant 1 : i32
    %eq3A_97 = vector.broadcast %eq3A_96 : i32 to vector<16xi32>
    %eq3A_98 = arith.cmpi eq, %iota3A_95, %eq3A_97 : vector<16xi32>
    %jit3A_99 = arith.constant 0 : i32
    %broadcast_in_dim3A_100 = vector.broadcast %jit3A_99 : i32 to vector<16xi32>
    %select_n3A_101 = arith.select %eq3A_98, %get3A_94, %broadcast_in_dim3A_100 : vector<16xi1>, vector<16xi32>
    %reduce_sum3A_102 = arith.constant true
    %reduce_sum3A_103 = vector.broadcast %reduce_sum3A_102 : i1 to vector<16xi1>
    %reduce_sum3A_104 = tpu.scan <sum>, %select_n3A_101 masked %reduce_sum3A_103 : vector<16xi32>, vector<16xi1> -> vector<16xi32>
    %reduce_sum3A_105 = vector.extract %reduce_sum3A_104[15] : i32 from vector<16xi32>
    %get3A_106 = arith.constant 2 : i32
    %get3A_107 = arith.index_cast %get3A_106 : i32 to index
    %get3A_108 = arith.constant 0 : index
    %get3A_109 = tpu.vector_load %arg14[%get3A_107, %get3A_108] {strides = array<i32>} : memref<3x16xi32, #tpu.memory_space<vmem>>, vector<16xi32>,
    %iota3A_110 = tpu.iota {dimensions = array<i32: 0>} : vector<16xi32>
    %eq3A_111 = arith.constant 3 : i32
    %eq3A_112 = vector.broadcast %eq3A_111 : i32 to vector<16xi32>
    %eq3A_113 = arith.cmpi eq, %iota3A_110, %eq3A_112 : vector<16xi32>
    %jit3A_114 = arith.constant 0 : i32
    %broadcast_in_dim3A_115 = vector.broadcast %jit3A_114 : i32 to vector<16xi32>
    %select_n3A_116 = arith.select %eq3A_113, %get3A_109, %broadcast_in_dim3A_115 : vector<16xi1>, vector<16xi32>
    %reduce_sum3A_117 = arith.constant true
    %reduce_sum3A_118 = vector.broadcast %reduce_sum3A_117 : i1 to vector<16xi1>
    %reduce_sum3A_119 = tpu.scan <sum>, %select_n3A_116 masked %reduce_sum3A_118 : vector<16xi32>, vector<16xi1> -> vector<16xi32>
    %reduce_sum3A_120 = vector.extract %reduce_sum3A_119[15] : i32 from vector<16xi32>
    %eq3A_121 = arith.cmpi eq, %reduce_sum3A_15, %reduce_sum3A_45 : i32
    %eq3A_122 = arith.cmpi eq, %reduce_sum3A_30, %reduce_sum3A_60 : i32
    %and3A = arith.andi %eq3A_121, %eq3A_122 : i1
    %broadcast_in_dim3A_123 = arith.constant 0 : i32
    %broadcast_in_dim3A_124 = vector.broadcast %broadcast_in_dim3A_123 : i32 to vector<16xi32>
    %scan3A = arith.constant 0 : i32
    %scan3A_125 = arith.constant 0 : i32
    %scan3A_126 = arith.constant 128 : i32
    %scan3A_127 = arith.addi %scan3A_125, %scan3A_126 : i32
    %scan3A_128 = arith.constant 1 : i32
    %scan3A_129:5 = scf.for %scan3A_296 = %scan3A_125 to %scan3A_127 step %scan3A_128 iter_args(%scan3A_297 = %scan3A, %scan3A_298 = %broadcast_in_dim3A_124, %scan3A_299 = %broadcast_in_dim3A_124, %scan3A_300 = %broadcast_in_dim3A_124, %scan3A_301 = %broadcast_in_dim3A_124) -> (i32, vector<16xi32>, vector<16xi32>, vector<16xi32>, vector<16xi32>)  : i32 {
      %mul3A_302 = arith.constant 16 : i32
      %mul3A_303 = arith.muli %scan3A_296, %mul3A_302 : i32
      %add3A_304 = arith.constant 0 : i32
      %add3A_305 = arith.addi %add3A_304, %mul3A_303 : i32
      %get3A_306 = arith.constant 0 : i32
      %get3A_307 = arith.index_cast %get3A_306 : i32 to index
      %get3A_308 = arith.index_cast %add3A_305 : i32 to index
      %get3A_309 = tpu.vector_load %arg13[%get3A_307, %get3A_308] {strides = array<i32>} : memref<2x8192xi32, #tpu.memory_space<vmem>>, vector<16xi32>,
      %get3A_310 = arith.constant 1 : i32
      %get3A_311 = arith.index_cast %get3A_310 : i32 to index
      %get3A_312 = arith.index_cast %add3A_305 : i32 to index
      %get3A_313 = tpu.vector_load %arg13[%get3A_311, %get3A_312] {strides = array<i32>} : memref<2x8192xi32, #tpu.memory_space<vmem>>, vector<16xi32>,
      %add3A_314 = arith.addi %get3A_309, %get3A_313 : vector<16xi32>
      %broadcast_in_dim3A_315 = arith.constant true
      %broadcast_in_dim3A_316 = vector.broadcast %broadcast_in_dim3A_315 : i1 to vector<16xi1>
      %masked_cumsum3A = tpu.scan <sum>, %add3A_314 masked %broadcast_in_dim3A_316 : vector<16xi32>, vector<16xi1> -> vector<16xi32>
      %add3A_317 = vector.broadcast %scan3A_297 : i32 to vector<16xi32>
      %add3A_318 = arith.addi %masked_cumsum3A, %add3A_317 : vector<16xi32>
      %le3A = vector.broadcast %reduce_sum3A_75 : i32 to vector<16xi32>
      %le3A_319 = arith.cmpi sle, %add3A_318, %le3A : vector<16xi32>
      %le3A_320 = vector.broadcast %reduce_sum3A_75 : i32 to vector<16xi32>
      %le3A_321 = arith.cmpi sle, %add3A_318, %le3A_320 : vector<16xi32>
      %jit3A_322 = arith.constant 1 : i32
      %jit3A_323 = arith.constant 0 : i32
      %broadcast_in_dim3A_324 = vector.broadcast %jit3A_322 : i32 to vector<16xi32>
      %broadcast_in_dim3A_325 = vector.broadcast %jit3A_323 : i32 to vector<16xi32>
      %select_n3A_326 = arith.select %le3A_319, %broadcast_in_dim3A_324, %broadcast_in_dim3A_325 : vector<16xi1>, vector<16xi32>
      %add3A_327 = arith.addi %scan3A_298, %select_n3A_326 : vector<16xi32>
      %jit3A_328 = arith.constant 0 : i32
      %broadcast_in_dim3A_329 = vector.broadcast %jit3A_328 : i32 to vector<16xi32>
      %select_n3A_330 = arith.select %le3A_319, %add3A_314, %broadcast_in_dim3A_329 : vector<16xi1>, vector<16xi32>
      %add3A_331 = arith.addi %scan3A_299, %select_n3A_330 : vector<16xi32>
      %jit3A_332 = arith.constant 1 : i32
      %jit3A_333 = arith.constant 0 : i32
      %broadcast_in_dim3A_334 = vector.broadcast %jit3A_332 : i32 to vector<16xi32>
      %broadcast_in_dim3A_335 = vector.broadcast %jit3A_333 : i32 to vector<16xi32>
      %select_n3A_336 = arith.select %le3A_321, %broadcast_in_dim3A_334, %broadcast_in_dim3A_335 : vector<16xi1>, vector<16xi32>
      %add3A_337 = arith.addi %scan3A_300, %select_n3A_336 : vector<16xi32>
      %jit3A_338 = arith.constant 0 : i32
      %broadcast_in_dim3A_339 = vector.broadcast %jit3A_338 : i32 to vector<16xi32>
      %select_n3A_340 = arith.select %le3A_321, %add3A_314, %broadcast_in_dim3A_339 : vector<16xi1>, vector<16xi32>
      %add3A_341 = arith.addi %scan3A_301, %select_n3A_340 : vector<16xi32>
      %reduce_sum3A_342 = arith.constant true
      %reduce_sum3A_343 = vector.broadcast %reduce_sum3A_342 : i1 to vector<16xi1>
      %reduce_sum3A_344 = tpu.scan <sum>, %add3A_314 masked %reduce_sum3A_343 : vector<16xi32>, vector<16xi1> -> vector<16xi32>
      %reduce_sum3A_345 = vector.extract %reduce_sum3A_344[15] : i32 from vector<16xi32>
      %add3A_346 = arith.addi %scan3A_297, %reduce_sum3A_345 : i32
      scf.yield %add3A_346, %add3A_327, %add3A_331, %add3A_337, %add3A_341 : i32, vector<16xi32>, vector<16xi32>, vector<16xi32>, vector<16xi32>
    }
    %scan3A_130 = arith.constant 128 : i32
    %reduce_sum3A_131 = arith.constant true
    %reduce_sum3A_132 = vector.broadcast %reduce_sum3A_131 : i1 to vector<16xi1>
    %reduce_sum3A_133 = tpu.scan <sum>, %scan3A_129#1 masked %reduce_sum3A_132 : vector<16xi32>, vector<16xi1> -> vector<16xi32>
    %reduce_sum3A_134 = vector.extract %reduce_sum3A_133[15] : i32 from vector<16xi32>
    %reduce_sum3A_135 = arith.constant true
    %reduce_sum3A_136 = vector.broadcast %reduce_sum3A_135 : i1 to vector<16xi1>
    %reduce_sum3A_137 = tpu.scan <sum>, %scan3A_129#2 masked %reduce_sum3A_136 : vector<16xi32>, vector<16xi1> -> vector<16xi32>
    %reduce_sum3A_138 = vector.extract %reduce_sum3A_137[15] : i32 from vector<16xi32>
    %sub3A = arith.subi %reduce_sum3A_75, %reduce_sum3A_138 : i32
    %reduce_sum3A_139 = arith.constant true
    %reduce_sum3A_140 = vector.broadcast %reduce_sum3A_139 : i1 to vector<16xi1>
    %reduce_sum3A_141 = tpu.scan <sum>, %scan3A_129#3 masked %reduce_sum3A_140 : vector<16xi32>, vector<16xi1> -> vector<16xi32>
    %reduce_sum3A_142 = vector.extract %reduce_sum3A_141[15] : i32 from vector<16xi32>
    %reduce_sum3A_143 = arith.constant true
    %reduce_sum3A_144 = vector.broadcast %reduce_sum3A_143 : i1 to vector<16xi1>
    %reduce_sum3A_145 = tpu.scan <sum>, %scan3A_129#4 masked %reduce_sum3A_144 : vector<16xi32>, vector<16xi1> -> vector<16xi32>
    %reduce_sum3A_146 = vector.extract %reduce_sum3A_145[15] : i32 from vector<16xi32>
    %sub3A_147 = arith.subi %reduce_sum3A_75, %reduce_sum3A_146 : i32
    %add3A_148 = arith.constant 1024 : i32
    %add3A_149 = arith.addi %reduce_sum3A_15, %add3A_148 : i32
    %and3A_150 = arith.constant 2047 : i32
    %and3A_151 = arith.andi %add3A_149, %and3A_150 : i32
    %shift_left3A = arith.constant 11 : i32
    %shift_left3A_152 = arith.shli %and3A_151, %shift_left3A : i32
    %or3A = arith.ori %shift_left3A_152, %reduce_sum3A_134 : i32
    %broadcast_in_dim3A_153 = arith.constant 0 : i32
    %broadcast_in_dim3A_154 = vector.broadcast %broadcast_in_dim3A_153 : i32 to vector<16xi32>
    %scan3A_155 = arith.constant 0 : i32
    %scan3A_156 = arith.constant 0 : i32
    %scan3A_157 = arith.constant 128 : i32
    %scan3A_158 = arith.addi %scan3A_156, %scan3A_157 : i32
    %scan3A_159 = arith.constant 1 : i32
    %scan3A_160:5 = scf.for %scan3A_296 = %scan3A_156 to %scan3A_158 step %scan3A_159 iter_args(%scan3A_297 = %scan3A_155, %scan3A_298 = %broadcast_in_dim3A_154, %scan3A_299 = %broadcast_in_dim3A_154, %scan3A_300 = %broadcast_in_dim3A_154, %scan3A_301 = %broadcast_in_dim3A_154) -> (i32, vector<16xi32>, vector<16xi32>, vector<16xi32>, vector<16xi32>)  : i32 {
      %mul3A_302 = arith.constant 16 : i32
      %mul3A_303 = arith.muli %scan3A_296, %mul3A_302 : i32
      %add3A_304 = arith.constant 2048 : i32
      %add3A_305 = arith.addi %add3A_304, %mul3A_303 : i32
      %get3A_306 = arith.constant 0 : i32
      %get3A_307 = arith.index_cast %get3A_306 : i32 to index
      %get3A_308 = arith.index_cast %add3A_305 : i32 to index
      %get3A_309 = tpu.vector_load %arg13[%get3A_307, %get3A_308] {strides = array<i32>} : memref<2x8192xi32, #tpu.memory_space<vmem>>, vector<16xi32>,
      %get3A_310 = arith.constant 1 : i32
      %get3A_311 = arith.index_cast %get3A_310 : i32 to index
      %get3A_312 = arith.index_cast %add3A_305 : i32 to index
      %get3A_313 = tpu.vector_load %arg13[%get3A_311, %get3A_312] {strides = array<i32>} : memref<2x8192xi32, #tpu.memory_space<vmem>>, vector<16xi32>,
      %add3A_314 = arith.addi %get3A_309, %get3A_313 : vector<16xi32>
      %broadcast_in_dim3A_315 = arith.constant true
      %broadcast_in_dim3A_316 = vector.broadcast %broadcast_in_dim3A_315 : i1 to vector<16xi1>
      %masked_cumsum3A = tpu.scan <sum>, %add3A_314 masked %broadcast_in_dim3A_316 : vector<16xi32>, vector<16xi1> -> vector<16xi32>
      %add3A_317 = vector.broadcast %scan3A_297 : i32 to vector<16xi32>
      %add3A_318 = arith.addi %masked_cumsum3A, %add3A_317 : vector<16xi32>
      %le3A = vector.broadcast %reduce_sum3A_90 : i32 to vector<16xi32>
      %le3A_319 = arith.cmpi sle, %add3A_318, %le3A : vector<16xi32>
      %le3A_320 = vector.broadcast %reduce_sum3A_90 : i32 to vector<16xi32>
      %le3A_321 = arith.cmpi sle, %add3A_318, %le3A_320 : vector<16xi32>
      %jit3A_322 = arith.constant 1 : i32
      %jit3A_323 = arith.constant 0 : i32
      %broadcast_in_dim3A_324 = vector.broadcast %jit3A_322 : i32 to vector<16xi32>
      %broadcast_in_dim3A_325 = vector.broadcast %jit3A_323 : i32 to vector<16xi32>
      %select_n3A_326 = arith.select %le3A_319, %broadcast_in_dim3A_324, %broadcast_in_dim3A_325 : vector<16xi1>, vector<16xi32>
      %add3A_327 = arith.addi %scan3A_298, %select_n3A_326 : vector<16xi32>
      %jit3A_328 = arith.constant 0 : i32
      %broadcast_in_dim3A_329 = vector.broadcast %jit3A_328 : i32 to vector<16xi32>
      %select_n3A_330 = arith.select %le3A_319, %add3A_314, %broadcast_in_dim3A_329 : vector<16xi1>, vector<16xi32>
      %add3A_331 = arith.addi %scan3A_299, %select_n3A_330 : vector<16xi32>
      %jit3A_332 = arith.constant 1 : i32
      %jit3A_333 = arith.constant 0 : i32
      %broadcast_in_dim3A_334 = vector.broadcast %jit3A_332 : i32 to vector<16xi32>
      %broadcast_in_dim3A_335 = vector.broadcast %jit3A_333 : i32 to vector<16xi32>
      %select_n3A_336 = arith.select %le3A_321, %broadcast_in_dim3A_334, %broadcast_in_dim3A_335 : vector<16xi1>, vector<16xi32>
      %add3A_337 = arith.addi %scan3A_300, %select_n3A_336 : vector<16xi32>
      %jit3A_338 = arith.constant 0 : i32
      %broadcast_in_dim3A_339 = vector.broadcast %jit3A_338 : i32 to vector<16xi32>
      %select_n3A_340 = arith.select %le3A_321, %add3A_314, %broadcast_in_dim3A_339 : vector<16xi1>, vector<16xi32>
      %add3A_341 = arith.addi %scan3A_301, %select_n3A_340 : vector<16xi32>
      %reduce_sum3A_342 = arith.constant true
      %reduce_sum3A_343 = vector.broadcast %reduce_sum3A_342 : i1 to vector<16xi1>
      %reduce_sum3A_344 = tpu.scan <sum>, %add3A_314 masked %reduce_sum3A_343 : vector<16xi32>, vector<16xi1> -> vector<16xi32>
      %reduce_sum3A_345 = vector.extract %reduce_sum3A_344[15] : i32 from vector<16xi32>
      %add3A_346 = arith.addi %scan3A_297, %reduce_sum3A_345 : i32
      scf.yield %add3A_346, %add3A_327, %add3A_331, %add3A_337, %add3A_341 : i32, vector<16xi32>, vector<16xi32>, vector<16xi32>, vector<16xi32>
    }
    %scan3A_161 = arith.constant 128 : i32
    %reduce_sum3A_162 = arith.constant true
    %reduce_sum3A_163 = vector.broadcast %reduce_sum3A_162 : i1 to vector<16xi1>
    %reduce_sum3A_164 = tpu.scan <sum>, %scan3A_160#1 masked %reduce_sum3A_163 : vector<16xi32>, vector<16xi1> -> vector<16xi32>
    %reduce_sum3A_165 = vector.extract %reduce_sum3A_164[15] : i32 from vector<16xi32>
    %reduce_sum3A_166 = arith.constant true
    %reduce_sum3A_167 = vector.broadcast %reduce_sum3A_166 : i1 to vector<16xi1>
    %reduce_sum3A_168 = tpu.scan <sum>, %scan3A_160#2 masked %reduce_sum3A_167 : vector<16xi32>, vector<16xi1> -> vector<16xi32>
    %reduce_sum3A_169 = vector.extract %reduce_sum3A_168[15] : i32 from vector<16xi32>
    %sub3A_170 = arith.subi %reduce_sum3A_90, %reduce_sum3A_169 : i32
    %reduce_sum3A_171 = arith.constant true
    %reduce_sum3A_172 = vector.broadcast %reduce_sum3A_171 : i1 to vector<16xi1>
    %reduce_sum3A_173 = tpu.scan <sum>, %scan3A_160#3 masked %reduce_sum3A_172 : vector<16xi32>, vector<16xi1> -> vector<16xi32>
    %reduce_sum3A_174 = vector.extract %reduce_sum3A_173[15] : i32 from vector<16xi32>
    %reduce_sum3A_175 = arith.constant true
    %reduce_sum3A_176 = vector.broadcast %reduce_sum3A_175 : i1 to vector<16xi1>
    %reduce_sum3A_177 = tpu.scan <sum>, %scan3A_160#4 masked %reduce_sum3A_176 : vector<16xi32>, vector<16xi1> -> vector<16xi32>
    %reduce_sum3A_178 = vector.extract %reduce_sum3A_177[15] : i32 from vector<16xi32>
    %sub3A_179 = arith.subi %reduce_sum3A_90, %reduce_sum3A_178 : i32
    %add3A_180 = arith.constant 1024 : i32
    %add3A_181 = arith.addi %reduce_sum3A_30, %add3A_180 : i32
    %and3A_182 = arith.constant 2047 : i32
    %and3A_183 = arith.andi %add3A_181, %and3A_182 : i32
    %shift_left3A_184 = arith.constant 11 : i32
    %shift_left3A_185 = arith.shli %and3A_183, %shift_left3A_184 : i32
    %or3A_186 = arith.ori %shift_left3A_185, %reduce_sum3A_165 : i32
    %jit3A_187 = arith.constant 0 : i32
    %jit3A_188 = arith.constant 4096 : i32
    %select_n3A_189 = arith.select %and3A, %jit3A_187, %jit3A_188 : i32
    %add3A_190 = arith.constant 0 : i32
    %add3A_191 = arith.addi %select_n3A_189, %add3A_190 : i32
    %broadcast_in_dim3A_192 = arith.constant 0 : i32
    %broadcast_in_dim3A_193 = vector.broadcast %broadcast_in_dim3A_192 : i32 to vector<16xi32>
    %scan3A_194 = arith.constant 0 : i32
    %scan3A_195 = arith.constant 0 : i32
    %scan3A_196 = arith.constant 128 : i32
    %scan3A_197 = arith.addi %scan3A_195, %scan3A_196 : i32
    %scan3A_198 = arith.constant 1 : i32
    %scan3A_199:5 = scf.for %scan3A_296 = %scan3A_195 to %scan3A_197 step %scan3A_198 iter_args(%scan3A_297 = %scan3A_194, %scan3A_298 = %broadcast_in_dim3A_193, %scan3A_299 = %broadcast_in_dim3A_193, %scan3A_300 = %broadcast_in_dim3A_193, %scan3A_301 = %broadcast_in_dim3A_193) -> (i32, vector<16xi32>, vector<16xi32>, vector<16xi32>, vector<16xi32>)  : i32 {
      %mul3A_302 = arith.constant 16 : i32
      %mul3A_303 = arith.muli %scan3A_296, %mul3A_302 : i32
      %add3A_304 = arith.addi %add3A_191, %mul3A_303 : i32
      %get3A_305 = arith.constant 0 : i32
      %get3A_306 = arith.index_cast %get3A_305 : i32 to index
      %get3A_307 = arith.index_cast %add3A_304 : i32 to index
      %get3A_308 = tpu.vector_load %arg13[%get3A_306, %get3A_307] {strides = array<i32>} : memref<2x8192xi32, #tpu.memory_space<vmem>>, vector<16xi32>,
      %get3A_309 = arith.constant 1 : i32
      %get3A_310 = arith.index_cast %get3A_309 : i32 to index
      %get3A_311 = arith.index_cast %add3A_304 : i32 to index
      %get3A_312 = tpu.vector_load %arg13[%get3A_310, %get3A_311] {strides = array<i32>} : memref<2x8192xi32, #tpu.memory_space<vmem>>, vector<16xi32>,
      %add3A_313 = arith.addi %get3A_308, %get3A_312 : vector<16xi32>
      %broadcast_in_dim3A_314 = arith.constant true
      %broadcast_in_dim3A_315 = vector.broadcast %broadcast_in_dim3A_314 : i1 to vector<16xi1>
      %masked_cumsum3A = tpu.scan <sum>, %add3A_313 masked %broadcast_in_dim3A_315 : vector<16xi32>, vector<16xi1> -> vector<16xi32>
      %add3A_316 = vector.broadcast %scan3A_297 : i32 to vector<16xi32>
      %add3A_317 = arith.addi %masked_cumsum3A, %add3A_316 : vector<16xi32>
      %le3A = vector.broadcast %reduce_sum3A_105 : i32 to vector<16xi32>
      %le3A_318 = arith.cmpi sle, %add3A_317, %le3A : vector<16xi32>
      %le3A_319 = vector.broadcast %reduce_sum3A_105 : i32 to vector<16xi32>
      %le3A_320 = arith.cmpi sle, %add3A_317, %le3A_319 : vector<16xi32>
      %jit3A_321 = arith.constant 1 : i32
      %jit3A_322 = arith.constant 0 : i32
      %broadcast_in_dim3A_323 = vector.broadcast %jit3A_321 : i32 to vector<16xi32>
      %broadcast_in_dim3A_324 = vector.broadcast %jit3A_322 : i32 to vector<16xi32>
      %select_n3A_325 = arith.select %le3A_318, %broadcast_in_dim3A_323, %broadcast_in_dim3A_324 : vector<16xi1>, vector<16xi32>
      %add3A_326 = arith.addi %scan3A_298, %select_n3A_325 : vector<16xi32>
      %jit3A_327 = arith.constant 0 : i32
      %broadcast_in_dim3A_328 = vector.broadcast %jit3A_327 : i32 to vector<16xi32>
      %select_n3A_329 = arith.select %le3A_318, %add3A_313, %broadcast_in_dim3A_328 : vector<16xi1>, vector<16xi32>
      %add3A_330 = arith.addi %scan3A_299, %select_n3A_329 : vector<16xi32>
      %jit3A_331 = arith.constant 1 : i32
      %jit3A_332 = arith.constant 0 : i32
      %broadcast_in_dim3A_333 = vector.broadcast %jit3A_331 : i32 to vector<16xi32>
      %broadcast_in_dim3A_334 = vector.broadcast %jit3A_332 : i32 to vector<16xi32>
      %select_n3A_335 = arith.select %le3A_320, %broadcast_in_dim3A_333, %broadcast_in_dim3A_334 : vector<16xi1>, vector<16xi32>
      %add3A_336 = arith.addi %scan3A_300, %select_n3A_335 : vector<16xi32>
      %jit3A_337 = arith.constant 0 : i32
      %broadcast_in_dim3A_338 = vector.broadcast %jit3A_337 : i32 to vector<16xi32>
      %select_n3A_339 = arith.select %le3A_320, %add3A_313, %broadcast_in_dim3A_338 : vector<16xi1>, vector<16xi32>
      %add3A_340 = arith.addi %scan3A_301, %select_n3A_339 : vector<16xi32>
      %reduce_sum3A_341 = arith.constant true
      %reduce_sum3A_342 = vector.broadcast %reduce_sum3A_341 : i1 to vector<16xi1>
      %reduce_sum3A_343 = tpu.scan <sum>, %add3A_313 masked %reduce_sum3A_342 : vector<16xi32>, vector<16xi1> -> vector<16xi32>
      %reduce_sum3A_344 = vector.extract %reduce_sum3A_343[15] : i32 from vector<16xi32>
      %add3A_345 = arith.addi %scan3A_297, %reduce_sum3A_344 : i32
      scf.yield %add3A_345, %add3A_326, %add3A_330, %add3A_336, %add3A_340 : i32, vector<16xi32>, vector<16xi32>, vector<16xi32>, vector<16xi32>
    }
    %scan3A_200 = arith.constant 128 : i32
    %reduce_sum3A_201 = arith.constant true
    %reduce_sum3A_202 = vector.broadcast %reduce_sum3A_201 : i1 to vector<16xi1>
    %reduce_sum3A_203 = tpu.scan <sum>, %scan3A_199#1 masked %reduce_sum3A_202 : vector<16xi32>, vector<16xi1> -> vector<16xi32>
    %reduce_sum3A_204 = vector.extract %reduce_sum3A_203[15] : i32 from vector<16xi32>
    %reduce_sum3A_205 = arith.constant true
    %reduce_sum3A_206 = vector.broadcast %reduce_sum3A_205 : i1 to vector<16xi1>
    %reduce_sum3A_207 = tpu.scan <sum>, %scan3A_199#2 masked %reduce_sum3A_206 : vector<16xi32>, vector<16xi1> -> vector<16xi32>
    %reduce_sum3A_208 = vector.extract %reduce_sum3A_207[15] : i32 from vector<16xi32>
    %sub3A_209 = arith.subi %reduce_sum3A_105, %reduce_sum3A_208 : i32
    %reduce_sum3A_210 = arith.constant true
    %reduce_sum3A_211 = vector.broadcast %reduce_sum3A_210 : i1 to vector<16xi1>
    %reduce_sum3A_212 = tpu.scan <sum>, %scan3A_199#3 masked %reduce_sum3A_211 : vector<16xi32>, vector<16xi1> -> vector<16xi32>
    %reduce_sum3A_213 = vector.extract %reduce_sum3A_212[15] : i32 from vector<16xi32>
    %reduce_sum3A_214 = arith.constant true
    %reduce_sum3A_215 = vector.broadcast %reduce_sum3A_214 : i1 to vector<16xi1>
    %reduce_sum3A_216 = tpu.scan <sum>, %scan3A_199#4 masked %reduce_sum3A_215 : vector<16xi32>, vector<16xi1> -> vector<16xi32>
    %reduce_sum3A_217 = vector.extract %reduce_sum3A_216[15] : i32 from vector<16xi32>
    %sub3A_218 = arith.subi %reduce_sum3A_105, %reduce_sum3A_217 : i32
    %add3A_219 = arith.constant 1024 : i32
    %add3A_220 = arith.addi %reduce_sum3A_45, %add3A_219 : i32
    %and3A_221 = arith.constant 2047 : i32
    %and3A_222 = arith.andi %add3A_220, %and3A_221 : i32
    %shift_left3A_223 = arith.constant 11 : i32
    %shift_left3A_224 = arith.shli %and3A_222, %shift_left3A_223 : i32
    %or3A_225 = arith.ori %shift_left3A_224, %reduce_sum3A_204 : i32
    %jit3A_226 = arith.constant 0 : i32
    %jit3A_227 = arith.constant 4096 : i32
    %select_n3A_228 = arith.select %and3A, %jit3A_226, %jit3A_227 : i32
    %add3A_229 = arith.constant 2048 : i32
    %add3A_230 = arith.addi %select_n3A_228, %add3A_229 : i32
    %broadcast_in_dim3A_231 = arith.constant 0 : i32
    %broadcast_in_dim3A_232 = vector.broadcast %broadcast_in_dim3A_231 : i32 to vector<16xi32>
    %scan3A_233 = arith.constant 0 : i32
    %scan3A_234 = arith.constant 0 : i32
    %scan3A_235 = arith.constant 128 : i32
    %scan3A_236 = arith.addi %scan3A_234, %scan3A_235 : i32
    %scan3A_237 = arith.constant 1 : i32
    %scan3A_238:5 = scf.for %scan3A_296 = %scan3A_234 to %scan3A_236 step %scan3A_237 iter_args(%scan3A_297 = %scan3A_233, %scan3A_298 = %broadcast_in_dim3A_232, %scan3A_299 = %broadcast_in_dim3A_232, %scan3A_300 = %broadcast_in_dim3A_232, %scan3A_301 = %broadcast_in_dim3A_232) -> (i32, vector<16xi32>, vector<16xi32>, vector<16xi32>, vector<16xi32>)  : i32 {
      %mul3A_302 = arith.constant 16 : i32
      %mul3A_303 = arith.muli %scan3A_296, %mul3A_302 : i32
      %add3A_304 = arith.addi %add3A_230, %mul3A_303 : i32
      %get3A_305 = arith.constant 0 : i32
      %get3A_306 = arith.index_cast %get3A_305 : i32 to index
      %get3A_307 = arith.index_cast %add3A_304 : i32 to index
      %get3A_308 = tpu.vector_load %arg13[%get3A_306, %get3A_307] {strides = array<i32>} : memref<2x8192xi32, #tpu.memory_space<vmem>>, vector<16xi32>,
      %get3A_309 = arith.constant 1 : i32
      %get3A_310 = arith.index_cast %get3A_309 : i32 to index
      %get3A_311 = arith.index_cast %add3A_304 : i32 to index
      %get3A_312 = tpu.vector_load %arg13[%get3A_310, %get3A_311] {strides = array<i32>} : memref<2x8192xi32, #tpu.memory_space<vmem>>, vector<16xi32>,
      %add3A_313 = arith.addi %get3A_308, %get3A_312 : vector<16xi32>
      %broadcast_in_dim3A_314 = arith.constant true
      %broadcast_in_dim3A_315 = vector.broadcast %broadcast_in_dim3A_314 : i1 to vector<16xi1>
      %masked_cumsum3A = tpu.scan <sum>, %add3A_313 masked %broadcast_in_dim3A_315 : vector<16xi32>, vector<16xi1> -> vector<16xi32>
      %add3A_316 = vector.broadcast %scan3A_297 : i32 to vector<16xi32>
      %add3A_317 = arith.addi %masked_cumsum3A, %add3A_316 : vector<16xi32>
      %le3A = vector.broadcast %reduce_sum3A_120 : i32 to vector<16xi32>
      %le3A_318 = arith.cmpi sle, %add3A_317, %le3A : vector<16xi32>
      %le3A_319 = vector.broadcast %reduce_sum3A_120 : i32 to vector<16xi32>
      %le3A_320 = arith.cmpi sle, %add3A_317, %le3A_319 : vector<16xi32>
      %jit3A_321 = arith.constant 1 : i32
      %jit3A_322 = arith.constant 0 : i32
      %broadcast_in_dim3A_323 = vector.broadcast %jit3A_321 : i32 to vector<16xi32>
      %broadcast_in_dim3A_324 = vector.broadcast %jit3A_322 : i32 to vector<16xi32>
      %select_n3A_325 = arith.select %le3A_318, %broadcast_in_dim3A_323, %broadcast_in_dim3A_324 : vector<16xi1>, vector<16xi32>
      %add3A_326 = arith.addi %scan3A_298, %select_n3A_325 : vector<16xi32>
      %jit3A_327 = arith.constant 0 : i32
      %broadcast_in_dim3A_328 = vector.broadcast %jit3A_327 : i32 to vector<16xi32>
      %select_n3A_329 = arith.select %le3A_318, %add3A_313, %broadcast_in_dim3A_328 : vector<16xi1>, vector<16xi32>
      %add3A_330 = arith.addi %scan3A_299, %select_n3A_329 : vector<16xi32>
      %jit3A_331 = arith.constant 1 : i32
      %jit3A_332 = arith.constant 0 : i32
      %broadcast_in_dim3A_333 = vector.broadcast %jit3A_331 : i32 to vector<16xi32>
      %broadcast_in_dim3A_334 = vector.broadcast %jit3A_332 : i32 to vector<16xi32>
      %select_n3A_335 = arith.select %le3A_320, %broadcast_in_dim3A_333, %broadcast_in_dim3A_334 : vector<16xi1>, vector<16xi32>
      %add3A_336 = arith.addi %scan3A_300, %select_n3A_335 : vector<16xi32>
      %jit3A_337 = arith.constant 0 : i32
      %broadcast_in_dim3A_338 = vector.broadcast %jit3A_337 : i32 to vector<16xi32>
      %select_n3A_339 = arith.select %le3A_320, %add3A_313, %broadcast_in_dim3A_338 : vector<16xi1>, vector<16xi32>
      %add3A_340 = arith.addi %scan3A_301, %select_n3A_339 : vector<16xi32>
      %reduce_sum3A_341 = arith.constant true
      %reduce_sum3A_342 = vector.broadcast %reduce_sum3A_341 : i1 to vector<16xi1>
      %reduce_sum3A_343 = tpu.scan <sum>, %add3A_313 masked %reduce_sum3A_342 : vector<16xi32>, vector<16xi1> -> vector<16xi32>
      %reduce_sum3A_344 = vector.extract %reduce_sum3A_343[15] : i32 from vector<16xi32>
      %add3A_345 = arith.addi %scan3A_297, %reduce_sum3A_344 : i32
      scf.yield %add3A_345, %add3A_326, %add3A_330, %add3A_336, %add3A_340 : i32, vector<16xi32>, vector<16xi32>, vector<16xi32>, vector<16xi32>
    }
    %scan3A_239 = arith.constant 128 : i32
    %reduce_sum3A_240 = arith.constant true
    %reduce_sum3A_241 = vector.broadcast %reduce_sum3A_240 : i1 to vector<16xi1>
    %reduce_sum3A_242 = tpu.scan <sum>, %scan3A_238#1 masked %reduce_sum3A_241 : vector<16xi32>, vector<16xi1> -> vector<16xi32>
    %reduce_sum3A_243 = vector.extract %reduce_sum3A_242[15] : i32 from vector<16xi32>
    %reduce_sum3A_244 = arith.constant true
    %reduce_sum3A_245 = vector.broadcast %reduce_sum3A_244 : i1 to vector<16xi1>
    %reduce_sum3A_246 = tpu.scan <sum>, %scan3A_238#2 masked %reduce_sum3A_245 : vector<16xi32>, vector<16xi1> -> vector<16xi32>
    %reduce_sum3A_247 = vector.extract %reduce_sum3A_246[15] : i32 from vector<16xi32>
    %sub3A_248 = arith.subi %reduce_sum3A_120, %reduce_sum3A_247 : i32
    %reduce_sum3A_249 = arith.constant true
    %reduce_sum3A_250 = vector.broadcast %reduce_sum3A_249 : i1 to vector<16xi1>
    %reduce_sum3A_251 = tpu.scan <sum>, %scan3A_238#3 masked %reduce_sum3A_250 : vector<16xi32>, vector<16xi1> -> vector<16xi32>
    %reduce_sum3A_252 = vector.extract %reduce_sum3A_251[15] : i32 from vector<16xi32>
    %reduce_sum3A_253 = arith.constant true
    %reduce_sum3A_254 = vector.broadcast %reduce_sum3A_253 : i1 to vector<16xi1>
    %reduce_sum3A_255 = tpu.scan <sum>, %scan3A_238#4 masked %reduce_sum3A_254 : vector<16xi32>, vector<16xi1> -> vector<16xi32>
    %reduce_sum3A_256 = vector.extract %reduce_sum3A_255[15] : i32 from vector<16xi32>
    %sub3A_257 = arith.subi %reduce_sum3A_120, %reduce_sum3A_256 : i32
    %add3A_258 = arith.constant 1024 : i32
    %add3A_259 = arith.addi %reduce_sum3A_60, %add3A_258 : i32
    %and3A_260 = arith.constant 2047 : i32
    %and3A_261 = arith.andi %add3A_259, %and3A_260 : i32
    %shift_left3A_262 = arith.constant 11 : i32
    %shift_left3A_263 = arith.shli %and3A_261, %shift_left3A_262 : i32
    %or3A_264 = arith.ori %shift_left3A_263, %reduce_sum3A_243 : i32
    %eq3A_265 = arith.cmpi eq, %or3A, %or3A_225 : i32
    %eq3A_266 = arith.cmpi eq, %or3A_186, %or3A_264 : i32
    %and3A_267 = arith.andi %eq3A_265, %eq3A_266 : i1
    %dma_wait3A = tpu.memref_slice %arg2[%mul3A_2] : memref<2097152xf32, #tpu.memory_space<hbm>> -> memref<65536xf32, #tpu.memory_space<hbm>>
    %dma_wait3A_268 = tpu.memref_slice %arg2[%mul3A_2] : memref<2097152xf32, #tpu.memory_space<hbm>> -> memref<65536xf32, #tpu.memory_space<hbm>>
    tpu.wait_dma2 semaphore(%arg12 : memref<!tpu.dma_semaphore, #tpu.memory_space<semaphore_mem>>) src(%dma_wait3A_268 : memref<65536xf32, #tpu.memory_space<hbm>>) dst(%arg7 : memref<65536xf32, #tpu.memory_space<vmem>>)
    %broadcast_in_dim3A_269 = arith.constant 1 : i32
    %broadcast_in_dim3A_270 = vector.broadcast %broadcast_in_dim3A_269 : i32 to vector<16xi32>
    %broadcast_in_dim3A_271 = vector.broadcast %or3A : i32 to vector<16xi32>
    %broadcast_in_dim3A_272 = vector.broadcast %or3A_186 : i32 to vector<16xi32>
    %broadcast_in_dim3A_273 = vector.broadcast %or3A_225 : i32 to vector<16xi32>
    %broadcast_in_dim3A_274 = vector.broadcast %or3A_264 : i32 to vector<16xi32>
    %convert_element_type3A = arith.extui %and3A_267 : i1 to i32
    %cond3A = arith.constant 0 : i32
    %cond3A_275 = arith.cmpi ne, %convert_element_type3A, %cond3A : i32
    scf.if %cond3A_275 {
      %parallel_loop3A_296 = arith.constant 0 : i32
      %parallel_loop3A_297 = arith.constant 1024 : i32
      %parallel_loop3A_298 = arith.constant 1 : i32
      scf.for %parallel_loop3A_299 = %parallel_loop3A_296 to %parallel_loop3A_297 step %parallel_loop3A_298  : i32 {
        %parallel_loop3A_300 = arith.constant 64 : i32
        %parallel_loop3A_301 = arith.muli %parallel_loop3A_299, %parallel_loop3A_300 : i32
        %parallel_loop3A_302 = arith.constant 1 : i32
        %parallel_loop3A_303 = arith.shrsi %parallel_loop3A_299, %parallel_loop3A_302 : i32
        %parallel_loop3A_304 = arith.constant 1 : i32
        %parallel_loop3A_305 = arith.andi %parallel_loop3A_303, %parallel_loop3A_304 : i32
        %parallel_loop3A_306 = arith.constant 0 : i32
        %parallel_loop3A_307 = arith.cmpi eq, %parallel_loop3A_305, %parallel_loop3A_306 : i32
        %parallel_loop3A_308 = arith.select %parallel_loop3A_307, %broadcast_in_dim3A_271, %broadcast_in_dim3A_272 : vector<16xi32>
        %parallel_loop3A_309 = arith.constant 0 : i32
        %parallel_loop3A_310 = arith.cmpi eq, %parallel_loop3A_305, %parallel_loop3A_309 : i32
        %parallel_loop3A_311 = arith.select %parallel_loop3A_310, %broadcast_in_dim3A_273, %broadcast_in_dim3A_274 : vector<16xi32>
        %parallel_loop3A_312 = arith.constant 1024 : i32
        %parallel_loop3A_313 = arith.muli %parallel_loop3A_305, %parallel_loop3A_312 : i32
        %parallel_loop3A_314 = arith.constant 0 : i32
        %parallel_loop3A_315 = arith.addi %parallel_loop3A_301, %parallel_loop3A_314 : i32
        %parallel_loop3A_316 = arith.index_cast %parallel_loop3A_315 : i32 to index
        %parallel_loop3A_317 = tpu.vector_load %arg7[%parallel_loop3A_316] {strides = array<i32>} : memref<65536xf32, #tpu.memory_space<vmem>>, vector<16xf32>,
        %parallel_loop3A_318 = vector.bitcast %parallel_loop3A_317 : vector<16xf32> to vector<16xi32>
        %parallel_loop3A_319 = arith.constant 31 : i32
        %parallel_loop3A_320 = vector.broadcast %parallel_loop3A_319 : i32 to vector<16xi32>
        %parallel_loop3A_321 = arith.shrsi %parallel_loop3A_318, %parallel_loop3A_320 : vector<16xi32>
        %parallel_loop3A_322 = arith.constant 2147483647 : i32
        %parallel_loop3A_323 = vector.broadcast %parallel_loop3A_322 : i32 to vector<16xi32>
        %parallel_loop3A_324 = arith.andi %parallel_loop3A_321, %parallel_loop3A_323 : vector<16xi32>
        %parallel_loop3A_325 = arith.xori %parallel_loop3A_318, %parallel_loop3A_324 : vector<16xi32>
        %parallel_loop3A_326 = arith.constant 10 : i32
        %parallel_loop3A_327 = vector.broadcast %parallel_loop3A_326 : i32 to vector<16xi32>
        %parallel_loop3A_328 = arith.shrsi %parallel_loop3A_325, %parallel_loop3A_327 : vector<16xi32>
        %parallel_loop3A_329 = arith.constant 4194303 : i32
        %parallel_loop3A_330 = vector.broadcast %parallel_loop3A_329 : i32 to vector<16xi32>
        %parallel_loop3A_331 = arith.andi %parallel_loop3A_328, %parallel_loop3A_330 : vector<16xi32>
        %parallel_loop3A_332 = arith.constant 1023 : i32
        %parallel_loop3A_333 = vector.broadcast %parallel_loop3A_332 : i32 to vector<16xi32>
        %parallel_loop3A_334 = arith.andi %parallel_loop3A_325, %parallel_loop3A_333 : vector<16xi32>
        %parallel_loop3A_335 = vector.broadcast %parallel_loop3A_313 : i32 to vector<16xi32>
        %parallel_loop3A_336 = arith.addi %parallel_loop3A_334, %parallel_loop3A_335 : vector<16xi32>
        %parallel_loop3A_337 = arith.cmpi eq, %parallel_loop3A_331, %parallel_loop3A_308 : vector<16xi32>
        tpu.vector_store_idx %arg8[%parallel_loop3A_336], %broadcast_in_dim3A_270 masked %parallel_loop3A_337 {add = true} : memref<4096xi32, #tpu.memory_space<vmem>>[vector<16xi32>], vector<16xi32>, vector<16xi1>
        %parallel_loop3A_338 = arith.constant 16 : i32
        %parallel_loop3A_339 = arith.addi %parallel_loop3A_301, %parallel_loop3A_338 : i32
        %parallel_loop3A_340 = arith.index_cast %parallel_loop3A_339 : i32 to index
        %parallel_loop3A_341 = tpu.vector_load %arg7[%parallel_loop3A_340] {strides = array<i32>} : memref<65536xf32, #tpu.memory_space<vmem>>, vector<16xf32>,
        %parallel_loop3A_342 = vector.bitcast %parallel_loop3A_341 : vector<16xf32> to vector<16xi32>
        %parallel_loop3A_343 = arith.constant 31 : i32
        %parallel_loop3A_344 = vector.broadcast %parallel_loop3A_343 : i32 to vector<16xi32>
        %parallel_loop3A_345 = arith.shrsi %parallel_loop3A_342, %parallel_loop3A_344 : vector<16xi32>
        %parallel_loop3A_346 = arith.constant 2147483647 : i32
        %parallel_loop3A_347 = vector.broadcast %parallel_loop3A_346 : i32 to vector<16xi32>
        %parallel_loop3A_348 = arith.andi %parallel_loop3A_345, %parallel_loop3A_347 : vector<16xi32>
        %parallel_loop3A_349 = arith.xori %parallel_loop3A_342, %parallel_loop3A_348 : vector<16xi32>
        %parallel_loop3A_350 = arith.constant 10 : i32
        %parallel_loop3A_351 = vector.broadcast %parallel_loop3A_350 : i32 to vector<16xi32>
        %parallel_loop3A_352 = arith.shrsi %parallel_loop3A_349, %parallel_loop3A_351 : vector<16xi32>
        %parallel_loop3A_353 = arith.constant 4194303 : i32
        %parallel_loop3A_354 = vector.broadcast %parallel_loop3A_353 : i32 to vector<16xi32>
        %parallel_loop3A_355 = arith.andi %parallel_loop3A_352, %parallel_loop3A_354 : vector<16xi32>
        %parallel_loop3A_356 = arith.constant 1023 : i32
        %parallel_loop3A_357 = vector.broadcast %parallel_loop3A_356 : i32 to vector<16xi32>
        %parallel_loop3A_358 = arith.andi %parallel_loop3A_349, %parallel_loop3A_357 : vector<16xi32>
        %parallel_loop3A_359 = vector.broadcast %parallel_loop3A_313 : i32 to vector<16xi32>
        %parallel_loop3A_360 = arith.addi %parallel_loop3A_358, %parallel_loop3A_359 : vector<16xi32>
        %parallel_loop3A_361 = arith.cmpi eq, %parallel_loop3A_355, %parallel_loop3A_308 : vector<16xi32>
        tpu.vector_store_idx %arg8[%parallel_loop3A_360], %broadcast_in_dim3A_270 masked %parallel_loop3A_361 {add = true} : memref<4096xi32, #tpu.memory_space<vmem>>[vector<16xi32>], vector<16xi32>, vector<16xi1>
        %parallel_loop3A_362 = arith.constant 32 : i32
        %parallel_loop3A_363 = arith.addi %parallel_loop3A_301, %parallel_loop3A_362 : i32
        %parallel_loop3A_364 = arith.index_cast %parallel_loop3A_363 : i32 to index
        %parallel_loop3A_365 = tpu.vector_load %arg7[%parallel_loop3A_364] {strides = array<i32>} : memref<65536xf32, #tpu.memory_space<vmem>>, vector<16xf32>,
        %parallel_loop3A_366 = vector.bitcast %parallel_loop3A_365 : vector<16xf32> to vector<16xi32>
        %parallel_loop3A_367 = arith.constant 31 : i32
        %parallel_loop3A_368 = vector.broadcast %parallel_loop3A_367 : i32 to vector<16xi32>
        %parallel_loop3A_369 = arith.shrsi %parallel_loop3A_366, %parallel_loop3A_368 : vector<16xi32>
        %parallel_loop3A_370 = arith.constant 2147483647 : i32
        %parallel_loop3A_371 = vector.broadcast %parallel_loop3A_370 : i32 to vector<16xi32>
        %parallel_loop3A_372 = arith.andi %parallel_loop3A_369, %parallel_loop3A_371 : vector<16xi32>
        %parallel_loop3A_373 = arith.xori %parallel_loop3A_366, %parallel_loop3A_372 : vector<16xi32>
        %parallel_loop3A_374 = arith.constant 10 : i32
        %parallel_loop3A_375 = vector.broadcast %parallel_loop3A_374 : i32 to vector<16xi32>
        %parallel_loop3A_376 = arith.shrsi %parallel_loop3A_373, %parallel_loop3A_375 : vector<16xi32>
        %parallel_loop3A_377 = arith.constant 4194303 : i32
        %parallel_loop3A_378 = vector.broadcast %parallel_loop3A_377 : i32 to vector<16xi32>
        %parallel_loop3A_379 = arith.andi %parallel_loop3A_376, %parallel_loop3A_378 : vector<16xi32>
        %parallel_loop3A_380 = arith.constant 1023 : i32
        %parallel_loop3A_381 = vector.broadcast %parallel_loop3A_380 : i32 to vector<16xi32>
        %parallel_loop3A_382 = arith.andi %parallel_loop3A_373, %parallel_loop3A_381 : vector<16xi32>
        %parallel_loop3A_383 = vector.broadcast %parallel_loop3A_313 : i32 to vector<16xi32>
        %parallel_loop3A_384 = arith.addi %parallel_loop3A_382, %parallel_loop3A_383 : vector<16xi32>
        %parallel_loop3A_385 = arith.cmpi eq, %parallel_loop3A_379, %parallel_loop3A_308 : vector<16xi32>
        tpu.vector_store_idx %arg8[%parallel_loop3A_384], %broadcast_in_dim3A_270 masked %parallel_loop3A_385 {add = true} : memref<4096xi32, #tpu.memory_space<vmem>>[vector<16xi32>], vector<16xi32>, vector<16xi1>
        %parallel_loop3A_386 = arith.constant 48 : i32
        %parallel_loop3A_387 = arith.addi %parallel_loop3A_301, %parallel_loop3A_386 : i32
        %parallel_loop3A_388 = arith.index_cast %parallel_loop3A_387 : i32 to index
        %parallel_loop3A_389 = tpu.vector_load %arg7[%parallel_loop3A_388] {strides = array<i32>} : memref<65536xf32, #tpu.memory_space<vmem>>, vector<16xf32>,
        %parallel_loop3A_390 = vector.bitcast %parallel_loop3A_389 : vector<16xf32> to vector<16xi32>
        %parallel_loop3A_391 = arith.constant 31 : i32
        %parallel_loop3A_392 = vector.broadcast %parallel_loop3A_391 : i32 to vector<16xi32>
        %parallel_loop3A_393 = arith.shrsi %parallel_loop3A_390, %parallel_loop3A_392 : vector<16xi32>
        %parallel_loop3A_394 = arith.constant 2147483647 : i32
        %parallel_loop3A_395 = vector.broadcast %parallel_loop3A_394 : i32 to vector<16xi32>
        %parallel_loop3A_396 = arith.andi %parallel_loop3A_393, %parallel_loop3A_395 : vector<16xi32>
        %parallel_loop3A_397 = arith.xori %parallel_loop3A_390, %parallel_loop3A_396 : vector<16xi32>
        %parallel_loop3A_398 = arith.constant 10 : i32
        %parallel_loop3A_399 = vector.broadcast %parallel_loop3A_398 : i32 to vector<16xi32>
        %parallel_loop3A_400 = arith.shrsi %parallel_loop3A_397, %parallel_loop3A_399 : vector<16xi32>
        %parallel_loop3A_401 = arith.constant 4194303 : i32
        %parallel_loop3A_402 = vector.broadcast %parallel_loop3A_401 : i32 to vector<16xi32>
        %parallel_loop3A_403 = arith.andi %parallel_loop3A_400, %parallel_loop3A_402 : vector<16xi32>
        %parallel_loop3A_404 = arith.constant 1023 : i32
        %parallel_loop3A_405 = vector.broadcast %parallel_loop3A_404 : i32 to vector<16xi32>
        %parallel_loop3A_406 = arith.andi %parallel_loop3A_397, %parallel_loop3A_405 : vector<16xi32>
        %parallel_loop3A_407 = vector.broadcast %parallel_loop3A_313 : i32 to vector<16xi32>
        %parallel_loop3A_408 = arith.addi %parallel_loop3A_406, %parallel_loop3A_407 : vector<16xi32>
        %parallel_loop3A_409 = arith.cmpi eq, %parallel_loop3A_403, %parallel_loop3A_308 : vector<16xi32>
        tpu.vector_store_idx %arg8[%parallel_loop3A_408], %broadcast_in_dim3A_270 masked %parallel_loop3A_409 {add = true} : memref<4096xi32, #tpu.memory_space<vmem>>[vector<16xi32>], vector<16xi32>, vector<16xi1>
      } {sc.loop_unroll_factor = 4 : i64, sc.parallel_access}
    } else {
    }
    %not3A = arith.constant true
    %not3A_276 = arith.xori %and3A_267, %not3A : i1
    %convert_element_type3A_277 = arith.extui %not3A_276 : i1 to i32
    %cond3A_278 = arith.constant 0 : i32
    %cond3A_279 = arith.cmpi ne, %convert_element_type3A_277, %cond3A_278 : i32
    scf.if %cond3A_279 {
      %parallel_loop3A_296 = arith.constant 0 : i32
      %parallel_loop3A_297 = arith.constant 1024 : i32
      %parallel_loop3A_298 = arith.constant 1 : i32
      scf.for %parallel_loop3A_299 = %parallel_loop3A_296 to %parallel_loop3A_297 step %parallel_loop3A_298  : i32 {
        %parallel_loop3A_300 = arith.constant 64 : i32
        %parallel_loop3A_301 = arith.muli %parallel_loop3A_299, %parallel_loop3A_300 : i32
        %parallel_loop3A_302 = arith.constant 1 : i32
        %parallel_loop3A_303 = arith.shrsi %parallel_loop3A_299, %parallel_loop3A_302 : i32
        %parallel_loop3A_304 = arith.constant 1 : i32
        %parallel_loop3A_305 = arith.andi %parallel_loop3A_303, %parallel_loop3A_304 : i32
        %parallel_loop3A_306 = arith.constant 0 : i32
        %parallel_loop3A_307 = arith.cmpi eq, %parallel_loop3A_305, %parallel_loop3A_306 : i32
        %parallel_loop3A_308 = arith.select %parallel_loop3A_307, %broadcast_in_dim3A_271, %broadcast_in_dim3A_272 : vector<16xi32>
        %parallel_loop3A_309 = arith.constant 0 : i32
        %parallel_loop3A_310 = arith.cmpi eq, %parallel_loop3A_305, %parallel_loop3A_309 : i32
        %parallel_loop3A_311 = arith.select %parallel_loop3A_310, %broadcast_in_dim3A_273, %broadcast_in_dim3A_274 : vector<16xi32>
        %parallel_loop3A_312 = arith.constant 1024 : i32
        %parallel_loop3A_313 = arith.muli %parallel_loop3A_305, %parallel_loop3A_312 : i32
        %parallel_loop3A_314 = arith.constant 0 : i32
        %parallel_loop3A_315 = arith.addi %parallel_loop3A_301, %parallel_loop3A_314 : i32
        %parallel_loop3A_316 = arith.index_cast %parallel_loop3A_315 : i32 to index
        %parallel_loop3A_317 = tpu.vector_load %arg7[%parallel_loop3A_316] {strides = array<i32>} : memref<65536xf32, #tpu.memory_space<vmem>>, vector<16xf32>,
        %parallel_loop3A_318 = vector.bitcast %parallel_loop3A_317 : vector<16xf32> to vector<16xi32>
        %parallel_loop3A_319 = arith.constant 31 : i32
        %parallel_loop3A_320 = vector.broadcast %parallel_loop3A_319 : i32 to vector<16xi32>
        %parallel_loop3A_321 = arith.shrsi %parallel_loop3A_318, %parallel_loop3A_320 : vector<16xi32>
        %parallel_loop3A_322 = arith.constant 2147483647 : i32
        %parallel_loop3A_323 = vector.broadcast %parallel_loop3A_322 : i32 to vector<16xi32>
        %parallel_loop3A_324 = arith.andi %parallel_loop3A_321, %parallel_loop3A_323 : vector<16xi32>
        %parallel_loop3A_325 = arith.xori %parallel_loop3A_318, %parallel_loop3A_324 : vector<16xi32>
        %parallel_loop3A_326 = arith.constant 10 : i32
        %parallel_loop3A_327 = vector.broadcast %parallel_loop3A_326 : i32 to vector<16xi32>
        %parallel_loop3A_328 = arith.shrsi %parallel_loop3A_325, %parallel_loop3A_327 : vector<16xi32>
        %parallel_loop3A_329 = arith.constant 4194303 : i32
        %parallel_loop3A_330 = vector.broadcast %parallel_loop3A_329 : i32 to vector<16xi32>
        %parallel_loop3A_331 = arith.andi %parallel_loop3A_328, %parallel_loop3A_330 : vector<16xi32>
        %parallel_loop3A_332 = arith.constant 1023 : i32
        %parallel_loop3A_333 = vector.broadcast %parallel_loop3A_332 : i32 to vector<16xi32>
        %parallel_loop3A_334 = arith.andi %parallel_loop3A_325, %parallel_loop3A_333 : vector<16xi32>
        %parallel_loop3A_335 = vector.broadcast %parallel_loop3A_313 : i32 to vector<16xi32>
        %parallel_loop3A_336 = arith.addi %parallel_loop3A_334, %parallel_loop3A_335 : vector<16xi32>
        %parallel_loop3A_337 = arith.cmpi eq, %parallel_loop3A_331, %parallel_loop3A_308 : vector<16xi32>
        tpu.vector_store_idx %arg8[%parallel_loop3A_336], %broadcast_in_dim3A_270 masked %parallel_loop3A_337 {add = true} : memref<4096xi32, #tpu.memory_space<vmem>>[vector<16xi32>], vector<16xi32>, vector<16xi1>
        %parallel_loop3A_338 = arith.constant 2048 : i32
        %parallel_loop3A_339 = vector.broadcast %parallel_loop3A_338 : i32 to vector<16xi32>
        %parallel_loop3A_340 = arith.addi %parallel_loop3A_336, %parallel_loop3A_339 : vector<16xi32>
        %parallel_loop3A_341 = arith.cmpi eq, %parallel_loop3A_331, %parallel_loop3A_311 : vector<16xi32>
        tpu.vector_store_idx %arg8[%parallel_loop3A_340], %broadcast_in_dim3A_270 masked %parallel_loop3A_341 {add = true} : memref<4096xi32, #tpu.memory_space<vmem>>[vector<16xi32>], vector<16xi32>, vector<16xi1>
        %parallel_loop3A_342 = arith.constant 16 : i32
        %parallel_loop3A_343 = arith.addi %parallel_loop3A_301, %parallel_loop3A_342 : i32
        %parallel_loop3A_344 = arith.index_cast %parallel_loop3A_343 : i32 to index
        %parallel_loop3A_345 = tpu.vector_load %arg7[%parallel_loop3A_344] {strides = array<i32>} : memref<65536xf32, #tpu.memory_space<vmem>>, vector<16xf32>,
        %parallel_loop3A_346 = vector.bitcast %parallel_loop3A_345 : vector<16xf32> to vector<16xi32>
        %parallel_loop3A_347 = arith.constant 31 : i32
        %parallel_loop3A_348 = vector.broadcast %parallel_loop3A_347 : i32 to vector<16xi32>
        %parallel_loop3A_349 = arith.shrsi %parallel_loop3A_346, %parallel_loop3A_348 : vector<16xi32>
        %parallel_loop3A_350 = arith.constant 2147483647 : i32
        %parallel_loop3A_351 = vector.broadcast %parallel_loop3A_350 : i32 to vector<16xi32>
        %parallel_loop3A_352 = arith.andi %parallel_loop3A_349, %parallel_loop3A_351 : vector<16xi32>
        %parallel_loop3A_353 = arith.xori %parallel_loop3A_346, %parallel_loop3A_352 : vector<16xi32>
        %parallel_loop3A_354 = arith.constant 10 : i32
        %parallel_loop3A_355 = vector.broadcast %parallel_loop3A_354 : i32 to vector<16xi32>
        %parallel_loop3A_356 = arith.shrsi %parallel_loop3A_353, %parallel_loop3A_355 : vector<16xi32>
        %parallel_loop3A_357 = arith.constant 4194303 : i32
        %parallel_loop3A_358 = vector.broadcast %parallel_loop3A_357 : i32 to vector<16xi32>
        %parallel_loop3A_359 = arith.andi %parallel_loop3A_356, %parallel_loop3A_358 : vector<16xi32>
        %parallel_loop3A_360 = arith.constant 1023 : i32
        %parallel_loop3A_361 = vector.broadcast %parallel_loop3A_360 : i32 to vector<16xi32>
        %parallel_loop3A_362 = arith.andi %parallel_loop3A_353, %parallel_loop3A_361 : vector<16xi32>
        %parallel_loop3A_363 = vector.broadcast %parallel_loop3A_313 : i32 to vector<16xi32>
        %parallel_loop3A_364 = arith.addi %parallel_loop3A_362, %parallel_loop3A_363 : vector<16xi32>
        %parallel_loop3A_365 = arith.cmpi eq, %parallel_loop3A_359, %parallel_loop3A_308 : vector<16xi32>
        tpu.vector_store_idx %arg8[%parallel_loop3A_364], %broadcast_in_dim3A_270 masked %parallel_loop3A_365 {add = true} : memref<4096xi32, #tpu.memory_space<vmem>>[vector<16xi32>], vector<16xi32>, vector<16xi1>
        %parallel_loop3A_366 = arith.constant 2048 : i32
        %parallel_loop3A_367 = vector.broadcast %parallel_loop3A_366 : i32 to vector<16xi32>
        %parallel_loop3A_368 = arith.addi %parallel_loop3A_364, %parallel_loop3A_367 : vector<16xi32>
        %parallel_loop3A_369 = arith.cmpi eq, %parallel_loop3A_359, %parallel_loop3A_311 : vector<16xi32>
        tpu.vector_store_idx %arg8[%parallel_loop3A_368], %broadcast_in_dim3A_270 masked %parallel_loop3A_369 {add = true} : memref<4096xi32, #tpu.memory_space<vmem>>[vector<16xi32>], vector<16xi32>, vector<16xi1>
        %parallel_loop3A_370 = arith.constant 32 : i32
        %parallel_loop3A_371 = arith.addi %parallel_loop3A_301, %parallel_loop3A_370 : i32
        %parallel_loop3A_372 = arith.index_cast %parallel_loop3A_371 : i32 to index
        %parallel_loop3A_373 = tpu.vector_load %arg7[%parallel_loop3A_372] {strides = array<i32>} : memref<65536xf32, #tpu.memory_space<vmem>>, vector<16xf32>,
        %parallel_loop3A_374 = vector.bitcast %parallel_loop3A_373 : vector<16xf32> to vector<16xi32>
        %parallel_loop3A_375 = arith.constant 31 : i32
        %parallel_loop3A_376 = vector.broadcast %parallel_loop3A_375 : i32 to vector<16xi32>
        %parallel_loop3A_377 = arith.shrsi %parallel_loop3A_374, %parallel_loop3A_376 : vector<16xi32>
        %parallel_loop3A_378 = arith.constant 2147483647 : i32
        %parallel_loop3A_379 = vector.broadcast %parallel_loop3A_378 : i32 to vector<16xi32>
        %parallel_loop3A_380 = arith.andi %parallel_loop3A_377, %parallel_loop3A_379 : vector<16xi32>
        %parallel_loop3A_381 = arith.xori %parallel_loop3A_374, %parallel_loop3A_380 : vector<16xi32>
        %parallel_loop3A_382 = arith.constant 10 : i32
        %parallel_loop3A_383 = vector.broadcast %parallel_loop3A_382 : i32 to vector<16xi32>
        %parallel_loop3A_384 = arith.shrsi %parallel_loop3A_381, %parallel_loop3A_383 : vector<16xi32>
        %parallel_loop3A_385 = arith.constant 4194303 : i32
        %parallel_loop3A_386 = vector.broadcast %parallel_loop3A_385 : i32 to vector<16xi32>
        %parallel_loop3A_387 = arith.andi %parallel_loop3A_384, %parallel_loop3A_386 : vector<16xi32>
        %parallel_loop3A_388 = arith.constant 1023 : i32
        %parallel_loop3A_389 = vector.broadcast %parallel_loop3A_388 : i32 to vector<16xi32>
        %parallel_loop3A_390 = arith.andi %parallel_loop3A_381, %parallel_loop3A_389 : vector<16xi32>
        %parallel_loop3A_391 = vector.broadcast %parallel_loop3A_313 : i32 to vector<16xi32>
        %parallel_loop3A_392 = arith.addi %parallel_loop3A_390, %parallel_loop3A_391 : vector<16xi32>
        %parallel_loop3A_393 = arith.cmpi eq, %parallel_loop3A_387, %parallel_loop3A_308 : vector<16xi32>
        tpu.vector_store_idx %arg8[%parallel_loop3A_392], %broadcast_in_dim3A_270 masked %parallel_loop3A_393 {add = true} : memref<4096xi32, #tpu.memory_space<vmem>>[vector<16xi32>], vector<16xi32>, vector<16xi1>
        %parallel_loop3A_394 = arith.constant 2048 : i32
        %parallel_loop3A_395 = vector.broadcast %parallel_loop3A_394 : i32 to vector<16xi32>
        %parallel_loop3A_396 = arith.addi %parallel_loop3A_392, %parallel_loop3A_395 : vector<16xi32>
        %parallel_loop3A_397 = arith.cmpi eq, %parallel_loop3A_387, %parallel_loop3A_311 : vector<16xi32>
        tpu.vector_store_idx %arg8[%parallel_loop3A_396], %broadcast_in_dim3A_270 masked %parallel_loop3A_397 {add = true} : memref<4096xi32, #tpu.memory_space<vmem>>[vector<16xi32>], vector<16xi32>, vector<16xi1>
        %parallel_loop3A_398 = arith.constant 48 : i32
        %parallel_loop3A_399 = arith.addi %parallel_loop3A_301, %parallel_loop3A_398 : i32
        %parallel_loop3A_400 = arith.index_cast %parallel_loop3A_399 : i32 to index
        %parallel_loop3A_401 = tpu.vector_load %arg7[%parallel_loop3A_400] {strides = array<i32>} : memref<65536xf32, #tpu.memory_space<vmem>>, vector<16xf32>,
        %parallel_loop3A_402 = vector.bitcast %parallel_loop3A_401 : vector<16xf32> to vector<16xi32>
        %parallel_loop3A_403 = arith.constant 31 : i32
        %parallel_loop3A_404 = vector.broadcast %parallel_loop3A_403 : i32 to vector<16xi32>
        %parallel_loop3A_405 = arith.shrsi %parallel_loop3A_402, %parallel_loop3A_404 : vector<16xi32>
        %parallel_loop3A_406 = arith.constant 2147483647 : i32
        %parallel_loop3A_407 = vector.broadcast %parallel_loop3A_406 : i32 to vector<16xi32>
        %parallel_loop3A_408 = arith.andi %parallel_loop3A_405, %parallel_loop3A_407 : vector<16xi32>
        %parallel_loop3A_409 = arith.xori %parallel_loop3A_402, %parallel_loop3A_408 : vector<16xi32>
        %parallel_loop3A_410 = arith.constant 10 : i32
        %parallel_loop3A_411 = vector.broadcast %parallel_loop3A_410 : i32 to vector<16xi32>
        %parallel_loop3A_412 = arith.shrsi %parallel_loop3A_409, %parallel_loop3A_411 : vector<16xi32>
        %parallel_loop3A_413 = arith.constant 4194303 : i32
        %parallel_loop3A_414 = vector.broadcast %parallel_loop3A_413 : i32 to vector<16xi32>
        %parallel_loop3A_415 = arith.andi %parallel_loop3A_412, %parallel_loop3A_414 : vector<16xi32>
        %parallel_loop3A_416 = arith.constant 1023 : i32
        %parallel_loop3A_417 = vector.broadcast %parallel_loop3A_416 : i32 to vector<16xi32>
        %parallel_loop3A_418 = arith.andi %parallel_loop3A_409, %parallel_loop3A_417 : vector<16xi32>
        %parallel_loop3A_419 = vector.broadcast %parallel_loop3A_313 : i32 to vector<16xi32>
        %parallel_loop3A_420 = arith.addi %parallel_loop3A_418, %parallel_loop3A_419 : vector<16xi32>
        %parallel_loop3A_421 = arith.cmpi eq, %parallel_loop3A_415, %parallel_loop3A_308 : vector<16xi32>
        tpu.vector_store_idx %arg8[%parallel_loop3A_420], %broadcast_in_dim3A_270 masked %parallel_loop3A_421 {add = true} : memref<4096xi32, #tpu.memory_space<vmem>>[vector<16xi32>], vector<16xi32>, vector<16xi1>
        %parallel_loop3A_422 = arith.constant 2048 : i32
        %parallel_loop3A_423 = vector.broadcast %parallel_loop3A_422 : i32 to vector<16xi32>
        %parallel_loop3A_424 = arith.addi %parallel_loop3A_420, %parallel_loop3A_423 : vector<16xi32>
        %parallel_loop3A_425 = arith.cmpi eq, %parallel_loop3A_415, %parallel_loop3A_311 : vector<16xi32>
        tpu.vector_store_idx %arg8[%parallel_loop3A_424], %broadcast_in_dim3A_270 masked %parallel_loop3A_425 {add = true} : memref<4096xi32, #tpu.memory_space<vmem>>[vector<16xi32>], vector<16xi32>, vector<16xi1>
      } {sc.loop_unroll_factor = 4 : i64, sc.parallel_access}
    } else {
    }
    %mul3A_280 = arith.constant 2 : i32
    %mul3A_281 = arith.muli %arg1, %mul3A_280 : i32
    %add3A_282 = arith.addi %mul3A_281, %arg0 : i32
    "tpu.region"() ({
      %run_scoped3A = tpu.sem_alloc : memref<!tpu.dma_semaphore, #tpu.memory_space<semaphore_mem>>
      %dma_start3A_296 = arith.constant 0 : i32
      %dma_start3A_297 = tpu.memref_slice %arg9[%arg1, %dma_start3A_296] : memref<16x4096xi32, #tpu.memory_space<vmem_shared>> -> memref<1x4096xi32, #tpu.memory_space<vmem_shared>>
      %dma_start3A_298 = tpu.memref_squeeze %dma_start3A_297 : memref<1x4096xi32, #tpu.memory_space<vmem_shared>> -> memref<4096xi32, #tpu.memory_space<vmem_shared>>
      %dma_start3A_299 = arith.constant 0 : i32
      %dma_start3A_300 = tpu.memref_slice %arg9[%arg1, %dma_start3A_299] : memref<16x4096xi32, #tpu.memory_space<vmem_shared>> -> memref<1x4096xi32, #tpu.memory_space<vmem_shared>>
      %dma_start3A_301 = tpu.memref_squeeze %dma_start3A_300 : memref<1x4096xi32, #tpu.memory_space<vmem_shared>> -> memref<4096xi32, #tpu.memory_space<vmem_shared>>
      tpu.enqueue_dma source(%arg8 : memref<4096xi32, #tpu.memory_space<vmem>>) target(%dma_start3A_301 : memref<4096xi32, #tpu.memory_space<vmem_shared>>) target_semaphore(%run_scoped3A : memref<!tpu.dma_semaphore, #tpu.memory_space<semaphore_mem>>)
      %dma_wait3A_302 = arith.constant 0 : i32
      %dma_wait3A_303 = tpu.memref_slice %arg9[%arg1, %dma_wait3A_302] : memref<16x4096xi32, #tpu.memory_space<vmem_shared>> -> memref<1x4096xi32, #tpu.memory_space<vmem_shared>>
      %dma_wait3A_304 = tpu.memref_squeeze %dma_wait3A_303 : memref<1x4096xi32, #tpu.memory_space<vmem_shared>> -> memref<4096xi32, #tpu.memory_space<vmem_shared>>
      %dma_wait3A_305 = arith.constant 0 : i32
      %dma_wait3A_306 = tpu.memref_slice %arg9[%arg1, %dma_wait3A_305] : memref<16x4096xi32, #tpu.memory_space<vmem_shared>> -> memref<1x4096xi32, #tpu.memory_space<vmem_shared>>
      %dma_wait3A_307 = tpu.memref_squeeze %dma_wait3A_306 : memref<1x4096xi32, #tpu.memory_space<vmem_shared>> -> memref<4096xi32, #tpu.memory_space<vmem_shared>>
      tpu.wait_dma2 semaphore(%run_scoped3A : memref<!tpu.dma_semaphore, #tpu.memory_space<semaphore_mem>>) src(%arg8 : memref<4096xi32, #tpu.memory_space<vmem>>) dst(%dma_wait3A_307 : memref<4096xi32, #tpu.memory_space<vmem_shared>>)
      tpu.yield
    }) : () -> ()
    %barrier3A = arith.constant 0 : index
    tpu.barrier barrier_id(%barrier3A)
    %mul3A_283 = arith.constant 256 : i32
    %mul3A_284 = arith.muli %arg1, %mul3A_283 : i32
    "tpu.region"() ({
      %run_scoped3A = tpu.sem_alloc : memref<!tpu.dma_semaphore, #tpu.memory_space<semaphore_mem>>
      %dma_start3A_296 = arith.constant 0 : i32
      %dma_start3A_297 = tpu.memref_slice %arg9[%dma_start3A_296, %mul3A_284] : memref<16x4096xi32, #tpu.memory_space<vmem_shared>> -> memref<16x256xi32, #tpu.memory_space<vmem_shared>>
      %dma_start3A_298 = arith.constant 0 : i32
      %dma_start3A_299 = tpu.memref_slice %arg9[%dma_start3A_298, %mul3A_284] : memref<16x4096xi32, #tpu.memory_space<vmem_shared>> -> memref<16x256xi32, #tpu.memory_space<vmem_shared>>
      tpu.enqueue_dma source(%dma_start3A_299 : memref<16x256xi32, #tpu.memory_space<vmem_shared>>) target(%arg10 : memref<16x256xi32, #tpu.memory_space<vmem>>) target_semaphore(%run_scoped3A : memref<!tpu.dma_semaphore, #tpu.memory_space<semaphore_mem>>)
      %dma_wait3A_300 = arith.constant 0 : i32
      %dma_wait3A_301 = tpu.memref_slice %arg9[%dma_wait3A_300, %mul3A_284] : memref<16x4096xi32, #tpu.memory_space<vmem_shared>> -> memref<16x256xi32, #tpu.memory_space<vmem_shared>>
      %dma_wait3A_302 = arith.constant 0 : i32
      %dma_wait3A_303 = tpu.memref_slice %arg9[%dma_wait3A_302, %mul3A_284] : memref<16x4096xi32, #tpu.memory_space<vmem_shared>> -> memref<16x256xi32, #tpu.memory_space<vmem_shared>>
      tpu.wait_dma2 semaphore(%run_scoped3A : memref<!tpu.dma_semaphore, #tpu.memory_space<semaphore_mem>>) src(%dma_wait3A_303 : memref<16x256xi32, #tpu.memory_space<vmem_shared>>) dst(%arg10 : memref<16x256xi32, #tpu.memory_space<vmem>>)
      tpu.yield
    }) : () -> ()
    %parallel_loop3A_285 = arith.constant 0 : i32
    %parallel_loop3A_286 = arith.constant 16 : i32
    %parallel_loop3A_287 = arith.constant 1 : i32
    scf.for %parallel_loop3A_296 = %parallel_loop3A_285 to %parallel_loop3A_286 step %parallel_loop3A_287  : i32 {
      %parallel_loop3A_297 = arith.constant 16 : i32
      %parallel_loop3A_298 = arith.muli %parallel_loop3A_296, %parallel_loop3A_297 : i32
      %parallel_loop3A_299 = arith.constant 0 : i32
      %parallel_loop3A_300 = arith.index_cast %parallel_loop3A_299 : i32 to index
      %parallel_loop3A_301 = arith.index_cast %parallel_loop3A_298 : i32 to index
      %parallel_loop3A_302 = tpu.vector_load %arg10[%parallel_loop3A_300, %parallel_loop3A_301] {strides = array<i32>} : memref<16x256xi32, #tpu.memory_space<vmem>>, vector<16xi32>,
      %parallel_loop3A_303 = arith.constant 1 : i32
      %parallel_loop3A_304 = arith.index_cast %parallel_loop3A_303 : i32 to index
      %parallel_loop3A_305 = arith.index_cast %parallel_loop3A_298 : i32 to index
      %parallel_loop3A_306 = tpu.vector_load %arg10[%parallel_loop3A_304, %parallel_loop3A_305] {strides = array<i32>} : memref<16x256xi32, #tpu.memory_space<vmem>>, vector<16xi32>,
      %parallel_loop3A_307 = arith.addi %parallel_loop3A_302, %parallel_loop3A_306 : vector<16xi32>
      %parallel_loop3A_308 = arith.constant 2 : i32
      %parallel_loop3A_309 = arith.index_cast %parallel_loop3A_308 : i32 to index
      %parallel_loop3A_310 = arith.index_cast %parallel_loop3A_298 : i32 to index
      %parallel_loop3A_311 = tpu.vector_load %arg10[%parallel_loop3A_309, %parallel_loop3A_310] {strides = array<i32>} : memref<16x256xi32, #tpu.memory_space<vmem>>, vector<16xi32>,
      %parallel_loop3A_312 = arith.addi %parallel_loop3A_307, %parallel_loop3A_311 : vector<16xi32>
      %parallel_loop3A_313 = arith.constant 3 : i32
      %parallel_loop3A_314 = arith.index_cast %parallel_loop3A_313 : i32 to index
      %parallel_loop3A_315 = arith.index_cast %parallel_loop3A_298 : i32 to index
      %parallel_loop3A_316 = tpu.vector_load %arg10[%parallel_loop3A_314, %parallel_loop3A_315] {strides = array<i32>} : memref<16x256xi32, #tpu.memory_space<vmem>>, vector<16xi32>,
      %parallel_loop3A_317 = arith.addi %parallel_loop3A_312, %parallel_loop3A_316 : vector<16xi32>
      %parallel_loop3A_318 = arith.constant 4 : i32
      %parallel_loop3A_319 = arith.index_cast %parallel_loop3A_318 : i32 to index
      %parallel_loop3A_320 = arith.index_cast %parallel_loop3A_298 : i32 to index
      %parallel_loop3A_321 = tpu.vector_load %arg10[%parallel_loop3A_319, %parallel_loop3A_320] {strides = array<i32>} : memref<16x256xi32, #tpu.memory_space<vmem>>, vector<16xi32>,
      %parallel_loop3A_322 = arith.addi %parallel_loop3A_317, %parallel_loop3A_321 : vector<16xi32>
      %parallel_loop3A_323 = arith.constant 5 : i32
      %parallel_loop3A_324 = arith.index_cast %parallel_loop3A_323 : i32 to index
      %parallel_loop3A_325 = arith.index_cast %parallel_loop3A_298 : i32 to index
      %parallel_loop3A_326 = tpu.vector_load %arg10[%parallel_loop3A_324, %parallel_loop3A_325] {strides = array<i32>} : memref<16x256xi32, #tpu.memory_space<vmem>>, vector<16xi32>,
      %parallel_loop3A_327 = arith.addi %parallel_loop3A_322, %parallel_loop3A_326 : vector<16xi32>
      %parallel_loop3A_328 = arith.constant 6 : i32
      %parallel_loop3A_329 = arith.index_cast %parallel_loop3A_328 : i32 to index
      %parallel_loop3A_330 = arith.index_cast %parallel_loop3A_298 : i32 to index
      %parallel_loop3A_331 = tpu.vector_load %arg10[%parallel_loop3A_329, %parallel_loop3A_330] {strides = array<i32>} : memref<16x256xi32, #tpu.memory_space<vmem>>, vector<16xi32>,
      %parallel_loop3A_332 = arith.addi %parallel_loop3A_327, %parallel_loop3A_331 : vector<16xi32>
      %parallel_loop3A_333 = arith.constant 7 : i32
      %parallel_loop3A_334 = arith.index_cast %parallel_loop3A_333 : i32 to index
      %parallel_loop3A_335 = arith.index_cast %parallel_loop3A_298 : i32 to index
      %parallel_loop3A_336 = tpu.vector_load %arg10[%parallel_loop3A_334, %parallel_loop3A_335] {strides = array<i32>} : memref<16x256xi32, #tpu.memory_space<vmem>>, vector<16xi32>,
      %parallel_loop3A_337 = arith.addi %parallel_loop3A_332, %parallel_loop3A_336 : vector<16xi32>
      %parallel_loop3A_338 = arith.constant 8 : i32
      %parallel_loop3A_339 = arith.index_cast %parallel_loop3A_338 : i32 to index
      %parallel_loop3A_340 = arith.index_cast %parallel_loop3A_298 : i32 to index
      %parallel_loop3A_341 = tpu.vector_load %arg10[%parallel_loop3A_339, %parallel_loop3A_340] {strides = array<i32>} : memref<16x256xi32, #tpu.memory_space<vmem>>, vector<16xi32>,
      %parallel_loop3A_342 = arith.addi %parallel_loop3A_337, %parallel_loop3A_341 : vector<16xi32>
      %parallel_loop3A_343 = arith.constant 9 : i32
      %parallel_loop3A_344 = arith.index_cast %parallel_loop3A_343 : i32 to index
      %parallel_loop3A_345 = arith.index_cast %parallel_loop3A_298 : i32 to index
      %parallel_loop3A_346 = tpu.vector_load %arg10[%parallel_loop3A_344, %parallel_loop3A_345] {strides = array<i32>} : memref<16x256xi32, #tpu.memory_space<vmem>>, vector<16xi32>,
      %parallel_loop3A_347 = arith.addi %parallel_loop3A_342, %parallel_loop3A_346 : vector<16xi32>
      %parallel_loop3A_348 = arith.constant 10 : i32
      %parallel_loop3A_349 = arith.index_cast %parallel_loop3A_348 : i32 to index
      %parallel_loop3A_350 = arith.index_cast %parallel_loop3A_298 : i32 to index
      %parallel_loop3A_351 = tpu.vector_load %arg10[%parallel_loop3A_349, %parallel_loop3A_350] {strides = array<i32>} : memref<16x256xi32, #tpu.memory_space<vmem>>, vector<16xi32>,
      %parallel_loop3A_352 = arith.addi %parallel_loop3A_347, %parallel_loop3A_351 : vector<16xi32>
      %parallel_loop3A_353 = arith.constant 11 : i32
      %parallel_loop3A_354 = arith.index_cast %parallel_loop3A_353 : i32 to index
      %parallel_loop3A_355 = arith.index_cast %parallel_loop3A_298 : i32 to index
      %parallel_loop3A_356 = tpu.vector_load %arg10[%parallel_loop3A_354, %parallel_loop3A_355] {strides = array<i32>} : memref<16x256xi32, #tpu.memory_space<vmem>>, vector<16xi32>,
      %parallel_loop3A_357 = arith.addi %parallel_loop3A_352, %parallel_loop3A_356 : vector<16xi32>
      %parallel_loop3A_358 = arith.constant 12 : i32
      %parallel_loop3A_359 = arith.index_cast %parallel_loop3A_358 : i32 to index
      %parallel_loop3A_360 = arith.index_cast %parallel_loop3A_298 : i32 to index
      %parallel_loop3A_361 = tpu.vector_load %arg10[%parallel_loop3A_359, %parallel_loop3A_360] {strides = array<i32>} : memref<16x256xi32, #tpu.memory_space<vmem>>, vector<16xi32>,
      %parallel_loop3A_362 = arith.addi %parallel_loop3A_357, %parallel_loop3A_361 : vector<16xi32>
      %parallel_loop3A_363 = arith.constant 13 : i32
      %parallel_loop3A_364 = arith.index_cast %parallel_loop3A_363 : i32 to index
      %parallel_loop3A_365 = arith.index_cast %parallel_loop3A_298 : i32 to index
      %parallel_loop3A_366 = tpu.vector_load %arg10[%parallel_loop3A_364, %parallel_loop3A_365] {strides = array<i32>} : memref<16x256xi32, #tpu.memory_space<vmem>>, vector<16xi32>,
      %parallel_loop3A_367 = arith.addi %parallel_loop3A_362, %parallel_loop3A_366 : vector<16xi32>
      %parallel_loop3A_368 = arith.constant 14 : i32
      %parallel_loop3A_369 = arith.index_cast %parallel_loop3A_368 : i32 to index
      %parallel_loop3A_370 = arith.index_cast %parallel_loop3A_298 : i32 to index
      %parallel_loop3A_371 = tpu.vector_load %arg10[%parallel_loop3A_369, %parallel_loop3A_370] {strides = array<i32>} : memref<16x256xi32, #tpu.memory_space<vmem>>, vector<16xi32>,
      %parallel_loop3A_372 = arith.addi %parallel_loop3A_367, %parallel_loop3A_371 : vector<16xi32>
      %parallel_loop3A_373 = arith.constant 15 : i32
      %parallel_loop3A_374 = arith.index_cast %parallel_loop3A_373 : i32 to index
      %parallel_loop3A_375 = arith.index_cast %parallel_loop3A_298 : i32 to index
      %parallel_loop3A_376 = tpu.vector_load %arg10[%parallel_loop3A_374, %parallel_loop3A_375] {strides = array<i32>} : memref<16x256xi32, #tpu.memory_space<vmem>>, vector<16xi32>,
      %parallel_loop3A_377 = arith.addi %parallel_loop3A_372, %parallel_loop3A_376 : vector<16xi32>
      %parallel_loop3A_378 = arith.index_cast %parallel_loop3A_298 : i32 to index
      %parallel_loop3A_379 = tpu.vector_load %arg11[%parallel_loop3A_378] {strides = array<i32>} : memref<256xi32, #tpu.memory_space<vmem>>, vector<16xi32>,
      tpu.vector_store %arg11[%parallel_loop3A_378], %parallel_loop3A_377 {strides = array<i32>} : memref<256xi32, #tpu.memory_space<vmem>>, vector<16xi32>,
    } {sc.loop_unroll_factor = 1 : i64, sc.parallel_access}
    "tpu.region"() ({
      %run_scoped3A = tpu.sem_alloc : memref<!tpu.dma_semaphore, #tpu.memory_space<semaphore_mem>>
      %dma_start3A_296 = tpu.memref_slice %arg5[%arg0, %mul3A_284] : memref<2x4096xi32, #tpu.memory_space<hbm>> -> memref<1x256xi32, #tpu.memory_space<hbm>>
      %dma_start3A_297 = tpu.memref_squeeze %dma_start3A_296 : memref<1x256xi32, #tpu.memory_space<hbm>> -> memref<256xi32, #tpu.memory_space<hbm>>
      %dma_start3A_298 = tpu.memref_slice %arg5[%arg0, %mul3A_284] : memref<2x4096xi32, #tpu.memory_space<hbm>> -> memref<1x256xi32, #tpu.memory_space<hbm>>
      %dma_start3A_299 = tpu.memref_squeeze %dma_start3A_298 : memref<1x256xi32, #tpu.memory_space<hbm>> -> memref<256xi32, #tpu.memory_space<hbm>>
      tpu.enqueue_dma source(%arg11 : memref<256xi32, #tpu.memory_space<vmem>>) target(%dma_start3A_299 : memref<256xi32, #tpu.memory_space<hbm>>) target_semaphore(%run_scoped3A : memref<!tpu.dma_semaphore, #tpu.memory_space<semaphore_mem>>)
      %dma_wait3A_300 = tpu.memref_slice %arg5[%arg0, %mul3A_284] : memref<2x4096xi32, #tpu.memory_space<hbm>> -> memref<1x256xi32, #tpu.memory_space<hbm>>
      %dma_wait3A_301 = tpu.memref_squeeze %dma_wait3A_300 : memref<1x256xi32, #tpu.memory_space<hbm>> -> memref<256xi32, #tpu.memory_space<hbm>>
      %dma_wait3A_302 = tpu.memref_slice %arg5[%arg0, %mul3A_284] : memref<2x4096xi32, #tpu.memory_space<hbm>> -> memref<1x256xi32, #tpu.memory_space<hbm>>
      %dma_wait3A_303 = tpu.memref_squeeze %dma_wait3A_302 : memref<1x256xi32, #tpu.memory_space<hbm>> -> memref<256xi32, #tpu.memory_space<hbm>>
      tpu.wait_dma2 semaphore(%run_scoped3A : memref<!tpu.dma_semaphore, #tpu.memory_space<semaphore_mem>>) src(%arg11 : memref<256xi32, #tpu.memory_space<vmem>>) dst(%dma_wait3A_303 : memref<256xi32, #tpu.memory_space<hbm>>)
      tpu.yield
    }) : () -> ()
    %mul3A_288 = arith.constant 2 : i32
    %mul3A_289 = arith.muli %arg1, %mul3A_288 : i32
    %add3A_290 = arith.addi %mul3A_289, %arg0 : i32
    %eq3A_291 = arith.constant 0 : i32
    %eq3A_292 = arith.cmpi eq, %add3A_290, %eq3A_291 : i32
    %convert_element_type3A_293 = arith.extui %eq3A_292 : i1 to i32
    %cond3A_294 = arith.constant 0 : i32
    %cond3A_295 = arith.cmpi ne, %convert_element_type3A_293, %cond3A_294 : i32
    scf.if %cond3A_295 {
      %iota3A_296 = tpu.iota {dimensions = array<i32: 0>} : vector<16xi32>
      %and3A_297 = arith.constant 1 : i32
      %and3A_298 = vector.broadcast %and3A_297 : i32 to vector<16xi32>
      %and3A_299 = arith.andi %iota3A_296, %and3A_298 : vector<16xi32>
      %eq3A_300 = arith.constant 0 : i32
      %eq3A_301 = vector.broadcast %eq3A_300 : i32 to vector<16xi32>
      %eq3A_302 = arith.cmpi eq, %and3A_299, %eq3A_301 : vector<16xi32>
      %broadcast_in_dim3A_303 = vector.broadcast %or3A : i32 to vector<16xi32>
      %broadcast_in_dim3A_304 = vector.broadcast %or3A_186 : i32 to vector<16xi32>
      %select_n3A_305 = arith.select %eq3A_302, %broadcast_in_dim3A_303, %broadcast_in_dim3A_304 : vector<16xi1>, vector<16xi32>
      %swap3A = arith.constant 0 : i32
      %swap3A_306 = arith.index_cast %swap3A : i32 to index
      %swap3A_307 = arith.constant 0 : index
      %swap3A_308 = tpu.vector_load %arg15[%swap3A_306, %swap3A_307] {strides = array<i32>} : memref<3x16xi32, #tpu.memory_space<vmem>>, vector<16xi32>,
      tpu.vector_store %arg15[%swap3A_306, %swap3A_307], %select_n3A_305 {strides = array<i32>} : memref<3x16xi32, #tpu.memory_space<vmem>>, vector<16xi32>,
      %eq3A_309 = arith.constant 0 : i32
      %eq3A_310 = vector.broadcast %eq3A_309 : i32 to vector<16xi32>
      %eq3A_311 = arith.cmpi eq, %and3A_299, %eq3A_310 : vector<16xi32>
      %broadcast_in_dim3A_312 = vector.broadcast %or3A_225 : i32 to vector<16xi32>
      %broadcast_in_dim3A_313 = vector.broadcast %or3A_264 : i32 to vector<16xi32>
      %select_n3A_314 = arith.select %eq3A_311, %broadcast_in_dim3A_312, %broadcast_in_dim3A_313 : vector<16xi1>, vector<16xi32>
      %swap3A_315 = arith.constant 1 : i32
      %swap3A_316 = arith.index_cast %swap3A_315 : i32 to index
      %swap3A_317 = arith.constant 0 : index
      %swap3A_318 = tpu.vector_load %arg15[%swap3A_316, %swap3A_317] {strides = array<i32>} : memref<3x16xi32, #tpu.memory_space<vmem>>, vector<16xi32>,
      tpu.vector_store %arg15[%swap3A_316, %swap3A_317], %select_n3A_314 {strides = array<i32>} : memref<3x16xi32, #tpu.memory_space<vmem>>, vector<16xi32>,
      %broadcast_in_dim3A_319 = arith.constant 0 : i32
      %broadcast_in_dim3A_320 = vector.broadcast %broadcast_in_dim3A_319 : i32 to vector<16xi32>
      %eq3A_321 = arith.constant 0 : i32
      %eq3A_322 = vector.broadcast %eq3A_321 : i32 to vector<16xi32>
      %eq3A_323 = arith.cmpi eq, %iota3A_296, %eq3A_322 : vector<16xi32>
      %broadcast_in_dim3A_324 = vector.broadcast %sub3A : i32 to vector<16xi32>
      %select_n3A_325 = arith.select %eq3A_323, %broadcast_in_dim3A_324, %broadcast_in_dim3A_320 : vector<16xi1>, vector<16xi32>
      %eq3A_326 = arith.constant 1 : i32
      %eq3A_327 = vector.broadcast %eq3A_326 : i32 to vector<16xi32>
      %eq3A_328 = arith.cmpi eq, %iota3A_296, %eq3A_327 : vector<16xi32>
      %broadcast_in_dim3A_329 = vector.broadcast %sub3A_209 : i32 to vector<16xi32>
      %select_n3A_330 = arith.select %eq3A_328, %broadcast_in_dim3A_329, %select_n3A_325 : vector<16xi1>, vector<16xi32>
      %eq3A_331 = arith.constant 2 : i32
      %eq3A_332 = vector.broadcast %eq3A_331 : i32 to vector<16xi32>
      %eq3A_333 = arith.cmpi eq, %iota3A_296, %eq3A_332 : vector<16xi32>
      %broadcast_in_dim3A_334 = vector.broadcast %sub3A_170 : i32 to vector<16xi32>
      %select_n3A_335 = arith.select %eq3A_333, %broadcast_in_dim3A_334, %select_n3A_330 : vector<16xi1>, vector<16xi32>
      %eq3A_336 = arith.constant 3 : i32
      %eq3A_337 = vector.broadcast %eq3A_336 : i32 to vector<16xi32>
      %eq3A_338 = arith.cmpi eq, %iota3A_296, %eq3A_337 : vector<16xi32>
      %broadcast_in_dim3A_339 = vector.broadcast %sub3A_248 : i32 to vector<16xi32>
      %select_n3A_340 = arith.select %eq3A_338, %broadcast_in_dim3A_339, %select_n3A_335 : vector<16xi1>, vector<16xi32>
      %swap3A_341 = arith.constant 2 : i32
      %swap3A_342 = arith.index_cast %swap3A_341 : i32 to index
      %swap3A_343 = arith.constant 0 : index
      %swap3A_344 = tpu.vector_load %arg15[%swap3A_342, %swap3A_343] {strides = array<i32>} : memref<3x16xi32, #tpu.memory_space<vmem>>, vector<16xi32>,
      tpu.vector_store %arg15[%swap3A_342, %swap3A_343], %select_n3A_340 {strides = array<i32>} : memref<3x16xi32, #tpu.memory_space<vmem>>, vector<16xi32>,
      "tpu.region"() ({
        %run_scoped3A = tpu.sem_alloc : memref<!tpu.dma_semaphore, #tpu.memory_space<semaphore_mem>>
        tpu.enqueue_dma source(%arg15 : memref<3x16xi32, #tpu.memory_space<vmem>>) target(%arg6 : memref<3x16xi32, #tpu.memory_space<hbm>>) target_semaphore(%run_scoped3A : memref<!tpu.dma_semaphore, #tpu.memory_space<semaphore_mem>>)
        tpu.wait_dma2 semaphore(%run_scoped3A : memref<!tpu.dma_semaphore, #tpu.memory_space<semaphore_mem>>) src(%arg15 : memref<3x16xi32, #tpu.memory_space<vmem>>) dst(%arg6 : memref<3x16xi32, #tpu.memory_space<hbm>>)
        tpu.yield
      }) : () -> ()
    } else {
    }
    return
  }
}

</mosaic_0001>

<sc_bundles>
// kernel: kernel.12.cloned.1.call-start
scs
__scs_entry_jumppad:
0x0: {  	(pc) =	sbr.rel $0x88, $3  }
0x1: {  	(tag) =	ssettag $0x0;
	lr =	simm.s32 $0x1  }
0x2: {  	[smem:$0x3FA0] =	sst lr;
	_ =	strace $0xD0000000  }
0x3: {  	_ = 	snop  }
0x4: {  	_ = 	snop  }
0x5: {  	_ = 	snop  }
0x6: {  	_ = 	snop  }
0x7: {  	_ = 	snop  }
__scs_overlays_trampoline_lowered:
0x8: {  	[smem:$0x3FAF] =	sst s0  }
0x9: {  	[smem:$0x3FB0] =	sst s1  }
0xa: {  	[smem:$0x3FB1] =	sst s2  }
0xb: {  	[smem:$0x3FB2] =	sst s3  }
0xc: {  	[smem:$0x3FB3] =	sst s4  }
0xd: {  	[smem:$0x3FB4] =	sst s5  }
0xe: {  	[smem:$0x3FB5] =	sst s6  }
0xf: {  	[smem:$0x3FB6] =	sst s7  }
0x10: {  	[smem:$0x3FB7] =	sst s8  }
0x11: {  	[smem:$0x3FB8] =	sst s9;
	s0 =	simm.s32 @!p0 $0x0  }
0x12: {  	s1 =	sld [smem:$0x3F9E];
	s0 =	simm.s32 @p0 $0x1  }
0x13: {  	[smem:$0x3FB9] =	sst s0;
	s0 =	simm.s32 @!p1 $0x0  }
0x14: {  	s2 =	sld [smem:$0x3F9D];
	s0 =	simm.s32 @p1 $0x1  }
0x15: {  	[smem:$0x3FBA] =	sst s0;
	s0 =	simm.s32 @!p2 $0x0  }
0x16: {  	s3 =	sld [smem:$0x3FDB];
	s0 =	simm.s32 @p2 $0x1  }
0x17: {  	s4 =	simm.s32 $0x1BF5;
	[smem:$0x3FBC] =	sst s0  }
0x18: {  	s0 =	sld [smem:$0x3F9F];
	_ =	swait.ge [sflag:s4], $0x0  }
0x19: {  	s7 =	sld [smem:$0x3FA0]  }
0x1a: {  	s8 =	sadd.s32 $0xFFFFE003, lr  }
0x1b: {  	s9 =	sadd.s32 $0xFFFFFEF7, lr;
	s5 =	simm.s32 $0xFFFFFFFF;
	p2 =	slt.u32 s8, $0xFFFFF086  }
0x1c: {  	p1 =	slt.u32 s9, $0xF7A;
	s5 =	simm.s32 @!p2 $0x0  }
0x1d: {  	s5 =	simm.s32 @p1 $0x1;
	p0 =	seq.s32 s7, s2  }
0x1e: {  	s7 =	smul.u32 @!p0 $0xF7A, s2;
	p2 =	seq.s32 @!p0 s5, $0x0  }
0x1f: {  	s9 =	smul.u32 $0xF7A, s1;
	s8 =	simm.s32 @!p0 $0x1BF5;
	p2 =	por !p2, p0  }
0x20: {  	[sflag:s8] =	ssyncset.s32 @!p0 $0xFFFFF086;
	s6 =	sadd.s32 @!p0 s3, s7;
	s7 =	simm.s32 @!p0 $0x108  }
0x21: {  	s3 =	sadd.s32 s3, s9;
	s6 =	sadd.s32 @!p0 $0x88, s6;
	s7 =	simm.s32 @p2 $0x1082  }
0x22: {  	[simem:s7], [sflag:s8] =	dma.local @!p0 [hbm:s6], $0xF7A  }
0x23: {  	s9 =	sor.u32 $0xD0000000, s2;
	s6 =	simm.s32 $0x108;
	_ =	swait.ge @!p0 [sflag:s8], $0x0  }
0x24: {  	s3 =	sadd.s32 $0x88, s3;
	s6 =	simm.s32 @!p1 $0x1082;
	[sflag:s4] =	ssyncset.s32 $0xFFFFF086  }
0x25: {  	[simem:s6], [sflag:s4] =	dma.local [hbm:s3], $0xF7A  }
0x26: {  	[smem:$0x3FA0] =	sst s1;
	(tag) =	ssettag s2;
	_ =	strace s9  }
0x27: {  	s1 =	sld [smem:$0x3FB0]  }
0x28: {  	s2 =	sld [smem:$0x3FB1]  }
0x29: {  	s4 =	sld [smem:$0x3FB3]  }
0x2a: {  	p0 =	seq.s32 s5, $0x0;
	s5 =	sld [smem:$0x3FB4]  }
0x2b: {  	s6 =	sld [smem:$0x3FB5]  }
0x2c: {  	s7 =	sld [smem:$0x3FB6]  }
0x2d: {  	s3 =	simm.s32 $0x108;
	s8 =	sld [smem:$0x3FB7]  }
0x2e: {  	s3 =	simm.s32 @!p0 $0x1082;
	s9 =	sld [smem:$0x3FB8]  }
0x2f: {  	lr =	sadd.s32 s0, s3;
	s0 =	sld [smem:$0x3FAF]  }
0x30: {  	s3 =	sld [smem:$0x3FB2]  }
0x31: {  	[smem:$0x3FBB] =	sst s10  }
0x32: {  	s10 =	sld [smem:$0x3FB9];
	_ =	sdelay $0x3  }
0x33: {  	p0 =	seq.s32 s10, $0x1;
	s10 =	sld [smem:$0x3FBB];
	_ =	sdelay $0x3  }
0x34: {  	[smem:$0x3FBB] =	sst s10  }
0x35: {  	s10 =	sld [smem:$0x3FBA];
	_ =	sdelay $0x3  }
0x36: {  	p1 =	seq.s32 s10, $0x1;
	s10 =	sld [smem:$0x3FBB];
	_ =	sdelay $0x3  }
0x37: {  	[smem:$0x3FBB] =	sst s10  }
0x38: {  	s10 =	sld [smem:$0x3FBC]  }
0x39: {  	_ = 	snop;
	(pc) =	sbr.ind lr, $3  }
0x3a: {  	_ = 	snop  }
0x3b: {  	_ = 	snop  }
0x3c: {  	p2 =	seq.s32 s10, $0x1;
	s10 =	sld [smem:$0x3FBB]  }
0x3d: {  	_ =	shalt  }
0x3e: {  	_ =	shalt  }
0x3f: {  	_ =	shalt  }
0x40: {  	_ =	shalt  }
0x41: {  	_ =	shalt  }
0x42: {  	_ =	shalt  }
0x43: {  	_ =	shalt  }
0x44: {  	_ =	shalt  }
0x45: {  	_ =	shalt  }
0x46: {  	_ =	shalt  }
0x47: {  	_ =	shalt  }
0x48: {  	_ =	shalt  }
0x49: {  	_ =	shalt  }
0x4a: {  	_ =	shalt  }
0x4b: {  	_ =	shalt  }
0x4c: {  	_ =	shalt  }
0x4d: {  	_ =	shalt  }
0x4e: {  	_ =	shalt  }
0x4f: {  	_ =	shalt  }
0x50: {  	_ =	shalt  }
0x51: {  	_ =	shalt  }
0x52: {  	_ =	shalt  }
0x53: {  	_ =	shalt  }
0x54: {  	_ =	shalt  }
0x55: {  	_ =	shalt  }
0x56: {  	_ =	shalt  }
0x57: {  	_ =	shalt  }
0x58: {  	_ =	shalt  }
0x59: {  	_ =	shalt  }
0x5a: {  	_ =	shalt  }
0x5b: {  	_ =	shalt  }
0x5c: {  	_ =	shalt  }
0x5d: {  	_ =	shalt  }
0x5e: {  	_ =	shalt  }
0x5f: {  	_ =	shalt  }
0x60: {  	_ =	shalt  }
0x61: {  	_ =	shalt  }
0x62: {  	_ =	shalt  }
0x63: {  	_ =	shalt  }
0x64: {  	_ =	shalt  }
0x65: {  	_ =	shalt  }
0x66: {  	_ =	shalt  }
0x67: {  	_ =	shalt  }
0x68: {  	_ =	shalt  }
0x69: {  	_ =	shalt  }
0x6a: {  	_ =	shalt  }
0x6b: {  	_ =	shalt  }
0x6c: {  	_ =	shalt  }
0x6d: {  	_ =	shalt  }
0x6e: {  	_ =	shalt  }
0x6f: {  	_ =	shalt  }
0x70: {  	_ =	shalt  }
0x71: {  	_ =	shalt  }
0x72: {  	_ =	shalt  }
0x73: {  	_ =	shalt  }
0x74: {  	_ =	shalt  }
0x75: {  	_ =	shalt  }
0x76: {  	_ =	shalt  }
0x77: {  	_ =	shalt  }
0x78: {  	_ =	shalt  }
0x79: {  	_ =	shalt  }
0x7a: {  	_ =	shalt  }
0x7b: {  	_ =	shalt  }
0x7c: {  	_ =	shalt  }
0x7d: {  	_ =	shalt  }
0x7e: {  	_ =	shalt  }
0x7f: {  	_ =	shalt  }
0x80: {  	_ =	shalt  }
0x81: {  	_ =	shalt  }
0x82: {  	_ =	shalt  }
0x83: {  	_ =	shalt  }
0x84: {  	_ =	shalt  }
0x85: {  	_ =	shalt  }
0x86: {  	_ =	shalt  }
0x87: {  	_ =	shalt  }
.Lfunc_end0:
.L_simem_size_0:
called_computation.2_lowered:
.L_overlay_start_0:
0x88: {  	s2 =	sld [smem:$0x3FD9]  }
0x89: {  	s3 =	sld [smem:$0x3FFE];
	_ =	sdelay $0x1  }
0x8a: {  	s1 =	srdreg.scid  }
0x8b: {  	s0 =	sand.u32 $0x1, s1  }
0x8c: {  	s17 =	sshll.u32 s0, $0xA;
	s2 =	sadd.s32 s3, s2  }
0x8d: {  	s2 =	sadd.s32 s2, s17  }
0x8e: {  	[smem:$0x3FC7] =	sst s2  }
0x8f: {  	_ = 	snop  }
0x90: {  	s2 =	sld [smem:$0x3FC9];
	(tm) =	ssettm $0x1  }
0x91: {  	s18 =	sld [smem:$0x3FFB];
	_ =	sdelay $0x3  }
0x92: {  	_ =	strace s18  }
0x93: {  	s3 =	sld [smem:$0x3FFC];
	_ =	sdelay $0x3  }
0x94: {  	_ =	strace s3  }
0x95: {  	s3 =	sld [smem:$0x3FFD];
	_ =	sdelay $0x3  }
0x96: {  	_ =	strace s3  }
0x97: {  	_ =	strace $0x8FFFFFFF  }
0x98: {  	s19 =	sld [smem:$0x3FDB];
	_ =	sdelay $0x1  }
0x99: {  	s4 =	simm.s32 $_scs_section_size  }
0x9a: {  	s5 =	simm.s32 $_size__tile_overlayer_lowered;
	s6 =	simm.s32 $_tile_overlayer_lowered  }
0x9b: {  	s22 =	simm.s32 $0x1BFF;
	s21 =	sshll.u32 s6, $0x1;
	s3 =	sadd.s32 s4, s19  }
0x9c: {  	s7 =	simm.s32 $0x0;
	s20 =	sshll.u32 s5, $0x1;
	s5 =	sadd.s32 s21, s3  }
0x9d: {  	[timem:s7], [sflag:s22] =	dma.local [hbm:s5], s20  }
0x9e: {  	_ =	swait.ge [sflag:s22], s20  }
0x9f: {  	s4 =	ssub.s32 $0x0, s20;
	[sflag:s22] =	ssyncset.done $0x0  }
0xa0: {  	[sflag:s22] =	ssyncadd.s32 s4;
	_ =	sdelay $0x1  }
0xa1: {  	s23 =	simm.s32 $0x1B8B  }
0xa2: {  	_ =	swait.ge [sflag:s23], $0x1  }
0xa3: {  	[sflag:s23] =	ssyncset.done $0x0  }
0xa4: {  	s25 =	simm.s32 $0x1B8E;
	s24 =	sld [smem:$0x3FFE];
	[sflag:s23] =	ssyncadd.s32 $0xFFFFFFFF  }
0xa5: {  	s26 =	simm.s32 $execute0_lowered;
	[smem:$0x3FD2] =	sst s25  }
0xa6: {  	s5 =	sshll.u32 s26, $0x1;
	_ =	strace $0x8000004C;
	[dreg:$0x1] =	wrdreg $0xFFFFFFFF  }
0xa7: {  	s28 =	simm.s32 $_size_execute0_lowered;
	s3 =	sadd.s32 s3, s5;
	[dreg:$0x0] =	wrdreg $0x0  }
0xa8: {  	s5 =	sshll.u32 s28, $0x1;
	[dreg:$0x2] =	wrdreg s3  }
0xa9: {  	[dreg:$0x3] =	wrdreg s5  }
0xaa: {  	[dreg:$0x4] =	wrdreg $0xC0  }
0xab: {  	_ =	task [dreg:s7], $0x5FFFF  }
0xac: {  	[dreg:$0x1] =	wrdreg $0xFFFFFFFF  }
0xad: {  	[dreg:$0x0] =	wrdreg $0x60  }
0xae: {  	[dreg:$0x2] =	wrdreg s2  }
0xaf: {  	[dreg:$0x3] =	wrdreg s24  }
0xb0: {  	[dreg:$0x4] =	wrdreg $0x110000  }
0xb1: {  	[dreg:$0x5] =	wrdreg $0x9  }
0xb2: {  	_ =	task.clear_ibuf [dreg:s7], $0x6FFFF;
	_ =	strace $0x9000004C  }
0xb3: {  	s29 =	simm.s32 $0x9;
	_ =	strace $0x8000004E  }
0xb4: {  	_ =	swait.ge [sflag:s29], $0x1  }
0xb5: {  	[sflag:s29] =	ssyncadd.s32 $0xFFFFFFFF  }
0xb6: {  	_ =	strace $0x9000004E  }
0xb7: {  	_ =	sfence  }
0xb8: {  	s30 =	sld [smem:$0x0];
	_ =	sdelay $0x2  }
0xb9: {  	s31 =	sshll.u32 s1, $0xD;
	s1 =	sshrl.u32 s1, $0x2  }
0xba: {  	s3 =	sand.u32 $0x4000, s31;
	s1 =	sadd.s32 s1, s30  }
0xbb: {  	s0 =	sor.u32 s3, s0;
	s1 =	sshll.u32 s1, $0x11  }
0xbc: {  	s0 =	sor.u32 s1, s0  }
0xbd: {  	s0 =	sadd.s32 $0x8F2B, s0  }
0xbe: {  	[sflag:s0] =	ssyncadd.remote.s32 $0x1  }
0xbf: {  	_ =	sfence.sel $0xFFFF  }
0xc0: {  	[dreg:$0x0] =	wrdreg $0xFFFFFFFF;
	(pc) =	sbr.abs _section_cstart, $3  }
0xc1: {  	[dreg:$0x1] =	wrdreg $0xFFFFFFFF  }
0xc2: {  	_ =	task.clear_ibuf [dreg:s7], $0x2FFFF;
	_ =	strace $0x9FFFFFFF  }
0xc3: {  	(tm) =	ssettm $0x7FFFFFFF  }
tec
execute0_lowered:
.L_overlay_start_1:
0x0: {  	(tag) =	ssettag $0x1  }
0x1: {  	s0 =	rddreg [dreg:$0x0]  }
0x2: {  	s2 =	rddreg [dreg:$0x1]  }
0x3: {  	s8 =	rddreg [dreg:$0x2]  }
0x4: {  	s1 =	simm.s32 $0x0;
	s5 =	srdreg.scid;
	s12 =	stileid.u32  }
0x5: {  	s14 =	simm.s32 $0x1;
	s15 =	simm.s32 $0x10000;
	s16 =	simm.s32 $0x80  }
0x6: {  	s23 =	simm.s32 $0x0;
	[smem:$0x7FF] =	sst s1;
	s3 =	sadd.s32 $0x1C00, s2  }
0x7: {  	s4 =	sadd.s32 $0x2400, s2;
	s5 =	sand.u32 $0x1, s5;
	s9 =	sshll.u32 s12, $0x1  }
0x8: {  	s29 =	sshll.u32 s12, $0xC;
	s30 =	sshll.u32 s12, $0x7;
	s31 =	sshll.u32 s12, $0x6  }
0x9: {  	s12 =	sshll.u32 s12, $0xB;
	_ =	strace $0x8000004D;
	s6 =	sshll.u32 s5, $0x4  }
0xa: {  	s7 =	ssub.s32 $0x2, s5;
	s11 =	sor.u32 s5, s9;
	s5 =	sadd.s32 $0x2600, s2  }
0xb: {  	s10 =	sadd.s32 s6, s2;
	s25 =	sshrl.u32 s7, $0x1;
	s28 =	sshll.u32 s11, $0xD  }
0xc: {  	p0 =	sne.s32 s11, $0x0;
	s26 =	ssub.s32 s7, s25;
	s6 =	sadd.s32 s0, s28  }
0xd: {  	vm0 =	vmmov $0x1;
	v2 =	vimm.s32 $0x0;
	s0 =	sand.u32 $0x8000, s29;
	s7 =	sand.u32 $0x380, s30;
	s9 =	sadd.s32 s31, s10  }
0xe: {  	v0 =	vimm.s32 $0x0;
	vm14 =	vcmask $0x70C;
	v2 =	vsel vm0, $0xFFFFFFFF, v2;
	s0 =	sadd.s32 s0, s8;
	s8 =	sadd.s32 s12, s8;
	s9 =	sadd.s32 $0x1800, s9  }
0xf: {  	vm2 =	vcmask $0x308;
	vm15 =	vcmask $0xB10;
	v1 =	vimm.s32 $0x1;
	[tilespmem:$0x1FFF0] =	vst v2;
	s10 =	smax.u32 s26, $0x1;
	s12 =	simm.s32 $0x2;
	s7 =	sadd.s32 s7, s0  }
.LBB2_1:
0x10: {  	[tilespmem:s1], [sflag:$0x1] =	stream.linear.gather [hbm4b:s6+s1], $0x10000, $0x38;
	[tilespmem:$0x17500] =	vst v63  }
0x11: {  	s0 =	simm.s32 $0x13100  }
0x12: {  	[tilespmem:s0], [sflag:$0x2] =	stream.linear.gather [hbm4b:s3+s1], $0x4000, $0x38;
	[tilespmem:$0x17500] =	vst v63  }
0x13: {  	_ =	swait.ge [sflag:s12], $0x4000  }
0x14: {  	[sflag:s12] =	ssyncset.done $0x0  }
0x15: {  	s31 =	simm.s32 $0x17100;
	[sflag:s12] =	ssyncadd.s32 $0xFFFFC000  }
0x16: {  	[tilespmem:s31], [sflag:$0x2] =	stream.linear.gather [hbm4b:s4+s1], $0x180, $0x38;
	[tilespmem:$0x17500] =	vst v63  }
0x17: {  	_ =	swait.ge [sflag:s12], $0x180  }
0x18: {  	[sflag:s12] =	ssyncset.done $0x0  }
0x19: {  	s2 =	simm.s32 $0x0;
	s0 =	simm.s32 $0x40;
	[sflag:s12] =	ssyncadd.s32 $0xFFFFFE80  }
.LBB2_2:
0x1a: {  	p1 =	sne.s32 s0, $0x3FC0;
	[tilespmem:s2+$0x10000] =	vst v0;
	s2 =	smov.u32 s0;
	s0 =	sadd.s32 $0x40, s0  }
.Ltmp0:
0x1b: {  	(pc) =	sbr.rel @p1 .LBB2_2-.Ltmp0, $2  }
0x1c: {  	_ =	sdelay $0x2  }
0x1d: {  	s2 =	sshra.s32 s2, $0x2  }
0x1e: {  	s0 =	simm.s32 $0x0  }
0x1f: {  	[tilespmem:s2+$0x10000] =	vst v0;
	s19 =	sand.u32 $0x70, s0;
	s11 =	sand.u32 $0xF00, s0  }
0x20: {  	s13 =	simm.s32 $0x10;
	s20 =	simm.s32 $0x20;
	v3 =	vld [tilespmem:$0x17200];
	s2 =	sor.u32 s19, s11  }
0x21: {  	s21 =	sand.u32 $0x70, s13;
	s11 =	sand.u32 $0xF00, s20;
	s17 =	sadd.s32 $0x13100, s2;
	v2 =	vld [tilespmem:s2+$0x13100]  }
0x22: {  	s22 =	simm.s32 $0x20;
	s24 =	simm.s32 $0x40;
	s2 =	sor.u32 s21, s11;
	v4 =	vld [tilespmem:s17+$0x80]  }
0x23: {  	s26 =	sand.u32 $0x70, s22;
	s11 =	sand.u32 $0xF00, s24;
	s25 =	sadd.s32 $0x13100, s2;
	v5 =	vld [tilespmem:s2+$0x13100]  }
0x24: {  	s2 =	sor.u32 s26, s11;
	v6 =	vld [tilespmem:s25+$0x80]  }
0x25: {  	s11 =	sadd.s32 $0x13100, s2;
	v7 =	vld [tilespmem:s2+$0x13100]  }
0x26: {  	v8 =	vld [tilespmem:s11+$0x80]  }
0x27: {  	v9 =	vnsel vm0, $0x0, v3  }
0x28: {  	(xrf0) =	vadd.scan.msk.s32 $0xffff, v9;
	v9 =	vadd.s32 v2, v4  }
0x29: {  	s28 =	simm.s32 $0x30;
	s29 =	simm.s32 $0x60;
	(xrf0) =	vadd.scan.msk.s32 $0xffff, v9  }
0x2a: {  	s2 =	sand.u32 $0x70, s28;
	s11 =	sand.u32 $0xF00, s29;
	v6 =	vadd.s32 v5, v6  }
0x2b: {  	s2 =	sor.u32 s2, s11;
	(xrf0) =	vadd.scan.msk.s32 $0xffff, v6;
	v4 =	vadd.s32 v7, v8  }
0x2c: {  	s11 =	sadd.s32 $0x13100, s2;
	v11 =	vld [tilespmem:s2+$0x13100];
	(xrf0) =	vadd.scan.msk.s32 $0xffff, v4  }
0x2d: {  	v12 =	vld [tilespmem:s11+$0x80]  }
0x2e: {  	v2, _, _ =	vpop (xrf0)  }
0x2f: {  	v14, _, _ =	vpop (xrf0)  }
0x30: {  	(v2sf) =	vpush v14, $0xF  }
0x31: {  	v13, _, _ =	vpop (xrf0)  }
0x32: {  	v12 =	vadd.s32 v11, v12;
	(v2sf) =	vpush v13, $0xF;
	v11, _, _ =	vpop (xrf0)  }
0x33: {  	(v2sf) =	vpush v11, $0xF;
	_ =	sdelay $0x3  }
0x34: {  	s30 =	simm.s32 $0x40;
	s2 =	simm.s32 $0x80  }
0x35: {  	s11 =	sand.u32 $0x70, s30;
	s31 =	sand.u32 $0xF00, s2  }
0x36: {  	s11 =	sor.u32 s11, s31;
	v8 =	vld [tilespmem:$0x17100]  }
0x37: {  	s13 =	sadd.s32 $0x13100, s11;
	v15 =	vld [tilespmem:s11+$0x13100];
	v5 =	vbroadcast v2, $0xF  }
0x38: {  	v16 =	vld [tilespmem:s13+$0x80];
	(xrf0) =	vadd.scan.msk.s32 $0xffff, v12;
	v14 =	vadd.s32 s0, v14  }
0x39: {  	v10 =	vimm.s32 $0x0;
	v7 =	vld [tilespmem:$0x17180];
	s11 =	simm.s32 $0x50;
	vm4 =	vle.s32 v14, v5;
	v14 =	vimm.s32 $0x0  }
.LBB2_4:
0x3a: {  	s13 =	sand.u32 $0x70, s11;
	s2 =	sadd.s32 $0x20, s2;
	v17 =	vsel vm4, $0x1, v0;
	v18 =	vnsel vm4, $0x0, v9;
	v9 =	vmovc v6;
	v6 =	vmovc v4;
	v4 =	vmov v12;
	p1 =	sne.s32 s11, $0x7F0  }
.Ltmp1:
0x3b: {  	s11 =	sadd.s32 $0x10, s11;
	s17 =	sand.u32 $0xF00, s2;
	v10 =	vadd.s32 v17, v10;
	v14 =	vadd.s32 v14, v18;
	(pc) =	sbr.rel @p1 .LBB2_4-.Ltmp1, $4  }
0x3c: {  	s13 =	sor.u32 s13, s17;
	s17 =	spop (v2sf)  }
0x3d: {  	s24 =	sadd.s32 $0x13100, s13;
	v12 =	vadd.s32 v15, v16;
	v15 =	vld [tilespmem:s13+$0x13100];
	s0 =	sadd.s32 s0, s17  }
0x3e: {  	v16 =	vld [tilespmem:s24+$0x80];
	(xrf0) =	vadd.scan.msk.s32 $0xffff, v12;
	v17 =	vadd.s32 s0, v13;
	v13 =	vmov v11;
	v11, _, _ =	vpop (xrf0)  }
0x3f: {  	(v2sf) =	vpush v11, $0xF;
	vm4 =	vle.s32 v17, v5  }
0x40: {  	_ =	sdelay $0x4  }
0x41: {  	s24 =	simm.s32 $0x0;
	v17, _, _ =	vpop (xrf0)  }
0x42: {  	s2 =	sand.u32 $0x70, s24;
	s11 =	sand.u32 $0xF00, s24;
	(v2sf) =	vpush v17, $0xF  }
0x43: {  	s28 =	simm.s32 $0x10;
	s13 =	simm.s32 $0x20;
	s2 =	sor.u32 s2, s11  }
0x44: {  	s30 =	simm.s32 $0x20;
	s13 =	sand.u32 $0xF00, s13;
	s11 =	sand.u32 $0x70, s28;
	v15 =	vadd.s32 v15, v16;
	v16 =	vld [tilespmem:s2+$0x14100]  }
0x45: {  	s31 =	simm.s32 $0x40;
	s17 =	spop (v2sf);
	v18 =	vld [tilespmem:s2+$0x14180];
	s29 =	sor.u32 s11, s13  }
0x46: {  	s0 =	sadd.s32 s0, s17;
	s11 =	sand.u32 $0x70, s30;
	s13 =	sand.u32 $0xF00, s31;
	v20 =	vld [tilespmem:s29+$0x14100]  }
0x47: {  	v13 =	vadd.s32 s0, v13;
	v21 =	vld [tilespmem:s29+$0x14180];
	s18 =	sor.u32 s11, s13  }
0x48: {  	v23 =	vsel vm4, $0x1, v0;
	v9 =	vnsel vm4, $0x0, v9;
	s19 =	spop (v2sf);
	vm5 =	vle.s32 v13, v5;
	v22 =	vld [tilespmem:s18+$0x14100]  }
0x49: {  	v10 =	vadd.s32 v23, v10;
	v9 =	vadd.s32 v14, v9;
	s0 =	sadd.s32 s0, s19;
	(xrf0) =	vadd.scan.msk.s32 $0xffff, v15;
	v63 =	vsel vm5, $0x1, v0;
	v13 =	vld [tilespmem:s18+$0x14180]  }
0x4a: {  	v11 =	vadd.s32 s0, v11;
	v14 =	vadd.s32 v63, v10;
	v10 =	vsel vm14, $0x0, v3;
	s20 =	spop (v2sf)  }
0x4b: {  	v6 =	vnsel vm5, $0x0, v6;
	vm4 =	vle.s32 v11, v5;
	(xrf0) =	vadd.scan.msk.s32 $0xffff, v10;
	v10 =	vadd.s32 v16, v18;
	s0 =	sadd.s32 s0, s20  }
0x4c: {  	v6 =	vadd.s32 v9, v6;
	v4 =	vnsel vm4, $0x0, v4;
	(xrf0) =	vadd.scan.msk.s32 $0xffff, v10;
	v17 =	vadd.s32 s0, v17  }
0x4d: {  	v16 =	vsel vm4, $0x1, v0;
	v11 =	vadd.s32 v20, v21;
	vm4 =	vle.s32 v17, v5  }
0x4e: {  	v6 =	vadd.s32 v6, v4;
	(xrf0) =	vadd.scan.msk.s32 $0xffff, v11;
	v9 =	vadd.s32 v22, v13;
	v4 =	vsel vm4, $0x1, v0  }
0x4f: {  	v19, _, _ =	vpop (xrf0);
	(xrf0) =	vadd.scan.msk.s32 $0xffff, v9  }
0x50: {  	v13 =	vadd.s32 v16, v14;
	(v2sf) =	vpush v19, $0xF  }
0x51: {  	v13 =	vadd.s32 v4, v13;
	s28 =	spop (v2sf);
	v4, _, _ =	vpop (xrf0)  }
0x52: {  	s0 =	sadd.s32 s0, s28;
	v20, _, _ =	vpop (xrf0)  }
0x53: {  	v14 =	vadd.s32 s0, v19;
	(v2sf) =	vpush v20, $0xF  }
0x54: {  	s21 =	simm.s32 $0x30;
	s22 =	simm.s32 $0x60;
	v12 =	vnsel vm4, $0x0, v12;
	vm4 =	vle.s32 v14, v5;
	v16, _, _ =	vpop (xrf0)  }
0x55: {  	s25 =	sand.u32 $0x70, s21;
	s26 =	sand.u32 $0xF00, s22;
	v5 =	vadd.s32 v6, v12;
	v12 =	vnsel vm4, $0x0, v15;
	(v2sf) =	vpush v16, $0xF;
	v15, _, _ =	vpop (xrf0)  }
0x56: {  	s2 =	sor.u32 s25, s26;
	(v2sf) =	vpush v15, $0xF  }
0x57: {  	v17 =	vld [tilespmem:s2+$0x14100]  }
0x58: {  	v19 =	vld [tilespmem:s2+$0x14180];
	_ =	sdelay $0x1  }
0x59: {  	s30 =	simm.s32 $0x80;
	s29 =	simm.s32 $0x40  }
0x5a: {  	s0 =	sand.u32 $0x70, s29;
	s2 =	sand.u32 $0xF00, s30;
	v6 =	vsel vm4, $0x1, v0  }
0x5b: {  	s2 =	sor.u32 s0, s2;
	v6 =	vadd.s32 v6, v13  }
0x5c: {  	v18 =	vld [tilespmem:s2+$0x14100];
	v5 =	vadd.s32 v5, v12;
	v12 =	vbroadcast v4, $0xF;
	v13 =	vadd.s32 v17, v19  }
0x5d: {  	v17 =	vadd.s32 s24, v20;
	v19 =	vld [tilespmem:s2+$0x14180];
	(xrf0) =	vadd.scan.msk.s32 $0xffff, v13  }
0x5e: {  	v14 =	vimm.s32 $0x0;
	s0 =	simm.s32 $0x50;
	s31 =	spop (v2sf);
	s2 =	simm.s32 $0xA0;
	vm4 =	vle.s32 v17, v12;
	v17 =	vimm.s32 $0x0  }
.LBB2_6:
0x5f: {  	s11 =	sand.u32 $0x70, s0;
	s13 =	sand.u32 $0xF00, s2;
	v20 =	vsel vm4, $0x1, v0;
	v21 =	vnsel vm4, $0x0, v10;
	v10 =	vmovc v11;
	v11 =	vmovc v9;
	v9 =	vmov v13;
	p1 =	sne.s32 s0, $0x7F0  }
.Ltmp2:
0x60: {  	s11 =	sor.u32 s11, s13;
	v14 =	vadd.s32 v20, v14;
	v17 =	vadd.s32 v17, v21;
	(pc) =	sbr.rel @p1 .LBB2_6-.Ltmp2, $4  }
0x61: {  	s0 =	sadd.s32 $0x10, s0;
	s13 =	spop (v2sf)  }
0x62: {  	v13 =	vadd.s32 v18, v19;
	v18 =	vld [tilespmem:s11+$0x14100];
	s24 =	sadd.s32 s24, s13  }
0x63: {  	v19 =	vld [tilespmem:s11+$0x14180];
	(xrf0) =	vadd.scan.msk.s32 $0xffff, v13;
	v20 =	vadd.s32 s24, v16;
	v16 =	vmov v15;
	v15, _, _ =	vpop (xrf0)  }
0x64: {  	s2 =	sadd.s32 $0x20, s2;
	(v2sf) =	vpush v15, $0xF;
	vm4 =	vle.s32 v20, v12  }
0x65: {  	_ =	sdelay $0x2  }
0x66: {  	v18 =	vadd.s32 v18, v19  }
0x67: {  	v19 =	vnsel vm0, $0x0, v8;
	(xrf0) =	vadd.scan.msk.s32 $0xffff, v18  }
0x68: {  	v8 =	vsel vm2, $0x0, v8;
	(xrf0) =	vadd.scan.msk.s32 $0xffff, v19  }
0x69: {  	(xrf0) =	vadd.scan.msk.s32 $0xffff, v8;
	v8 =	vnsel vm0, $0x0, v7;
	v7 =	vsel vm2, $0x0, v7  }
0x6a: {  	(xrf0) =	vadd.scan.msk.s32 $0xffff, v8  }
0x6b: {  	(xrf0) =	vadd.scan.msk.s32 $0xffff, v7  }
0x6c: {  	v7, _, _ =	vpop (xrf0)  }
0x6d: {  	v8, _, _ =	vpop (xrf0);
	(v2sf) =	vpush v7, $0xF  }
0x6e: {  	(v2sf) =	vpush v8, $0xF;
	v19, _, _ =	vpop (xrf0)  }
0x6f: {  	(v2sf) =	vpush v19, $0xF;
	v19, _, _ =	vpop (xrf0)  }
0x70: {  	(v2sf) =	vpush v19, $0xF;
	v19, _, _ =	vpop (xrf0)  }
0x71: {  	(v2sf) =	vpush v19, $0xF;
	v19, _, _ =	vpop (xrf0)  }
0x72: {  	(v2sf) =	vpush v19, $0xF;
	_ =	sdelay $0x6  }
0x73: {  	s17 =	spop (v2sf)  }
0x74: {  	s31 =	spop (v2sf)  }
0x75: {  	s18 =	spop (v2sf)  }
0x76: {  	s28 =	spop (v2sf)  }
0x77: {  	s0 =	spop (v2sf)  }
0x78: {  	s13 =	spop (v2sf)  }
0x79: {  	s11 =	spop (v2sf)  }
0x7a: {  	s2 =	spop (v2sf)  }
0x7b: {  	s0 =	spop (v2sf)  }
0x7c: {  	s26 =	simm.s32 $0x0;
	p1 =	seq.s32 s11, s0  }
0x7d: {  	p2 =	seq.s32 s13, s2;
	s26 =	simm.s32 @!p1 $0x2000  }
0x7e: {  	s25 =	simm.s32 $0x0;
	s26 =	simm.s32 @!p2 $0x2000  }
0x7f: {  	s19 =	simm.s32 $0x10;
	s30 =	sand.u32 $0x70, s25;
	s29 =	sand.u32 $0x2F00, s26  }
0x80: {  	s19 =	sand.u32 $0x70, s19;
	s26 =	sadd.s32 $0x20, s26;
	s30 =	sor.u32 s30, s29  }
0x81: {  	s17 =	sadd.s32 s24, s17;
	s20 =	sadd.s32 $0x13100, s30;
	v19 =	vld [tilespmem:s30+$0x13100];
	s30 =	sand.u32 $0x2F00, s26  }
0x82: {  	s21 =	sadd.s32 $0x20, s26;
	v20 =	vld [tilespmem:s20+$0x80];
	s20 =	simm.s32 $0x20;
	s19 =	sor.u32 s19, s30  }
0x83: {  	s26 =	sand.u32 $0x2F00, s21;
	s22 =	sadd.s32 $0x13100, s19;
	v21 =	vld [tilespmem:s19+$0x13100];
	s20 =	sand.u32 $0x70, s20  }
0x84: {  	v16 =	vadd.s32 s17, v16;
	v22 =	vld [tilespmem:s22+$0x80];
	s19 =	sor.u32 s20, s26  }
0x85: {  	v24 =	vsel vm4, $0x1, v0;
	v10 =	vnsel vm4, $0x0, v10;
	vm5 =	vle.s32 v16, v12;
	v23 =	vld [tilespmem:s19+$0x13100];
	s19 =	sadd.s32 $0x13100, s19  }
0x86: {  	v14 =	vadd.s32 v24, v14;
	v10 =	vadd.s32 v17, v10;
	v63 =	vsel vm5, $0x1, v0;
	s22 =	sadd.s32 s17, s31;
	v16 =	vld [tilespmem:s19+$0x80]  }
0x87: {  	v17 =	vadd.s32 v63, v14;
	v14 =	vsel vm2, $0x0, v3;
	v15 =	vadd.s32 s22, v15  }
0x88: {  	s24 =	simm.s32 $0x30;
	v11 =	vnsel vm5, $0x0, v11;
	(xrf0) =	vadd.scan.msk.s32 $0xffff, v14;
	s17 =	sadd.s32 $0x20, s21;
	s18 =	sadd.s32 s22, s18;
	vm4 =	vle.s32 v15, v12;
	v14 =	vadd.s32 v19, v20  }
0x89: {  	s21 =	sand.u32 $0x70, s24;
	s24 =	sand.u32 $0x2F00, s17;
	v7 =	vadd.s32 s18, v7;
	v19 =	vadd.s32 v10, v11;
	v15 =	vsel vm4, $0x1, v0;
	(xrf0) =	vadd.scan.msk.s32 $0xffff, v14  }
0x8a: {  	s19 =	sor.u32 s21, s24;
	v9 =	vnsel vm4, $0x0, v9;
	vm4 =	vle.s32 v7, v12;
	v11 =	vadd.s32 v21, v22  }
0x8b: {  	s22 =	sadd.s32 $0x13100, s19;
	v7 =	vsel vm4, $0x1, v0;
	(xrf0) =	vadd.scan.msk.s32 $0xffff, v11;
	v10 =	vadd.s32 v23, v16  }
0x8c: {  	s18 =	sadd.s32 s18, s28;
	v20 =	vld [tilespmem:s22+$0x80];
	(xrf0) =	vadd.scan.msk.s32 $0xffff, v10  }
0x8d: {  	v8 =	vadd.s32 s18, v8;
	v15 =	vadd.s32 v15, v17;
	v16 =	vld [tilespmem:s19+$0x13100]  }
0x8e: {  	v13 =	vnsel vm4, $0x0, v13;
	vm4 =	vle.s32 v8, v12;
	v15 =	vadd.s32 v7, v15;
	v7, _, _ =	vpop (xrf0)  }
0x8f: {  	v12 =	vnsel vm4, $0x0, v18;
	v18, _, _ =	vpop (xrf0)  }
0x90: {  	v9 =	vadd.s32 v19, v9;
	(v2sf) =	vpush v18, $0xF  }
0x91: {  	v8 =	vadd.s32 v9, v13;
	v9 =	vsel vm4, $0x1, v0;
	v17, _, _ =	vpop (xrf0)  }
0x92: {  	v9 =	vadd.s32 v9, v15;
	v15 =	vadd.s32 v16, v20;
	(v2sf) =	vpush v17, $0xF;
	v16, _, _ =	vpop (xrf0)  }
0x93: {  	(v2sf) =	vpush v16, $0xF;
	_ =	sdelay $0x3  }
0x94: {  	s21 =	simm.s32 $0x40;
	s28 =	sadd.s32 $0x20, s17  }
0x95: {  	s18 =	sand.u32 $0x70, s21;
	s22 =	sand.u32 $0x2F00, s28  }
0x96: {  	s18 =	sor.u32 s18, s22  }
0x97: {  	v8 =	vadd.s32 v8, v12;
	v19 =	vld [tilespmem:s18+$0x13100];
	s19 =	sadd.s32 $0x13100, s18;
	v12 =	vbroadcast v7, $0xF  }
0x98: {  	v18 =	vadd.s32 s25, v18;
	v20 =	vld [tilespmem:s19+$0x80];
	(xrf0) =	vadd.scan.msk.s32 $0xffff, v15  }
0x99: {  	s31 =	simm.s32 $0x50;
	v13 =	vimm.s32 $0x0;
	vm4 =	vle.s32 v18, v12;
	v18 =	vimm.s32 $0x0  }
.LBB2_8:
0x9a: {  	s18 =	sand.u32 $0x70, s31;
	s28 =	sadd.s32 $0x20, s28;
	v21 =	vsel vm4, $0x1, v0;
	v22 =	vnsel vm4, $0x0, v14;
	v14 =	vmovc v11;
	v11 =	vmovc v10;
	v10 =	vmov v15;
	p1 =	sne.s32 s31, $0x7F0  }
.Ltmp3:
0x9b: {  	s31 =	sadd.s32 $0x10, s31;
	s19 =	sand.u32 $0x2F00, s28;
	v13 =	vadd.s32 v21, v13;
	v18 =	vadd.s32 v18, v22;
	(pc) =	sbr.rel @p1 .LBB2_8-.Ltmp3, $4  }
0x9c: {  	s18 =	sor.u32 s18, s19;
	s19 =	spop (v2sf)  }
0x9d: {  	s20 =	sadd.s32 $0x13100, s18;
	v15 =	vadd.s32 v19, v20;
	v19 =	vld [tilespmem:s18+$0x13100];
	s25 =	sadd.s32 s25, s19  }
0x9e: {  	v20 =	vld [tilespmem:s20+$0x80];
	(xrf0) =	vadd.scan.msk.s32 $0xffff, v15;
	v21 =	vadd.s32 s25, v17;
	v17 =	vmov v16;
	v16, _, _ =	vpop (xrf0)  }
0x9f: {  	(v2sf) =	vpush v16, $0xF;
	vm4 =	vle.s32 v21, v12  }
0xa0: {  	_ =	sdelay $0x3  }
0xa1: {  	v21, _, _ =	vpop (xrf0)  }
0xa2: {  	s28 =	simm.s32 $0x0;
	(v2sf) =	vpush v21, $0xF  }
0xa3: {  	s19 =	simm.s32 $0x10;
	s18 =	sand.u32 $0x70, s28  }
0xa4: {  	s19 =	sand.u32 $0x70, s19;
	s18 =	sor.u32 s18, s29  }
0xa5: {  	s19 =	sor.u32 s19, s30;
	v19 =	vadd.s32 v19, v20;
	v20 =	vld [tilespmem:s18+$0x14100]  }
0xa6: {  	s20 =	spop (v2sf);
	s29 =	simm.s32 $0x20;
	s18 =	sadd.s32 $0x14100, s18;
	v24 =	vld [tilespmem:s19+$0x14100]  }
0xa7: {  	s20 =	sadd.s32 s25, s20;
	s19 =	sadd.s32 $0x14100, s19;
	v22 =	vld [tilespmem:s18+$0x80];
	s18 =	sand.u32 $0x70, s29  }
0xa8: {  	v17 =	vadd.s32 s20, v17;
	v25 =	vld [tilespmem:s19+$0x80];
	s18 =	sor.u32 s18, s26  }
0xa9: {  	v27 =	vsel vm4, $0x1, v0;
	v14 =	vnsel vm4, $0x0, v14;
	vm5 =	vle.s32 v17, v12;
	s31 =	sadd.s32 $0x14100, s18;
	v26 =	vld [tilespmem:s18+$0x14100]  }
0xaa: {  	v3 =	vsel vm15, $0x0, v3;
	v13 =	vadd.s32 v27, v13;
	(xrf0) =	vadd.scan.msk.s32 $0xffff, v19;
	s19 =	spop (v2sf);
	v63 =	vsel vm5, $0x1, v0;
	v17 =	vld [tilespmem:s31+$0x80]  }
0xab: {  	v14 =	vadd.s32 v18, v14;
	v18 =	vadd.s32 v63, v13;
	(xrf0) =	vadd.scan.msk.s32 $0xffff, v3;
	v3 =	vnsel vm5, $0x0, v11;
	s18 =	sadd.s32 s20, s19;
	s20 =	spop (v2sf)  }
0xac: {  	v3 =	vadd.s32 v14, v3;
	v11 =	vadd.s32 s18, v16;
	v13 =	vadd.s32 v20, v22;
	s18 =	sadd.s32 s18, s20  }
0xad: {  	s21 =	simm.s32 $0x30;
	vm4 =	vle.s32 v11, v12;
	v14 =	vadd.s32 v24, v25;
	(xrf0) =	vadd.scan.msk.s32 $0xffff, v13;
	v20 =	vadd.s32 s18, v21  }
0xae: {  	s22 =	sand.u32 $0x70, s21;
	v16 =	vsel vm4, $0x1, v0;
	v10 =	vnsel vm4, $0x0, v10;
	vm4 =	vle.s32 v20, v12  }
0xaf: {  	s19 =	sor.u32 s22, s24;
	v10 =	vadd.s32 v3, v10;
	(xrf0) =	vadd.scan.msk.s32 $0xffff, v14;
	v11 =	vadd.s32 v26, v17;
	v3 =	vsel vm4, $0x1, v0  }
0xb0: {  	s26 =	sadd.s32 $0x14100, s19;
	v23, _, _ =	vpop (xrf0);
	v16 =	vadd.s32 v16, v18;
	v18 =	vld [tilespmem:s19+$0x14100];
	(xrf0) =	vadd.scan.msk.s32 $0xffff, v11  }
0xb1: {  	(v2sf) =	vpush v23, $0xF;
	v20 =	vld [tilespmem:s26+$0x80];
	s25 =	spop (v2sf)  }
0xb2: {  	v16 =	vadd.s32 v3, v16;
	s18 =	sadd.s32 s18, s25;
	v3, _, _ =	vpop (xrf0)  }
0xb3: {  	v17 =	vadd.s32 s18, v23;
	v22, _, _ =	vpop (xrf0)  }
0xb4: {  	v15 =	vnsel vm4, $0x0, v15;
	vm4 =	vle.s32 v17, v12;
	(v2sf) =	vpush v22, $0xF  }
0xb5: {  	v10 =	vadd.s32 v10, v15;
	v12 =	vsel vm4, $0x1, v0;
	v15 =	vnsel vm4, $0x0, v19;
	v19, _, _ =	vpop (xrf0)  }
0xb6: {  	v12 =	vadd.s32 v12, v16;
	(v2sf) =	vpush v19, $0xF;
	v16 =	vadd.s32 v18, v20;
	v18, _, _ =	vpop (xrf0)  }
0xb7: {  	(v2sf) =	vpush v18, $0xF;
	_ =	sdelay $0x3  }
0xb8: {  	s17 =	sadd.s32 $0x20, s17;
	s29 =	simm.s32 $0x40  }
0xb9: {  	s30 =	sand.u32 $0x2F00, s17;
	s18 =	sand.u32 $0x70, s29  }
0xba: {  	s18 =	sor.u32 s18, s30  }
0xbb: {  	s19 =	sadd.s32 $0x14100, s18;
	v21 =	vld [tilespmem:s18+$0x14100];
	v10 =	vadd.s32 v10, v15;
	v15 =	vbroadcast v3, $0xF  }
0xbc: {  	v20 =	vadd.s32 s28, v22;
	v22 =	vld [tilespmem:s19+$0x80];
	(xrf0) =	vadd.scan.msk.s32 $0xffff, v16  }
0xbd: {  	s24 =	simm.s32 $0x50;
	v17 =	vimm.s32 $0x0;
	s31 =	spop (v2sf);
	vm4 =	vle.s32 v20, v15;
	v20 =	vimm.s32 $0x0  }
.LBB2_10:
0xbe: {  	s18 =	sand.u32 $0x70, s24;
	s17 =	sadd.s32 $0x20, s17;
	v23 =	vsel vm4, $0x1, v0;
	v24 =	vnsel vm4, $0x0, v13;
	v13 =	vmovc v14;
	v14 =	vmovc v11;
	v11 =	vmov v16;
	p1 =	sne.s32 s24, $0x7F0  }
.Ltmp4:
0xbf: {  	s24 =	sadd.s32 $0x10, s24;
	s19 =	sand.u32 $0x2F00, s17;
	v17 =	vadd.s32 v23, v17;
	v20 =	vadd.s32 v20, v24;
	(pc) =	sbr.rel @p1 .LBB2_10-.Ltmp4, $4  }
0xc0: {  	s18 =	sor.u32 s18, s19;
	s19 =	spop (v2sf)  }
0xc1: {  	s20 =	sadd.s32 $0x14100, s18;
	v16 =	vadd.s32 v21, v22;
	v21 =	vld [tilespmem:s18+$0x14100];
	s28 =	sadd.s32 s28, s19  }
0xc2: {  	v22 =	vld [tilespmem:s20+$0x80];
	(xrf0) =	vadd.scan.msk.s32 $0xffff, v16;
	v23 =	vadd.s32 s28, v19;
	v19 =	vmov v18;
	v18, _, _ =	vpop (xrf0)  }
0xc3: {  	(v2sf) =	vpush v18, $0xF;
	vm4 =	vle.s32 v23, v15  }
0xc4: {  	_ =	sdelay $0x3  }
0xc5: {  	v23, _, _ =	vpop (xrf0)  }
0xc6: {  	(v2sf) =	vpush v23, $0xF;
	_ =	sdelay $0x7  }
0xc7: {  	v21 =	vadd.s32 v21, v22  }
0xc8: {  	s17 =	spop (v2sf);
	(xrf0) =	vadd.scan.msk.s32 $0xffff, v21  }
0xc9: {  	s17 =	sadd.s32 s28, s17;
	s18 =	spop (v2sf)  }
0xca: {  	v59 =	vsel vm4, $0x1, v0;
	v13 =	vnsel vm4, $0x0, v13;
	v19 =	vadd.s32 s17, v19;
	s17 =	sadd.s32 s17, s18  }
0xcb: {  	v17 =	vadd.s32 v59, v17;
	vm8 =	vle.s32 v19, v15;
	v18 =	vadd.s32 s17, v18  }
0xcc: {  	v13 =	vadd.s32 v20, v13;
	v19 =	vsel vm8, $0x1, v0;
	vm9 =	vle.s32 v18, v15  }
0xcd: {  	v14 =	vnsel vm8, $0x0, v14;
	v17 =	vadd.s32 v19, v17;
	(xrf0) =	vadd.scan.msk.s32 $0xffff, v6;
	v6 =	vsel vm9, $0x1, v0;
	s25 =	spop (v2sf)  }
0xce: {  	v13 =	vadd.s32 v13, v14;
	(xrf0) =	vadd.scan.msk.s32 $0xffff, v5;
	v5 =	vnsel vm9, $0x0, v11;
	v6 =	vadd.s32 v6, v17;
	v60, _, _ =	vpop (xrf0);
	s17 =	sadd.s32 s17, s25;
	s26 =	spop (v2sf)  }
0xcf: {  	v5 =	vadd.s32 v13, v5;
	(v2sf) =	vpush v60, $0xF;
	v61 =	vadd.s32 s17, v23;
	s17 =	sadd.s32 s17, s26  }
0xd0: {  	(v2sf) =	vpush v2, $0xF;
	vm10 =	vle.s32 v61, v15;
	v63 =	vadd.s32 s17, v60  }
0xd1: {  	(xrf0) =	vadd.scan.msk.s32 $0xffff, v9;
	(v2sf) =	vpush v4, $0xF;
	v2 =	vnsel vm10, $0x0, v16;
	vm11 =	vle.s32 v63, v15  }
0xd2: {  	(xrf0) =	vadd.scan.msk.s32 $0xffff, v8;
	v62 =	vsel vm10, $0x1, v0;
	v2 =	vadd.s32 v5, v2;
	v5 =	vsel vm11, $0x1, v0  }
0xd3: {  	(xrf0) =	vadd.scan.msk.s32 $0xffff, v12;
	v4 =	vadd.s32 v62, v6;
	(v2sf) =	vpush v7, $0xF  }
0xd4: {  	v6, _, _ =	vpop (xrf0);
	(xrf0) =	vadd.scan.msk.s32 $0xffff, v10;
	(v2sf) =	vpush v3, $0xF;
	v3 =	vnsel vm11, $0x0, v21;
	v4 =	vadd.s32 v5, v4  }
0xd5: {  	v5, _, _ =	vpop (xrf0);
	(xrf0) =	vadd.scan.msk.s32 $0xffff, v4  }
0xd6: {  	(v2sf) =	vpush v6, $0xF;
	v2 =	vadd.s32 v2, v3  }
0xd7: {  	(v2sf) =	vpush v5, $0xF;
	v3, _, _ =	vpop (xrf0)  }
0xd8: {  	(v2sf) =	vpush v3, $0xF;
	v3, _, _ =	vpop (xrf0)  }
0xd9: {  	(xrf0) =	vadd.scan.msk.s32 $0xffff, v2;
	v2, _, _ =	vpop (xrf0);
	(v2sf) =	vpush v3, $0xF  }
0xda: {  	(v2sf) =	vpush v2, $0xF;
	v2, _, _ =	vpop (xrf0)  }
0xdb: {  	(v2sf) =	vpush v2, $0xF;
	v2, _, _ =	vpop (xrf0)  }
0xdc: {  	(v2sf) =	vpush v2, $0xF;
	_ =	sdelay $0x3  }
0xdd: {  	s19 =	spop (v2sf);
	v2, _, _ =	vpop (xrf0)  }
0xde: {  	s26 =	spop (v2sf);
	(v2sf) =	vpush v2, $0xF  }
0xdf: {  	s28 =	spop (v2sf)  }
0xe0: {  	s25 =	spop (v2sf)  }
0xe1: {  	s24 =	spop (v2sf)  }
0xe2: {  	s13 =	sshll.u32 s13, $0xB;
	s11 =	sshll.u32 s11, $0xB;
	s17 =	spop (v2sf)  }
0xe3: {  	s2 =	sshll.u32 s2, $0xB;
	s21 =	sshll.u32 s0, $0xB;
	s29 =	spop (v2sf)  }
0xe4: {  	s13 =	sand.u32 $0x3FF800, s13;
	s11 =	sand.u32 $0x3FF800, s11;
	s20 =	spop (v2sf)  }
0xe5: {  	s2 =	sand.u32 $0x3FF800, s2;
	s13 =	sxor.u32 $0x200000, s13;
	s30 =	spop (v2sf)  }
0xe6: {  	s11 =	sxor.u32 $0x200000, s11;
	s2 =	sxor.u32 $0x200000, s2;
	s19 =	spop (v2sf)  }
0xe7: {  	s13 =	sor.u32 s13, s17;
	s17 =	sand.u32 $0x3FF800, s21;
	s0 =	spop (v2sf)  }
0xe8: {  	s17 =	sxor.u32 $0x200000, s17;
	s2 =	sor.u32 s2, s19;
	s22 =	spop (v2sf)  }
0xe9: {  	s11 =	sor.u32 s11, s20;
	p1 =	sne.s32 s13, s2;
	s17 =	sor.u32 s17, s22  }
0xea: {  	p2 =	sne.s32 @!p1 s11, s17  }
0xeb: {  	p2 =	por p1, p2  }
.Ltmp5:
0xec: {  	_ = 	snop;
	(pc) =	sbr.rel @p2 .LBB2_12-.Ltmp5, $4  }
0xed: {  	s31 =	spop (v2sf)  }
0xee: {  	_ =	swait.ge [sflag:s14], $0x10000  }
0xef: {  	v2 =	vmov s13;
	[sflag:s14] =	ssyncset.done $0x0  }
0xf0: {  	v5 =	vmov s11;
	v3 =	vmov s2;
	s2 =	simm.s32 $0x80;
	v4 =	vmov s17;
	s11 =	simm.s32 $0xFFFFFFFC;
	[sflag:s14] =	ssyncadd.s32 $0xFFFF0000  }
0xf1: {  	v6 =	vld [tilespmem:s2+$0x40];
	_ =	sdelay $0x3  }
0xf2: {  	v7 =	vld [tilespmem:s2+$0xFFFFFF80]  }
0xf3: {  	v9 =	vld [tilespmem:s2+$0xFFFFFFC0];
	v8 =	vshra.s32 v6, $0x1F  }
0xf4: {  	v10 =	vld [tilespmem:s2+$0x0];
	v8 =	vand.u32 $0x7FFFFFFF, v8  }
0xf5: {  	v6 =	vxor.u32 v6, v8  }
0xf6: {  	v8 =	vshrl.u32 v6, $0xA  }
0xf7: {  	v6 =	vand.u32 $0x3FF, v6;
	vm4 =	veq.s32 v8, v5;
	v8 =	vshra.s32 v7, $0x1F  }
0xf8: {  	v11 =	vshra.s32 v9, $0x1F;
	v6 =	vor.u32 $0x400, v6;
	v8 =	vand.u32 $0x7FFFFFFF, v8  }
0xf9: {  	v12 =	vshra.s32 v10, $0x1F;
	v11 =	vand.u32 $0x7FFFFFFF, v11;
	v7 =	vxor.u32 v7, v8  }
0xfa: {  	v9 =	vxor.u32 v9, v11;
	v8 =	vand.u32 $0x7FFFFFFF, v12;
	v11 =	vshrl.u32 v7, $0xA  }
0xfb: {  	v8 =	vxor.u32 v10, v8;
	v10 =	vshrl.u32 v9, $0xA;
	vm5 =	veq.s32 v11, v2  }
0xfc: {  	v7 =	vand.u32 $0x3FF, v7;
	v11 =	vshrl.u32 v8, $0xA;
	vm6 =	veq.s32 v10, v2  }
0xfd: {  	[tilespmem:v6+s15+$0x0] =	vst.idx.add.s32.msk vm4, v1;
	v6 =	vand.u32 $0x3FF, v8;
	vm4 =	veq.s32 v11, v5;
	v8 =	vand.u32 $0x3FF, v9  }
0xfe: {  	v9 =	vld [tilespmem:s2+$0x50];
	v6 =	vor.u32 $0x400, v6;
	_ =	sdelay $0x2  }
0xff: {  	[tilespmem:v7+s15+$0x0] =	vst.idx.add.s32.msk vm5, v1  }
0x100: {  	[tilespmem:v8+s15+$0x0] =	vst.idx.add.s32.msk vm6, v1  }
0x101: {  	v7 =	vshra.s32 v9, $0x1F;
	[tilespmem:v6+s15+$0x0] =	vst.idx.add.s32.msk vm4, v1  }
0x102: {  	v6 =	vand.u32 $0x7FFFFFFF, v7;
	v7 =	vld [tilespmem:s2+$0xFFFFFF90]  }
0x103: {  	v8 =	vld [tilespmem:s2+$0xFFFFFFD0];
	v6 =	vxor.u32 v9, v6  }
0x104: {  	v9 =	vshrl.u32 v6, $0xA  }
0x105: {  	s11 =	simm.s32 $0x180;
	v10 =	vld [tilespmem:s2+$0x10];
	v6 =	vand.u32 $0x3FF, v6;
	vm4 =	veq.s32 v9, v5  }
0x106: {  	v11 =	vld [tilespmem:s11+$0x40];
	v6 =	vor.u32 $0x400, v6  }
0x107: {  	v9 =	vshra.s32 v7, $0x1F  }
0x108: {  	v12 =	vshra.s32 v8, $0x1F;
	v9 =	vand.u32 $0x7FFFFFFF, v9  }
0x109: {  	v7 =	vxor.u32 v7, v9;
	v9 =	vand.u32 $0x7FFFFFFF, v12  }
0x10a: {  	v12 =	vshra.s32 v10, $0x1F;
	v13 =	vshrl.u32 v7, $0xA;
	v8 =	vxor.u32 v8, v9  }
0x10b: {  	v9 =	vand.u32 $0x7FFFFFFF, v12;
	v12 =	vshra.s32 v11, $0x1F;
	v7 =	vand.u32 $0x3FF, v7;
	[tilespmem:v6+s15+$0x0] =	vst.idx.add.s32.msk vm4, v1  }
0x10c: {  	vm4 =	veq.s32 v13, v2;
	v6 =	vshrl.u32 v8, $0xA;
	v9 =	vxor.u32 v10, v9;
	v10 =	vld [tilespmem:s2+$0x60]  }
0x10d: {  	v12 =	vand.u32 $0x7FFFFFFF, v12;
	vm5 =	veq.s32 v6, v2;
	v6 =	vshrl.u32 v9, $0xA  }
0x10e: {  	v9 =	vand.u32 $0x3FF, v9;
	vm6 =	veq.s32 v6, v5;
	v6 =	vand.u32 $0x3FF, v8  }
0x10f: {  	v13 =	vld [tilespmem:s11+$0xFFFFFFC0];
	v8 =	vxor.u32 v11, v12;
	v9 =	vor.u32 $0x400, v9  }
0x110: {  	v11 =	vld [tilespmem:s11+$0xFFFFFF80];
	v12 =	vshrl.u32 v8, $0xA  }
0x111: {  	v8 =	vand.u32 $0x3FF, v8;
	vm7 =	veq.s32 v12, v5;
	v12 =	vld [tilespmem:s11+$0x0];
	v14 =	vshra.s32 v10, $0x1F  }
0x112: {  	v8 =	vor.u32 $0x400, v8;
	[tilespmem:v7+s15+$0x0] =	vst.idx.add.s32.msk vm4, v1;
	v14 =	vand.u32 $0x7FFFFFFF, v14  }
0x113: {  	[tilespmem:v6+s15+$0x0] =	vst.idx.add.s32.msk vm5, v1;
	v7 =	vxor.u32 v10, v14  }
0x114: {  	[tilespmem:v9+s15+$0x0] =	vst.idx.add.s32.msk vm6, v1;
	v9 =	vshra.s32 v13, $0x1F;
	v6 =	vshrl.u32 v7, $0xA  }
0x115: {  	v10 =	vld [tilespmem:s2+$0xFFFFFFA0];
	v9 =	vand.u32 $0x7FFFFFFF, v9;
	vm4 =	veq.s32 v6, v5;
	v6 =	vshra.s32 v11, $0x1F  }
0x116: {  	v14 =	vld [tilespmem:s2+$0xFFFFFFE0];
	v7 =	vand.u32 $0x3FF, v7;
	v9 =	vxor.u32 v13, v9;
	v6 =	vand.u32 $0x7FFFFFFF, v6  }
0x117: {  	v7 =	vor.u32 $0x400, v7;
	[tilespmem:v8+s15+$0x0] =	vst.idx.add.s32.msk vm7, v1;
	v15 =	vshrl.u32 v9, $0xA;
	v6 =	vxor.u32 v11, v6  }
0x118: {  	v8 =	vshra.s32 v12, $0x1F;
	v13 =	vld [tilespmem:s11+$0x50];
	vm6 =	veq.s32 v15, v2;
	v11 =	vshrl.u32 v6, $0xA  }
0x119: {  	v8 =	vand.u32 $0x7FFFFFFF, v8;
	v9 =	vand.u32 $0x3FF, v9;
	vm5 =	veq.s32 v11, v2  }
0x11a: {  	v8 =	vxor.u32 v12, v8;
	v6 =	vand.u32 $0x3FF, v6;
	v11 =	vld [tilespmem:s2+$0x20]  }
0x11b: {  	v12 =	vshrl.u32 v8, $0xA  }
0x11c: {  	v16 =	vshra.s32 v14, $0x1F;
	[tilespmem:v7+s15+$0x0] =	vst.idx.add.s32.msk vm4, v1;
	v7 =	vand.u32 $0x3FF, v8;
	vm4 =	veq.s32 v12, v5  }
0x11d: {  	v12 =	vshra.s32 v10, $0x1F;
	v15 =	vshra.s32 v13, $0x1F;
	v8 =	vld [tilespmem:s2+$0x70];
	v7 =	vor.u32 $0x400, v7  }
0x11e: {  	v16 =	vand.u32 $0x7FFFFFFF, v16;
	v12 =	vand.u32 $0x7FFFFFFF, v12;
	v15 =	vand.u32 $0x7FFFFFFF, v15;
	[tilespmem:v9+s15+$0x0] =	vst.idx.add.s32.msk vm6, v1  }
0x11f: {  	v10 =	vxor.u32 v10, v12;
	v17 =	vshra.s32 v11, $0x1F;
	[tilespmem:v6+s15+$0x0] =	vst.idx.add.s32.msk vm5, v1;
	v6 =	vxor.u32 v13, v15  }
0x120: {  	v12 =	vxor.u32 v14, v16;
	v51 =	vld [tilespmem:s11+$0xFFFFFFD0];
	v13 =	vand.u32 $0x7FFFFFFF, v17;
	v9 =	vshrl.u32 v6, $0xA  }
0x121: {  	v14 =	vld [tilespmem:s11+$0xFFFFFF90];
	v6 =	vand.u32 $0x3FF, v6;
	v11 =	vxor.u32 v11, v13;
	vm7 =	veq.s32 v9, v5  }
0x122: {  	v9 =	vshrl.u32 v10, $0xA;
	v15 =	vshra.s32 v8, $0x1F;
	v6 =	vor.u32 $0x400, v6;
	[tilespmem:v7+s15+$0x0] =	vst.idx.add.s32.msk vm4, v1  }
0x123: {  	v7 =	vshrl.u32 v12, $0xA;
	v13 =	vand.u32 $0x7FFFFFFF, v15;
	vm8 =	veq.s32 v9, v2;
	v9 =	vld [tilespmem:s11+$0x10]  }
0x124: {  	v10 =	vand.u32 $0x3FF, v10;
	vm6 =	veq.s32 v7, v2;
	v8 =	vxor.u32 v8, v13  }
0x125: {  	v13 =	vshrl.u32 v11, $0xA;
	v15 =	vshrl.u32 v8, $0xA;
	v7 =	vand.u32 $0x3FF, v8  }
0x126: {  	vm5 =	veq.s32 v13, v5;
	v13 =	vshra.s32 v51, $0x1F;
	v8 =	vshra.s32 v14, $0x1F  }
0x127: {  	vm4 =	veq.s32 v15, v5;
	v8 =	vand.u32 $0x7FFFFFFF, v8;
	[tilespmem:v6+s15+$0x0] =	vst.idx.add.s32.msk vm7, v1;
	v6 =	vand.u32 $0x3FF, v12  }
0x128: {  	v12 =	vand.u32 $0x7FFFFFFF, v13;
	v8 =	vxor.u32 v14, v8;
	v14 =	vshra.s32 v9, $0x1F;
	v13 =	vld [tilespmem:s11+$0x60]  }
0x129: {  	s13 =	simm.s32 $0x280;
	[tilespmem:v10+s15+$0x0] =	vst.idx.add.s32.msk vm8, v1;
	v10 =	vxor.u32 v51, v12;
	v12 =	vshrl.u32 v8, $0xA;
	v14 =	vand.u32 $0x7FFFFFFF, v14  }
0x12a: {  	v15 =	vshrl.u32 v10, $0xA;
	vm7 =	veq.s32 v12, v2;
	v9 =	vxor.u32 v9, v14;
	v12 =	vld [tilespmem:s13+$0x40]  }
0x12b: {  	v8 =	vand.u32 $0x3FF, v8;
	vm8 =	veq.s32 v15, v2;
	v14 =	vshrl.u32 v9, $0xA;
	v15 =	vld [tilespmem:s13+$0xFFFFFFC0]  }
0x12c: {  	v10 =	vand.u32 $0x3FF, v10;
	v9 =	vand.u32 $0x3FF, v9;
	vm9 =	veq.s32 v14, v5;
	v14 =	vld [tilespmem:s13+$0x0]  }
0x12d: {  	v11 =	vand.u32 $0x3FF, v11;
	v9 =	vor.u32 $0x400, v9;
	v53 =	vshra.s32 v13, $0x1F  }
0x12e: {  	v18 =	vld [tilespmem:s13+$0xFFFFFF80];
	v11 =	vor.u32 $0x400, v11;
	v17 =	vand.u32 $0x7FFFFFFF, v53  }
0x12f: {  	v7 =	vor.u32 $0x400, v7;
	[tilespmem:v6+s15+$0x0] =	vst.idx.add.s32.msk vm6, v1;
	v6 =	vshra.s32 v12, $0x1F;
	v13 =	vxor.u32 v13, v17  }
0x130: {  	[tilespmem:v8+s15+$0x0] =	vst.idx.add.s32.msk vm7, v1;
	v6 =	vand.u32 $0x7FFFFFFF, v6;
	v19 =	vshrl.u32 v13, $0xA;
	v8 =	vand.u32 $0x3FF, v13  }
0x131: {  	[tilespmem:v10+s15+$0x0] =	vst.idx.add.s32.msk vm8, v1;
	v10 =	vshra.s32 v15, $0x1F;
	v6 =	vxor.u32 v12, v6;
	v12 =	vshra.s32 v14, $0x1F  }
0x132: {  	vm6 =	veq.s32 v19, v5;
	v8 =	vor.u32 $0x400, v8;
	[tilespmem:v9+s15+$0x0] =	vst.idx.add.s32.msk vm9, v1;
	v13 =	vshrl.u32 v6, $0xA  }
0x133: {  	v9 =	vshra.s32 v18, $0x1F;
	v6 =	vand.u32 $0x3FF, v6;
	vm7 =	veq.s32 v13, v5;
	v13 =	vld [tilespmem:s11+$0xFFFFFFE0]  }
0x134: {  	v10 =	vand.u32 $0x7FFFFFFF, v10;
	v12 =	vand.u32 $0x7FFFFFFF, v12;
	v9 =	vand.u32 $0x7FFFFFFF, v9;
	v20 =	vld [tilespmem:s11+$0x20]  }
0x135: {  	v55 =	vld [tilespmem:s11+$0xFFFFFFA0];
	v6 =	vor.u32 $0x400, v6;
	v10 =	vxor.u32 v15, v10;
	v12 =	vxor.u32 v14, v12  }
0x136: {  	v52 =	vld [tilespmem:s2+$0xFFFFFFB0];
	v9 =	vxor.u32 v18, v9;
	v15 =	vshrl.u32 v10, $0xA;
	v56 =	vshrl.u32 v12, $0xA  }
0x137: {  	[tilespmem:v11+s15+$0x0] =	vst.idx.add.s32.msk vm5, v1;
	v10 =	vand.u32 $0x3FF, v10;
	v14 =	vshrl.u32 v9, $0xA;
	vm8 =	veq.s32 v15, v2  }
0x138: {  	v9 =	vand.u32 $0x3FF, v9;
	vm5 =	veq.s32 v56, v5;
	[tilespmem:v8+s15+$0x0] =	vst.idx.add.s32.msk vm6, v1;
	vm6 =	veq.s32 v14, v2  }
0x139: {  	v8 =	vand.u32 $0x3FF, v12;
	v11 =	vshra.s32 v13, $0x1F;
	v15 =	vshra.s32 v20, $0x1F;
	v12 =	vld [tilespmem:s11+$0x70]  }
0x13a: {  	v8 =	vor.u32 $0x400, v8;
	[tilespmem:v6+s15+$0x0] =	vst.idx.add.s32.msk vm7, v1;
	v6 =	vshra.s32 v55, $0x1F;
	v11 =	vand.u32 $0x7FFFFFFF, v11  }
0x13b: {  	v14 =	vld [tilespmem:s13+$0x50];
	v6 =	vand.u32 $0x7FFFFFFF, v6;
	v11 =	vxor.u32 v13, v11;
	v13 =	vand.u32 $0x7FFFFFFF, v15  }
0x13c: {  	v57 =	vld [tilespmem:s2+$0xFFFFFFF0];
	v54 =	vshra.s32 v52, $0x1F;
	v6 =	vxor.u32 v55, v6;
	v13 =	vxor.u32 v20, v13  }
0x13d: {  	v17 =	vand.u32 $0x7FFFFFFF, v54;
	v15 =	vld [tilespmem:s2+$0x30];
	v19 =	vshrl.u32 v6, $0xA;
	v21 =	vshrl.u32 v13, $0xA  }
0x13e: {  	[tilespmem:v10+s15+$0x0] =	vst.idx.add.s32.msk vm8, v1;
	v10 =	vand.u32 $0x3FF, v13;
	v6 =	vand.u32 $0x3FF, v6;
	v58 =	vshra.s32 v12, $0x1F  }
0x13f: {  	v60 =	vor.u32 $0x400, v10;
	[tilespmem:v9+s15+$0x0] =	vst.idx.add.s32.msk vm6, v1;
	v9 =	vshrl.u32 v11, $0xA;
	v20 =	vand.u32 $0x7FFFFFFF, v58  }
0x140: {  	vm6 =	veq.s32 v19, v2;
	[tilespmem:v8+s15+$0x0] =	vst.idx.add.s32.msk vm5, v1;
	v8 =	vshra.s32 v14, $0x1F;
	v12 =	vxor.u32 v12, v20  }
0x141: {  	vm7 =	veq.s32 v9, v2;
	v13 =	vld [tilespmem:s13+$0xFFFFFF90];
	v8 =	vand.u32 $0x7FFFFFFF, v8;
	v9 =	vshrl.u32 v12, $0xA  }
0x142: {  	v8 =	vxor.u32 v14, v8;
	vm8 =	veq.s32 v9, v5;
	v9 =	vand.u32 $0x3FF, v12;
	v12 =	vld [tilespmem:s13+$0xFFFFFFD0]  }
0x143: {  	v10 =	vand.u32 $0x3FF, v11;
	v14 =	vld [tilespmem:s13+$0x10];
	v59 =	vshrl.u32 v8, $0xA;
	v9 =	vor.u32 $0x400, v9  }
0x144: {  	vm5 =	veq.s32 v21, v5;
	v8 =	vand.u32 $0x3FF, v8;
	vm9 =	veq.s32 v59, v5  }
0x145: {  	v11 =	vshra.s32 v57, $0x1F;
	v61 =	vshra.s32 v15, $0x1F;
	v8 =	vor.u32 $0x400, v8  }
0x146: {  	[tilespmem:v7+s15+$0x0] =	vst.idx.add.s32.msk vm4, v1;
	v62 =	vand.u32 $0x7FFFFFFF, v11;
	v19 =	vand.u32 $0x7FFFFFFF, v61;
	v7 =	vshra.s32 v13, $0x1F  }
0x147: {  	[tilespmem:v6+s15+$0x0] =	vst.idx.add.s32.msk vm6, v1;
	v11 =	vand.u32 $0x7FFFFFFF, v7;
	v7 =	vxor.u32 v52, v17;
	v22 =	vshra.s32 v12, $0x1F  }
0x148: {  	[tilespmem:v9+s15+$0x0] =	vst.idx.add.s32.msk vm8, v1;
	v9 =	vxor.u32 v13, v11;
	v11 =	vand.u32 $0x7FFFFFFF, v22;
	v13 =	vshra.s32 v14, $0x1F  }
0x149: {  	[tilespmem:v10+s15+$0x0] =	vst.idx.add.s32.msk vm7, v1;
	v6 =	vshrl.u32 v9, $0xA;
	v63 =	vxor.u32 v12, v11;
	v11 =	vand.u32 $0x7FFFFFFF, v13  }
0x14a: {  	[tilespmem:v8+s15+$0x0] =	vst.idx.add.s32.msk vm9, v1;
	v12 =	vand.u32 $0x3FF, v9;
	v9 =	vxor.u32 v15, v19;
	vm7 =	veq.s32 v6, v2  }
0x14b: {  	v6 =	vshrl.u32 v63, $0xA;
	v10 =	vxor.u32 v14, v11;
	v11 =	vld [tilespmem:s13+$0x60];
	v13 =	vand.u32 $0x3FF, v63  }
0x14c: {  	[tilespmem:v60+s15+$0x0] =	vst.idx.add.s32.msk vm5, v1;
	vm8 =	veq.s32 v6, v2;
	v6 =	vshrl.u32 v10, $0xA;
	v8 =	vand.u32 $0x3FF, v10  }
0x14d: {  	s17 =	simm.s32 $0x380;
	s2 =	simm.s32 $0x8;
	vm9 =	veq.s32 v6, v5;
	v10 =	vor.u32 $0x400, v8;
	v6 =	vld [tilespmem:s11+$0xFFFFFFB0];
	v8 =	vxor.u32 v57, v62  }
.LBB2_15:
0x14e: {  	v14 =	vld [tilespmem:s17+$0x40];
	s2 =	sadd.s32 $0x4, s2;
	v15 =	vshrl.u32 v7, $0xA;
	v16 =	vshrl.u32 v8, $0xA;
	v17 =	vshrl.u32 v9, $0xA  }
0x14f: {  	v9 =	vand.u32 $0x3FF, v9;
	v18 =	vld [tilespmem:s17+$0xFFFFFFC0];
	p1 =	slt.u32 s2, $0x3FC;
	vm6 =	veq.s32 v15, v2;
	vm4 =	veq.s32 v16, v2  }
0x150: {  	vm5 =	veq.s32 v17, v5;
	v9 =	vor.u32 $0x400, v9;
	v15 =	vld [tilespmem:s17+$0x0];
	v16 =	vshra.s32 v11, $0x1F  }
0x151: {  	v7 =	vand.u32 $0x3FF, v7;
	v8 =	vand.u32 $0x3FF, v8;
	v17 =	vld [tilespmem:s17+$0xFFFFFF80];
	v16 =	vand.u32 $0x7FFFFFFF, v16  }
0x152: {  	[tilespmem:v12+s15+$0x0] =	vst.idx.add.s32.msk vm7, v1;
	v11 =	vxor.u32 v11, v16;
	v12 =	vshra.s32 v6, $0x1F  }
0x153: {  	v16 =	vshra.s32 v14, $0x1F;
	[tilespmem:v13+s15+$0x0] =	vst.idx.add.s32.msk vm8, v1;
	v13 =	vshrl.u32 v11, $0xA;
	v12 =	vand.u32 $0x7FFFFFFF, v12  }
0x154: {  	v16 =	vand.u32 $0x7FFFFFFF, v16;
	[tilespmem:v10+s15+$0x0] =	vst.idx.add.s32.msk vm9, v1;
	vm7 =	veq.s32 v13, v5;
	v10 =	vand.u32 $0x3FF, v11  }
0x155: {  	v11 =	vshra.s32 v18, $0x1F;
	v13 =	vxor.u32 v14, v16;
	v14 =	vld [tilespmem:s13+$0xFFFFFFA0];
	v10 =	vor.u32 $0x400, v10  }
0x156: {  	v19 =	vshra.s32 v15, $0x1F;
	v16 =	vshra.s32 v17, $0x1F;
	v20 =	vshrl.u32 v13, $0xA;
	v21 =	vld [tilespmem:s13+$0xFFFFFFE0]  }
0x157: {  	v13 =	vand.u32 $0x3FF, v13;
	v16 =	vand.u32 $0x7FFFFFFF, v16;
	vm9 =	veq.s32 v20, v5;
	v20 =	vld [tilespmem:s13+$0x20]  }
0x158: {  	v11 =	vand.u32 $0x7FFFFFFF, v11;
	v19 =	vand.u32 $0x7FFFFFFF, v19;
	v13 =	vor.u32 $0x400, v13;
	v22 =	vld [tilespmem:s11+$0xFFFFFFF0]  }
0x159: {  	v11 =	vxor.u32 v18, v11;
	v15 =	vxor.u32 v15, v19;
	v16 =	vxor.u32 v17, v16;
	v17 =	vld [tilespmem:s11+$0x30];
	s11 =	smov.u32 s13;
	s13 =	smov.u32 s17  }
0x15a: {  	v19 =	vshrl.u32 v11, $0xA;
	v23 =	vshrl.u32 v15, $0xA;
	v18 =	vshrl.u32 v16, $0xA;
	[tilespmem:v10+s15+$0x0] =	vst.idx.add.s32.msk vm7, v1  }
0x15b: {  	vm10 =	veq.s32 v18, v2;
	vm7 =	veq.s32 v19, v2;
	v10 =	vand.u32 $0x3FF, v15;
	v15 =	vld [tilespmem:s11+$0x70]  }
0x15c: {  	v16 =	vand.u32 $0x3FF, v16;
	vm8 =	veq.s32 v23, v5;
	v10 =	vor.u32 $0x400, v10;
	[tilespmem:v7+s15+$0x0] =	vst.idx.add.s32.msk vm6, v1  }
0x15d: {  	v7 =	vand.u32 $0x3FF, v11;
	v11 =	vshra.s32 v14, $0x1F;
	[tilespmem:v13+s15+$0x0] =	vst.idx.add.s32.msk vm9, v1;
	v13 =	vshra.s32 v21, $0x1F  }
0x15e: {  	v19 =	vshra.s32 v20, $0x1F;
	v11 =	vand.u32 $0x7FFFFFFF, v11;
	v18 =	vld [tilespmem:s17+$0x50];
	v13 =	vand.u32 $0x7FFFFFFF, v13  }
0x15f: {  	v11 =	vxor.u32 v14, v11;
	v14 =	vand.u32 $0x7FFFFFFF, v19;
	v13 =	vxor.u32 v21, v13;
	[tilespmem:v8+s15+$0x0] =	vst.idx.add.s32.msk vm4, v1  }
0x160: {  	v8 =	vshrl.u32 v11, $0xA;
	v14 =	vxor.u32 v20, v14;
	v19 =	vshra.s32 v15, $0x1F;
	[tilespmem:v9+s15+$0x0] =	vst.idx.add.s32.msk vm5, v1  }
0x161: {  	v9 =	vshrl.u32 v13, $0xA;
	[tilespmem:v16+s15+$0x0] =	vst.idx.add.s32.msk vm10, v1;
	v16 =	vshrl.u32 v14, $0xA;
	v19 =	vand.u32 $0x7FFFFFFF, v19  }
0x162: {  	vm5 =	veq.s32 v8, v2;
	[tilespmem:v7+s15+$0x0] =	vst.idx.add.s32.msk vm7, v1;
	v7 =	vand.u32 $0x3FF, v14;
	v8 =	vxor.u32 v15, v19  }
0x163: {  	vm6 =	veq.s32 v9, v2;
	[tilespmem:v10+s15+$0x0] =	vst.idx.add.s32.msk vm8, v1;
	v10 =	vshra.s32 v18, $0x1F;
	v9 =	vshrl.u32 v8, $0xA  }
0x164: {  	v8 =	vand.u32 $0x3FF, v8;
	v14 =	vld [tilespmem:s17+$0xFFFFFF90];
	v10 =	vand.u32 $0x7FFFFFFF, v10;
	vm7 =	veq.s32 v9, v5  }
0x165: {  	vm4 =	veq.s32 v16, v5;
	v8 =	vor.u32 $0x400, v8;
	v9 =	vld [tilespmem:s17+$0xFFFFFFD0];
	v10 =	vxor.u32 v18, v10  }
0x166: {  	v11 =	vand.u32 $0x3FF, v11;
	v18 =	vor.u32 $0x400, v7;
	v15 =	vld [tilespmem:s17+$0x10];
	v16 =	vshrl.u32 v10, $0xA  }
0x167: {  	v7 =	vand.u32 $0x3FF, v10;
	v10 =	vand.u32 $0x3FF, v13;
	vm8 =	veq.s32 v16, v5  }
0x168: {  	v13 =	vor.u32 $0x400, v7;
	v7 =	vshra.s32 v22, $0x1F;
	v16 =	vshra.s32 v17, $0x1F  }
0x169: {  	v20 =	vand.u32 $0x7FFFFFFF, v7;
	v16 =	vand.u32 $0x7FFFFFFF, v16;
	v19 =	vshra.s32 v14, $0x1F  }
0x16a: {  	v7 =	vxor.u32 v6, v12;
	v19 =	vand.u32 $0x7FFFFFFF, v19;
	v21 =	vshra.s32 v9, $0x1F;
	[tilespmem:v8+s15+$0x0] =	vst.idx.add.s32.msk vm7, v1  }
0x16b: {  	v6 =	vxor.u32 v14, v19;
	v8 =	vand.u32 $0x7FFFFFFF, v21;
	v12 =	vshra.s32 v15, $0x1F;
	[tilespmem:v11+s15+$0x0] =	vst.idx.add.s32.msk vm5, v1  }
.Ltmp6:
0x16c: {  	v11 =	vshrl.u32 v6, $0xA;
	v8 =	vxor.u32 v9, v8;
	v9 =	vand.u32 $0x7FFFFFFF, v12;
	[tilespmem:v10+s15+$0x0] =	vst.idx.add.s32.msk vm6, v1;
	(pc) =	sbr.rel @p1 .LBB2_15-.Ltmp6, $4  }
0x16d: {  	vm7 =	veq.s32 v11, v2;
	v10 =	vshrl.u32 v8, $0xA;
	v9 =	vxor.u32 v15, v9;
	[tilespmem:v13+s15+$0x0] =	vst.idx.add.s32.msk vm8, v1  }
0x16e: {  	vm8 =	veq.s32 v10, v2;
	v10 =	vshrl.u32 v9, $0xA;
	v9 =	vand.u32 $0x3FF, v9;
	v11 =	vld [tilespmem:s17+$0x60]  }
0x16f: {  	v12 =	vand.u32 $0x3FF, v6;
	vm9 =	veq.s32 v10, v5;
	v10 =	vor.u32 $0x400, v9;
	[tilespmem:v18+s15+$0x0] =	vst.idx.add.s32.msk vm4, v1  }
0x170: {  	v13 =	vand.u32 $0x3FF, v8;
	v8 =	vxor.u32 v22, v20;
	s17 =	sadd.s32 $0x100, s17;
	v9 =	vxor.u32 v17, v16;
	v6 =	vld [tilespmem:s11+$0xFFFFFFB0]  }
0x171: {  	_ =	sdelay $0x4  }
0x172: {  	[tilespmem:v12+s15+$0x0] =	vst.idx.add.s32.msk vm7, v1  }
0x173: {  	[tilespmem:v10+s15+$0x0] =	vst.idx.add.s32.msk vm9, v1  }
0x174: {  	v28 =	vld [tilespmem:s13+$0xFFFFFFA0]  }
0x175: {  	v31 =	vld [tilespmem:s13+$0x20]  }
0x176: {  	v14 =	vshra.s32 v11, $0x1F  }
0x177: {  	[tilespmem:v13+s15+$0x0] =	vst.idx.add.s32.msk vm8, v1;
	v25 =	vand.u32 $0x7FFFFFFF, v14  }
0x178: {  	v30 =	vld [tilespmem:s13+$0xFFFFFFE0];
	v26 =	vxor.u32 v11, v25  }
0x179: {  	v27 =	vshrl.u32 v26, $0xA;
	v29 =	vand.u32 $0x3FF, v26;
	v32 =	vshra.s32 v28, $0x1F  }
0x17a: {  	vm4 =	veq.s32 v27, v5;
	v34 =	vshra.s32 v31, $0x1F;
	v14 =	vand.u32 $0x7FFFFFFF, v32  }
0x17b: {  	v10 =	vor.u32 $0x400, v29;
	v36 =	vand.u32 $0x7FFFFFFF, v34;
	v12 =	vxor.u32 v28, v14  }
0x17c: {  	v15 =	vshrl.u32 v7, $0xA;
	v11 =	vxor.u32 v31, v36;
	v37 =	vshrl.u32 v12, $0xA  }
0x17d: {  	v16 =	vshra.s32 v30, $0x1F;
	v39 =	vshrl.u32 v11, $0xA;
	vm7 =	veq.s32 v37, v2  }
0x17e: {  	v17 =	vld [tilespmem:s11+$0xFFFFFFF0];
	v12 =	vand.u32 $0x3FF, v12;
	v11 =	vand.u32 $0x3FF, v11;
	vm9 =	veq.s32 v39, v5  }
0x17f: {  	v40 =	vshrl.u32 v8, $0xA;
	v42 =	vld [tilespmem:s11+$0x30];
	v33 =	vand.u32 $0x7FFFFFFF, v16;
	v11 =	vor.u32 $0x400, v11  }
0x180: {  	v41 =	vshrl.u32 v9, $0xA;
	v44 =	vand.u32 $0x3FF, v9;
	[tilespmem:v10+s15+$0x0] =	vst.idx.add.s32.msk vm4, v1;
	v10 =	vxor.u32 v30, v33  }
0x181: {  	v7 =	vand.u32 $0x3FF, v7;
	v45 =	vand.u32 $0x3FF, v8;
	v35 =	vld [tilespmem:s13+$0x70];
	v38 =	vshrl.u32 v10, $0xA  }
0x182: {  	vm6 =	veq.s32 v15, v2;
	v46 =	vshra.s32 v6, $0x1F;
	vm8 =	veq.s32 v38, v2  }
0x183: {  	vm5 =	veq.s32 v41, v5;
	v47 =	vand.u32 $0x7FFFFFFF, v46;
	v10 =	vand.u32 $0x3FF, v10;
	[tilespmem:v12+s15+$0x0] =	vst.idx.add.s32.msk vm7, v1  }
0x184: {  	v9 =	vor.u32 $0x400, v44;
	v50 =	vshra.s32 v17, $0x1F;
	v6 =	vxor.u32 v6, v47;
	[tilespmem:v11+s15+$0x0] =	vst.idx.add.s32.msk vm9, v1  }
0x185: {  	v51 =	vshra.s32 v42, $0x1F;
	v54 =	vshrl.u32 v6, $0xA;
	v12 =	vand.u32 $0x7FFFFFFF, v50;
	v52 =	vld [tilespmem:s13+$0xFFFFFFB0]  }
0x186: {  	v6 =	vand.u32 $0x3FF, v6;
	v12 =	vxor.u32 v17, v12;
	v55 =	vld [tilespmem:s13+$0x30];
	v43 =	vshra.s32 v35, $0x1F  }
0x187: {  	vm4 =	veq.s32 v40, v2;
	v17 =	vshrl.u32 v12, $0xA;
	v15 =	vand.u32 $0x7FFFFFFF, v43  }
0x188: {  	v12 =	vand.u32 $0x3FF, v12;
	vm9 =	veq.s32 v17, v2;
	v14 =	vxor.u32 v35, v15;
	[tilespmem:v10+s15+$0x0] =	vst.idx.add.s32.msk vm8, v1  }
0x189: {  	vm8 =	veq.s32 v54, v2;
	v15 =	vshrl.u32 v14, $0xA;
	v48 =	vand.u32 $0x3FF, v14;
	v53 =	vld [tilespmem:s13+$0xFFFFFFF0]  }
0x18a: {  	v14 =	vand.u32 $0x7FFFFFFF, v51;
	vm7 =	veq.s32 v15, v5;
	v49 =	vor.u32 $0x400, v48  }
0x18b: {  	v13 =	vxor.u32 v42, v14;
	v56 =	vshra.s32 v52, $0x1F;
	v58 =	vshra.s32 v55, $0x1F  }
0x18c: {  	v18 =	vshrl.u32 v13, $0xA;
	v13 =	vand.u32 $0x3FF, v13;
	v14 =	vand.u32 $0x7FFFFFFF, v56  }
0x18d: {  	[tilespmem:v7+s15+$0x0] =	vst.idx.add.s32.msk vm6, v1;
	v7 =	vand.u32 $0x7FFFFFFF, v58;
	vm10 =	veq.s32 v18, v5;
	v13 =	vor.u32 $0x400, v13  }
0x18e: {  	v14 =	vxor.u32 v52, v14;
	v7 =	vxor.u32 v55, v7;
	v57 =	vshra.s32 v53, $0x1F  }
0x18f: {  	v59 =	vshrl.u32 v14, $0xA;
	v61 =	vshrl.u32 v7, $0xA;
	v17 =	vand.u32 $0x7FFFFFFF, v57  }
0x190: {  	[tilespmem:v45+s15+$0x0] =	vst.idx.add.s32.msk vm4, v1;
	v62 =	vand.u32 $0x3FF, v14;
	vm4 =	veq.s32 v59, v2;
	v10 =	vxor.u32 v53, v17  }
0x191: {  	[tilespmem:v9+s15+$0x0] =	vst.idx.add.s32.msk vm5, v1;
	v7 =	vand.u32 $0x3FF, v7;
	vm11 =	veq.s32 v61, v5;
	v60 =	vshrl.u32 v10, $0xA  }
0x192: {  	[tilespmem:v6+s15+$0x0] =	vst.idx.add.s32.msk vm8, v1;
	v6 =	vor.u32 $0x400, v7;
	vm5 =	veq.s32 v60, v2  }
0x193: {  	[tilespmem:v12+s15+$0x0] =	vst.idx.add.s32.msk vm9, v1;
	v63 =	vand.u32 $0x3FF, v10  }
.Ltmp7:
0x194: {  	[tilespmem:v49+s15+$0x0] =	vst.idx.add.s32.msk vm7, v1;
	(pc) =	sbr.rel .LBB2_24-.Ltmp7, $4  }
0x195: {  	[tilespmem:v13+s15+$0x0] =	vst.idx.add.s32.msk vm10, v1  }
0x196: {  	[tilespmem:v62+s15+$0x0] =	vst.idx.add.s32.msk vm4, v1  }
0x197: {  	[tilespmem:v6+s15+$0x0] =	vst.idx.add.s32.msk vm11, v1  }
0x198: {  	[tilespmem:v63+s15+$0x0] =	vst.idx.add.s32.msk vm5, v1  }
.LBB2_12:
0x199: {  	s2 =	simm.s32 @p1 $0x80  }
0x19a: {  	v6 =	vld [tilespmem:s2+$0x40];
	_ =	sdelay $0x4  }
0x19b: {  	v7 =	vshra.s32 v6, $0x1F  }
0x19c: {  	v7 =	vand.u32 $0x7FFFFFFF, v7  }
0x19d: {  	v6 =	vxor.u32 v6, v7  }
0x19e: {  	v8 =	vld [tilespmem:s2+$0xFFFFFF80];
	v7 =	vshrl.u32 v6, $0xA  }
0x19f: {  	v9 =	vld [tilespmem:s2+$0xFFFFFFC0];
	v6 =	vand.u32 $0x3FF, v6;
	vm4 =	veq.s32 v7, v5  }
0x1a0: {  	v10 =	vor.u32 $0x400, v6;
	vm5 =	veq.s32 v7, v4  }
0x1a1: {  	v6 =	vor.u32 $0xC00, v6;
	v7 =	vld [tilespmem:s2+$0x0];
	_ =	sdelay $0x1  }
0x1a2: {  	v11 =	vshra.s32 v8, $0x1F  }
0x1a3: {  	v12 =	vshra.s32 v9, $0x1F;
	v11 =	vand.u32 $0x7FFFFFFF, v11  }
0x1a4: {  	v8 =	vxor.u32 v8, v11;
	[tilespmem:v10+s15+$0x0] =	vst.idx.add.s32.msk vm4, v1;
	v10 =	vand.u32 $0x7FFFFFFF, v12  }
0x1a5: {  	[tilespmem:v6+s15+$0x0] =	vst.idx.add.s32.msk vm5, v1;
	v6 =	vshra.s32 v7, $0x1F;
	v9 =	vxor.u32 v9, v10;
	v10 =	vshrl.u32 v8, $0xA  }
0x1a6: {  	v6 =	vand.u32 $0x7FFFFFFF, v6;
	v12 =	vshrl.u32 v9, $0xA;
	vm4 =	veq.s32 v10, v2  }
0x1a7: {  	v11 =	vld [tilespmem:s2+$0x50];
	vm5 =	veq.s32 v10, v3;
	v6 =	vxor.u32 v7, v6;
	v7 =	vand.u32 $0x3FF, v8  }
0x1a8: {  	v8 =	vand.u32 $0x3FF, v9;
	vm6 =	veq.s32 v12, v2;
	v9 =	vor.u32 $0x800, v7  }
0x1a9: {  	vm7 =	veq.s32 v12, v3;
	v10 =	vshrl.u32 v6, $0xA  }
0x1aa: {  	v6 =	vand.u32 $0x3FF, v6;
	v12 =	vor.u32 $0x800, v8;
	vm8 =	veq.s32 v10, v5  }
0x1ab: {  	vm9 =	veq.s32 v10, v4;
	v10 =	vor.u32 $0x400, v6  }
0x1ac: {  	v6 =	vor.u32 $0xC00, v6;
	v13 =	vshra.s32 v11, $0x1F;
	[tilespmem:v7+s15+$0x0] =	vst.idx.add.s32.msk vm4, v1  }
0x1ad: {  	v13 =	vand.u32 $0x7FFFFFFF, v13;
	[tilespmem:v9+s15+$0x0] =	vst.idx.add.s32.msk vm5, v1  }
0x1ae: {  	v7 =	vxor.u32 v11, v13;
	[tilespmem:v8+s15+$0x0] =	vst.idx.add.s32.msk vm6, v1  }
0x1af: {  	v9 =	vshrl.u32 v7, $0xA;
	[tilespmem:v12+s15+$0x0] =	vst.idx.add.s32.msk vm7, v1  }
0x1b0: {  	v7 =	vand.u32 $0x3FF, v7;
	vm4 =	veq.s32 v9, v5;
	[tilespmem:v10+s15+$0x0] =	vst.idx.add.s32.msk vm8, v1  }
0x1b1: {  	v8 =	vor.u32 $0x400, v7;
	vm5 =	veq.s32 v9, v4;
	[tilespmem:v6+s15+$0x0] =	vst.idx.add.s32.msk vm9, v1  }
0x1b2: {  	v7 =	vor.u32 $0xC00, v7;
	v6 =	vld [tilespmem:s2+$0xFFFFFF90]  }
0x1b3: {  	v9 =	vld [tilespmem:s2+$0xFFFFFFD0];
	_ =	sdelay $0x1  }
0x1b4: {  	v10 =	vld [tilespmem:s2+$0x10]  }
0x1b5: {  	[tilespmem:v8+s15+$0x0] =	vst.idx.add.s32.msk vm4, v1  }
0x1b6: {  	[tilespmem:v7+s15+$0x0] =	vst.idx.add.s32.msk vm5, v1;
	v7 =	vshra.s32 v6, $0x1F  }
0x1b7: {  	v11 =	vshra.s32 v9, $0x1F;
	v7 =	vand.u32 $0x7FFFFFFF, v7  }
0x1b8: {  	v8 =	vld [tilespmem:s2+$0x60];
	v6 =	vxor.u32 v6, v7;
	v7 =	vand.u32 $0x7FFFFFFF, v11  }
0x1b9: {  	v13 =	vshra.s32 v10, $0x1F;
	v7 =	vxor.u32 v9, v7  }
0x1ba: {  	v11 =	vshrl.u32 v6, $0xA;
	v6 =	vand.u32 $0x3FF, v6;
	v9 =	vshrl.u32 v7, $0xA  }
0x1bb: {  	s11 =	simm.s32 @p1 $0xFFFFFFFC;
	vm4 =	veq.s32 v11, v2;
	vm5 =	veq.s32 v11, v3;
	v11 =	vand.u32 $0x7FFFFFFF, v13  }
0x1bc: {  	s13 =	sadd.s32 $0x4, s11;
	v7 =	vand.u32 $0x3FF, v7;
	v13 =	vor.u32 $0x800, v6;
	v10 =	vxor.u32 v10, v11  }
0x1bd: {  	p3 =	slt.u32 s13, $0x3FC;
	vm6 =	veq.s32 v9, v2;
	v12 =	vshra.s32 v8, $0x1F;
	v15 =	vand.u32 $0x3FF, v10  }
.Ltmp8:
0x1be: {  	vm9 =	veq.s32 v9, v3;
	v12 =	vand.u32 $0x7FFFFFFF, v12;
	v9 =	vor.u32 $0x400, v15;
	(pc) =	sbr.rel @!p3 .LBB2_13-.Ltmp8, $4  }
0x1bf: {  	v8 =	vxor.u32 v8, v12;
	v12 =	vshrl.u32 v10, $0xA;
	v10 =	vor.u32 $0x800, v7  }
0x1c0: {  	v11 =	vshrl.u32 v8, $0xA;
	v8 =	vand.u32 $0x3FF, v8;
	vm7 =	veq.s32 v12, v5  }
0x1c1: {  	vm8 =	veq.s32 v12, v4;
	vm12 =	veq.s32 v11, v5;
	v14 =	vor.u32 $0x400, v8  }
0x1c2: {  	p1 =	por $0x0, $0x0;
	p2 =	por $0x0, $0x0;
	s11 =	sadd.s32 $0x100, s2;
	vm13 =	veq.s32 v11, v4;
	v16 =	vor.u32 $0xC00, v8;
	[tilespmem:v6+s15+$0x0] =	vst.idx.add.s32.msk vm4, v1;
	v8 =	vor.u32 $0xC00, v15  }
0x1c3: {  	_ = 	snop  }
0x1c4: {  	v6 =	vld [tilespmem:s11+$0x40];
	_ =	sdelay $0x3  }
0x1c5: {  	[tilespmem:v14+s15+$0x0] =	vst.idx.add.s32.msk vm12, v1  }
0x1c6: {  	[tilespmem:v16+s15+$0x0] =	vst.idx.add.s32.msk vm13, v1;
	v11 =	vshra.s32 v6, $0x1F  }
0x1c7: {  	v12 =	vld [tilespmem:s2+$0x70];
	v11 =	vand.u32 $0x7FFFFFFF, v11  }
0x1c8: {  	v6 =	vxor.u32 v6, v11  }
0x1c9: {  	v14 =	vld [tilespmem:s11+$0xFFFFFF80];
	v11 =	vshrl.u32 v6, $0xA  }
0x1ca: {  	v15 =	vld [tilespmem:s11+$0xFFFFFFC0];
	v6 =	vand.u32 $0x3FF, v6;
	vm4 =	veq.s32 v11, v5  }
0x1cb: {  	v16 =	vor.u32 $0x400, v6;
	vm10 =	veq.s32 v11, v4  }
0x1cc: {  	[tilespmem:v13+s15+$0x0] =	vst.idx.add.s32.msk vm5, v1;
	v17 =	vshra.s32 v12, $0x1F;
	v6 =	vor.u32 $0xC00, v6  }
0x1cd: {  	v13 =	vand.u32 $0x7FFFFFFF, v17;
	v11 =	vld [tilespmem:s11+$0x0]  }
0x1ce: {  	[tilespmem:v7+s15+$0x0] =	vst.idx.add.s32.msk vm6, v1;
	v7 =	vxor.u32 v12, v13;
	v12 =	vshra.s32 v14, $0x1F  }
0x1cf: {  	[tilespmem:v9+s15+$0x0] =	vst.idx.add.s32.msk vm7, v1;
	v17 =	vshra.s32 v15, $0x1F;
	v12 =	vand.u32 $0x7FFFFFFF, v12  }
0x1d0: {  	v12 =	vxor.u32 v14, v12;
	[tilespmem:v16+s15+$0x0] =	vst.idx.add.s32.msk vm4, v1;
	v16 =	vand.u32 $0x7FFFFFFF, v17  }
0x1d1: {  	v13 =	vshrl.u32 v7, $0xA;
	[tilespmem:v6+s15+$0x0] =	vst.idx.add.s32.msk vm10, v1;
	v14 =	vxor.u32 v15, v16;
	v15 =	vshrl.u32 v12, $0xA  }
0x1d2: {  	v9 =	vand.u32 $0x3FF, v12;
	v6 =	vshra.s32 v11, $0x1F;
	v16 =	vld [tilespmem:s11+$0x50];
	vm5 =	veq.s32 v15, v2  }
0x1d3: {  	[tilespmem:v10+s15+$0x0] =	vst.idx.add.s32.msk vm9, v1;
	v6 =	vand.u32 $0x7FFFFFFF, v6;
	v10 =	vshrl.u32 v14, $0xA;
	vm6 =	veq.s32 v15, v3  }
0x1d4: {  	[tilespmem:v8+s15+$0x0] =	vst.idx.add.s32.msk vm8, v1;
	v6 =	vxor.u32 v11, v6;
	v11 =	vor.u32 $0x800, v9;
	vm7 =	veq.s32 v10, v2  }
0x1d5: {  	v18 =	vld [tilespmem:s2+$0x20];
	v8 =	vand.u32 $0x3FF, v14;
	vm8 =	veq.s32 v10, v3;
	v14 =	vshrl.u32 v6, $0xA  }
0x1d6: {  	v12 =	vld [tilespmem:s2+$0xFFFFFFA0];
	v15 =	vor.u32 $0x800, v8;
	v6 =	vand.u32 $0x3FF, v6;
	vm9 =	veq.s32 v14, v5  }
0x1d7: {  	v10 =	vld [tilespmem:s2+$0xFFFFFFE0];
	vm10 =	veq.s32 v14, v4;
	v14 =	vor.u32 $0x400, v6;
	v17 =	vshra.s32 v16, $0x1F  }
0x1d8: {  	v7 =	vand.u32 $0x3FF, v7;
	vm4 =	veq.s32 v13, v5;
	v17 =	vand.u32 $0x7FFFFFFF, v17;
	[tilespmem:v9+s15+$0x0] =	vst.idx.add.s32.msk vm5, v1  }
0x1d9: {  	v6 =	vor.u32 $0xC00, v6;
	vm5 =	veq.s32 v13, v4;
	v9 =	vxor.u32 v16, v17;
	[tilespmem:v11+s15+$0x0] =	vst.idx.add.s32.msk vm6, v1  }
0x1da: {  	v16 =	vor.u32 $0x400, v7;
	v7 =	vor.u32 $0xC00, v7;
	[tilespmem:v8+s15+$0x0] =	vst.idx.add.s32.msk vm7, v1;
	v11 =	vshrl.u32 v9, $0xA  }
0x1db: {  	v8 =	vand.u32 $0x3FF, v9;
	v9 =	vshra.s32 v12, $0x1F;
	[tilespmem:v15+s15+$0x0] =	vst.idx.add.s32.msk vm8, v1;
	v15 =	vshra.s32 v18, $0x1F  }
0x1dc: {  	vm6 =	veq.s32 v11, v5;
	v13 =	vor.u32 $0x400, v8;
	vm7 =	veq.s32 v11, v4;
	[tilespmem:v14+s15+$0x0] =	vst.idx.add.s32.msk vm9, v1  }
0x1dd: {  	v11 =	vshra.s32 v10, $0x1F;
	v9 =	vand.u32 $0x7FFFFFFF, v9;
	v14 =	vand.u32 $0x7FFFFFFF, v15;
	v15 =	vld [tilespmem:s11+$0xFFFFFFD0]  }
0x1de: {  	v8 =	vor.u32 $0xC00, v8;
	v11 =	vand.u32 $0x7FFFFFFF, v11;
	[tilespmem:v6+s15+$0x0] =	vst.idx.add.s32.msk vm10, v1;
	v6 =	vxor.u32 v12, v9  }
0x1df: {  	v9 =	vxor.u32 v10, v11;
	v11 =	vld [tilespmem:s11+$0xFFFFFF90];
	v12 =	vshrl.u32 v6, $0xA  }
0x1e0: {  	v10 =	vxor.u32 v18, v14;
	v14 =	vshrl.u32 v9, $0xA;
	vm9 =	veq.s32 v12, v2;
	[tilespmem:v16+s15+$0x0] =	vst.idx.add.s32.msk vm4, v1  }
0x1e1: {  	v6 =	vand.u32 $0x3FF, v6;
	v17 =	vshrl.u32 v10, $0xA;
	vm10 =	veq.s32 v14, v2;
	[tilespmem:v7+s15+$0x0] =	vst.idx.add.s32.msk vm5, v1  }
0x1e2: {  	v9 =	vand.u32 $0x3FF, v9;
	v10 =	vand.u32 $0x3FF, v10;
	vm11 =	veq.s32 v14, v3;
	[tilespmem:v13+s15+$0x0] =	vst.idx.add.s32.msk vm6, v1  }
0x1e3: {  	vm8 =	veq.s32 v17, v5;
	vm6 =	veq.s32 v12, v3;
	v13 =	vor.u32 $0x800, v9;
	[tilespmem:v8+s15+$0x0] =	vst.idx.add.s32.msk vm7, v1  }
0x1e4: {  	v8 =	vor.u32 $0x800, v6;
	vm7 =	veq.s32 v17, v4;
	v14 =	vshra.s32 v11, $0x1F;
	v17 =	vld [tilespmem:s11+$0x10]  }
0x1e5: {  	v16 =	vor.u32 $0x400, v10;
	v18 =	vshra.s32 v15, $0x1F;
	v12 =	vld [tilespmem:s11+$0x60];
	v14 =	vand.u32 $0x7FFFFFFF, v14  }
0x1e6: {  	v10 =	vor.u32 $0xC00, v10;
	v7 =	vxor.u32 v11, v14;
	v11 =	vand.u32 $0x7FFFFFFF, v18;
	[tilespmem:v6+s15+$0x0] =	vst.idx.add.s32.msk vm9, v1  }
0x1e7: {  	v6 =	vshrl.u32 v7, $0xA;
	v18 =	vand.u32 $0x3FF, v7;
	v7 =	vxor.u32 v15, v11;
	[tilespmem:v9+s15+$0x0] =	vst.idx.add.s32.msk vm10, v1  }
0x1e8: {  	vm4 =	veq.s32 v6, v2;
	[tilespmem:v13+s15+$0x0] =	vst.idx.add.s32.msk vm11, v1;
	vm5 =	veq.s32 v6, v3;
	v13 =	vor.u32 $0x800, v18  }
0x1e9: {  	[tilespmem:v8+s15+$0x0] =	vst.idx.add.s32.msk vm6, v1;
	v8 =	vshrl.u32 v7, $0xA;
	v7 =	vand.u32 $0x3FF, v7;
	v9 =	vshra.s32 v17, $0x1F  }
0x1ea: {  	s13 =	sadd.s32 $0x4, s13;
	[tilespmem:v16+s15+$0x0] =	vst.idx.add.s32.msk vm8, v1;
	v11 =	vshra.s32 v12, $0x1F;
	v6 =	vand.u32 $0x7FFFFFFF, v9;
	vm6 =	veq.s32 v8, v2  }
0x1eb: {  	p3 =	slt.u32 s13, $0x3FC;
	v15 =	vld [tilespmem:s2+$0xFFFFFFB0];
	vm9 =	veq.s32 v8, v3;
	v11 =	vand.u32 $0x7FFFFFFF, v11;
	v6 =	vxor.u32 v17, v6  }
.Ltmp9:
0x1ec: {  	[tilespmem:v10+s15+$0x0] =	vst.idx.add.s32.msk vm7, v1;
	v10 =	vor.u32 $0x800, v7;
	v9 =	vxor.u32 v12, v11;
	v17 =	vshrl.u32 v6, $0xA;
	(pc) =	sbr.rel @!p3 .LBB2_18-.Ltmp9, $4  }
0x1ed: {  	v6 =	vand.u32 $0x3FF, v6;
	v11 =	vshrl.u32 v9, $0xA;
	v9 =	vand.u32 $0x3FF, v9  }
0x1ee: {  	v12 =	vld [tilespmem:s2+$0xFFFFFFF0];
	vm7 =	veq.s32 v17, v5;
	vm8 =	veq.s32 v17, v4;
	v8 =	vor.u32 $0xC00, v6  }
0x1ef: {  	vm12 =	veq.s32 v11, v5;
	v14 =	vor.u32 $0x400, v9;
	vm13 =	veq.s32 v11, v4;
	v11 =	vld [tilespmem:s2+$0x30]  }
0x1f0: {  	p1 =	por $0x1, $0x1;
	v16 =	vor.u32 $0xC00, v9;
	[tilespmem:v18+s15+$0x0] =	vst.idx.add.s32.msk vm4, v1;
	v9 =	vor.u32 $0x400, v6;
	s2 =	sadd.s32 $0x100, s11;
	v17 =	vshra.s32 v15, $0x1F  }
0x1f1: {  	_ =	sdelay $0x3  }
0x1f2: {  	v6 =	vld [tilespmem:s2+$0x40]  }
0x1f3: {  	[tilespmem:v14+s15+$0x0] =	vst.idx.add.s32.msk vm12, v1  }
0x1f4: {  	v17 =	vand.u32 $0x7FFFFFFF, v17;
	v19 =	vld [tilespmem:s2+$0xFFFFFFC0];
	v18 =	vshra.s32 v12, $0x1F  }
0x1f5: {  	v14 =	vxor.u32 v15, v17;
	[tilespmem:v16+s15+$0x0] =	vst.idx.add.s32.msk vm13, v1;
	v15 =	vand.u32 $0x7FFFFFFF, v18;
	v17 =	vshra.s32 v11, $0x1F  }
0x1f6: {  	v12 =	vxor.u32 v12, v15;
	v15 =	vand.u32 $0x7FFFFFFF, v17;
	v17 =	vld [tilespmem:s11+$0x70]  }
0x1f7: {  	v22 =	vld [tilespmem:s2+$0xFFFFFF80];
	v16 =	vshrl.u32 v14, $0xA;
	v14 =	vand.u32 $0x3FF, v14;
	v20 =	vshra.s32 v6, $0x1F  }
0x1f8: {  	[tilespmem:v13+s15+$0x0] =	vst.idx.add.s32.msk vm5, v1;
	vm13 =	veq.s32 v16, v2;
	vm12 =	veq.s32 v16, v3;
	v20 =	vand.u32 $0x7FFFFFFF, v20  }
0x1f9: {  	[tilespmem:v9+s15+$0x0] =	vst.idx.add.s32.msk vm7, v1;
	v9 =	vor.u32 $0x800, v14;
	v18 =	vshrl.u32 v12, $0xA;
	v6 =	vxor.u32 v6, v20  }
0x1fa: {  	[tilespmem:v7+s15+$0x0] =	vst.idx.add.s32.msk vm6, v1;
	v11 =	vxor.u32 v11, v15;
	v12 =	vand.u32 $0x3FF, v12;
	v13 =	vshrl.u32 v6, $0xA  }
0x1fb: {  	[tilespmem:v10+s15+$0x0] =	vst.idx.add.s32.msk vm9, v1;
	v6 =	vand.u32 $0x3FF, v6;
	v7 =	vshra.s32 v17, $0x1F;
	vm4 =	veq.s32 v13, v5  }
0x1fc: {  	[tilespmem:v8+s15+$0x0] =	vst.idx.add.s32.msk vm8, v1;
	v10 =	vor.u32 $0x400, v6;
	vm6 =	veq.s32 v13, v4;
	v7 =	vand.u32 $0x7FFFFFFF, v7  }
0x1fd: {  	v15 =	vld [tilespmem:s2+$0x0];
	v16 =	vshra.s32 v22, $0x1F;
	v6 =	vor.u32 $0xC00, v6;
	v7 =	vxor.u32 v17, v7  }
0x1fe: {  	v60 =	vld [tilespmem:s11+$0x20];
	vm5 =	veq.s32 v18, v2;
	vm11 =	veq.s32 v18, v3;
	v8 =	vshrl.u32 v7, $0xA  }
0x1ff: {  	v16 =	vand.u32 $0x7FFFFFFF, v16;
	v13 =	vld [tilespmem:s11+$0xFFFFFFA0];
	v7 =	vand.u32 $0x3FF, v7;
	vm7 =	veq.s32 v8, v5  }
0x200: {  	[tilespmem:v14+s15+$0x0] =	vst.idx.add.s32.msk vm13, v1;
	v18 =	vor.u32 $0x400, v7;
	vm8 =	veq.s32 v8, v4;
	v8 =	vshra.s32 v19, $0x1F  }
0x201: {  	v7 =	vor.u32 $0xC00, v7;
	v8 =	vand.u32 $0x7FFFFFFF, v8;
	[tilespmem:v10+s15+$0x0] =	vst.idx.add.s32.msk vm4, v1;
	v10 =	vxor.u32 v22, v16  }
0x202: {  	v8 =	vxor.u32 v19, v8;
	[tilespmem:v6+s15+$0x0] =	vst.idx.add.s32.msk vm6, v1;
	v6 =	vshra.s32 v15, $0x1F;
	v16 =	vshrl.u32 v10, $0xA  }
0x203: {  	v61 =	vshrl.u32 v8, $0xA;
	v10 =	vand.u32 $0x3FF, v10;
	v19 =	vld [tilespmem:s2+$0x50];
	vm6 =	veq.s32 v16, v2  }
0x204: {  	v17 =	vld [tilespmem:s11+$0xFFFFFFE0];
	v8 =	vand.u32 $0x3FF, v8;
	v6 =	vand.u32 $0x7FFFFFFF, v6;
	vm9 =	veq.s32 v16, v3  }
0x205: {  	v6 =	vxor.u32 v15, v6;
	v15 =	vor.u32 $0x800, v10;
	[tilespmem:v18+s15+$0x0] =	vst.idx.add.s32.msk vm7, v1;
	vm7 =	veq.s32 v61, v2  }
0x206: {  	v14 =	vor.u32 $0x800, v8;
	[tilespmem:v7+s15+$0x0] =	vst.idx.add.s32.msk vm8, v1;
	v7 =	vshrl.u32 v6, $0xA;
	vm8 =	veq.s32 v61, v3  }
0x207: {  	[tilespmem:v9+s15+$0x0] =	vst.idx.add.s32.msk vm12, v1;
	v16 =	vshra.s32 v13, $0x1F;
	v6 =	vand.u32 $0x3FF, v6;
	vm13 =	veq.s32 v7, v5  }
0x208: {  	[tilespmem:v12+s15+$0x0] =	vst.idx.add.s32.msk vm5, v1;
	vm12 =	veq.s32 v7, v4;
	v7 =	vor.u32 $0x400, v6;
	v9 =	vshra.s32 v19, $0x1F  }
0x209: {  	v16 =	vand.u32 $0x7FFFFFFF, v16;
	v18 =	vshra.s32 v60, $0x1F;
	v9 =	vand.u32 $0x7FFFFFFF, v9;
	[tilespmem:v10+s15+$0x0] =	vst.idx.add.s32.msk vm6, v1  }
0x20a: {  	v13 =	vxor.u32 v13, v16;
	v6 =	vor.u32 $0xC00, v6;
	v9 =	vxor.u32 v19, v9;
	[tilespmem:v15+s15+$0x0] =	vst.idx.add.s32.msk vm9, v1  }
0x20b: {  	v10 =	vshra.s32 v17, $0x1F;
	v15 =	vshrl.u32 v9, $0xA;
	[tilespmem:v8+s15+$0x0] =	vst.idx.add.s32.msk vm7, v1;
	v8 =	vand.u32 $0x3FF, v9  }
0x20c: {  	v9 =	vand.u32 $0x7FFFFFFF, v10;
	vm5 =	veq.s32 v15, v5;
	[tilespmem:v14+s15+$0x0] =	vst.idx.add.s32.msk vm8, v1;
	v10 =	vor.u32 $0x400, v8  }
0x20d: {  	vm7 =	veq.s32 v15, v4;
	v14 =	vand.u32 $0x7FFFFFFF, v18;
	[tilespmem:v7+s15+$0x0] =	vst.idx.add.s32.msk vm13, v1;
	v7 =	vor.u32 $0xC00, v8  }
0x20e: {  	v15 =	vld [tilespmem:s2+$0xFFFFFF90];
	v8 =	vxor.u32 v17, v9;
	v9 =	vxor.u32 v60, v14;
	v14 =	vshrl.u32 v13, $0xA  }
0x20f: {  	[tilespmem:v6+s15+$0x0] =	vst.idx.add.s32.msk vm12, v1;
	vm8 =	veq.s32 v14, v2  }
0x210: {  	v13 =	vand.u32 $0x3FF, v13;
	v6 =	vshrl.u32 v8, $0xA;
	vm9 =	veq.s32 v14, v3;
	v14 =	vld [tilespmem:s2+$0xFFFFFFD0]  }
0x211: {  	v19 =	vor.u32 $0x800, v12;
	v17 =	vor.u32 $0x800, v13;
	vm12 =	veq.s32 v6, v2;
	v12 =	vld [tilespmem:s2+$0x10]  }
0x212: {  	v8 =	vand.u32 $0x3FF, v8;
	vm13 =	veq.s32 v6, v3;
	[tilespmem:v10+s15+$0x0] =	vst.idx.add.s32.msk vm5, v1  }
0x213: {  	v16 =	vshrl.u32 v9, $0xA;
	v6 =	vand.u32 $0x3FF, v9;
	v9 =	vor.u32 $0x800, v8;
	[tilespmem:v7+s15+$0x0] =	vst.idx.add.s32.msk vm7, v1  }
0x214: {  	v21 =	vshrl.u32 v11, $0xA;
	v11 =	vand.u32 $0x3FF, v11;
	vm5 =	veq.s32 v16, v5;
	v18 =	vld [tilespmem:s2+$0x60]  }
0x215: {  	v62 =	vor.u32 $0x400, v11;
	v10 =	vor.u32 $0x400, v6;
	v7 =	vshra.s32 v15, $0x1F;
	[tilespmem:v13+s15+$0x0] =	vst.idx.add.s32.msk vm8, v1  }
0x216: {  	vm6 =	veq.s32 v16, v4;
	v16 =	vor.u32 $0xC00, v6;
	v7 =	vand.u32 $0x7FFFFFFF, v7;
	[tilespmem:v17+s15+$0x0] =	vst.idx.add.s32.msk vm9, v1  }
0x217: {  	v6 =	vor.u32 $0xC00, v11;
	v11 =	vshra.s32 v14, $0x1F;
	v7 =	vxor.u32 v15, v7;
	[tilespmem:v8+s15+$0x0] =	vst.idx.add.s32.msk vm12, v1  }
0x218: {  	v11 =	vand.u32 $0x7FFFFFFF, v11;
	v13 =	vshrl.u32 v7, $0xA;
	v17 =	vand.u32 $0x3FF, v7;
	[tilespmem:v9+s15+$0x0] =	vst.idx.add.s32.msk vm13, v1  }
0x219: {  	v7 =	vxor.u32 v14, v11;
	v9 =	vshra.s32 v12, $0x1F;
	v15 =	vld [tilespmem:s11+$0xFFFFFFB0];
	v11 =	vshra.s32 v18, $0x1F  }
0x21a: {  	vm0 =	vmmov vm2;
	v9 =	vand.u32 $0x7FFFFFFF, v9;
	[tilespmem:v10+s15+$0x0] =	vst.idx.add.s32.msk vm5, v1;
	v11 =	vand.u32 $0x7FFFFFFF, v11  }
0x21b: {  	vm10 =	veq.s32 v21, v5;
	v9 =	vxor.u32 v12, v9;
	v12 =	vld [tilespmem:s11+$0xFFFFFFF0];
	v10 =	vxor.u32 v18, v11  }
0x21c: {  	vm2 =	vmmov vm14;
	vm4 =	veq.s32 v21, v4;
	[tilespmem:v16+s15+$0x0] =	vst.idx.add.s32.msk vm6, v1;
	v11 =	vshrl.u32 v10, $0xA  }
0x21d: {  	vm8 =	veq.s32 v13, v2;
	vm12 =	veq.s32 v11, v5;
	vm13 =	veq.s32 v11, v4;
	v11 =	vld [tilespmem:s11+$0x30];
	s11 =	sadd.s32 $0x4, s13  }
0x21e: {  	vm4 =	vmmov vm4;
	v8 =	vshrl.u32 v7, $0xA;
	v7 =	vand.u32 $0x3FF, v7;
	p3 =	slt.u32 s11, $0x3FC  }
.Ltmp10:
0x21f: {  	vm5 =	veq.s32 v13, v3;
	vm9 =	veq.s32 v8, v3;
	v10 =	vand.u32 $0x3FF, v10;
	(pc) =	sbr.rel @!p3 .LBB2_20-.Ltmp10, $4  }
0x220: {  	v13 =	vor.u32 $0x800, v17;
	vm6 =	veq.s32 v8, v2;
	v14 =	vor.u32 $0x400, v10  }
0x221: {  	[tilespmem:v62+s15+$0x0] =	vst.idx.add.s32.msk vm10, v1;
	v63 =	vand.u32 $0x3FF, v9;
	v18 =	vshrl.u32 v9, $0xA;
	v16 =	vor.u32 $0xC00, v10  }
0x222: {  	[tilespmem:v19+s15+$0x0] =	vst.idx.add.s32.msk vm11, v1;
	v8 =	vor.u32 $0xC00, v63;
	v9 =	vor.u32 $0x400, v63;
	vm7 =	veq.s32 v18, v5  }
0x223: {  	p2 =	por $0x1, $0x1;
	[tilespmem:v17+s15+$0x0] =	vst.idx.add.s32.msk vm8, v1;
	v10 =	vor.u32 $0x800, v7;
	vm8 =	veq.s32 v18, v4;
	s13 =	sadd.s32 $0x100, s2;
	v17 =	vshra.s32 v15, $0x1F  }
.LBB2_21:
0x224: {  	v18 =	vld [tilespmem:s13+$0x40];
	v17 =	vand.u32 $0x7FFFFFFF, v17;
	v19 =	vshra.s32 v12, $0x1F  }
0x225: {  	[tilespmem:v14+s15+$0x0] =	vst.idx.add.s32.msk vm12, v1;
	v14 =	vxor.u32 v15, v17;
	v15 =	vand.u32 $0x7FFFFFFF, v19;
	v17 =	vshra.s32 v11, $0x1F  }
0x226: {  	[tilespmem:v16+s15+$0x0] =	vst.idx.add.s32.msk vm13, v1;
	v16 =	vshrl.u32 v14, $0xA;
	v12 =	vxor.u32 v12, v15;
	v15 =	vand.u32 $0x7FFFFFFF, v17  }
0x227: {  	v14 =	vand.u32 $0x3FF, v14;
	v17 =	vld [tilespmem:s2+$0x70];
	v19 =	vshrl.u32 v12, $0xA;
	v15 =	vxor.u32 v11, v15  }
0x228: {  	s11 =	sadd.s32 $0x4, s11;
	v11 =	vand.u32 $0x3FF, v12;
	v20 =	vld [tilespmem:s13+$0xFFFFFFC0];
	v21 =	vshrl.u32 v15, $0xA;
	v12 =	vand.u32 $0x3FF, v15  }
0x229: {  	p3 =	slt.u32 s11, $0x3FC;
	vm14 =	veq.s32 v16, v2;
	vm13 =	veq.s32 v16, v3;
	v15 =	vld [tilespmem:s13+$0x0];
	v22 =	vshra.s32 v18, $0x1F  }
0x22a: {  	vm12 =	veq.s32 v19, v2;
	vm11 =	veq.s32 v19, v3;
	v16 =	vld [tilespmem:s13+$0xFFFFFF80];
	v22 =	vand.u32 $0x7FFFFFFF, v22  }
0x22b: {  	vm10 =	veq.s32 v21, v5;
	v18 =	vxor.u32 v18, v22;
	[tilespmem:v13+s15+$0x0] =	vst.idx.add.s32.msk vm5, v1;
	v13 =	vor.u32 $0x800, v14  }
0x22c: {  	vm5 =	veq.s32 v21, v4;
	v19 =	vshrl.u32 v18, $0xA;
	[tilespmem:v7+s15+$0x0] =	vst.idx.add.s32.msk vm6, v1;
	v7 =	vshra.s32 v17, $0x1F  }
0x22d: {  	v18 =	vand.u32 $0x3FF, v18;
	vm6 =	veq.s32 v19, v5;
	[tilespmem:v10+s15+$0x0] =	vst.idx.add.s32.msk vm9, v1;
	v7 =	vand.u32 $0x7FFFFFFF, v7  }
0x22e: {  	v10 =	vor.u32 $0x400, v18;
	vm9 =	veq.s32 v19, v4;
	[tilespmem:v9+s15+$0x0] =	vst.idx.add.s32.msk vm7, v1;
	v7 =	vxor.u32 v17, v7  }
0x22f: {  	v17 =	vor.u32 $0xC00, v18;
	v9 =	vshra.s32 v16, $0x1F;
	[tilespmem:v8+s15+$0x0] =	vst.idx.add.s32.msk vm8, v1;
	v8 =	vshrl.u32 v7, $0xA  }
0x230: {  	v18 =	vshra.s32 v20, $0x1F;
	v7 =	vand.u32 $0x3FF, v7;
	v19 =	vld [tilespmem:s2+$0xFFFFFFA0];
	vm7 =	veq.s32 v8, v5  }
0x231: {  	v21 =	vshra.s32 v15, $0x1F;
	v23 =	vor.u32 $0x400, v7;
	vm1 =	veq.s32 v8, v4;
	v22 =	vld [tilespmem:s2+$0xFFFFFFE0]  }
0x232: {  	v8 =	vand.u32 $0x7FFFFFFF, v9;
	v9 =	vand.u32 $0x7FFFFFFF, v18;
	v7 =	vor.u32 $0xC00, v7;
	v18 =	vld [tilespmem:s2+$0x20]  }
0x233: {  	v8 =	vxor.u32 v16, v8;
	v9 =	vxor.u32 v20, v9;
	v16 =	vand.u32 $0x7FFFFFFF, v21;
	[tilespmem:v10+s15+$0x0] =	vst.idx.add.s32.msk vm6, v1  }
0x234: {  	v20 =	vshrl.u32 v9, $0xA;
	v15 =	vxor.u32 v15, v16;
	v10 =	vshrl.u32 v8, $0xA;
	[tilespmem:v17+s15+$0x0] =	vst.idx.add.s32.msk vm9, v1  }
0x235: {  	v9 =	vand.u32 $0x3FF, v9;
	v8 =	vand.u32 $0x3FF, v8;
	v16 =	vshrl.u32 v15, $0xA;
	v17 =	vld [tilespmem:s13+$0x50]  }
0x236: {  	vm3 =	veq.s32 v10, v2;
	vm9 =	veq.s32 v10, v3;
	v10 =	vand.u32 $0x3FF, v15;
	[tilespmem:v23+s15+$0x0] =	vst.idx.add.s32.msk vm7, v1  }
0x237: {  	vm15 =	veq.s32 v20, v2;
	vm8 =	veq.s32 v20, v3;
	v15 =	vor.u32 $0x800, v8;
	[tilespmem:v7+s15+$0x0] =	vst.idx.add.s32.msk vm1, v1  }
0x238: {  	vm6 =	veq.s32 v16, v4;
	vm7 =	veq.s32 v16, v5;
	v7 =	vor.u32 $0x800, v9;
	[tilespmem:v14+s15+$0x0] =	vst.idx.add.s32.msk vm14, v1  }
0x239: {  	v16 =	vshra.s32 v19, $0x1F;
	v14 =	vor.u32 $0x400, v10;
	v10 =	vor.u32 $0xC00, v10;
	[tilespmem:v13+s15+$0x0] =	vst.idx.add.s32.msk vm13, v1  }
0x23a: {  	v20 =	vshra.s32 v22, $0x1F;
	v21 =	vshra.s32 v18, $0x1F;
	v13 =	vshra.s32 v17, $0x1F;
	[tilespmem:v11+s15+$0x0] =	vst.idx.add.s32.msk vm12, v1  }
0x23b: {  	v16 =	vand.u32 $0x7FFFFFFF, v16;
	v20 =	vand.u32 $0x7FFFFFFF, v20;
	v13 =	vand.u32 $0x7FFFFFFF, v13;
	[tilespmem:v6+s15+$0x0] =	vst.idx.add.s32.msk vm4, v1  }
0x23c: {  	[tilespmem:v8+s15+$0x0] =	vst.idx.add.s32.msk vm3, v1;
	v6 =	vxor.u32 v17, v13;
	v8 =	vxor.u32 v19, v16;
	v13 =	vand.u32 $0x7FFFFFFF, v21  }
0x23d: {  	v16 =	vxor.u32 v22, v20;
	[tilespmem:v15+s15+$0x0] =	vst.idx.add.s32.msk vm9, v1;
	v15 =	vshrl.u32 v6, $0xA;
	v13 =	vxor.u32 v18, v13  }
0x23e: {  	v6 =	vand.u32 $0x3FF, v6;
	[tilespmem:v9+s15+$0x0] =	vst.idx.add.s32.msk vm15, v1;
	vm1 =	veq.s32 v15, v5;
	v9 =	vshrl.u32 v8, $0xA  }
0x23f: {  	vm3 =	veq.s32 v15, v4;
	v15 =	vshrl.u32 v16, $0xA;
	[tilespmem:v7+s15+$0x0] =	vst.idx.add.s32.msk vm8, v1;
	v7 =	vor.u32 $0x400, v6  }
0x240: {  	v8 =	vand.u32 $0x3FF, v8;
	v6 =	vor.u32 $0xC00, v6;
	[tilespmem:v14+s15+$0x0] =	vst.idx.add.s32.msk vm7, v1;
	v14 =	vshrl.u32 v13, $0xA  }
0x241: {  	vm12 =	veq.s32 v9, v2;
	v13 =	vand.u32 $0x3FF, v13;
	[tilespmem:v10+s15+$0x0] =	vst.idx.add.s32.msk vm6, v1;
	v10 =	vand.u32 $0x3FF, v16  }
0x242: {  	vm13 =	veq.s32 v9, v3;
	vm9 =	veq.s32 v15, v2;
	vm8 =	veq.s32 v15, v3;
	v16 =	vld [tilespmem:s13+$0xFFFFFF90]  }
0x243: {  	v15 =	vor.u32 $0x800, v8;
	vm7 =	veq.s32 v14, v5;
	vm6 =	veq.s32 v14, v4;
	v9 =	vld [tilespmem:s13+$0xFFFFFFD0]  }
0x244: {  	v17 =	vor.u32 $0x400, v13;
	v13 =	vor.u32 $0xC00, v13;
	v14 =	vor.u32 $0x800, v10;
	[tilespmem:v7+s15+$0x0] =	vst.idx.add.s32.msk vm1, v1  }
0x245: {  	v19 =	vor.u32 $0x400, v12;
	v18 =	vor.u32 $0x800, v11;
	[tilespmem:v6+s15+$0x0] =	vst.idx.add.s32.msk vm3, v1;
	v6 =	vor.u32 $0xC00, v12  }
0x246: {  	vm4 =	vmmov vm5;
	v11 =	vld [tilespmem:s13+$0x60]  }
0x247: {  	v7 =	vshra.s32 v16, $0x1F;
	v12 =	vld [tilespmem:s13+$0x10]  }
0x248: {  	v7 =	vand.u32 $0x7FFFFFFF, v7;
	v20 =	vshra.s32 v9, $0x1F;
	[tilespmem:v8+s15+$0x0] =	vst.idx.add.s32.msk vm12, v1  }
0x249: {  	v7 =	vxor.u32 v16, v7;
	v8 =	vand.u32 $0x7FFFFFFF, v20;
	[tilespmem:v15+s15+$0x0] =	vst.idx.add.s32.msk vm13, v1  }
0x24a: {  	v15 =	vshrl.u32 v7, $0xA;
	v20 =	vand.u32 $0x3FF, v7;
	v7 =	vxor.u32 v9, v8;
	[tilespmem:v10+s15+$0x0] =	vst.idx.add.s32.msk vm9, v1  }
0x24b: {  	v8 =	vshrl.u32 v7, $0xA;
	v7 =	vand.u32 $0x3FF, v7;
	v9 =	vshra.s32 v11, $0x1F;
	[tilespmem:v14+s15+$0x0] =	vst.idx.add.s32.msk vm8, v1  }
0x24c: {  	vm1 =	veq.s32 v15, v2;
	v10 =	vshra.s32 v12, $0x1F;
	v9 =	vand.u32 $0x7FFFFFFF, v9;
	[tilespmem:v17+s15+$0x0] =	vst.idx.add.s32.msk vm7, v1  }
0x24d: {  	vm5 =	veq.s32 v15, v3;
	v10 =	vand.u32 $0x7FFFFFFF, v10;
	v9 =	vxor.u32 v11, v9;
	[tilespmem:v13+s15+$0x0] =	vst.idx.add.s32.msk vm6, v1  }
0x24e: {  	vm6 =	veq.s32 v8, v2;
	v10 =	vxor.u32 v12, v10;
	v11 =	vshrl.u32 v9, $0xA;
	v15 =	vld [tilespmem:s2+$0xFFFFFFB0]  }
.Ltmp11:
0x24f: {  	v9 =	vand.u32 $0x3FF, v9;
	v17 =	vshrl.u32 v10, $0xA;
	vm12 =	veq.s32 v11, v5;
	v12 =	vld [tilespmem:s2+$0xFFFFFFF0];
	(pc) =	sbr.rel @p3 .LBB2_21-.Ltmp11, $4  }
0x250: {  	v21 =	vand.u32 $0x3FF, v10;
	v14 =	vor.u32 $0x400, v9;
	vm13 =	veq.s32 v11, v4;
	v11 =	vld [tilespmem:s2+$0x30];
	s2 =	smov.u32 s13  }
0x251: {  	vm9 =	veq.s32 v8, v3;
	v16 =	vor.u32 $0xC00, v9;
	vm7 =	veq.s32 v17, v5;
	[tilespmem:v18+s15+$0x0] =	vst.idx.add.s32.msk vm11, v1  }
0x252: {  	v13 =	vor.u32 $0x800, v20;
	v10 =	vor.u32 $0x800, v7;
	vm8 =	veq.s32 v17, v4;
	[tilespmem:v20+s15+$0x0] =	vst.idx.add.s32.msk vm1, v1  }
0x253: {  	v9 =	vor.u32 $0x400, v21;
	v8 =	vor.u32 $0xC00, v21;
	s13 =	sadd.s32 $0x100, s13;
	v17 =	vshra.s32 v15, $0x1F;
	[tilespmem:v19+s15+$0x0] =	vst.idx.add.s32.msk vm10, v1  }
0x254: {  	v18 =	vld [tilespmem:$0x1FFF0];
	_ =	sdelay $0x3  }
0x255: {  	vm14 =	vmmov vm2  }
0x256: {  	s11 =	smov.u32 s2;
	vm2 =	vmmov vm0;
	vm15 =	vcmask $0xB10;
	vm0 =	vnez.u8 v18  }
.LBB2_23:
0x257: {  	_ =	sdelay $0x4  }
0x258: {  	[tilespmem:v13+s15+$0x0] =	vst.idx.add.s32.msk vm5, v1  }
0x259: {  	[tilespmem:v7+s15+$0x0] =	vst.idx.add.s32.msk vm6, v1  }
0x25a: {  	[tilespmem:v9+s15+$0x0] =	vst.idx.add.s32.msk vm7, v1  }
0x25b: {  	[tilespmem:v14+s15+$0x0] =	vst.idx.add.s32.msk vm12, v1  }
0x25c: {  	[tilespmem:v10+s15+$0x0] =	vst.idx.add.s32.msk vm9, v1  }
0x25d: {  	v7 =	vld [tilespmem:s11+$0xFFFFFFA0]  }
0x25e: {  	[tilespmem:v8+s15+$0x0] =	vst.idx.add.s32.msk vm8, v1  }
0x25f: {  	[tilespmem:v16+s15+$0x0] =	vst.idx.add.s32.msk vm13, v1  }
0x260: {  	v42 =	vld [tilespmem:s11+$0xFFFFFFE0]  }
0x261: {  	v8 =	vld [tilespmem:s11+$0x20]  }
0x262: {  	v47 =	vld [tilespmem:s11+$0x70];
	_ =	sdelay $0x2  }
0x263: {  	v13 =	vand.u32 @p1 $0x7FFFFFFF, v17;
	v43 =	vshra.s32 v7, $0x1F  }
0x264: {  	v17 =	vshra.s32 @p1 v12, $0x1F;
	v10 =	vand.u32 $0x7FFFFFFF, v43;
	v18 =	vshra.s32 v42, $0x1F  }
0x265: {  	v46 =	vshra.s32 v8, $0x1F;
	v50 =	vshra.s32 v47, $0x1F;
	v7 =	vxor.u32 v7, v10  }
0x266: {  	v10 =	vxor.u32 @p1 v15, v13;
	v44 =	vand.u32 $0x7FFFFFFF, v18;
	v45 =	vshrl.u32 v7, $0xA  }
0x267: {  	v14 =	vand.u32 $0x7FFFFFFF, v46;
	v9 =	vxor.u32 v42, v44;
	vm1 =	veq.s32 v45, v2  }
0x268: {  	v7 =	vand.u32 $0x3FF, v7;
	v13 =	vshrl.u32 v9, $0xA;
	vm3 =	veq.s32 v45, v3  }
0x269: {  	v18 =	vshra.s32 @p1 v11, $0x1F;
	v48 =	vor.u32 $0x800, v7;
	vm9 =	veq.s32 v13, v2  }
0x26a: {  	v8 =	vxor.u32 v8, v14;
	v18 =	vand.u32 @p1 $0x7FFFFFFF, v18;
	v9 =	vand.u32 $0x3FF, v9  }
0x26b: {  	v14 =	vshrl.u32 v8, $0xA;
	v8 =	vand.u32 $0x3FF, v8;
	vm10 =	veq.s32 v13, v3  }
0x26c: {  	[tilespmem:v6+s15+$0x0] =	vst.idx.add.s32.msk @p2 vm4, v1;
	v11 =	vxor.u32 @p1 v11, v18;
	v13 =	vand.u32 @p1 $0x7FFFFFFF, v17;
	v49 =	vor.u32 $0x800, v9  }
0x26d: {  	vm11 =	veq.s32 v14, v5;
	v15 =	vshrl.u32 @p1 v11, $0xA;
	v11 =	vand.u32 @p1 $0x3FF, v11;
	[tilespmem:v7+s15+$0x0] =	vst.idx.add.s32.msk vm1, v1  }
0x26e: {  	v12 =	vxor.u32 @p1 v12, v13;
	v7 =	vor.u32 $0x400, v8;
	vm1 =	veq.s32 v14, v4;
	[tilespmem:v48+s15+$0x0] =	vst.idx.add.s32.msk vm3, v1  }
0x26f: {  	v13 =	vshrl.u32 @p1 v10, $0xA;
	v14 =	vand.u32 $0x7FFFFFFF, v50;
	v8 =	vor.u32 $0xC00, v8;
	[tilespmem:v9+s15+$0x0] =	vst.idx.add.s32.msk vm9, v1  }
0x270: {  	v10 =	vand.u32 @p1 $0x3FF, v10;
	vm5 =	veq.s32 @p1 v15, v5;
	v14 =	vxor.u32 v47, v14;
	v52 =	vld [tilespmem:s11+$0xFFFFFFB0]  }
0x271: {  	v18 =	vor.u32 @p1 $0x400, v11;
	v11 =	vor.u32 @p1 $0xC00, v11;
	[tilespmem:v49+s15+$0x0] =	vst.idx.add.s32.msk vm10, v1;
	v51 =	vshrl.u32 v14, $0xA  }
0x272: {  	vm8 =	veq.s32 @p1 v13, v2;
	v14 =	vand.u32 $0x3FF, v14;
	vm3 =	veq.s32 v51, v5;
	v53 =	vld [tilespmem:s11+$0xFFFFFFF0]  }
0x273: {  	v6 =	vpsel p1, v11, v0;
	vm7 =	veq.s32 v51, v4;
	[tilespmem:v7+s15+$0x0] =	vst.idx.add.s32.msk vm11, v1;
	v7 =	vor.u32 $0x400, v14  }
0x274: {  	v9 =	vshrl.u32 @p1 v12, $0xA;
	v12 =	vand.u32 @p1 $0x3FF, v12;
	v54 =	vor.u32 $0xC00, v14;
	[tilespmem:v8+s15+$0x0] =	vst.idx.add.s32.msk vm1, v1  }
0x275: {  	vm9 =	veq.s32 @p1 v13, v3;
	vm10 =	veq.s32 @p1 v9, v2;
	v55 =	vld [tilespmem:s11+$0x30];
	v56 =	vshra.s32 v52, $0x1F  }
0x276: {  	vm6 =	veq.s32 @p1 v9, v3;
	vm1 =	veq.s32 @p1 v15, v4;
	v15 =	vand.u32 $0x7FFFFFFF, v56  }
0x277: {  	v14 =	vor.u32 @p1 $0x800, v12;
	v8 =	vor.u32 @p1 $0x800, v10;
	v15 =	vxor.u32 v52, v15  }
0x278: {  	vm1 =	vmmov @p1 vm1;
	[tilespmem:v7+s15+$0x0] =	vst.idx.add.s32.msk vm3, v1;
	v7 =	vshra.s32 v53, $0x1F;
	v57 =	vshrl.u32 v15, $0xA  }
0x279: {  	[tilespmem:v54+s15+$0x0] =	vst.idx.add.s32.msk vm7, v1;
	vm7 =	vmmov @p1 vm1;
	v7 =	vand.u32 $0x7FFFFFFF, v7;
	vm1 =	veq.s32 v57, v2  }
0x27a: {  	[tilespmem:v18+s15+$0x0] =	vst.idx.add.s32.msk @p1 vm5, v1;
	v59 =	vand.u32 $0x3FF, v15;
	v58 =	vshra.s32 v55, $0x1F;
	v7 =	vxor.u32 v53, v7  }
0x27b: {  	[tilespmem:v10+s15+$0x0] =	vst.idx.add.s32.msk @p1 vm8, v1;
	vm3 =	veq.s32 v57, v3;
	v60 =	vshrl.u32 v7, $0xA;
	v10 =	vand.u32 $0x7FFFFFFF, v58  }
0x27c: {  	[tilespmem:v12+s15+$0x0] =	vst.idx.add.s32.msk @p1 vm10, v1;
	v61 =	vor.u32 $0x800, v59;
	vm8 =	veq.s32 v60, v2;
	v9 =	vxor.u32 v55, v10  }
0x27d: {  	[tilespmem:v8+s15+$0x0] =	vst.idx.add.s32.msk @p1 vm9, v1;
	v7 =	vand.u32 $0x3FF, v7;
	vm9 =	veq.s32 v60, v3;
	v10 =	vshrl.u32 v9, $0xA  }
0x27e: {  	[tilespmem:v14+s15+$0x0] =	vst.idx.add.s32.msk @p1 vm6, v1;
	v62 =	vor.u32 $0x800, v7;
	v9 =	vand.u32 $0x3FF, v9;
	vm10 =	veq.s32 v10, v5  }
0x27f: {  	vm11 =	veq.s32 v10, v4;
	v63 =	vor.u32 $0x400, v9;
	[tilespmem:v59+s15+$0x0] =	vst.idx.add.s32.msk vm1, v1  }
0x280: {  	v9 =	vor.u32 $0xC00, v9;
	[tilespmem:v6+s15+$0x0] =	vst.idx.add.s32.msk @p1 vm7, v1  }
0x281: {  	[tilespmem:v61+s15+$0x0] =	vst.idx.add.s32.msk vm3, v1  }
0x282: {  	[tilespmem:v7+s15+$0x0] =	vst.idx.add.s32.msk vm8, v1  }
0x283: {  	[tilespmem:v62+s15+$0x0] =	vst.idx.add.s32.msk vm9, v1  }
0x284: {  	[tilespmem:v63+s15+$0x0] =	vst.idx.add.s32.msk vm10, v1  }
0x285: {  	vm1 =	vmmov vm11;
	[tilespmem:v9+s15+$0x0] =	vst.idx.add.s32.msk vm11, v1  }
.LBB2_24:
0x286: {  	s2 =	simm.s32 $0x400  }
0x287: {  	[spmem:s7] =	stream.strided.scatter [tilespmem:s15], [sflag:$0x2], $0x1000, s2, s16, $0x38;
	[tilespmem:$0x17500] =	vst v63  }
0x288: {  	_ =	swait.ge [sflag:s12], $0x1000  }
0x289: {  	[sflag:s12] =	ssyncset.done $0x0  }
0x28a: {  	s18 =	simm.s32 $0x800;
	[sflag:s12] =	ssyncadd.s32 $0xFFFFF000  }
0x28b: {  	s11 =	simm.s32 $0x8000;
	s13 =	simm.s32 $0x12000;
	[bflag:$0x0] =	sbarrier.arrive $0xFFFF  }
0x28c: {  	[tilespmem:s13], [sflag:$0x2] =	stream.strided.gather [spmem:s8], $0x1000, s11, s18, $0x38;
	[tilespmem:$0x17500] =	vst v63  }
0x28d: {  	s19 =	simm.s32 $0x0;
	_ =	swait.ge [sflag:s12], $0x1000  }
0x28e: {  	s20 =	sand.u32 $0x70, s19;
	s2 =	sand.u32 $0x400, s19;
	[sflag:s12] =	ssyncset.done $0x0  }
0x28f: {  	s2 =	sor.u32 s20, s2;
	[sflag:s12] =	ssyncadd.s32 $0xFFFFF000  }
0x290: {  	v6 =	vld [tilespmem:s2+$0x12000]  }
0x291: {  	v7 =	vld [tilespmem:s2+$0x12080]  }
0x292: {  	v8 =	vld [tilespmem:s2+$0x12100]  }
0x293: {  	v9 =	vld [tilespmem:s2+$0x12180]  }
0x294: {  	v10 =	vld [tilespmem:s2+$0x12200]  }
0x295: {  	v11 =	vld [tilespmem:s2+$0x12280]  }
0x296: {  	v12 =	vld [tilespmem:s2+$0x12300]  }
0x297: {  	v13 =	vld [tilespmem:s2+$0x12380]  }
0x298: {  	v14 =	vld [tilespmem:s2+$0x12800]  }
0x299: {  	v15 =	vld [tilespmem:s2+$0x12880]  }
0x29a: {  	v16 =	vld [tilespmem:s2+$0x12900]  }
0x29b: {  	v17 =	vld [tilespmem:s2+$0x12980]  }
0x29c: {  	v18 =	vld [tilespmem:s2+$0x12A00]  }
0x29d: {  	s21 =	simm.s32 $0x10;
	s22 =	simm.s32 $0x80;
	v19 =	vld [tilespmem:s2+$0x12A80]  }
0x29e: {  	s11 =	sand.u32 $0x70, s21;
	s13 =	sand.u32 $0x400, s22;
	v20 =	vld [tilespmem:s2+$0x12B00]  }
0x29f: {  	s18 =	sor.u32 s11, s13;
	v21 =	vld [tilespmem:s2+$0x12B80]  }
0x2a0: {  	v6 =	vadd.s32 v6, v7;
	v7 =	vld [tilespmem:s18+$0x12000]  }
0x2a1: {  	v6 =	vadd.s32 v8, v6;
	v8 =	vld [tilespmem:s18+$0x12080]  }
0x2a2: {  	v6 =	vadd.s32 v9, v6;
	v9 =	vld [tilespmem:s18+$0x12100]  }
0x2a3: {  	v6 =	vadd.s32 v10, v6;
	v10 =	vld [tilespmem:s18+$0x12180]  }
0x2a4: {  	v6 =	vadd.s32 v11, v6;
	v11 =	vld [tilespmem:s18+$0x12200]  }
0x2a5: {  	v61 =	vld [tilespmem:s18+$0x12280];
	v6 =	vadd.s32 v12, v6  }
0x2a6: {  	v6 =	vadd.s32 v13, v6;
	v7 =	vadd.s32 v7, v8;
	v8 =	vld [tilespmem:s18+$0x12300]  }
0x2a7: {  	v6 =	vadd.s32 v14, v6;
	v7 =	vadd.s32 v9, v7;
	v9 =	vld [tilespmem:s18+$0x12380]  }
0x2a8: {  	v6 =	vadd.s32 v15, v6;
	v7 =	vadd.s32 v10, v7;
	v10 =	vld [tilespmem:s18+$0x12800]  }
0x2a9: {  	v6 =	vadd.s32 v16, v6;
	v7 =	vadd.s32 v11, v7;
	v11 =	vld [tilespmem:s18+$0x12880]  }
0x2aa: {  	v62 =	vld [tilespmem:s18+$0x12900];
	v6 =	vadd.s32 v17, v6;
	v7 =	vadd.s32 v61, v7  }
0x2ab: {  	v63 =	vadd.s32 v18, v6;
	v7 =	vadd.s32 v8, v7;
	v6 =	vld [tilespmem:s18+$0x12980]  }
0x2ac: {  	s0 =	ssub.s32 s25, s0;
	s25 =	simm.s32 $0x100;
	v8 =	vadd.s32 v19, v63;
	v9 =	vadd.s32 v9, v7;
	v7 =	vld [tilespmem:s18+$0x12A00]  }
0x2ad: {  	s17 =	simm.s32 $0x13000;
	s2 =	ssub.s32 s28, s30;
	s30 =	simm.s32 $0x20;
	v13 =	vadd.s32 v20, v8;
	v9 =	vadd.s32 v10, v9;
	v8 =	vld [tilespmem:s18+$0x12A80]  }
0x2ae: {  	s20 =	sand.u32 $0x400, s25;
	s11 =	ssub.s32 s26, s29;
	s19 =	sand.u32 $0x70, s30;
	v10 =	vadd.s32 v21, v13;
	v11 =	vadd.s32 v11, v9;
	v9 =	vld [tilespmem:s18+$0x12B00]  }
0x2af: {  	s13 =	ssub.s32 s24, s31;
	s26 =	simm.s32 $0x30;
	s24 =	sor.u32 s19, s20;
	[tilespmem:s17+$0x0] =	vst v10;
	v11 =	vadd.s32 v62, v11;
	v10 =	vld [tilespmem:s18+$0x12B80]  }
.LBB2_25:
0x2b0: {  	p1 =	sne.s32 s26, $0xF0;
	v12 =	vld [tilespmem:s24+$0x12000];
	v6 =	vadd.s32 v6, v11  }
0x2b1: {  	v11 =	vld [tilespmem:s24+$0x12080];
	v6 =	vadd.s32 v7, v6  }
0x2b2: {  	v7 =	vld [tilespmem:s24+$0x12100];
	v6 =	vadd.s32 v8, v6  }
0x2b3: {  	v8 =	vld [tilespmem:s24+$0x12180];
	v6 =	vadd.s32 v9, v6  }
0x2b4: {  	s17 =	sadd.s32 $0x10, s17;
	v9 =	vld [tilespmem:s24+$0x12200];
	v6 =	vadd.s32 v10, v6  }
0x2b5: {  	v10 =	vld [tilespmem:s24+$0x12280];
	[tilespmem:s17+$0x0] =	vst v6  }
0x2b6: {  	v6 =	vadd.s32 v12, v11;
	v11 =	vld [tilespmem:s24+$0x12300]  }
0x2b7: {  	v6 =	vadd.s32 v7, v6;
	v7 =	vld [tilespmem:s24+$0x12380]  }
0x2b8: {  	v6 =	vadd.s32 v8, v6;
	v8 =	vld [tilespmem:s24+$0x12800]  }
0x2b9: {  	v6 =	vadd.s32 v9, v6;
	v9 =	vld [tilespmem:s24+$0x12880]  }
0x2ba: {  	v6 =	vadd.s32 v10, v6;
	v10 =	vld [tilespmem:s24+$0x12900]  }
.Ltmp12:
0x2bb: {  	v11 =	vadd.s32 v11, v6;
	v6 =	vld [tilespmem:s24+$0x12980];
	(pc) =	sbr.rel @p1 .LBB2_25-.Ltmp12, $4  }
0x2bc: {  	v11 =	vadd.s32 v7, v11;
	v7 =	vld [tilespmem:s24+$0x12A00]  }
0x2bd: {  	s25 =	sadd.s32 $0x80, s25;
	v11 =	vadd.s32 v8, v11;
	v8 =	vld [tilespmem:s24+$0x12A80]  }
0x2be: {  	s18 =	sand.u32 $0x70, s26;
	s19 =	sand.u32 $0x400, s25;
	v11 =	vadd.s32 v9, v11;
	v9 =	vld [tilespmem:s24+$0x12B00]  }
0x2bf: {  	s26 =	sadd.s32 $0x10, s26;
	v11 =	vadd.s32 v10, v11;
	v10 =	vld [tilespmem:s24+$0x12B80];
	s24 =	sor.u32 s18, s19  }
0x2c0: {  	v12 =	vld [tilespmem:s24+$0x12000]  }
0x2c1: {  	v13 =	vld [tilespmem:s24+$0x12080]  }
0x2c2: {  	v14 =	vld [tilespmem:s24+$0x12100]  }
0x2c3: {  	v15 =	vld [tilespmem:s24+$0x12180]  }
0x2c4: {  	v16 =	vld [tilespmem:s24+$0x12200]  }
0x2c5: {  	v17 =	vld [tilespmem:s24+$0x12280]  }
0x2c6: {  	v51 =	vld [tilespmem:s24+$0x12300];
	v12 =	vadd.s32 v12, v13  }
0x2c7: {  	v52 =	vld [tilespmem:s24+$0x12380];
	v12 =	vadd.s32 v14, v12  }
0x2c8: {  	v53 =	vld [tilespmem:s24+$0x12800];
	v12 =	vadd.s32 v15, v12  }
0x2c9: {  	v54 =	vld [tilespmem:s24+$0x12880];
	v12 =	vadd.s32 v16, v12  }
0x2ca: {  	v55 =	vld [tilespmem:s24+$0x12900];
	v12 =	vadd.s32 v17, v12  }
0x2cb: {  	v56 =	vld [tilespmem:s24+$0x12980];
	v12 =	vadd.s32 v51, v12  }
0x2cc: {  	v58 =	vld [tilespmem:s24+$0x12A00];
	v57 =	vadd.s32 v52, v12  }
0x2cd: {  	v6 =	vadd.s32 v6, v11;
	v60 =	vld [tilespmem:s24+$0x12A80];
	v59 =	vadd.s32 v53, v57  }
0x2ce: {  	v61 =	vld [tilespmem:s24+$0x12B00];
	v6 =	vadd.s32 v7, v6;
	v7 =	vadd.s32 v54, v59  }
0x2cf: {  	v62 =	vld [tilespmem:s24+$0x12B80];
	vm4 =	vcmask @!p0 $0xB08;
	v7 =	vadd.s32 v55, v7  }
0x2d0: {  	vm1 =	vcmask @!p0 $0x300;
	vm5 =	vcmask @!p0 $0x1310;
	v7 =	vadd.s32 v56, v7  }
0x2d1: {  	vm3 =	vmor @!p0 vm1, vm4;
	v6 =	vadd.s32 v8, v6;
	v7 =	vadd.s32 v58, v7  }
0x2d2: {  	vm3 =	vmor @!p0 vm3, vm5;
	v6 =	vadd.s32 v9, v6;
	v7 =	vadd.s32 v60, v7  }
0x2d3: {  	s17 =	sadd.s32 $0x10, s17;
	vm5 =	vcmask @!p0 $0x1B18;
	v6 =	vadd.s32 v10, v6;
	v7 =	vadd.s32 v61, v7  }
0x2d4: {  	vm3 =	vmor @!p0 vm3, vm5;
	vm5 =	vcmask @!p0 $0x2320;
	[tilespmem:s17+$0x0] =	vst v6;
	s17 =	sadd.s32 $0x10, s17;
	v63 =	vadd.s32 v62, v7  }
0x2d5: {  	s31 =	simm.s32 $0x100;
	s18 =	simm.s32 $0x13000;
	vm3 =	vmor @!p0 vm3, vm5;
	vm5 =	vcmask @!p0 $0x2B28;
	[tilespmem:s17+$0x0] =	vst v63  }
0x2d6: {  	vm3 =	vmor @!p0 vm3, vm5;
	vm5 =	vcmask @!p0 $0x3330;
	[hbm4b:s9+s16] =	stream.strided.scatter [tilespmem:s18], [sflag:$0x2], $0x100, s31, s16, $0x38;
	[tilespmem:$0x17500] =	vst v63  }
0x2d7: {  	v6 =	vmov @!p0 s11;
	vm3 =	vmor @!p0 vm3, vm5;
	vm5 =	vcmask @!p0 $0x3B38;
	_ =	swait.ge [sflag:s12], $0x100  }
0x2d8: {  	v6 =	vnsel @!p0 vm1, $0x0, v6;
	vm1 =	vcmask @!p0 $0x704;
	vm3 =	vmor @!p0 vm3, vm5;
	[sflag:s12] =	ssyncset.done $0x0  }
0x2d9: {  	v2 =	vsel @!p0 vm3, v2, v5;
	v5 =	vsel @!p0 vm1, s0, v6;
	[sflag:s12] =	ssyncadd.s32 $0xFFFFFF00  }
0x2da: {  	vm1 =	vcmask @!p0 $0xF0C;
	[tilespmem:$0x17300] =	vst @!p0 v2;
	v2 =	vsel @!p0 vm3, v3, v4;
	v3 =	vsel @!p0 vm4, s2, v5  }
0x2db: {  	s23 =	sadd.s32 $0x1, s23;
	[tilespmem:$0x17380] =	vst @!p0 v2;
	v2 =	vsel @!p0 vm1, s13, v3  }
0x2dc: {  	p1 =	sne.s32 s23, s10;
	s0 =	simm.s32 @!p0 $0x0;
	s2 =	simm.s32 @!p0 $0x17300;
	[tilespmem:$0x17400] =	vst @!p0 v2  }
0x2dd: {  	[hbm4b:s5+s0] =	stream.linear.scatter @!p0 [tilespmem:s2], [sflag:$0x2], $0x180, $0x38;
	[tilespmem:$0x17500] =	vst v63  }
.Ltmp13:
0x2de: {  	_ = 	snop;
	(pc) =	sbr.rel @p1 .LBB2_1-.Ltmp13, $4  }
.Ltmp14:
0x2df: {  	s0 =	simm.s32 @!p0 $0x2;
	(pc) =	sbr.rel @!p1 .LBB2_27-.Ltmp14, $4  }
0x2e0: {  	_ =	swait.ge @!p0 [sflag:s0], $0x180  }
0x2e1: {  	[sflag:s0] =	ssyncset.done @!p0 $0x0  }
0x2e2: {  	[sflag:s0] =	ssyncadd.s32 @!p0 $0xFFFFFE80  }
0x2e3: {  	_ = 	snop  }
.LBB2_13:
.Ltmp15:
0x2e4: {  	(pc) =	sbr.rel .LBB2_23-.Ltmp15, $2  }
0x2e5: {  	_ =	sdelay $0x2  }
0x2e6: {  	s11 =	smov.u32 s2  }
.LBB2_18:
.Ltmp16:
0x2e7: {  	(pc) =	sbr.rel .LBB2_23-.Ltmp16, $2  }
0x2e8: {  	_ =	sdelay $0x2  }
0x2e9: {  	_ = 	snop  }
.LBB2_20:
0x2ea: {  	v18 =	vld [tilespmem:$0x1FFF0]  }
.Ltmp17:
0x2eb: {  	_ = 	snop;
	(pc) =	sbr.rel .LBB2_23-.Ltmp17, $3  }
0x2ec: {  	_ =	sdelay $0x1  }
0x2ed: {  	vm14 =	vmmov vm2  }
0x2ee: {  	s11 =	smov.u32 s2;
	vm2 =	vmmov vm0;
	vm15 =	vcmask $0xB10;
	vm0 =	vnez.u8 v18  }
.LBB2_27:
0x2ef: {  	_ =	sfence.sel $0x180000  }
0x2f0: {  	[bflag:$0x0] =	sbarrier.arrive $0xFFFF  }
0x2f1: {  	_ =	strace $0x9000004D  }
0x2f2: {  	s0 =	stileid.u32;
	[bflag:$0x2] =	sbarrier.arrive $0xFFFF  }
0x2f3: {  	p0 =	sne.s32 s0, $0x0;
	s0 =	rddreg [dreg:$0x3]  }
0x2f4: {  	s0 =	sadd.s32 @!p0 $0x100000, s0  }
0x2f5: {  	[sflag:s0] =	ssyncadd.tile.s32 @!p0 $0x1;
	_ =	shalt  }
.Lfunc_end2:
_tile_overlayer_lowered:
.L_overlay_start_2:
0x2f6: {  	(tag) =	ssettag $0x2  }
0x2f7: {  	s0 =	rddreg [dreg:$0x0];
	s2 =	stileid.u32  }
0x2f8: {  	s1 =	rddreg [dreg:$0x1];
	p0 =	sne.s32 s2, $0x0  }
0x2f9: {  	s3 =	rddreg [dreg:$0x2];
	[bflag:$0x3] =	sbarrier.arrive $0xFFFF;
	s2 =	simm.s32 @!p0 $0x1C02  }
0x2fa: {  	[timem:s3], [sflag:s2] =	dma.local @!p0 [hbm:s0], s1  }
0x2fb: {  	s0 =	simm.s32 @!p0 $0x2  }
0x2fc: {  	_ =	swait.ge @!p0 [sflag:s0], s1  }
0x2fd: {  	s1 =	ssub.s32 @!p0 $0x0, s1;
	[sflag:s0] =	ssyncset.done @!p0 $0x0  }
0x2fe: {  	[sflag:s0] =	ssyncadd.s32 @!p0 s1  }
0x2ff: {  	[bflag:$0x3] =	sbarrier.arrive $0xFFFF  }
0x300: {  	_ =	shalt  }

// kernel: kernel.15.cloned.1.call-start
scs
__scs_entry_jumppad:
0x0: {  	(pc) =	sbr.rel $0x88, $3  }
0x1: {  	(tag) =	ssettag $0x0;
	lr =	simm.s32 $0x1  }
0x2: {  	[smem:$0x3FA0] =	sst lr;
	_ =	strace $0xD0000000  }
0x3: {  	_ = 	snop  }
0x4: {  	_ = 	snop  }
0x5: {  	_ = 	snop  }
0x6: {  	_ = 	snop  }
0x7: {  	_ = 	snop  }
__scs_overlays_trampoline_lowered:
0x8: {  	[smem:$0x3FAF] =	sst s0  }
0x9: {  	[smem:$0x3FB0] =	sst s1  }
0xa: {  	[smem:$0x3FB1] =	sst s2  }
0xb: {  	[smem:$0x3FB2] =	sst s3  }
0xc: {  	[smem:$0x3FB3] =	sst s4  }
0xd: {  	[smem:$0x3FB4] =	sst s5  }
0xe: {  	[smem:$0x3FB5] =	sst s6  }
0xf: {  	[smem:$0x3FB6] =	sst s7  }
0x10: {  	[smem:$0x3FB7] =	sst s8  }
0x11: {  	[smem:$0x3FB8] =	sst s9;
	s0 =	simm.s32 @!p0 $0x0  }
0x12: {  	s1 =	sld [smem:$0x3F9E];
	s0 =	simm.s32 @p0 $0x1  }
0x13: {  	[smem:$0x3FB9] =	sst s0;
	s0 =	simm.s32 @!p1 $0x0  }
0x14: {  	s2 =	sld [smem:$0x3F9D];
	s0 =	simm.s32 @p1 $0x1  }
0x15: {  	[smem:$0x3FBA] =	sst s0;
	s0 =	simm.s32 @!p2 $0x0  }
0x16: {  	s3 =	sld [smem:$0x3FDB];
	s0 =	simm.s32 @p2 $0x1  }
0x17: {  	s4 =	simm.s32 $0x1BF5;
	[smem:$0x3FBC] =	sst s0  }
0x18: {  	s0 =	sld [smem:$0x3F9F];
	_ =	swait.ge [sflag:s4], $0x0  }
0x19: {  	s7 =	sld [smem:$0x3FA0]  }
0x1a: {  	s8 =	sadd.s32 $0xFFFFE003, lr  }
0x1b: {  	s9 =	sadd.s32 $0xFFFFFEF7, lr;
	s5 =	simm.s32 $0xFFFFFFFF;
	p2 =	slt.u32 s8, $0xFFFFF086  }
0x1c: {  	p1 =	slt.u32 s9, $0xF7A;
	s5 =	simm.s32 @!p2 $0x0  }
0x1d: {  	s5 =	simm.s32 @p1 $0x1;
	p0 =	seq.s32 s7, s2  }
0x1e: {  	s7 =	smul.u32 @!p0 $0xF7A, s2;
	p2 =	seq.s32 @!p0 s5, $0x0  }
0x1f: {  	s9 =	smul.u32 $0xF7A, s1;
	s8 =	simm.s32 @!p0 $0x1BF5;
	p2 =	por !p2, p0  }
0x20: {  	[sflag:s8] =	ssyncset.s32 @!p0 $0xFFFFF086;
	s6 =	sadd.s32 @!p0 s3, s7;
	s7 =	simm.s32 @!p0 $0x108  }
0x21: {  	s3 =	sadd.s32 s3, s9;
	s6 =	sadd.s32 @!p0 $0x88, s6;
	s7 =	simm.s32 @p2 $0x1082  }
0x22: {  	[simem:s7], [sflag:s8] =	dma.local @!p0 [hbm:s6], $0xF7A  }
0x23: {  	s9 =	sor.u32 $0xD0000000, s2;
	s6 =	simm.s32 $0x108;
	_ =	swait.ge @!p0 [sflag:s8], $0x0  }
0x24: {  	s3 =	sadd.s32 $0x88, s3;
	s6 =	simm.s32 @!p1 $0x1082;
	[sflag:s4] =	ssyncset.s32 $0xFFFFF086  }
0x25: {  	[simem:s6], [sflag:s4] =	dma.local [hbm:s3], $0xF7A  }
0x26: {  	[smem:$0x3FA0] =	sst s1;
	(tag) =	ssettag s2;
	_ =	strace s9  }
0x27: {  	s1 =	sld [smem:$0x3FB0]  }
0x28: {  	s2 =	sld [smem:$0x3FB1]  }
0x29: {  	s4 =	sld [smem:$0x3FB3]  }
0x2a: {  	p0 =	seq.s32 s5, $0x0;
	s5 =	sld [smem:$0x3FB4]  }
0x2b: {  	s6 =	sld [smem:$0x3FB5]  }
0x2c: {  	s7 =	sld [smem:$0x3FB6]  }
0x2d: {  	s3 =	simm.s32 $0x108;
	s8 =	sld [smem:$0x3FB7]  }
0x2e: {  	s3 =	simm.s32 @!p0 $0x1082;
	s9 =	sld [smem:$0x3FB8]  }
0x2f: {  	lr =	sadd.s32 s0, s3;
	s0 =	sld [smem:$0x3FAF]  }
0x30: {  	s3 =	sld [smem:$0x3FB2]  }
0x31: {  	[smem:$0x3FBB] =	sst s10  }
0x32: {  	s10 =	sld [smem:$0x3FB9];
	_ =	sdelay $0x3  }
0x33: {  	p0 =	seq.s32 s10, $0x1;
	s10 =	sld [smem:$0x3FBB];
	_ =	sdelay $0x3  }
0x34: {  	[smem:$0x3FBB] =	sst s10  }
0x35: {  	s10 =	sld [smem:$0x3FBA];
	_ =	sdelay $0x3  }
0x36: {  	p1 =	seq.s32 s10, $0x1;
	s10 =	sld [smem:$0x3FBB];
	_ =	sdelay $0x3  }
0x37: {  	[smem:$0x3FBB] =	sst s10  }
0x38: {  	s10 =	sld [smem:$0x3FBC]  }
0x39: {  	_ = 	snop;
	(pc) =	sbr.ind lr, $3  }
0x3a: {  	_ = 	snop  }
0x3b: {  	_ = 	snop  }
0x3c: {  	p2 =	seq.s32 s10, $0x1;
	s10 =	sld [smem:$0x3FBB]  }
0x3d: {  	_ =	shalt  }
0x3e: {  	_ =	shalt  }
0x3f: {  	_ =	shalt  }
0x40: {  	_ =	shalt  }
0x41: {  	_ =	shalt  }
0x42: {  	_ =	shalt  }
0x43: {  	_ =	shalt  }
0x44: {  	_ =	shalt  }
0x45: {  	_ =	shalt  }
0x46: {  	_ =	shalt  }
0x47: {  	_ =	shalt  }
0x48: {  	_ =	shalt  }
0x49: {  	_ =	shalt  }
0x4a: {  	_ =	shalt  }
0x4b: {  	_ =	shalt  }
0x4c: {  	_ =	shalt  }
0x4d: {  	_ =	shalt  }
0x4e: {  	_ =	shalt  }
0x4f: {  	_ =	shalt  }
0x50: {  	_ =	shalt  }
0x51: {  	_ =	shalt  }
0x52: {  	_ =	shalt  }
0x53: {  	_ =	shalt  }
0x54: {  	_ =	shalt  }
0x55: {  	_ =	shalt  }
0x56: {  	_ =	shalt  }
0x57: {  	_ =	shalt  }
0x58: {  	_ =	shalt  }
0x59: {  	_ =	shalt  }
0x5a: {  	_ =	shalt  }
0x5b: {  	_ =	shalt  }
0x5c: {  	_ =	shalt  }
0x5d: {  	_ =	shalt  }
0x5e: {  	_ =	shalt  }
0x5f: {  	_ =	shalt  }
0x60: {  	_ =	shalt  }
0x61: {  	_ =	shalt  }
0x62: {  	_ =	shalt  }
0x63: {  	_ =	shalt  }
0x64: {  	_ =	shalt  }
0x65: {  	_ =	shalt  }
0x66: {  	_ =	shalt  }
0x67: {  	_ =	shalt  }
0x68: {  	_ =	shalt  }
0x69: {  	_ =	shalt  }
0x6a: {  	_ =	shalt  }
0x6b: {  	_ =	shalt  }
0x6c: {  	_ =	shalt  }
0x6d: {  	_ =	shalt  }
0x6e: {  	_ =	shalt  }
0x6f: {  	_ =	shalt  }
0x70: {  	_ =	shalt  }
0x71: {  	_ =	shalt  }
0x72: {  	_ =	shalt  }
0x73: {  	_ =	shalt  }
0x74: {  	_ =	shalt  }
0x75: {  	_ =	shalt  }
0x76: {  	_ =	shalt  }
0x77: {  	_ =	shalt  }
0x78: {  	_ =	shalt  }
0x79: {  	_ =	shalt  }
0x7a: {  	_ =	shalt  }
0x7b: {  	_ =	shalt  }
0x7c: {  	_ =	shalt  }
0x7d: {  	_ =	shalt  }
0x7e: {  	_ =	shalt  }
0x7f: {  	_ =	shalt  }
0x80: {  	_ =	shalt  }
0x81: {  	_ =	shalt  }
0x82: {  	_ =	shalt  }
0x83: {  	_ =	shalt  }
0x84: {  	_ =	shalt  }
0x85: {  	_ =	shalt  }
0x86: {  	_ =	shalt  }
0x87: {  	_ =	shalt  }
.Lfunc_end0:
.L_simem_size_0:
called_computation.3_lowered:
.L_overlay_start_0:
0x88: {  	s2 =	sld [smem:$0x3FD9]  }
0x89: {  	s3 =	sld [smem:$0x3FFE];
	_ =	sdelay $0x1  }
0x8a: {  	s1 =	srdreg.scid  }
0x8b: {  	s0 =	sand.u32 $0x1, s1  }
0x8c: {  	s17 =	sshll.u32 s0, $0xA;
	s2 =	sadd.s32 s3, s2  }
0x8d: {  	s2 =	sadd.s32 s2, s17  }
0x8e: {  	[smem:$0x3FC7] =	sst s2  }
0x8f: {  	_ = 	snop  }
0x90: {  	s2 =	sld [smem:$0x3FD0];
	(tm) =	ssettm $0x1  }
0x91: {  	s18 =	sld [smem:$0x3FFB];
	_ =	sdelay $0x3  }
0x92: {  	_ =	strace s18  }
0x93: {  	s3 =	sld [smem:$0x3FFC];
	_ =	sdelay $0x3  }
0x94: {  	_ =	strace s3  }
0x95: {  	s3 =	sld [smem:$0x3FFD];
	_ =	sdelay $0x3  }
0x96: {  	_ =	strace s3  }
0x97: {  	_ =	strace $0x8FFFFFFF  }
0x98: {  	s19 =	sld [smem:$0x3FDB];
	_ =	sdelay $0x1  }
0x99: {  	s4 =	simm.s32 $_scs_section_size  }
0x9a: {  	s5 =	simm.s32 $_size__tile_overlayer_lowered;
	s6 =	simm.s32 $_tile_overlayer_lowered  }
0x9b: {  	s22 =	simm.s32 $0x1BFF;
	s21 =	sshll.u32 s6, $0x1;
	s3 =	sadd.s32 s4, s19  }
0x9c: {  	s7 =	simm.s32 $0x0;
	s20 =	sshll.u32 s5, $0x1;
	s5 =	sadd.s32 s21, s3  }
0x9d: {  	[timem:s7], [sflag:s22] =	dma.local [hbm:s5], s20  }
0x9e: {  	_ =	swait.ge [sflag:s22], s20  }
0x9f: {  	s4 =	ssub.s32 $0x0, s20;
	[sflag:s22] =	ssyncset.done $0x0  }
0xa0: {  	[sflag:s22] =	ssyncadd.s32 s4;
	_ =	sdelay $0x1  }
0xa1: {  	s23 =	simm.s32 $0x1B8B  }
0xa2: {  	_ =	swait.ge [sflag:s23], $0x1  }
0xa3: {  	[sflag:s23] =	ssyncset.done $0x0  }
0xa4: {  	s25 =	simm.s32 $0x1B8E;
	s24 =	sld [smem:$0x3FFE];
	[sflag:s23] =	ssyncadd.s32 $0xFFFFFFFF  }
0xa5: {  	s26 =	simm.s32 $execute0_lowered;
	[smem:$0x3FD2] =	sst s25  }
0xa6: {  	s5 =	sshll.u32 s26, $0x1;
	_ =	strace $0x8000004F;
	[dreg:$0x1] =	wrdreg $0xFFFFFFFF  }
0xa7: {  	s28 =	simm.s32 $_size_execute0_lowered;
	s3 =	sadd.s32 s3, s5;
	[dreg:$0x0] =	wrdreg $0x0  }
0xa8: {  	s5 =	sshll.u32 s28, $0x1;
	[dreg:$0x2] =	wrdreg s3  }
0xa9: {  	[dreg:$0x3] =	wrdreg s5  }
0xaa: {  	[dreg:$0x4] =	wrdreg $0xC0  }
0xab: {  	_ =	task [dreg:s7], $0x5FFFF  }
0xac: {  	[dreg:$0x1] =	wrdreg $0xFFFFFFFF  }
0xad: {  	[dreg:$0x0] =	wrdreg $0x60  }
0xae: {  	[dreg:$0x2] =	wrdreg s24  }
0xaf: {  	[dreg:$0x3] =	wrdreg s2  }
0xb0: {  	[dreg:$0x4] =	wrdreg $0x9  }
0xb1: {  	_ =	task.clear_ibuf [dreg:s7], $0x5FFFF;
	_ =	strace $0x9000004F  }
0xb2: {  	s29 =	simm.s32 $0x9;
	_ =	strace $0x80000051  }
0xb3: {  	_ =	swait.ge [sflag:s29], $0x1  }
0xb4: {  	[sflag:s29] =	ssyncadd.s32 $0xFFFFFFFF  }
0xb5: {  	_ =	strace $0x90000051  }
0xb6: {  	_ =	sfence  }
0xb7: {  	s30 =	sld [smem:$0x0];
	_ =	sdelay $0x2  }
0xb8: {  	s31 =	sshll.u32 s1, $0xD;
	s1 =	sshrl.u32 s1, $0x2  }
0xb9: {  	s3 =	sand.u32 $0x4000, s31;
	s1 =	sadd.s32 s1, s30  }
0xba: {  	s0 =	sor.u32 s3, s0;
	s1 =	sshll.u32 s1, $0x11  }
0xbb: {  	s0 =	sor.u32 s1, s0  }
0xbc: {  	s0 =	sadd.s32 $0x8F2B, s0  }
0xbd: {  	[sflag:s0] =	ssyncadd.remote.s32 $0x1  }
0xbe: {  	_ =	sfence.sel $0xFFFF  }
0xbf: {  	[dreg:$0x0] =	wrdreg $0xFFFFFFFF;
	(pc) =	sbr.abs _section_cstart, $3  }
0xc0: {  	[dreg:$0x1] =	wrdreg $0xFFFFFFFF  }
0xc1: {  	_ =	task.clear_ibuf [dreg:s7], $0x2FFFF;
	_ =	strace $0x9FFFFFFF  }
0xc2: {  	(tm) =	ssettm $0x7FFFFFFF  }
0xc3: {  	_ =	shalt  }
tec
execute0_lowered:
.L_overlay_start_1:
0x0: {  	(tag) =	ssettag $0x1  }
0x1: {  	s0 =	srdreg.scid  }
0x2: {  	s3 =	sand.u32 $0x1, s0;
	s0 =	stileid.u32  }
0x3: {  	s5 =	sshll.u32 s0, $0x1;
	s6 =	ssub.s32 $0x0, s3  }
0x4: {  	p0 =	sne.s32 s5, s6  }
.Ltmp0:
0x5: {  	_ = 	snop;
	(pc) =	sbr.rel @p0 .LBB2_11-.Ltmp0, $4  }
0x6: {  	_ = 	snop  }
0x7: {  	s4 =	rddreg [dreg:$0x0]  }
0x8: {  	s2 =	rddreg [dreg:$0x1]  }
0x9: {  	s1 =	rddreg [dreg:$0x2];
	_ =	strace $0x80000050  }
0xa: {  	s5 =	ssub.s32 $0x2, s3;
	s3 =	sadd.s32 $0x1800, s4  }
0xb: {  	s4 =	sadd.s32 $0x2600, s4;
	vm0 =	vmmov $0x1;
	s7 =	simm.s32 $0x1;
	s6 =	sshrl.u32 s5, $0x1  }
0xc: {  	v0 =	vimm.s32 $0x0;
	vm1 =	vcmask $0x308;
	vm2 =	vcmask $0x70C;
	s8 =	simm.s32 $0x2000;
	s9 =	simm.s32 $0x2200;
	s5 =	ssub.s32 s5, s6  }
0xd: {  	vm3 =	vcmask $0xB10;
	vm4 =	vcmask $0x300;
	vm5 =	vcmask $0x704;
	s10 =	simm.s32 $0x0;
	s6 =	simm.s32 $0x0;
	s5 =	smax.u32 s5, $0x1  }
.LBB2_2:
0xe: {  	[tilespmem:s6], [sflag:$0x1] =	stream.linear.gather [hbm4b:s3+s6], $0x2000, $0x38;
	[tilespmem:$0x2280] =	vst v63  }
0xf: {  	_ =	swait.ge [sflag:s7], $0x2000  }
0x10: {  	[sflag:s7] =	ssyncset.done $0x0  }
0x11: {  	[sflag:s7] =	ssyncadd.s32 $0xFFFFE000  }
0x12: {  	[tilespmem:s8], [sflag:$0x1] =	stream.linear.gather [hbm4b:s4+s6], $0x180, $0x38;
	[tilespmem:$0x2280] =	vst v63  }
0x13: {  	_ =	swait.ge [sflag:s7], $0x180  }
0x14: {  	[sflag:s7] =	ssyncset.done $0x0  }
0x15: {  	s11 =	sand.u32 $0x70, s6;
	s12 =	sand.u32 $0x700, s6;
	[sflag:s7] =	ssyncadd.s32 $0xFFFFFE80  }
0x16: {  	s22 =	simm.s32 $0x10;
	s13 =	simm.s32 $0x20;
	s11 =	sor.u32 s11, s12;
	v1 =	vld [tilespmem:$0x2100]  }
0x17: {  	s12 =	sand.u32 $0x70, s22;
	s13 =	sand.u32 $0x700, s13;
	v2 =	vld [tilespmem:s11+$0x0]  }
0x18: {  	s24 =	simm.s32 $0x20;
	s25 =	simm.s32 $0x40;
	s23 =	sor.u32 s12, s13;
	v3 =	vld [tilespmem:s11+$0x80]  }
0x19: {  	s12 =	sand.u32 $0x70, s24;
	s13 =	sand.u32 $0x700, s25;
	v4 =	vld [tilespmem:s23+$0x0]  }
0x1a: {  	s26 =	sor.u32 s12, s13;
	v5 =	vld [tilespmem:s23+$0x80]  }
0x1b: {  	v6 =	vld [tilespmem:s26+$0x0]  }
0x1c: {  	v7 =	vld [tilespmem:s26+$0x80]  }
0x1d: {  	v8 =	vnsel vm0, $0x0, v1  }
0x1e: {  	v2 =	vadd.s32 v2, v3;
	(xrf0) =	vadd.scan.msk.s32 $0xffff, v8  }
0x1f: {  	s28 =	simm.s32 $0x30;
	s29 =	simm.s32 $0x60;
	(xrf0) =	vadd.scan.msk.s32 $0xffff, v2  }
0x20: {  	s12 =	sand.u32 $0x700, s29;
	s11 =	sand.u32 $0x70, s28;
	v2 =	vadd.s32 v4, v5  }
0x21: {  	s11 =	sor.u32 s11, s12;
	(xrf0) =	vadd.scan.msk.s32 $0xffff, v2;
	v2 =	vadd.s32 v6, v7  }
0x22: {  	v3 =	vld [tilespmem:s11+$0x0];
	(xrf0) =	vadd.scan.msk.s32 $0xffff, v2  }
0x23: {  	v5 =	vld [tilespmem:s11+$0x80]  }
0x24: {  	v2, _, _ =	vpop (xrf0)  }
0x25: {  	v9, _, _ =	vpop (xrf0)  }
0x26: {  	(v2sf) =	vpush v9, $0xF  }
0x27: {  	v4, _, _ =	vpop (xrf0)  }
0x28: {  	v5 =	vadd.s32 v3, v5;
	(v2sf) =	vpush v4, $0xF;
	v3, _, _ =	vpop (xrf0)  }
0x29: {  	(v2sf) =	vpush v3, $0xF;
	_ =	sdelay $0x3  }
0x2a: {  	s30 =	simm.s32 $0x40;
	s31 =	simm.s32 $0x80  }
0x2b: {  	s12 =	sand.u32 $0x700, s31;
	s11 =	sand.u32 $0x70, s30  }
0x2c: {  	v7 =	vld [tilespmem:$0x2000];
	s12 =	sor.u32 s11, s12  }
0x2d: {  	v8 =	vld [tilespmem:s12+$0x0];
	v2 =	vbroadcast v2, $0xF  }
0x2e: {  	(xrf0) =	vadd.scan.msk.s32 $0xffff, v5;
	v10 =	vadd.s32 s6, v9;
	v9 =	vld [tilespmem:s12+$0x80]  }
0x2f: {  	s15 =	simm.s32 $0x0;
	v6 =	vld [tilespmem:$0x2080];
	s11 =	simm.s32 $0x50;
	v5 =	vimm.s32 $0x0;
	s12 =	simm.s32 $0xA0;
	vm6 =	vle.s32 v10, v2  }
.LBB2_3:
0x30: {  	s13 =	sand.u32 $0x70, s11;
	s14 =	sand.u32 $0x700, s12;
	v10 =	vsel vm6, $0x1, v0;
	p0 =	sne.s32 s11, $0x3F0  }
.Ltmp1:
0x31: {  	s13 =	sor.u32 s13, s14;
	v5 =	vadd.s32 v10, v5;
	(pc) =	sbr.rel @p0 .LBB2_3-.Ltmp1, $4  }
0x32: {  	s11 =	sadd.s32 $0x10, s11;
	s14 =	spop (v2sf)  }
0x33: {  	v10 =	vadd.s32 v8, v9;
	v8 =	vld [tilespmem:s13+$0x0];
	s15 =	sadd.s32 s15, s14  }
0x34: {  	v9 =	vld [tilespmem:s13+$0x80];
	(xrf0) =	vadd.scan.msk.s32 $0xffff, v10;
	v10 =	vadd.s32 s15, v4;
	v4 =	vmov v3;
	v3, _, _ =	vpop (xrf0)  }
0x35: {  	s12 =	sadd.s32 $0x20, s12;
	(v2sf) =	vpush v3, $0xF;
	vm6 =	vle.s32 v10, v2  }
0x36: {  	_ =	sdelay $0x2  }
0x37: {  	v8 =	vadd.s32 v8, v9  }
0x38: {  	(xrf0) =	vadd.scan.msk.s32 $0xffff, v8;
	v8 =	vnsel vm0, $0x0, v7  }
0x39: {  	v7 =	vsel vm1, $0x0, v7;
	(xrf0) =	vadd.scan.msk.s32 $0xffff, v8  }
0x3a: {  	(xrf0) =	vadd.scan.msk.s32 $0xffff, v7;
	v7 =	vnsel vm0, $0x0, v6;
	v6 =	vsel vm1, $0x0, v6  }
0x3b: {  	(xrf0) =	vadd.scan.msk.s32 $0xffff, v7  }
0x3c: {  	(xrf0) =	vadd.scan.msk.s32 $0xffff, v6  }
0x3d: {  	v6, _, _ =	vpop (xrf0)  }
0x3e: {  	v7, _, _ =	vpop (xrf0);
	(v2sf) =	vpush v6, $0xF  }
0x3f: {  	(v2sf) =	vpush v7, $0xF;
	v8, _, _ =	vpop (xrf0)  }
0x40: {  	(v2sf) =	vpush v8, $0xF;
	v8, _, _ =	vpop (xrf0)  }
0x41: {  	(v2sf) =	vpush v8, $0xF;
	v8, _, _ =	vpop (xrf0)  }
0x42: {  	(v2sf) =	vpush v8, $0xF;
	v8, _, _ =	vpop (xrf0)  }
0x43: {  	(v2sf) =	vpush v8, $0xF;
	_ =	sdelay $0x6  }
0x44: {  	s16 =	spop (v2sf)  }
0x45: {  	s17 =	spop (v2sf)  }
0x46: {  	s21 =	spop (v2sf)  }
0x47: {  	s23 =	spop (v2sf)  }
0x48: {  	s11 =	spop (v2sf)  }
0x49: {  	s14 =	spop (v2sf)  }
0x4a: {  	s11 =	spop (v2sf)  }
0x4b: {  	s13 =	spop (v2sf)  }
0x4c: {  	s12 =	spop (v2sf)  }
0x4d: {  	s19 =	simm.s32 $0x0;
	p0 =	seq.s32 s11, s12  }
0x4e: {  	p1 =	seq.s32 s14, s13;
	s19 =	simm.s32 @!p0 $0x1000  }
0x4f: {  	s22 =	simm.s32 $0x0;
	s19 =	simm.s32 @!p1 $0x1000  }
0x50: {  	s20 =	sand.u32 $0x70, s22;
	s18 =	sand.u32 $0x1700, s19  }
0x51: {  	s24 =	simm.s32 $0x10;
	s25 =	sadd.s32 $0x20, s19;
	s20 =	sor.u32 s20, s18  }
0x52: {  	s24 =	sand.u32 $0x70, s24;
	s19 =	sand.u32 $0x1700, s25;
	v8 =	vld [tilespmem:s20+$0x0]  }
0x53: {  	s28 =	simm.s32 $0x20;
	s25 =	sadd.s32 $0x20, s25;
	v9 =	vld [tilespmem:s20+$0x80];
	s24 =	sor.u32 s24, s19  }
0x54: {  	s26 =	sand.u32 $0x70, s28;
	s20 =	sand.u32 $0x1700, s25;
	v10 =	vld [tilespmem:s24+$0x0]  }
0x55: {  	v11 =	vld [tilespmem:s24+$0x80];
	s29 =	sor.u32 s26, s20  }
0x56: {  	v12 =	vld [tilespmem:s29+$0x0]  }
0x57: {  	v13 =	vld [tilespmem:s29+$0x80]  }
0x58: {  	v14 =	vsel vm1, $0x0, v1  }
0x59: {  	s15 =	sadd.s32 s15, s16;
	(xrf0) =	vadd.scan.msk.s32 $0xffff, v14;
	v8 =	vadd.s32 v8, v9  }
0x5a: {  	v4 =	vadd.s32 s15, v4;
	s15 =	sadd.s32 s15, s17;
	(xrf0) =	vadd.scan.msk.s32 $0xffff, v8;
	v8 =	vadd.s32 v10, v11  }
0x5b: {  	v3 =	vadd.s32 s15, v3;
	(xrf0) =	vadd.scan.msk.s32 $0xffff, v8;
	v8 =	vsel vm6, $0x1, v0  }
0x5c: {  	s15 =	sadd.s32 s15, s21;
	vm6 =	vle.s32 v4, v2;
	v4 =	vadd.s32 v12, v13;
	v5 =	vadd.s32 v8, v5  }
0x5d: {  	v8 =	vsel vm6, $0x1, v0;
	(xrf0) =	vadd.scan.msk.s32 $0xffff, v4;
	vm6 =	vle.s32 v3, v2;
	v3 =	vadd.s32 s15, v6  }
0x5e: {  	s15 =	sadd.s32 s15, s23;
	v4 =	vadd.s32 v8, v5;
	v6 =	vsel vm6, $0x1, v0;
	vm6 =	vle.s32 v3, v2  }
0x5f: {  	v3 =	vadd.s32 s15, v7;
	v7, _, _ =	vpop (xrf0);
	v4 =	vadd.s32 v6, v4;
	v6 =	vsel vm6, $0x1, v0  }
0x60: {  	v8, _, _ =	vpop (xrf0)  }
0x61: {  	(v2sf) =	vpush v8, $0xF  }
0x62: {  	s30 =	simm.s32 $0x30;
	s31 =	sadd.s32 $0x20, s25;
	vm6 =	vle.s32 v3, v2;
	v2 =	vadd.s32 v6, v4;
	v6, _, _ =	vpop (xrf0)  }
0x63: {  	s26 =	sand.u32 $0x70, s30;
	s16 =	sand.u32 $0x1700, s31;
	(v2sf) =	vpush v6, $0xF;
	v4, _, _ =	vpop (xrf0)  }
0x64: {  	s28 =	sor.u32 s26, s16;
	(v2sf) =	vpush v4, $0xF  }
0x65: {  	v9 =	vld [tilespmem:s28+$0x0]  }
0x66: {  	v5 =	vld [tilespmem:s28+$0x80];
	_ =	sdelay $0x1  }
0x67: {  	s29 =	simm.s32 $0x40;
	s15 =	sadd.s32 $0x20, s31  }
0x68: {  	s30 =	sand.u32 $0x70, s29;
	s17 =	sand.u32 $0x1700, s15  }
0x69: {  	v3 =	vsel vm6, $0x1, v0;
	s31 =	sor.u32 s30, s17  }
0x6a: {  	v2 =	vadd.s32 v3, v2;
	v3 =	vbroadcast v7, $0xF;
	v7 =	vld [tilespmem:s31+$0x0];
	v9 =	vadd.s32 v9, v5  }
0x6b: {  	v10 =	vadd.s32 s22, v8;
	v8 =	vld [tilespmem:s31+$0x80];
	(xrf0) =	vadd.scan.msk.s32 $0xffff, v9  }
0x6c: {  	s21 =	simm.s32 $0x50;
	s23 =	sadd.s32 $0x20, s15;
	v5 =	vimm.s32 $0x0;
	vm6 =	vle.s32 v10, v3  }
.LBB2_5:
0x6d: {  	s24 =	sand.u32 $0x70, s21;
	s25 =	sand.u32 $0x1700, s23;
	v9 =	vsel vm6, $0x1, v0;
	p0 =	sne.s32 s21, $0x3F0  }
.Ltmp2:
0x6e: {  	s24 =	sor.u32 s24, s25;
	v5 =	vadd.s32 v9, v5;
	(pc) =	sbr.rel @p0 .LBB2_5-.Ltmp2, $4  }
0x6f: {  	s21 =	sadd.s32 $0x10, s21;
	s25 =	spop (v2sf)  }
0x70: {  	v9 =	vadd.s32 v7, v8;
	v7 =	vld [tilespmem:s24+$0x0];
	s22 =	sadd.s32 s22, s25  }
0x71: {  	v8 =	vld [tilespmem:s24+$0x80];
	(xrf0) =	vadd.scan.msk.s32 $0xffff, v9;
	v9 =	vadd.s32 s22, v6;
	v6 =	vmov v4;
	v4, _, _ =	vpop (xrf0)  }
0x72: {  	s23 =	sadd.s32 $0x20, s23;
	(v2sf) =	vpush v4, $0xF;
	vm6 =	vle.s32 v9, v3  }
0x73: {  	_ =	sdelay $0x3  }
0x74: {  	v7 =	vadd.s32 v7, v8;
	v8, _, _ =	vpop (xrf0)  }
0x75: {  	(v2sf) =	vpush v8, $0xF  }
0x76: {  	s21 =	simm.s32 $0x0  }
0x77: {  	s23 =	sand.u32 $0x70, s21;
	s24 =	sand.u32 $0x700, s21  }
0x78: {  	s28 =	simm.s32 $0x10;
	s25 =	simm.s32 $0x20;
	s23 =	sor.u32 s23, s24  }
0x79: {  	s25 =	sand.u32 $0x700, s25;
	s24 =	sand.u32 $0x70, s28;
	v9 =	vld [tilespmem:s23+$0x880]  }
0x7a: {  	s30 =	simm.s32 $0x20;
	s31 =	simm.s32 $0x40;
	s29 =	sor.u32 s24, s25;
	(xrf0) =	vadd.scan.msk.s32 $0xffff, v7;
	v7 =	vld [tilespmem:s23+$0x800]  }
0x7b: {  	s24 =	sand.u32 $0x70, s30;
	s25 =	sand.u32 $0x700, s31;
	v11 =	vld [tilespmem:s29+$0x800]  }
0x7c: {  	v12 =	vld [tilespmem:s29+$0x880];
	s26 =	sor.u32 s24, s25  }
0x7d: {  	v13 =	vld [tilespmem:s26+$0x800]  }
0x7e: {  	v14 =	vld [tilespmem:s26+$0x880]  }
0x7f: {  	v15 =	vsel vm2, $0x0, v1;
	s28 =	spop (v2sf)  }
0x80: {  	s22 =	sadd.s32 s22, s28;
	s31 =	spop (v2sf);
	(xrf0) =	vadd.scan.msk.s32 $0xffff, v15;
	v7 =	vadd.s32 v7, v9  }
0x81: {  	v6 =	vadd.s32 s22, v6;
	s22 =	sadd.s32 s22, s31;
	(xrf0) =	vadd.scan.msk.s32 $0xffff, v7  }
0x82: {  	v4 =	vadd.s32 s22, v4;
	v7 =	vadd.s32 v11, v12  }
0x83: {  	v9 =	vsel vm6, $0x1, v0;
	vm6 =	vle.s32 v6, v3;
	(xrf0) =	vadd.scan.msk.s32 $0xffff, v7;
	v7 =	vadd.s32 v13, v14;
	s26 =	spop (v2sf)  }
0x84: {  	v10, _, _ =	vpop (xrf0);
	v5 =	vadd.s32 v9, v5;
	v6 =	vsel vm6, $0x1, v0;
	vm6 =	vle.s32 v4, v3;
	(xrf0) =	vadd.scan.msk.s32 $0xffff, v7;
	s22 =	sadd.s32 s22, s26;
	s28 =	spop (v2sf)  }
0x85: {  	(v2sf) =	vpush v10, $0xF;
	v5 =	vadd.s32 v6, v5;
	v7 =	vadd.s32 s22, v8;
	s22 =	sadd.s32 s22, s28  }
0x86: {  	v4 =	vsel vm6, $0x1, v0;
	v8, _, _ =	vpop (xrf0);
	vm6 =	vle.s32 v7, v3;
	v7 =	vadd.s32 s22, v10  }
0x87: {  	v4 =	vadd.s32 v4, v5;
	v5 =	vsel vm6, $0x1, v0;
	v10, _, _ =	vpop (xrf0)  }
0x88: {  	(v2sf) =	vpush v10, $0xF  }
0x89: {  	s30 =	simm.s32 $0x60;
	s29 =	simm.s32 $0x30;
	vm6 =	vle.s32 v7, v3;
	v7, _, _ =	vpop (xrf0)  }
0x8a: {  	s24 =	sand.u32 $0x700, s30;
	s23 =	sand.u32 $0x70, s29;
	v3 =	vadd.s32 v5, v4;
	(v2sf) =	vpush v7, $0xF;
	v5, _, _ =	vpop (xrf0)  }
0x8b: {  	s23 =	sor.u32 s23, s24;
	(v2sf) =	vpush v5, $0xF  }
0x8c: {  	v9 =	vld [tilespmem:s23+$0x800]  }
0x8d: {  	v6 =	vld [tilespmem:s23+$0x880];
	_ =	sdelay $0x1  }
0x8e: {  	s30 =	simm.s32 $0x80;
	s29 =	simm.s32 $0x40  }
0x8f: {  	s23 =	sand.u32 $0x700, s30;
	s22 =	sand.u32 $0x70, s29  }
0x90: {  	s23 =	sor.u32 s22, s23;
	v4 =	vsel vm6, $0x1, v0  }
0x91: {  	v9 =	vadd.s32 v9, v6;
	v3 =	vadd.s32 v4, v3;
	v4 =	vbroadcast v8, $0xF;
	v8 =	vld [tilespmem:s23+$0x800]  }
0x92: {  	v10 =	vadd.s32 s21, v10;
	(xrf0) =	vadd.scan.msk.s32 $0xffff, v9;
	v9 =	vld [tilespmem:s23+$0x880]  }
0x93: {  	v6 =	vimm.s32 $0x0;
	s22 =	simm.s32 $0x50;
	s23 =	simm.s32 $0xA0;
	s31 =	spop (v2sf);
	vm6 =	vle.s32 v10, v4  }
.LBB2_7:
0x94: {  	s24 =	sand.u32 $0x70, s22;
	s25 =	sand.u32 $0x700, s23;
	v10 =	vsel vm6, $0x1, v0;
	p0 =	sne.s32 s22, $0x3F0  }
.Ltmp3:
0x95: {  	s24 =	sor.u32 s24, s25;
	v6 =	vadd.s32 v10, v6;
	(pc) =	sbr.rel @p0 .LBB2_7-.Ltmp3, $4  }
0x96: {  	s22 =	sadd.s32 $0x10, s22;
	s25 =	spop (v2sf)  }
0x97: {  	v10 =	vadd.s32 v8, v9;
	v8 =	vld [tilespmem:s24+$0x800];
	s21 =	sadd.s32 s21, s25  }
0x98: {  	v9 =	vld [tilespmem:s24+$0x880];
	(xrf0) =	vadd.scan.msk.s32 $0xffff, v10;
	v10 =	vadd.s32 s21, v7;
	v7 =	vmov v5;
	v5, _, _ =	vpop (xrf0)  }
0x99: {  	s23 =	sadd.s32 $0x20, s23;
	(v2sf) =	vpush v5, $0xF;
	vm6 =	vle.s32 v10, v4  }
0x9a: {  	_ =	sdelay $0x3  }
0x9b: {  	v8 =	vadd.s32 v8, v9;
	v9, _, _ =	vpop (xrf0)  }
0x9c: {  	s22 =	simm.s32 $0x0;
	(v2sf) =	vpush v9, $0xF  }
0x9d: {  	s23 =	sand.u32 $0x70, s22  }
0x9e: {  	s29 =	simm.s32 $0x10;
	s18 =	sor.u32 s23, s18  }
0x9f: {  	s23 =	sand.u32 $0x70, s29;
	v10 =	vld [tilespmem:s18+$0x880]  }
0xa0: {  	s31 =	simm.s32 $0x20;
	s30 =	sor.u32 s23, s19;
	(xrf0) =	vadd.scan.msk.s32 $0xffff, v8;
	v8 =	vld [tilespmem:s18+$0x800]  }
0xa1: {  	s19 =	sand.u32 $0x70, s31;
	v12 =	vld [tilespmem:s30+$0x800]  }
0xa2: {  	v13 =	vld [tilespmem:s30+$0x880];
	s23 =	sor.u32 s19, s20  }
0xa3: {  	v14 =	vld [tilespmem:s23+$0x800]  }
0xa4: {  	s24 =	spop (v2sf);
	v15 =	vld [tilespmem:s23+$0x880]  }
0xa5: {  	v1 =	vsel vm3, $0x0, v1;
	s26 =	spop (v2sf);
	s18 =	sadd.s32 s21, s24  }
0xa6: {  	(xrf0) =	vadd.scan.msk.s32 $0xffff, v1;
	v7 =	vadd.s32 s18, v7;
	s18 =	sadd.s32 s18, s26;
	v1 =	vadd.s32 v8, v10  }
0xa7: {  	v5 =	vadd.s32 s18, v5;
	(xrf0) =	vadd.scan.msk.s32 $0xffff, v1  }
0xa8: {  	v8 =	vsel vm6, $0x1, v0;
	vm6 =	vle.s32 v7, v4;
	v1 =	vadd.s32 v12, v13;
	s28 =	spop (v2sf)  }
0xa9: {  	v11, _, _ =	vpop (xrf0);
	v6 =	vadd.s32 v8, v6;
	v7 =	vsel vm6, $0x1, v0;
	(xrf0) =	vadd.scan.msk.s32 $0xffff, v1;
	v1 =	vadd.s32 v14, v15;
	s18 =	sadd.s32 s18, s28  }
0xaa: {  	vm6 =	vle.s32 v5, v4;
	(v2sf) =	vpush v11, $0xF;
	(xrf0) =	vadd.scan.msk.s32 $0xffff, v1;
	v5 =	vadd.s32 s18, v9  }
0xab: {  	v1 =	vadd.s32 v7, v6;
	v6 =	vsel vm6, $0x1, v0;
	vm6 =	vle.s32 v5, v4;
	s29 =	spop (v2sf)  }
0xac: {  	v8, _, _ =	vpop (xrf0);
	v1 =	vadd.s32 v6, v1;
	v6 =	vsel vm6, $0x1, v0;
	s18 =	sadd.s32 s18, s29  }
0xad: {  	v9, _, _ =	vpop (xrf0);
	v5 =	vadd.s32 s18, v11  }
0xae: {  	s25 =	simm.s32 $0x30;
	(v2sf) =	vpush v9, $0xF  }
0xaf: {  	s19 =	sand.u32 $0x70, s25;
	v1 =	vadd.s32 v6, v1;
	v6, _, _ =	vpop (xrf0)  }
0xb0: {  	s16 =	sor.u32 s19, s16;
	(v2sf) =	vpush v6, $0xF;
	vm6 =	vle.s32 v5, v4;
	v5, _, _ =	vpop (xrf0)  }
0xb1: {  	v10 =	vld [tilespmem:s16+$0x800];
	(v2sf) =	vpush v5, $0xF  }
0xb2: {  	v7 =	vld [tilespmem:s16+$0x880];
	_ =	sdelay $0x2  }
0xb3: {  	s30 =	simm.s32 $0x40  }
0xb4: {  	s16 =	sand.u32 $0x70, s30  }
0xb5: {  	s17 =	sor.u32 s16, s17;
	v10 =	vadd.s32 v10, v7;
	v4 =	vsel vm6, $0x1, v0  }
0xb6: {  	v11 =	vadd.s32 s22, v9;
	v9 =	vld [tilespmem:s17+$0x880];
	v1 =	vadd.s32 v4, v1;
	v4 =	vbroadcast v8, $0xF  }
0xb7: {  	(xrf0) =	vadd.scan.msk.s32 $0xffff, v10;
	v8 =	vld [tilespmem:s17+$0x800]  }
0xb8: {  	s15 =	sadd.s32 $0x20, s15;
	s16 =	simm.s32 $0x50;
	v7 =	vimm.s32 $0x0;
	s31 =	spop (v2sf);
	vm6 =	vle.s32 v11, v4  }
.LBB2_9:
0xb9: {  	s17 =	sand.u32 $0x70, s16;
	s18 =	sand.u32 $0x1700, s15;
	v10 =	vsel vm6, $0x1, v0;
	p0 =	sne.s32 s16, $0x3F0  }
.Ltmp4:
0xba: {  	s17 =	sor.u32 s17, s18;
	v7 =	vadd.s32 v10, v7;
	(pc) =	sbr.rel @p0 .LBB2_9-.Ltmp4, $4  }
0xbb: {  	s16 =	sadd.s32 $0x10, s16;
	s18 =	spop (v2sf)  }
0xbc: {  	v10 =	vadd.s32 v8, v9;
	v8 =	vld [tilespmem:s17+$0x800];
	s22 =	sadd.s32 s22, s18  }
0xbd: {  	v9 =	vld [tilespmem:s17+$0x880];
	(xrf0) =	vadd.scan.msk.s32 $0xffff, v10;
	v10 =	vadd.s32 s22, v6;
	v6 =	vmov v5;
	v5, _, _ =	vpop (xrf0)  }
0xbe: {  	s15 =	sadd.s32 $0x20, s15;
	(v2sf) =	vpush v5, $0xF;
	vm6 =	vle.s32 v10, v4  }
0xbf: {  	_ =	sdelay $0x3  }
0xc0: {  	v10, _, _ =	vpop (xrf0)  }
0xc1: {  	(v2sf) =	vpush v10, $0xF;
	_ =	sdelay $0x8  }
0xc2: {  	v8 =	vadd.s32 v8, v9  }
0xc3: {  	(xrf0) =	vadd.scan.msk.s32 $0xffff, v8  }
0xc4: {  	s15 =	spop (v2sf)  }
0xc5: {  	s15 =	sadd.s32 s22, s15  }
0xc6: {  	s16 =	spop (v2sf);
	v6 =	vadd.s32 s15, v6  }
0xc7: {  	v57 =	vsel vm6, $0x1, v0;
	s15 =	sadd.s32 s15, s16;
	vm6 =	vle.s32 v6, v4;
	s21 =	spop (v2sf)  }
0xc8: {  	v58 =	vadd.s32 v57, v7;
	v5 =	vadd.s32 s15, v5;
	v59 =	vsel vm6, $0x1, v0;
	s15 =	sadd.s32 s15, s21;
	s22 =	spop (v2sf)  }
0xc9: {  	vm6 =	vle.s32 v5, v4;
	v6 =	vadd.s32 v59, v58;
	v60, _, _ =	vpop (xrf0);
	v61 =	vadd.s32 s15, v10;
	s15 =	sadd.s32 s15, s22  }
0xca: {  	(xrf0) =	vadd.scan.msk.s32 $0xffff, v2;
	v2 =	vsel vm6, $0x1, v0;
	vm6 =	vle.s32 v61, v4;
	v62 =	vadd.s32 s15, v60  }
0xcb: {  	v2 =	vadd.s32 v2, v6;
	v63 =	vsel vm6, $0x1, v0;
	vm6 =	vle.s32 v62, v4  }
0xcc: {  	(xrf0) =	vadd.scan.msk.s32 $0xffff, v3;
	v2 =	vadd.s32 v63, v2;
	v3 =	vsel vm6, $0x1, v0  }
0xcd: {  	(xrf0) =	vadd.scan.msk.s32 $0xffff, v1;
	v2 =	vadd.s32 v3, v2  }
0xce: {  	(xrf0) =	vadd.scan.msk.s32 $0xffff, v2;
	_ =	sdelay $0x1  }
0xcf: {  	v1, _, _ =	vpop (xrf0);
	(v2sf) =	vpush v60, $0xF  }
0xd0: {  	(v2sf) =	vpush v1, $0xF  }
0xd1: {  	v1, _, _ =	vpop (xrf0)  }
0xd2: {  	(v2sf) =	vpush v1, $0xF;
	v1, _, _ =	vpop (xrf0)  }
0xd3: {  	(v2sf) =	vpush v1, $0xF;
	v1, _, _ =	vpop (xrf0)  }
0xd4: {  	(v2sf) =	vpush v1, $0xF;
	_ =	sdelay $0x9  }
0xd5: {  	s23 =	spop (v2sf)  }
0xd6: {  	s14 =	sshll.u32 s14, $0xA;
	s15 =	spop (v2sf)  }
0xd7: {  	s13 =	sshll.u32 s13, $0xA;
	s11 =	sshll.u32 s11, $0xA;
	s14 =	sor.u32 s14, s15  }
0xd8: {  	s12 =	sshll.u32 s12, $0xA;
	s15 =	sshra.s32 s14, $0x1F;
	s24 =	spop (v2sf)  }
0xd9: {  	s15 =	sand.u32 $0x7FFFFFFF, s15;
	s13 =	sor.u32 s13, s24;
	s26 =	spop (v2sf)  }
0xda: {  	s14 =	sxor.u32 s14, s15;
	s25 =	sshra.s32 s13, $0x1F;
	s17 =	spop (v2sf)  }
0xdb: {  	s15 =	sand.u32 $0x7FFFFFFF, s25;
	s11 =	sor.u32 s11, s26;
	s12 =	sor.u32 s12, s17  }
0xdc: {  	s13 =	sxor.u32 s13, s15;
	s28 =	sshra.s32 s11, $0x1F;
	s29 =	sshra.s32 s12, $0x1F  }
0xdd: {  	s13 =	sadd.f32 s13, s14;
	s30 =	sand.u32 $0x7FFFFFFF, s28;
	s31 =	sand.u32 $0x7FFFFFFF, s29  }
0xde: {  	s11 =	sxor.u32 s11, s30;
	s12 =	sxor.u32 s12, s31  }
0xdf: {  	s13 =	smul.f32 $5.000000000e-01, s13;
	s11 =	sadd.f32 s12, s11  }
0xe0: {  	_ = 	snop  }
0xe1: {  	v1 =	vmov s13;
	s11 =	smul.f32 $5.000000000e-01, s11  }
0xe2: {  	s10 =	sadd.s32 $0x1, s10;
	v1 =	vnsel vm4, $0x0, v1  }
0xe3: {  	p0 =	sne.s32 s10, s5;
	v1 =	vsel vm5, s11, v1  }
.Ltmp5:
0xe4: {  	[tilespmem:$0x2200] =	vst v1;
	(pc) =	sbr.rel @p0 .LBB2_2-.Ltmp5, $4  }
0xe5: {  	[hbm4b:s2+s6] =	stream.linear.scatter [tilespmem:s9], [sflag:$0x1], $0x80, $0x38;
	[tilespmem:$0x2280] =	vst v63  }
0xe6: {  	_ =	swait.ge [sflag:s7], $0x80  }
0xe7: {  	[sflag:s7] =	ssyncset.done $0x0  }
0xe8: {  	[sflag:s7] =	ssyncadd.s32 $0xFFFFFF80  }
.LBB2_11:
0xe9: {  	_ =	sfence.sel $0x180000  }
0xea: {  	[bflag:$0x0] =	sbarrier.arrive $0xFFFF  }
0xeb: {  	p0 =	sne.s32 s0, $0x0;
	_ =	strace $0x90000050  }
0xec: {  	s0 =	sadd.s32 @!p0 $0x100000, s1;
	[bflag:$0x2] =	sbarrier.arrive $0xFFFF  }
0xed: {  	[sflag:s0] =	ssyncadd.tile.s32 @!p0 $0x1;
	_ =	shalt  }
.Lfunc_end2:
_tile_overlayer_lowered:
.L_overlay_start_2:
0xee: {  	(tag) =	ssettag $0x2  }
0xef: {  	s0 =	rddreg [dreg:$0x0];
	s2 =	stileid.u32  }
0xf0: {  	s1 =	rddreg [dreg:$0x1];
	p0 =	sne.s32 s2, $0x0  }
0xf1: {  	s3 =	rddreg [dreg:$0x2];
	[bflag:$0x3] =	sbarrier.arrive $0xFFFF;
	s2 =	simm.s32 @!p0 $0x1C01  }
0xf2: {  	[timem:s3], [sflag:s2] =	dma.local @!p0 [hbm:s0], s1  }
0xf3: {  	s0 =	simm.s32 @!p0 $0x1  }
0xf4: {  	_ =	swait.ge @!p0 [sflag:s0], s1  }
0xf5: {  	s1 =	ssub.s32 @!p0 $0x0, s1;
	[sflag:s0] =	ssyncset.done @!p0 $0x0  }
0xf6: {  	[sflag:s0] =	ssyncadd.s32 @!p0 s1  }
0xf7: {  	[bflag:$0x3] =	sbarrier.arrive $0xFFFF  }
0xf8: {  	_ =	shalt  }

// kernel: kernel.6.cloned.1.call-start
scs
__scs_entry_jumppad:
0x0: {  	(pc) =	sbr.rel $0x88, $3  }
0x1: {  	(tag) =	ssettag $0x0;
	lr =	simm.s32 $0x1  }
0x2: {  	[smem:$0x3FA0] =	sst lr;
	_ =	strace $0xD0000000  }
0x3: {  	_ = 	snop  }
0x4: {  	_ = 	snop  }
0x5: {  	_ = 	snop  }
0x6: {  	_ = 	snop  }
0x7: {  	_ = 	snop  }
__scs_overlays_trampoline_lowered:
0x8: {  	[smem:$0x3FAF] =	sst s0  }
0x9: {  	[smem:$0x3FB0] =	sst s1  }
0xa: {  	[smem:$0x3FB1] =	sst s2  }
0xb: {  	[smem:$0x3FB2] =	sst s3  }
0xc: {  	[smem:$0x3FB3] =	sst s4  }
0xd: {  	[smem:$0x3FB4] =	sst s5  }
0xe: {  	[smem:$0x3FB5] =	sst s6  }
0xf: {  	[smem:$0x3FB6] =	sst s7  }
0x10: {  	[smem:$0x3FB7] =	sst s8  }
0x11: {  	[smem:$0x3FB8] =	sst s9;
	s0 =	simm.s32 @!p0 $0x0  }
0x12: {  	s1 =	sld [smem:$0x3F9E];
	s0 =	simm.s32 @p0 $0x1  }
0x13: {  	[smem:$0x3FB9] =	sst s0;
	s0 =	simm.s32 @!p1 $0x0  }
0x14: {  	s2 =	sld [smem:$0x3F9D];
	s0 =	simm.s32 @p1 $0x1  }
0x15: {  	[smem:$0x3FBA] =	sst s0;
	s0 =	simm.s32 @!p2 $0x0  }
0x16: {  	s3 =	sld [smem:$0x3FDB];
	s0 =	simm.s32 @p2 $0x1  }
0x17: {  	s4 =	simm.s32 $0x1BF5;
	[smem:$0x3FBC] =	sst s0  }
0x18: {  	s0 =	sld [smem:$0x3F9F];
	_ =	swait.ge [sflag:s4], $0x0  }
0x19: {  	s7 =	sld [smem:$0x3FA0]  }
0x1a: {  	s8 =	sadd.s32 $0xFFFFE003, lr  }
0x1b: {  	s9 =	sadd.s32 $0xFFFFFEF7, lr;
	s5 =	simm.s32 $0xFFFFFFFF;
	p2 =	slt.u32 s8, $0xFFFFF086  }
0x1c: {  	p1 =	slt.u32 s9, $0xF7A;
	s5 =	simm.s32 @!p2 $0x0  }
0x1d: {  	s5 =	simm.s32 @p1 $0x1;
	p0 =	seq.s32 s7, s2  }
0x1e: {  	s7 =	smul.u32 @!p0 $0xF7A, s2;
	p2 =	seq.s32 @!p0 s5, $0x0  }
0x1f: {  	s9 =	smul.u32 $0xF7A, s1;
	s8 =	simm.s32 @!p0 $0x1BF5;
	p2 =	por !p2, p0  }
0x20: {  	[sflag:s8] =	ssyncset.s32 @!p0 $0xFFFFF086;
	s6 =	sadd.s32 @!p0 s3, s7;
	s7 =	simm.s32 @!p0 $0x108  }
0x21: {  	s3 =	sadd.s32 s3, s9;
	s6 =	sadd.s32 @!p0 $0x88, s6;
	s7 =	simm.s32 @p2 $0x1082  }
0x22: {  	[simem:s7], [sflag:s8] =	dma.local @!p0 [hbm:s6], $0xF7A  }
0x23: {  	s9 =	sor.u32 $0xD0000000, s2;
	s6 =	simm.s32 $0x108;
	_ =	swait.ge @!p0 [sflag:s8], $0x0  }
0x24: {  	s3 =	sadd.s32 $0x88, s3;
	s6 =	simm.s32 @!p1 $0x1082;
	[sflag:s4] =	ssyncset.s32 $0xFFFFF086  }
0x25: {  	[simem:s6], [sflag:s4] =	dma.local [hbm:s3], $0xF7A  }
0x26: {  	[smem:$0x3FA0] =	sst s1;
	(tag) =	ssettag s2;
	_ =	strace s9  }
0x27: {  	s1 =	sld [smem:$0x3FB0]  }
0x28: {  	s2 =	sld [smem:$0x3FB1]  }
0x29: {  	s4 =	sld [smem:$0x3FB3]  }
0x2a: {  	p0 =	seq.s32 s5, $0x0;
	s5 =	sld [smem:$0x3FB4]  }
0x2b: {  	s6 =	sld [smem:$0x3FB5]  }
0x2c: {  	s7 =	sld [smem:$0x3FB6]  }
0x2d: {  	s3 =	simm.s32 $0x108;
	s8 =	sld [smem:$0x3FB7]  }
0x2e: {  	s3 =	simm.s32 @!p0 $0x1082;
	s9 =	sld [smem:$0x3FB8]  }
0x2f: {  	lr =	sadd.s32 s0, s3;
	s0 =	sld [smem:$0x3FAF]  }
0x30: {  	s3 =	sld [smem:$0x3FB2]  }
0x31: {  	[smem:$0x3FBB] =	sst s10  }
0x32: {  	s10 =	sld [smem:$0x3FB9];
	_ =	sdelay $0x3  }
0x33: {  	p0 =	seq.s32 s10, $0x1;
	s10 =	sld [smem:$0x3FBB];
	_ =	sdelay $0x3  }
0x34: {  	[smem:$0x3FBB] =	sst s10  }
0x35: {  	s10 =	sld [smem:$0x3FBA];
	_ =	sdelay $0x3  }
0x36: {  	p1 =	seq.s32 s10, $0x1;
	s10 =	sld [smem:$0x3FBB];
	_ =	sdelay $0x3  }
0x37: {  	[smem:$0x3FBB] =	sst s10  }
0x38: {  	s10 =	sld [smem:$0x3FBC]  }
0x39: {  	_ = 	snop;
	(pc) =	sbr.ind lr, $3  }
0x3a: {  	_ = 	snop  }
0x3b: {  	_ = 	snop  }
0x3c: {  	p2 =	seq.s32 s10, $0x1;
	s10 =	sld [smem:$0x3FBB]  }
0x3d: {  	_ =	shalt  }
0x3e: {  	_ =	shalt  }
0x3f: {  	_ =	shalt  }
0x40: {  	_ =	shalt  }
0x41: {  	_ =	shalt  }
0x42: {  	_ =	shalt  }
0x43: {  	_ =	shalt  }
0x44: {  	_ =	shalt  }
0x45: {  	_ =	shalt  }
0x46: {  	_ =	shalt  }
0x47: {  	_ =	shalt  }
0x48: {  	_ =	shalt  }
0x49: {  	_ =	shalt  }
0x4a: {  	_ =	shalt  }
0x4b: {  	_ =	shalt  }
0x4c: {  	_ =	shalt  }
0x4d: {  	_ =	shalt  }
0x4e: {  	_ =	shalt  }
0x4f: {  	_ =	shalt  }
0x50: {  	_ =	shalt  }
0x51: {  	_ =	shalt  }
0x52: {  	_ =	shalt  }
0x53: {  	_ =	shalt  }
0x54: {  	_ =	shalt  }
0x55: {  	_ =	shalt  }
0x56: {  	_ =	shalt  }
0x57: {  	_ =	shalt  }
0x58: {  	_ =	shalt  }
0x59: {  	_ =	shalt  }
0x5a: {  	_ =	shalt  }
0x5b: {  	_ =	shalt  }
0x5c: {  	_ =	shalt  }
0x5d: {  	_ =	shalt  }
0x5e: {  	_ =	shalt  }
0x5f: {  	_ =	shalt  }
0x60: {  	_ =	shalt  }
0x61: {  	_ =	shalt  }
0x62: {  	_ =	shalt  }
0x63: {  	_ =	shalt  }
0x64: {  	_ =	shalt  }
0x65: {  	_ =	shalt  }
0x66: {  	_ =	shalt  }
0x67: {  	_ =	shalt  }
0x68: {  	_ =	shalt  }
0x69: {  	_ =	shalt  }
0x6a: {  	_ =	shalt  }
0x6b: {  	_ =	shalt  }
0x6c: {  	_ =	shalt  }
0x6d: {  	_ =	shalt  }
0x6e: {  	_ =	shalt  }
0x6f: {  	_ =	shalt  }
0x70: {  	_ =	shalt  }
0x71: {  	_ =	shalt  }
0x72: {  	_ =	shalt  }
0x73: {  	_ =	shalt  }
0x74: {  	_ =	shalt  }
0x75: {  	_ =	shalt  }
0x76: {  	_ =	shalt  }
0x77: {  	_ =	shalt  }
0x78: {  	_ =	shalt  }
0x79: {  	_ =	shalt  }
0x7a: {  	_ =	shalt  }
0x7b: {  	_ =	shalt  }
0x7c: {  	_ =	shalt  }
0x7d: {  	_ =	shalt  }
0x7e: {  	_ =	shalt  }
0x7f: {  	_ =	shalt  }
0x80: {  	_ =	shalt  }
0x81: {  	_ =	shalt  }
0x82: {  	_ =	shalt  }
0x83: {  	_ =	shalt  }
0x84: {  	_ =	shalt  }
0x85: {  	_ =	shalt  }
0x86: {  	_ =	shalt  }
0x87: {  	_ =	shalt  }
.Lfunc_end0:
.L_simem_size_0:
called_computation_lowered:
.L_overlay_start_0:
0x88: {  	s2 =	sld [smem:$0x3FD9]  }
0x89: {  	s3 =	sld [smem:$0x3FFE];
	_ =	sdelay $0x1  }
0x8a: {  	s1 =	srdreg.scid  }
0x8b: {  	s0 =	sand.u32 $0x1, s1  }
0x8c: {  	s17 =	sshll.u32 s0, $0xA;
	s2 =	sadd.s32 s3, s2  }
0x8d: {  	s2 =	sadd.s32 s2, s17  }
0x8e: {  	[smem:$0x3FC7] =	sst s2  }
0x8f: {  	_ = 	snop  }
0x90: {  	s2 =	sld [smem:$0x3FC9];
	(tm) =	ssettm $0x1  }
0x91: {  	s18 =	sld [smem:$0x3FFB];
	_ =	sdelay $0x3  }
0x92: {  	_ =	strace s18  }
0x93: {  	s3 =	sld [smem:$0x3FFC];
	_ =	sdelay $0x3  }
0x94: {  	_ =	strace s3  }
0x95: {  	s3 =	sld [smem:$0x3FFD];
	_ =	sdelay $0x3  }
0x96: {  	_ =	strace s3  }
0x97: {  	_ =	strace $0x8FFFFFFF  }
0x98: {  	s19 =	sld [smem:$0x3FDB];
	_ =	sdelay $0x1  }
0x99: {  	s4 =	simm.s32 $_scs_section_size  }
0x9a: {  	s5 =	simm.s32 $_size__tile_overlayer_lowered;
	s6 =	simm.s32 $_tile_overlayer_lowered  }
0x9b: {  	s22 =	simm.s32 $0x1BFF;
	s21 =	sshll.u32 s6, $0x1;
	s3 =	sadd.s32 s4, s19  }
0x9c: {  	s7 =	simm.s32 $0x0;
	s20 =	sshll.u32 s5, $0x1;
	s5 =	sadd.s32 s21, s3  }
0x9d: {  	[timem:s7], [sflag:s22] =	dma.local [hbm:s5], s20  }
0x9e: {  	_ =	swait.ge [sflag:s22], s20  }
0x9f: {  	s4 =	ssub.s32 $0x0, s20;
	[sflag:s22] =	ssyncset.done $0x0  }
0xa0: {  	[sflag:s22] =	ssyncadd.s32 s4;
	_ =	sdelay $0x1  }
0xa1: {  	s23 =	simm.s32 $0x1B8B  }
0xa2: {  	_ =	swait.ge [sflag:s23], $0x1  }
0xa3: {  	[sflag:s23] =	ssyncset.done $0x0  }
0xa4: {  	s25 =	simm.s32 $0x1B8E;
	s24 =	sld [smem:$0x3FFE];
	[sflag:s23] =	ssyncadd.s32 $0xFFFFFFFF  }
0xa5: {  	s26 =	simm.s32 $execute0_lowered;
	[smem:$0x3FD2] =	sst s25  }
0xa6: {  	s5 =	sshll.u32 s26, $0x1;
	_ =	strace $0x80000046;
	[dreg:$0x1] =	wrdreg $0xFFFFFFFF  }
0xa7: {  	s28 =	simm.s32 $_size_execute0_lowered;
	s3 =	sadd.s32 s3, s5;
	[dreg:$0x0] =	wrdreg $0x0  }
0xa8: {  	s5 =	sshll.u32 s28, $0x1;
	[dreg:$0x2] =	wrdreg s3  }
0xa9: {  	[dreg:$0x3] =	wrdreg s5  }
0xaa: {  	[dreg:$0x4] =	wrdreg $0xC0  }
0xab: {  	_ =	task [dreg:s7], $0x5FFFF  }
0xac: {  	[dreg:$0x1] =	wrdreg $0xFFFFFFFF  }
0xad: {  	[dreg:$0x0] =	wrdreg $0x60  }
0xae: {  	[dreg:$0x2] =	wrdreg s2  }
0xaf: {  	[dreg:$0x3] =	wrdreg s24  }
0xb0: {  	[dreg:$0x4] =	wrdreg $0x110000  }
0xb1: {  	[dreg:$0x5] =	wrdreg $0x9  }
0xb2: {  	_ =	task.clear_ibuf [dreg:s7], $0x6FFFF;
	_ =	strace $0x90000046  }
0xb3: {  	s29 =	simm.s32 $0x9;
	_ =	strace $0x80000048  }
0xb4: {  	_ =	swait.ge [sflag:s29], $0x1  }
0xb5: {  	[sflag:s29] =	ssyncadd.s32 $0xFFFFFFFF  }
0xb6: {  	_ =	strace $0x90000048  }
0xb7: {  	_ =	sfence  }
0xb8: {  	s30 =	sld [smem:$0x0];
	_ =	sdelay $0x2  }
0xb9: {  	s31 =	sshll.u32 s1, $0xD;
	s1 =	sshrl.u32 s1, $0x2  }
0xba: {  	s3 =	sand.u32 $0x4000, s31;
	s1 =	sadd.s32 s1, s30  }
0xbb: {  	s0 =	sor.u32 s3, s0;
	s1 =	sshll.u32 s1, $0x11  }
0xbc: {  	s0 =	sor.u32 s1, s0  }
0xbd: {  	s0 =	sadd.s32 $0x8F2B, s0  }
0xbe: {  	[sflag:s0] =	ssyncadd.remote.s32 $0x1  }
0xbf: {  	_ =	sfence.sel $0xFFFF  }
0xc0: {  	[dreg:$0x0] =	wrdreg $0xFFFFFFFF;
	(pc) =	sbr.abs _section_cstart, $3  }
0xc1: {  	[dreg:$0x1] =	wrdreg $0xFFFFFFFF  }
0xc2: {  	_ =	task.clear_ibuf [dreg:s7], $0x2FFFF;
	_ =	strace $0x9FFFFFFF  }
0xc3: {  	(tm) =	ssettm $0x7FFFFFFF  }
tec
execute0_lowered:
.L_overlay_start_1:
0x0: {  	(tag) =	ssettag $0x1  }
0x1: {  	s3 =	rddreg [dreg:$0x0]  }
0x2: {  	s2 =	rddreg [dreg:$0x1]  }
0x3: {  	s5 =	rddreg [dreg:$0x2]  }
0x4: {  	s4 =	srdreg.scid;
	s0 =	rddreg [dreg:$0x3];
	s1 =	simm.s32 $0x0  }
0x5: {  	s11 =	simm.s32 $0x400;
	s12 =	simm.s32 $0x2;
	s13 =	simm.s32 $0x800  }
0x6: {  	s14 =	simm.s32 $0x8000;
	s15 =	simm.s32 $0x12000;
	s16 =	simm.s32 $0x100  }
0x7: {  	s17 =	simm.s32 $0x13000;
	s4 =	sand.u32 $0x1, s4;
	[smem:$0x7FF] =	sst s1  }
0x8: {  	s18 =	simm.s32 $0x0;
	s6 =	sshll.u32 s4, $0x4;
	_ =	strace $0x80000047  }
0x9: {  	s7 =	ssub.s32 $0x2, s4;
	s4 =	sshll.u32 s4, $0xD;
	s6 =	sadd.s32 s6, s2  }
0xa: {  	s2 =	stileid.u32;
	s8 =	sshrl.u32 s7, $0x1;
	s3 =	sadd.s32 s3, s4  }
0xb: {  	s7 =	ssub.s32 s7, s8;
	s29 =	sshll.u32 s2, $0xE;
	s30 =	sshll.u32 s2, $0xC  }
0xc: {  	s31 =	sshll.u32 s2, $0x7;
	s9 =	sshll.u32 s2, $0x6;
	s10 =	sshll.u32 s2, $0xB  }
0xd: {  	s3 =	sadd.s32 s29, s3;
	s4 =	sand.u32 $0x8000, s30;
	s8 =	sand.u32 $0x380, s31  }
0xe: {  	s6 =	sadd.s32 s9, s6;
	s7 =	smax.u32 s7, $0x1;
	s9 =	simm.s32 $0x10000  }
0xf: {  	s4 =	sadd.s32 s4, s5;
	s5 =	sadd.s32 s10, s5;
	s6 =	sadd.s32 $0x1800, s6  }
0x10: {  	v0 =	vimm.s32 $0x0;
	v1 =	vimm.s32 $0x1;
	s10 =	simm.s32 $0x80;
	s4 =	sadd.s32 s8, s4;
	s8 =	simm.s32 $0x1  }
.LBB2_1:
0x11: {  	[tilespmem:s1], [sflag:$0x1] =	stream.linear.gather [hbm4b:s3+s1], $0x10000, $0x38;
	[tilespmem:$0x13100] =	vst v63  }
0x12: {  	s19 =	simm.s32 $0x40;
	s20 =	simm.s32 $0x0  }
.LBB2_2:
0x13: {  	p0 =	sne.s32 s19, $0x3FC0;
	[tilespmem:s20+$0x10000] =	vst v0;
	s20 =	smov.u32 s19;
	s19 =	sadd.s32 $0x40, s19  }
.Ltmp0:
0x14: {  	(pc) =	sbr.rel @p0 .LBB2_2-.Ltmp0, $2  }
0x15: {  	_ =	sdelay $0x2  }
0x16: {  	s20 =	sshra.s32 s20, $0x2  }
0x17: {  	[tilespmem:s20+$0x10000] =	vst v0  }
0x18: {  	_ =	swait.ge [sflag:s8], $0x10000  }
0x19: {  	[sflag:s8] =	ssyncset.done $0x0  }
0x1a: {  	s21 =	simm.s32 $0x80;
	[sflag:s8] =	ssyncadd.s32 $0xFFFF0000  }
0x1b: {  	v2 =	vld [tilespmem:s21+$0xFFFFFFC0];
	_ =	sdelay $0x1  }
0x1c: {  	v3 =	vld [tilespmem:s21+$0x0];
	_ =	sdelay $0x1  }
0x1d: {  	v4 =	vld [tilespmem:s21+$0xFFFFFF80]  }
0x1e: {  	v5 =	vshra.s32 v2, $0x1F  }
0x1f: {  	v5 =	vand.u32 $0x7FE00000, v5  }
0x20: {  	v6 =	vshra.s32 v3, $0x1F;
	v2 =	vxor.u32 v2, v5  }
0x21: {  	v5 =	vand.u32 $0x7FE00000, v6;
	v2 =	vshra.s32 v2, $0x15  }
0x22: {  	v3 =	vxor.u32 v3, v5;
	v5 =	vshra.s32 v4, $0x1F;
	v2 =	vadd.s32 $0x400, v2  }
0x23: {  	v3 =	vshra.s32 v3, $0x15;
	v5 =	vand.u32 $0x7FE00000, v5  }
0x24: {  	v6 =	vld [tilespmem:s21+$0x40];
	v3 =	vadd.s32 $0xC00, v3;
	v4 =	vxor.u32 v4, v5  }
0x25: {  	v4 =	vshra.s32 v4, $0x15  }
0x26: {  	v4 =	vadd.s32 $0x400, v4  }
0x27: {  	[tilespmem:v2+s9+$0x0] =	vst.idx.add.s32.msk $0xffff, v1  }
0x28: {  	v2 =	vld [tilespmem:s21+$0xFFFFFFD0]  }
0x29: {  	v5 =	vshra.s32 v6, $0x1F;
	[tilespmem:v3+s9+$0x0] =	vst.idx.add.s32.msk $0xffff, v1  }
0x2a: {  	v3 =	vand.u32 $0x7FE00000, v5;
	v5 =	vld [tilespmem:s21+$0x10]  }
0x2b: {  	v3 =	vxor.u32 v6, v3;
	[tilespmem:v4+s9+$0x0] =	vst.idx.add.s32.msk $0xffff, v1  }
0x2c: {  	v3 =	vshra.s32 v3, $0x15;
	v4 =	vld [tilespmem:s21+$0xFFFFFF90]  }
0x2d: {  	s19 =	simm.s32 $0x180;
	v3 =	vadd.s32 $0xC00, v3;
	v6 =	vshra.s32 v2, $0x1F  }
0x2e: {  	v7 =	vld [tilespmem:s19+$0x0];
	v6 =	vand.u32 $0x7FE00000, v6  }
0x2f: {  	v9 =	vld [tilespmem:s19+$0xFFFFFFC0];
	v8 =	vshra.s32 v5, $0x1F;
	v2 =	vxor.u32 v2, v6  }
0x30: {  	v6 =	vand.u32 $0x7FE00000, v8;
	v2 =	vshra.s32 v2, $0x15  }
0x31: {  	v5 =	vxor.u32 v5, v6;
	v6 =	vld [tilespmem:s19+$0x40];
	v8 =	vshra.s32 v4, $0x1F;
	v2 =	vadd.s32 $0x400, v2  }
0x32: {  	[tilespmem:v3+s9+$0x0] =	vst.idx.add.s32.msk $0xffff, v1;
	v3 =	vshra.s32 v5, $0x15;
	v5 =	vand.u32 $0x7FE00000, v8  }
0x33: {  	v10 =	vshra.s32 v7, $0x1F;
	v8 =	vld [tilespmem:s21+$0x50];
	v3 =	vadd.s32 $0xC00, v3;
	v4 =	vxor.u32 v4, v5  }
0x34: {  	v10 =	vand.u32 $0x7FE00000, v10;
	v5 =	vshra.s32 v9, $0x1F;
	v4 =	vshra.s32 v4, $0x15  }
0x35: {  	v7 =	vxor.u32 v7, v10;
	v10 =	vld [tilespmem:s19+$0xFFFFFF80];
	v5 =	vand.u32 $0x7FE00000, v5;
	v4 =	vadd.s32 $0x400, v4  }
0x36: {  	v7 =	vshra.s32 v7, $0x15;
	v5 =	vxor.u32 v9, v5;
	v9 =	vshra.s32 v6, $0x1F;
	[tilespmem:v2+s9+$0x0] =	vst.idx.add.s32.msk $0xffff, v1  }
0x37: {  	v2 =	vshra.s32 v5, $0x15;
	v5 =	vadd.s32 $0xC00, v7;
	v7 =	vand.u32 $0x7FE00000, v9;
	v9 =	vld [tilespmem:s21+$0xFFFFFFE0]  }
0x38: {  	[tilespmem:v3+s9+$0x0] =	vst.idx.add.s32.msk $0xffff, v1;
	v2 =	vadd.s32 $0x400, v2;
	v3 =	vshra.s32 v8, $0x1F;
	v6 =	vxor.u32 v6, v7  }
0x39: {  	v3 =	vand.u32 $0x7FE00000, v3;
	v6 =	vshra.s32 v6, $0x15  }
0x3a: {  	[tilespmem:v4+s9+$0x0] =	vst.idx.add.s32.msk $0xffff, v1;
	v4 =	vadd.s32 $0xC00, v6;
	v3 =	vxor.u32 v8, v3  }
0x3b: {  	v7 =	vld [tilespmem:s21+$0x20];
	v6 =	vshra.s32 v10, $0x1F;
	v3 =	vshra.s32 v3, $0x15  }
0x3c: {  	v6 =	vand.u32 $0x7FE00000, v6;
	[tilespmem:v5+s9+$0x0] =	vst.idx.add.s32.msk $0xffff, v1;
	v3 =	vadd.s32 $0xC00, v3;
	v5 =	vshra.s32 v9, $0x1F  }
0x3d: {  	v6 =	vxor.u32 v10, v6;
	[tilespmem:v2+s9+$0x0] =	vst.idx.add.s32.msk $0xffff, v1;
	v2 =	vand.u32 $0x7FE00000, v5  }
0x3e: {  	v5 =	vshra.s32 v6, $0x15;
	v6 =	vld [tilespmem:s19+$0x10];
	v2 =	vxor.u32 v9, v2  }
0x3f: {  	v5 =	vadd.s32 $0x400, v5;
	[tilespmem:v4+s9+$0x0] =	vst.idx.add.s32.msk $0xffff, v1;
	v2 =	vshra.s32 v2, $0x15  }
0x40: {  	v4 =	vld [tilespmem:s19+$0xFFFFFFD0];
	v2 =	vadd.s32 $0x400, v2  }
0x41: {  	v9 =	vshra.s32 v7, $0x1F;
	[tilespmem:v3+s9+$0x0] =	vst.idx.add.s32.msk $0xffff, v1  }
0x42: {  	v3 =	vand.u32 $0x7FE00000, v9;
	v9 =	vld [tilespmem:s21+$0x60]  }
0x43: {  	v8 =	vld [tilespmem:s21+$0xFFFFFFA0];
	v3 =	vxor.u32 v7, v3  }
0x44: {  	v10 =	vshra.s32 v6, $0x1F;
	v3 =	vshra.s32 v3, $0x15;
	[tilespmem:v5+s9+$0x0] =	vst.idx.add.s32.msk $0xffff, v1  }
0x45: {  	v5 =	vand.u32 $0x7FE00000, v10;
	v3 =	vadd.s32 $0xC00, v3;
	[tilespmem:v2+s9+$0x0] =	vst.idx.add.s32.msk $0xffff, v1  }
0x46: {  	s20 =	simm.s32 $0x280;
	v2 =	vxor.u32 v6, v5;
	v5 =	vld [tilespmem:s19+$0xFFFFFF90]  }
0x47: {  	v11 =	vld [tilespmem:s20+$0xFFFFFFC0];
	v13 =	vshra.s32 v4, $0x1F;
	v2 =	vshra.s32 v2, $0x15;
	v10 =	vshra.s32 v9, $0x1F  }
0x48: {  	v14 =	vld [tilespmem:s20+$0x40];
	v57 =	vand.u32 $0x7FE00000, v13;
	v2 =	vadd.s32 $0xC00, v2;
	v10 =	vand.u32 $0x7FE00000, v10  }
0x49: {  	v6 =	vld [tilespmem:s20+$0x0];
	v4 =	vxor.u32 v4, v57;
	v9 =	vxor.u32 v9, v10  }
0x4a: {  	v12 =	vshra.s32 v8, $0x1F;
	v4 =	vshra.s32 v4, $0x15;
	[tilespmem:v3+s9+$0x0] =	vst.idx.add.s32.msk $0xffff, v1;
	v3 =	vshra.s32 v9, $0x15  }
0x4b: {  	v59 =	vld [tilespmem:s20+$0xFFFFFF80];
	v10 =	vand.u32 $0x7FE00000, v12;
	v9 =	vshra.s32 v5, $0x1F;
	v3 =	vadd.s32 $0xC00, v3  }
0x4c: {  	v7 =	vld [tilespmem:s19+$0x50];
	v4 =	vadd.s32 $0x400, v4;
	v8 =	vxor.u32 v8, v10;
	v9 =	vand.u32 $0x7FE00000, v9  }
0x4d: {  	[tilespmem:v2+s9+$0x0] =	vst.idx.add.s32.msk $0xffff, v1;
	v2 =	vshra.s32 v8, $0x15;
	v5 =	vxor.u32 v5, v9  }
0x4e: {  	v8 =	vld [tilespmem:s21+$0xFFFFFFF0];
	v2 =	vadd.s32 $0x400, v2;
	v5 =	vshra.s32 v5, $0x15  }
0x4f: {  	v15 =	vshra.s32 v11, $0x1F;
	v58 =	vld [tilespmem:s21+$0x30];
	v10 =	vshra.s32 v6, $0x1F;
	v5 =	vadd.s32 $0x400, v5  }
0x50: {  	v10 =	vand.u32 $0x7FE00000, v10;
	[tilespmem:v3+s9+$0x0] =	vst.idx.add.s32.msk $0xffff, v1;
	v3 =	vand.u32 $0x7FE00000, v15  }
0x51: {  	v6 =	vxor.u32 v6, v10;
	v10 =	vshra.s32 v14, $0x1F;
	[tilespmem:v4+s9+$0x0] =	vst.idx.add.s32.msk $0xffff, v1;
	v3 =	vxor.u32 v11, v3  }
0x52: {  	v9 =	vld [tilespmem:s19+$0x20];
	v6 =	vshra.s32 v6, $0x15;
	v10 =	vand.u32 $0x7FE00000, v10;
	v3 =	vshra.s32 v3, $0x15  }
0x53: {  	v4 =	vadd.s32 $0xC00, v6;
	[tilespmem:v2+s9+$0x0] =	vst.idx.add.s32.msk $0xffff, v1;
	v2 =	vadd.s32 $0x400, v3;
	v3 =	vshra.s32 v8, $0x1F  }
0x54: {  	v16 =	vshra.s32 v59, $0x1F;
	v6 =	vxor.u32 v14, v10;
	[tilespmem:v5+s9+$0x0] =	vst.idx.add.s32.msk $0xffff, v1;
	v5 =	vand.u32 $0x7FE00000, v3  }
0x55: {  	v10 =	vshra.s32 v58, $0x1F;
	v6 =	vshra.s32 v6, $0x15;
	v60 =	vld [tilespmem:s21+$0x70];
	v5 =	vxor.u32 v8, v5  }
0x56: {  	v6 =	vadd.s32 $0xC00, v6;
	v11 =	vshra.s32 v7, $0x1F;
	v61 =	vld [tilespmem:s21+$0xFFFFFFB0];
	v5 =	vshra.s32 v5, $0x15  }
0x57: {  	v10 =	vand.u32 $0x7FE00000, v10;
	v11 =	vand.u32 $0x7FE00000, v11;
	v8 =	vld [tilespmem:s19+$0xFFFFFFE0];
	v5 =	vadd.s32 $0x400, v5  }
0x58: {  	v10 =	vxor.u32 v58, v10;
	v7 =	vxor.u32 v7, v11;
	[tilespmem:v4+s9+$0x0] =	vst.idx.add.s32.msk $0xffff, v1;
	v4 =	vand.u32 $0x7FE00000, v16  }
0x59: {  	v11 =	vshra.s32 v9, $0x1F;
	[tilespmem:v2+s9+$0x0] =	vst.idx.add.s32.msk $0xffff, v1;
	v2 =	vxor.u32 v59, v4;
	v4 =	vshra.s32 v7, $0x15  }
0x5a: {  	v10 =	vshra.s32 v10, $0x15;
	v11 =	vand.u32 $0x7FE00000, v11;
	v3 =	vld [tilespmem:s19+$0xFFFFFFA0];
	v4 =	vadd.s32 $0xC00, v4  }
0x5b: {  	v9 =	vxor.u32 v9, v11;
	[tilespmem:v6+s9+$0x0] =	vst.idx.add.s32.msk $0xffff, v1;
	v7 =	vadd.s32 $0xC00, v10;
	v10 =	vshra.s32 v60, $0x1F  }
0x5c: {  	v2 =	vshra.s32 v2, $0x15;
	v10 =	vand.u32 $0x7FE00000, v10;
	[tilespmem:v5+s9+$0x0] =	vst.idx.add.s32.msk $0xffff, v1;
	v5 =	vshra.s32 v8, $0x1F  }
0x5d: {  	v6 =	vld [tilespmem:s20+$0xFFFFFFD0];
	v62 =	vadd.s32 $0x400, v2;
	v63 =	vxor.u32 v60, v10;
	v5 =	vand.u32 $0x7FE00000, v5  }
0x5e: {  	v11 =	vshra.s32 v61, $0x1F;
	v10 =	vld [tilespmem:s20+$0x10];
	v13 =	vshra.s32 v63, $0x15;
	v5 =	vxor.u32 v8, v5  }
0x5f: {  	v11 =	vand.u32 $0x7FE00000, v11;
	[tilespmem:v4+s9+$0x0] =	vst.idx.add.s32.msk $0xffff, v1;
	v4 =	vadd.s32 $0xC00, v13;
	v5 =	vshra.s32 v5, $0x15  }
0x60: {  	[tilespmem:v7+s9+$0x0] =	vst.idx.add.s32.msk $0xffff, v1;
	v7 =	vshra.s32 v9, $0x15;
	v8 =	vxor.u32 v61, v11;
	v9 =	vadd.s32 $0x400, v5  }
0x61: {  	v2 =	vld [tilespmem:s20+$0x50];
	v8 =	vshra.s32 v8, $0x15  }
0x62: {  	[tilespmem:v62+s9+$0x0] =	vst.idx.add.s32.msk $0xffff, v1;
	v5 =	vadd.s32 $0x400, v8  }
0x63: {  	s22 =	simm.s32 $0x380;
	s21 =	simm.s32 $0x8;
	v11 =	vshra.s32 v3, $0x1F;
	v8 =	vld [tilespmem:s19+$0x60]  }
.LBB2_4:
0x64: {  	s21 =	sadd.s32 $0x4, s21;
	v12 =	vshra.s32 v10, $0x1F;
	v11 =	vand.u32 $0x7FE00000, v11;
	[tilespmem:v4+s9+$0x0] =	vst.idx.add.s32.msk $0xffff, v1  }
0x65: {  	p0 =	slt.u32 s21, $0x3FC;
	v4 =	vand.u32 $0x7FE00000, v12;
	v3 =	vxor.u32 v3, v11;
	[tilespmem:v9+s9+$0x0] =	vst.idx.add.s32.msk $0xffff, v1  }
0x66: {  	v7 =	vadd.s32 $0xC00, v7;
	v9 =	vld [tilespmem:s20+$0xFFFFFF90];
	v4 =	vxor.u32 v10, v4;
	v3 =	vshra.s32 v3, $0x15  }
0x67: {  	v10 =	vshra.s32 v6, $0x1F;
	v4 =	vshra.s32 v4, $0x15;
	[tilespmem:v5+s9+$0x0] =	vst.idx.add.s32.msk $0xffff, v1  }
0x68: {  	v10 =	vand.u32 $0x7FE00000, v10;
	v5 =	vld [tilespmem:s22+$0x0];
	v4 =	vadd.s32 $0xC00, v4;
	v11 =	vshra.s32 v8, $0x1F  }
0x69: {  	v6 =	vxor.u32 v6, v10;
	v12 =	vld [tilespmem:s22+$0xFFFFFFC0];
	v10 =	vand.u32 $0x7FE00000, v11  }
0x6a: {  	v11 =	vld [tilespmem:s22+$0x40];
	v8 =	vxor.u32 v8, v10  }
0x6b: {  	v6 =	vshra.s32 v6, $0x15;
	[tilespmem:v7+s9+$0x0] =	vst.idx.add.s32.msk $0xffff, v1;
	v7 =	vshra.s32 v8, $0x15  }
0x6c: {  	v6 =	vadd.s32 $0x400, v6;
	v8 =	vshra.s32 v9, $0x1F;
	v10 =	vld [tilespmem:s19+$0x30];
	v7 =	vadd.s32 $0xC00, v7  }
0x6d: {  	v3 =	vadd.s32 $0x400, v3;
	v8 =	vand.u32 $0x7FE00000, v8;
	v13 =	vshra.s32 v5, $0x1F;
	[tilespmem:v4+s9+$0x0] =	vst.idx.add.s32.msk $0xffff, v1  }
0x6e: {  	v8 =	vxor.u32 v9, v8;
	v4 =	vshra.s32 v12, $0x1F;
	v13 =	vand.u32 $0x7FE00000, v13;
	v9 =	vld [tilespmem:s19+$0xFFFFFFF0]  }
0x6f: {  	v8 =	vshra.s32 v8, $0x15;
	v4 =	vand.u32 $0x7FE00000, v4;
	v5 =	vxor.u32 v5, v13;
	v13 =	vld [tilespmem:s20+$0x20]  }
0x70: {  	v8 =	vadd.s32 $0x400, v8;
	v14 =	vld [tilespmem:s22+$0xFFFFFF80];
	v4 =	vxor.u32 v12, v4;
	v5 =	vshra.s32 v5, $0x15  }
0x71: {  	v4 =	vshra.s32 v4, $0x15;
	v5 =	vadd.s32 $0xC00, v5;
	v12 =	vshra.s32 v10, $0x1F;
	[tilespmem:v7+s9+$0x0] =	vst.idx.add.s32.msk $0xffff, v1  }
0x72: {  	v7 =	vshra.s32 v11, $0x1F;
	v4 =	vadd.s32 $0x400, v4;
	v12 =	vand.u32 $0x7FE00000, v12;
	v15 =	vld [tilespmem:s19+$0x70]  }
0x73: {  	v7 =	vand.u32 $0x7FE00000, v7;
	[tilespmem:v6+s9+$0x0] =	vst.idx.add.s32.msk $0xffff, v1;
	v6 =	vshra.s32 v2, $0x1F;
	v16 =	vshra.s32 v9, $0x1F  }
0x74: {  	v7 =	vxor.u32 v11, v7;
	v6 =	vand.u32 $0x7FE00000, v6;
	[tilespmem:v3+s9+$0x0] =	vst.idx.add.s32.msk $0xffff, v1;
	v3 =	vand.u32 $0x7FE00000, v16  }
0x75: {  	v7 =	vshra.s32 v7, $0x15;
	v11 =	vshra.s32 v14, $0x1F;
	[tilespmem:v8+s9+$0x0] =	vst.idx.add.s32.msk $0xffff, v1;
	v8 =	vxor.u32 v9, v3  }
0x76: {  	v7 =	vadd.s32 $0xC00, v7;
	v9 =	vand.u32 $0x7FE00000, v11;
	v3 =	vld [tilespmem:s20+$0xFFFFFFA0];
	v8 =	vshra.s32 v8, $0x15  }
0x77: {  	v2 =	vxor.u32 v2, v6;
	v6 =	vxor.u32 v10, v12;
	v9 =	vxor.u32 v14, v9;
	v11 =	vld [tilespmem:s20+$0xFFFFFFE0]  }
0x78: {  	v6 =	vshra.s32 v6, $0x15;
	v8 =	vadd.s32 $0x400, v8;
	v9 =	vshra.s32 v9, $0x15;
	v12 =	vld [tilespmem:s19+$0xFFFFFFB0];
	s19 =	smov.u32 s20;
	s20 =	smov.u32 s22  }
0x79: {  	v2 =	vshra.s32 v2, $0x15;
	v10 =	vshra.s32 v15, $0x1F;
	[tilespmem:v5+s9+$0x0] =	vst.idx.add.s32.msk $0xffff, v1;
	v5 =	vshra.s32 v13, $0x1F  }
0x7a: {  	v14 =	vadd.s32 $0x400, v9;
	[tilespmem:v4+s9+$0x0] =	vst.idx.add.s32.msk $0xffff, v1;
	v4 =	vand.u32 $0x7FE00000, v5;
	v5 =	vand.u32 $0x7FE00000, v10  }
0x7b: {  	v16 =	vadd.s32 $0xC00, v2;
	v17 =	vadd.s32 $0xC00, v6;
	[tilespmem:v7+s9+$0x0] =	vst.idx.add.s32.msk $0xffff, v1;
	v2 =	vxor.u32 v15, v5  }
0x7c: {  	v4 =	vxor.u32 v13, v4;
	v6 =	vld [tilespmem:s22+$0xFFFFFFD0];
	v5 =	vshra.s32 v11, $0x1F;
	v9 =	vshra.s32 v2, $0x15  }
0x7d: {  	v7 =	vshra.s32 v4, $0x15;
	v2 =	vld [tilespmem:s22+$0x50];
	v5 =	vand.u32 $0x7FE00000, v5;
	v4 =	vadd.s32 $0xC00, v9  }
0x7e: {  	v9 =	vshra.s32 v12, $0x1F;
	v5 =	vxor.u32 v11, v5;
	[tilespmem:v8+s9+$0x0] =	vst.idx.add.s32.msk $0xffff, v1  }
.Ltmp1:
0x7f: {  	v8 =	vand.u32 $0x7FE00000, v9;
	v10 =	vld [tilespmem:s22+$0x10];
	v5 =	vshra.s32 v5, $0x15;
	(pc) =	sbr.rel @p0 .LBB2_4-.Ltmp1, $4  }
0x80: {  	v9 =	vadd.s32 $0x400, v5;
	v5 =	vxor.u32 v12, v8;
	[tilespmem:v17+s9+$0x0] =	vst.idx.add.s32.msk $0xffff, v1  }
0x81: {  	[tilespmem:v16+s9+$0x0] =	vst.idx.add.s32.msk $0xffff, v1;
	v5 =	vshra.s32 v5, $0x15  }
0x82: {  	[tilespmem:v14+s9+$0x0] =	vst.idx.add.s32.msk $0xffff, v1;
	v5 =	vadd.s32 $0x400, v5  }
0x83: {  	v11 =	vshra.s32 v3, $0x1F;
	s22 =	sadd.s32 $0x100, s22;
	v8 =	vld [tilespmem:s19+$0x60]  }
0x84: {  	v12 =	vshra.s32 v10, $0x1F  }
0x85: {  	v13 =	vshra.s32 v6, $0x1F;
	v12 =	vand.u32 $0x7FE00000, v12  }
0x86: {  	v14 =	vld [tilespmem:s20+$0xFFFFFF90];
	v29 =	vand.u32 $0x7FE00000, v13;
	v28 =	vxor.u32 v10, v12  }
0x87: {  	v6 =	vxor.u32 v6, v29;
	v10 =	vshra.s32 v28, $0x15  }
0x88: {  	v6 =	vshra.s32 v6, $0x15;
	v10 =	vadd.s32 $0xC00, v10  }
0x89: {  	v30 =	vshra.s32 v2, $0x1F;
	v6 =	vadd.s32 $0x400, v6  }
0x8a: {  	v12 =	vand.u32 $0x7FE00000, v30  }
0x8b: {  	v2 =	vxor.u32 v2, v12;
	v31 =	vshra.s32 v14, $0x1F  }
0x8c: {  	v2 =	vshra.s32 v2, $0x15;
	v32 =	vand.u32 $0x7FE00000, v31  }
0x8d: {  	v2 =	vadd.s32 $0xC00, v2;
	v33 =	vxor.u32 v14, v32;
	[tilespmem:v10+s9+$0x0] =	vst.idx.add.s32.msk $0xffff, v1  }
0x8e: {  	v10 =	vshra.s32 v33, $0x15;
	[tilespmem:v6+s9+$0x0] =	vst.idx.add.s32.msk $0xffff, v1  }
0x8f: {  	v6 =	vadd.s32 $0x400, v10;
	v34 =	vld [tilespmem:s20+$0xFFFFFFE0]  }
0x90: {  	v35 =	vshra.s32 v8, $0x1F;
	v36 =	vld [tilespmem:s20+$0x20]  }
0x91: {  	[tilespmem:v9+s9+$0x0] =	vst.idx.add.s32.msk $0xffff, v1;
	v7 =	vadd.s32 $0xC00, v7;
	v37 =	vand.u32 $0x7FE00000, v35  }
0x92: {  	v8 =	vxor.u32 v8, v37;
	[tilespmem:v2+s9+$0x0] =	vst.idx.add.s32.msk $0xffff, v1  }
0x93: {  	v8 =	vshra.s32 v8, $0x15;
	v2 =	vand.u32 $0x7FE00000, v11;
	v38 =	vld [tilespmem:s20+$0x60]  }
0x94: {  	v2 =	vxor.u32 v3, v2;
	v3 =	vadd.s32 $0xC00, v8;
	[tilespmem:v6+s9+$0x0] =	vst.idx.add.s32.msk $0xffff, v1;
	v6 =	vshra.s32 v34, $0x1F  }
0x95: {  	v2 =	vshra.s32 v2, $0x15;
	v39 =	vshra.s32 v36, $0x1F;
	v8 =	vld [tilespmem:s20+$0xFFFFFFA0];
	v6 =	vand.u32 $0x7FE00000, v6  }
0x96: {  	[tilespmem:v7+s9+$0x0] =	vst.idx.add.s32.msk $0xffff, v1;
	v2 =	vadd.s32 $0x400, v2;
	v7 =	vand.u32 $0x7FE00000, v39;
	v6 =	vxor.u32 v34, v6  }
0x97: {  	v41 =	vld [tilespmem:s19+$0xFFFFFFF0];
	v7 =	vxor.u32 v36, v7;
	v6 =	vshra.s32 v6, $0x15  }
0x98: {  	v40 =	vld [tilespmem:s19+$0x30];
	v42 =	vshra.s32 v38, $0x1F;
	v7 =	vshra.s32 v7, $0x15;
	v6 =	vadd.s32 $0x400, v6  }
0x99: {  	[tilespmem:v3+s9+$0x0] =	vst.idx.add.s32.msk $0xffff, v1;
	v3 =	vadd.s32 $0xC00, v7;
	v7 =	vand.u32 $0x7FE00000, v42  }
0x9a: {  	v43 =	vld [tilespmem:s19+$0x70];
	v7 =	vxor.u32 v38, v7;
	v44 =	vshra.s32 v8, $0x1F  }
0x9b: {  	[tilespmem:v2+s9+$0x0] =	vst.idx.add.s32.msk $0xffff, v1;
	v7 =	vshra.s32 v7, $0x15;
	v2 =	vand.u32 $0x7FE00000, v44  }
0x9c: {  	v45 =	vld [tilespmem:s19+$0xFFFFFFB0];
	v7 =	vadd.s32 $0xC00, v7;
	v2 =	vxor.u32 v8, v2  }
0x9d: {  	[tilespmem:v6+s9+$0x0] =	vst.idx.add.s32.msk $0xffff, v1;
	v2 =	vshra.s32 v2, $0x15  }
0x9e: {  	v6 =	vshra.s32 v41, $0x1F;
	[tilespmem:v3+s9+$0x0] =	vst.idx.add.s32.msk $0xffff, v1;
	v2 =	vadd.s32 $0x400, v2  }
0x9f: {  	v3 =	vand.u32 $0x7FE00000, v6;
	v6 =	vld [tilespmem:s20+$0x30]  }
0xa0: {  	v47 =	vshra.s32 v43, $0x1F;
	v8 =	vshra.s32 v40, $0x1F;
	v46 =	vld [tilespmem:s20+$0xFFFFFFF0]  }
0xa1: {  	v8 =	vand.u32 $0x7FE00000, v8;
	v49 =	vshra.s32 v45, $0x1F;
	v3 =	vxor.u32 v41, v3;
	[tilespmem:v7+s9+$0x0] =	vst.idx.add.s32.msk $0xffff, v1  }
0xa2: {  	v3 =	vshra.s32 v3, $0x15;
	v7 =	vxor.u32 v40, v8;
	v8 =	vand.u32 $0x7FE00000, v47;
	v48 =	vld [tilespmem:s20+$0x70]  }
0xa3: {  	v3 =	vadd.s32 $0x400, v3;
	v7 =	vshra.s32 v7, $0x15;
	v8 =	vxor.u32 v43, v8;
	[tilespmem:v2+s9+$0x0] =	vst.idx.add.s32.msk $0xffff, v1  }
0xa4: {  	v2 =	vadd.s32 $0xC00, v7;
	v7 =	vshra.s32 v8, $0x15;
	v8 =	vand.u32 $0x7FE00000, v49;
	v50 =	vld [tilespmem:s20+$0xFFFFFFB0]  }
0xa5: {  	v51 =	vshra.s32 v46, $0x1F;
	v52 =	vshra.s32 v6, $0x1F;
	v7 =	vadd.s32 $0xC00, v7  }
0xa6: {  	v8 =	vxor.u32 v45, v8;
	v9 =	vand.u32 $0x7FE00000, v51;
	v13 =	vand.u32 $0x7FE00000, v52  }
0xa7: {  	v8 =	vshra.s32 v8, $0x15;
	v9 =	vxor.u32 v46, v9;
	v6 =	vxor.u32 v6, v13  }
0xa8: {  	v8 =	vadd.s32 $0x400, v8;
	v9 =	vshra.s32 v9, $0x15;
	v53 =	vshra.s32 v48, $0x1F  }
0xa9: {  	[tilespmem:v5+s9+$0x0] =	vst.idx.add.s32.msk $0xffff, v1;
	v5 =	vshra.s32 v6, $0x15;
	v54 =	vand.u32 $0x7FE00000, v53;
	v55 =	vshra.s32 v50, $0x1F  }
0xaa: {  	[tilespmem:v4+s9+$0x0] =	vst.idx.add.s32.msk $0xffff, v1;
	v4 =	vadd.s32 $0x400, v9;
	v6 =	vxor.u32 v48, v54;
	v56 =	vand.u32 $0x7FE00000, v55  }
0xab: {  	[tilespmem:v3+s9+$0x0] =	vst.idx.add.s32.msk $0xffff, v1;
	v3 =	vadd.s32 $0xC00, v5;
	v5 =	vshra.s32 v6, $0x15;
	v6 =	vxor.u32 v50, v56  }
0xac: {  	[tilespmem:v2+s9+$0x0] =	vst.idx.add.s32.msk $0xffff, v1;
	v2 =	vadd.s32 $0xC00, v5;
	v5 =	vshra.s32 v6, $0x15  }
0xad: {  	[tilespmem:v7+s9+$0x0] =	vst.idx.add.s32.msk $0xffff, v1;
	v5 =	vadd.s32 $0x400, v5  }
0xae: {  	[tilespmem:v8+s9+$0x0] =	vst.idx.add.s32.msk $0xffff, v1  }
0xaf: {  	[tilespmem:v4+s9+$0x0] =	vst.idx.add.s32.msk $0xffff, v1  }
0xb0: {  	[tilespmem:v3+s9+$0x0] =	vst.idx.add.s32.msk $0xffff, v1  }
0xb1: {  	[tilespmem:v2+s9+$0x0] =	vst.idx.add.s32.msk $0xffff, v1  }
0xb2: {  	[tilespmem:v5+s9+$0x0] =	vst.idx.add.s32.msk $0xffff, v1  }
0xb3: {  	[spmem:s4] =	stream.strided.scatter [tilespmem:s9], [sflag:$0x2], $0x1000, s11, s10, $0x38;
	[tilespmem:$0x13100] =	vst v63  }
0xb4: {  	_ =	swait.ge [sflag:s12], $0x1000  }
0xb5: {  	[sflag:s12] =	ssyncset.done $0x0  }
0xb6: {  	[sflag:s12] =	ssyncadd.s32 $0xFFFFF000  }
0xb7: {  	[bflag:$0x0] =	sbarrier.arrive $0xFFFF  }
0xb8: {  	[tilespmem:s15], [sflag:$0x2] =	stream.strided.gather [spmem:s5], $0x1000, s14, s13, $0x38;
	[tilespmem:$0x13100] =	vst v63  }
0xb9: {  	s28 =	simm.s32 $0x0;
	_ =	swait.ge [sflag:s12], $0x1000  }
0xba: {  	s29 =	sand.u32 $0x70, s28;
	s19 =	sand.u32 $0x400, s28;
	[sflag:s12] =	ssyncset.done $0x0  }
0xbb: {  	s19 =	sor.u32 s29, s19;
	[sflag:s12] =	ssyncadd.s32 $0xFFFFF000  }
0xbc: {  	v2 =	vld [tilespmem:s19+$0x12000]  }
0xbd: {  	v3 =	vld [tilespmem:s19+$0x12080]  }
0xbe: {  	v4 =	vld [tilespmem:s19+$0x12100]  }
0xbf: {  	v5 =	vld [tilespmem:s19+$0x12180]  }
0xc0: {  	v6 =	vld [tilespmem:s19+$0x12200]  }
0xc1: {  	v7 =	vld [tilespmem:s19+$0x12280]  }
0xc2: {  	v8 =	vld [tilespmem:s19+$0x12300]  }
0xc3: {  	v57 =	vld [tilespmem:s19+$0x12380]  }
0xc4: {  	v58 =	vld [tilespmem:s19+$0x12800]  }
0xc5: {  	v59 =	vld [tilespmem:s19+$0x12880]  }
0xc6: {  	v60 =	vld [tilespmem:s19+$0x12900]  }
0xc7: {  	v61 =	vld [tilespmem:s19+$0x12980]  }
0xc8: {  	v62 =	vld [tilespmem:s19+$0x12A00]  }
0xc9: {  	s30 =	simm.s32 $0x10;
	s21 =	simm.s32 $0x80;
	v15 =	vld [tilespmem:s19+$0x12A80]  }
0xca: {  	s21 =	sand.u32 $0x400, s21;
	s20 =	sand.u32 $0x70, s30;
	v16 =	vld [tilespmem:s19+$0x12B00]  }
0xcb: {  	s23 =	sor.u32 s20, s21;
	v17 =	vld [tilespmem:s19+$0x12B80]  }
0xcc: {  	v2 =	vadd.s32 v2, v3;
	v3 =	vld [tilespmem:s23+$0x12000]  }
0xcd: {  	v2 =	vadd.s32 v4, v2;
	v4 =	vld [tilespmem:s23+$0x12080]  }
0xce: {  	v2 =	vadd.s32 v5, v2;
	v5 =	vld [tilespmem:s23+$0x12100]  }
0xcf: {  	v2 =	vadd.s32 v6, v2;
	v6 =	vld [tilespmem:s23+$0x12180]  }
0xd0: {  	v2 =	vadd.s32 v7, v2;
	v7 =	vld [tilespmem:s23+$0x12200]  }
0xd1: {  	v2 =	vadd.s32 v8, v2;
	v8 =	vld [tilespmem:s23+$0x12280]  }
0xd2: {  	v2 =	vadd.s32 v57, v2;
	v3 =	vadd.s32 v3, v4;
	v4 =	vld [tilespmem:s23+$0x12300]  }
0xd3: {  	v2 =	vadd.s32 v58, v2;
	v3 =	vadd.s32 v5, v3;
	v5 =	vld [tilespmem:s23+$0x12380]  }
0xd4: {  	v2 =	vadd.s32 v59, v2;
	v3 =	vadd.s32 v6, v3;
	v6 =	vld [tilespmem:s23+$0x12800]  }
0xd5: {  	v2 =	vadd.s32 v60, v2;
	v3 =	vadd.s32 v7, v3;
	v7 =	vld [tilespmem:s23+$0x12880]  }
0xd6: {  	v2 =	vadd.s32 v61, v2;
	v3 =	vadd.s32 v8, v3;
	v8 =	vld [tilespmem:s23+$0x12900]  }
0xd7: {  	v63 =	vadd.s32 v62, v2;
	v3 =	vadd.s32 v4, v3;
	v2 =	vld [tilespmem:s23+$0x12980]  }
0xd8: {  	v4 =	vadd.s32 v15, v63;
	v5 =	vadd.s32 v5, v3;
	v3 =	vld [tilespmem:s23+$0x12A00]  }
0xd9: {  	s31 =	simm.s32 $0x20;
	s21 =	simm.s32 $0x100;
	v9 =	vadd.s32 v16, v4;
	v5 =	vadd.s32 v6, v5;
	v4 =	vld [tilespmem:s23+$0x12A80]  }
0xda: {  	s20 =	sand.u32 $0x70, s31;
	s22 =	sand.u32 $0x400, s21;
	s19 =	simm.s32 $0x13000;
	v6 =	vadd.s32 v17, v9;
	v7 =	vadd.s32 v7, v5;
	v5 =	vld [tilespmem:s23+$0x12B00]  }
0xdb: {  	s20 =	sor.u32 s20, s22;
	s22 =	simm.s32 $0x30;
	[tilespmem:s19+$0x0] =	vst v6;
	v7 =	vadd.s32 v8, v7;
	v6 =	vld [tilespmem:s23+$0x12B80]  }
.LBB2_6:
0xdc: {  	p0 =	sne.s32 s22, $0xF0;
	v8 =	vld [tilespmem:s20+$0x12000];
	v2 =	vadd.s32 v2, v7  }
0xdd: {  	v7 =	vld [tilespmem:s20+$0x12080];
	v2 =	vadd.s32 v3, v2  }
0xde: {  	v3 =	vld [tilespmem:s20+$0x12100];
	v2 =	vadd.s32 v4, v2  }
0xdf: {  	v4 =	vld [tilespmem:s20+$0x12180];
	v2 =	vadd.s32 v5, v2  }
0xe0: {  	s19 =	sadd.s32 $0x10, s19;
	v5 =	vld [tilespmem:s20+$0x12200];
	v2 =	vadd.s32 v6, v2  }
0xe1: {  	v6 =	vld [tilespmem:s20+$0x12280];
	[tilespmem:s19+$0x0] =	vst v2  }
0xe2: {  	v2 =	vadd.s32 v8, v7;
	v7 =	vld [tilespmem:s20+$0x12300]  }
0xe3: {  	v2 =	vadd.s32 v3, v2;
	v3 =	vld [tilespmem:s20+$0x12380]  }
0xe4: {  	v2 =	vadd.s32 v4, v2;
	v4 =	vld [tilespmem:s20+$0x12800]  }
0xe5: {  	v2 =	vadd.s32 v5, v2;
	v5 =	vld [tilespmem:s20+$0x12880]  }
0xe6: {  	v2 =	vadd.s32 v6, v2;
	v6 =	vld [tilespmem:s20+$0x12900]  }
.Ltmp2:
0xe7: {  	v7 =	vadd.s32 v7, v2;
	v2 =	vld [tilespmem:s20+$0x12980];
	(pc) =	sbr.rel @p0 .LBB2_6-.Ltmp2, $4  }
0xe8: {  	v7 =	vadd.s32 v3, v7;
	v3 =	vld [tilespmem:s20+$0x12A00]  }
0xe9: {  	s21 =	sadd.s32 $0x80, s21;
	v7 =	vadd.s32 v4, v7;
	v4 =	vld [tilespmem:s20+$0x12A80]  }
0xea: {  	s23 =	sand.u32 $0x70, s22;
	s24 =	sand.u32 $0x400, s21;
	v7 =	vadd.s32 v5, v7;
	v5 =	vld [tilespmem:s20+$0x12B00]  }
0xeb: {  	s22 =	sadd.s32 $0x10, s22;
	v7 =	vadd.s32 v6, v7;
	v6 =	vld [tilespmem:s20+$0x12B80];
	s20 =	sor.u32 s23, s24  }
0xec: {  	v8 =	vld [tilespmem:s20+$0x12000]  }
0xed: {  	v9 =	vld [tilespmem:s20+$0x12080]  }
0xee: {  	v10 =	vld [tilespmem:s20+$0x12100]  }
0xef: {  	v11 =	vld [tilespmem:s20+$0x12180]  }
0xf0: {  	v12 =	vld [tilespmem:s20+$0x12200]  }
0xf1: {  	v13 =	vld [tilespmem:s20+$0x12280]  }
0xf2: {  	v53 =	vld [tilespmem:s20+$0x12300];
	v8 =	vadd.s32 v8, v9  }
0xf3: {  	v54 =	vld [tilespmem:s20+$0x12380];
	v8 =	vadd.s32 v10, v8  }
0xf4: {  	v55 =	vld [tilespmem:s20+$0x12800];
	v8 =	vadd.s32 v11, v8  }
0xf5: {  	v56 =	vld [tilespmem:s20+$0x12880];
	v8 =	vadd.s32 v12, v8  }
0xf6: {  	v57 =	vld [tilespmem:s20+$0x12900];
	v8 =	vadd.s32 v13, v8  }
0xf7: {  	v58 =	vld [tilespmem:s20+$0x12980];
	v8 =	vadd.s32 v53, v8  }
0xf8: {  	v59 =	vld [tilespmem:s20+$0x12A00];
	v8 =	vadd.s32 v54, v8  }
0xf9: {  	v60 =	vld [tilespmem:s20+$0x12A80];
	v8 =	vadd.s32 v55, v8  }
0xfa: {  	v61 =	vld [tilespmem:s20+$0x12B00];
	v8 =	vadd.s32 v56, v8  }
0xfb: {  	v2 =	vadd.s32 v2, v7;
	v63 =	vld [tilespmem:s20+$0x12B80];
	v62 =	vadd.s32 v57, v8  }
0xfc: {  	v2 =	vadd.s32 v3, v2;
	v3 =	vadd.s32 v58, v62  }
0xfd: {  	v2 =	vadd.s32 v4, v2;
	v3 =	vadd.s32 v59, v3  }
0xfe: {  	v2 =	vadd.s32 v5, v2;
	v3 =	vadd.s32 v60, v3  }
0xff: {  	s19 =	sadd.s32 $0x10, s19;
	s18 =	sadd.s32 $0x1, s18;
	v2 =	vadd.s32 v6, v2;
	v3 =	vadd.s32 v61, v3  }
0x100: {  	p0 =	sne.s32 s18, s7;
	[tilespmem:s19+$0x0] =	vst v2;
	s19 =	sadd.s32 $0x10, s19;
	v2 =	vadd.s32 v63, v3  }
.Ltmp3:
0x101: {  	[tilespmem:s19+$0x0] =	vst v2;
	(pc) =	sbr.rel @p0 .LBB2_1-.Ltmp3, $4  }
0x102: {  	[hbm4b:s6+s10] =	stream.strided.scatter [tilespmem:s17], [sflag:$0x2], $0x100, s16, s10, $0x38;
	[tilespmem:$0x13100] =	vst v63  }
0x103: {  	_ =	swait.ge [sflag:s12], $0x100  }
0x104: {  	[sflag:s12] =	ssyncset.done $0x0  }
0x105: {  	[sflag:s12] =	ssyncadd.s32 $0xFFFFFF00  }
0x106: {  	_ =	sfence.sel $0x180000  }
0x107: {  	[bflag:$0x0] =	sbarrier.arrive $0xFFFF  }
0x108: {  	p0 =	sne.s32 s2, $0x0;
	_ =	strace $0x90000047  }
0x109: {  	s0 =	sadd.s32 @!p0 $0x100000, s0;
	[bflag:$0x2] =	sbarrier.arrive $0xFFFF  }
0x10a: {  	[sflag:s0] =	ssyncadd.tile.s32 @!p0 $0x1;
	_ =	shalt  }
.Lfunc_end2:
_tile_overlayer_lowered:
.L_overlay_start_2:
0x10b: {  	(tag) =	ssettag $0x2  }
0x10c: {  	s0 =	rddreg [dreg:$0x0];
	s2 =	stileid.u32  }
0x10d: {  	s1 =	rddreg [dreg:$0x1];
	p0 =	sne.s32 s2, $0x0  }
0x10e: {  	s3 =	rddreg [dreg:$0x2];
	[bflag:$0x3] =	sbarrier.arrive $0xFFFF;
	s2 =	simm.s32 @!p0 $0x1C02  }
0x10f: {  	[timem:s3], [sflag:s2] =	dma.local @!p0 [hbm:s0], s1  }
0x110: {  	s0 =	simm.s32 @!p0 $0x2  }
0x111: {  	_ =	swait.ge @!p0 [sflag:s0], s1  }
0x112: {  	s1 =	ssub.s32 @!p0 $0x0, s1;
	[sflag:s0] =	ssyncset.done @!p0 $0x0  }
0x113: {  	[sflag:s0] =	ssyncadd.s32 @!p0 s1  }
0x114: {  	[bflag:$0x3] =	sbarrier.arrive $0xFFFF  }
0x115: {  	_ =	shalt  }

// kernel: kernel.9.cloned.1.call-start
scs
__scs_entry_jumppad:
0x0: {  	(pc) =	sbr.rel $0x88, $3  }
0x1: {  	(tag) =	ssettag $0x0;
	lr =	simm.s32 $0x1  }
0x2: {  	[smem:$0x3FA0] =	sst lr;
	_ =	strace $0xD0000000  }
0x3: {  	_ = 	snop  }
0x4: {  	_ = 	snop  }
0x5: {  	_ = 	snop  }
0x6: {  	_ = 	snop  }
0x7: {  	_ = 	snop  }
__scs_overlays_trampoline_lowered:
0x8: {  	[smem:$0x3FAF] =	sst s0  }
0x9: {  	[smem:$0x3FB0] =	sst s1  }
0xa: {  	[smem:$0x3FB1] =	sst s2  }
0xb: {  	[smem:$0x3FB2] =	sst s3  }
0xc: {  	[smem:$0x3FB3] =	sst s4  }
0xd: {  	[smem:$0x3FB4] =	sst s5  }
0xe: {  	[smem:$0x3FB5] =	sst s6  }
0xf: {  	[smem:$0x3FB6] =	sst s7  }
0x10: {  	[smem:$0x3FB7] =	sst s8  }
0x11: {  	[smem:$0x3FB8] =	sst s9;
	s0 =	simm.s32 @!p0 $0x0  }
0x12: {  	s1 =	sld [smem:$0x3F9E];
	s0 =	simm.s32 @p0 $0x1  }
0x13: {  	[smem:$0x3FB9] =	sst s0;
	s0 =	simm.s32 @!p1 $0x0  }
0x14: {  	s2 =	sld [smem:$0x3F9D];
	s0 =	simm.s32 @p1 $0x1  }
0x15: {  	[smem:$0x3FBA] =	sst s0;
	s0 =	simm.s32 @!p2 $0x0  }
0x16: {  	s3 =	sld [smem:$0x3FDB];
	s0 =	simm.s32 @p2 $0x1  }
0x17: {  	s4 =	simm.s32 $0x1BF5;
	[smem:$0x3FBC] =	sst s0  }
0x18: {  	s0 =	sld [smem:$0x3F9F];
	_ =	swait.ge [sflag:s4], $0x0  }
0x19: {  	s7 =	sld [smem:$0x3FA0]  }
0x1a: {  	s8 =	sadd.s32 $0xFFFFE003, lr  }
0x1b: {  	s9 =	sadd.s32 $0xFFFFFEF7, lr;
	s5 =	simm.s32 $0xFFFFFFFF;
	p2 =	slt.u32 s8, $0xFFFFF086  }
0x1c: {  	p1 =	slt.u32 s9, $0xF7A;
	s5 =	simm.s32 @!p2 $0x0  }
0x1d: {  	s5 =	simm.s32 @p1 $0x1;
	p0 =	seq.s32 s7, s2  }
0x1e: {  	s7 =	smul.u32 @!p0 $0xF7A, s2;
	p2 =	seq.s32 @!p0 s5, $0x0  }
0x1f: {  	s9 =	smul.u32 $0xF7A, s1;
	s8 =	simm.s32 @!p0 $0x1BF5;
	p2 =	por !p2, p0  }
0x20: {  	[sflag:s8] =	ssyncset.s32 @!p0 $0xFFFFF086;
	s6 =	sadd.s32 @!p0 s3, s7;
	s7 =	simm.s32 @!p0 $0x108  }
0x21: {  	s3 =	sadd.s32 s3, s9;
	s6 =	sadd.s32 @!p0 $0x88, s6;
	s7 =	simm.s32 @p2 $0x1082  }
0x22: {  	[simem:s7], [sflag:s8] =	dma.local @!p0 [hbm:s6], $0xF7A  }
0x23: {  	s9 =	sor.u32 $0xD0000000, s2;
	s6 =	simm.s32 $0x108;
	_ =	swait.ge @!p0 [sflag:s8], $0x0  }
0x24: {  	s3 =	sadd.s32 $0x88, s3;
	s6 =	simm.s32 @!p1 $0x1082;
	[sflag:s4] =	ssyncset.s32 $0xFFFFF086  }
0x25: {  	[simem:s6], [sflag:s4] =	dma.local [hbm:s3], $0xF7A  }
0x26: {  	[smem:$0x3FA0] =	sst s1;
	(tag) =	ssettag s2;
	_ =	strace s9  }
0x27: {  	s1 =	sld [smem:$0x3FB0]  }
0x28: {  	s2 =	sld [smem:$0x3FB1]  }
0x29: {  	s4 =	sld [smem:$0x3FB3]  }
0x2a: {  	p0 =	seq.s32 s5, $0x0;
	s5 =	sld [smem:$0x3FB4]  }
0x2b: {  	s6 =	sld [smem:$0x3FB5]  }
0x2c: {  	s7 =	sld [smem:$0x3FB6]  }
0x2d: {  	s3 =	simm.s32 $0x108;
	s8 =	sld [smem:$0x3FB7]  }
0x2e: {  	s3 =	simm.s32 @!p0 $0x1082;
	s9 =	sld [smem:$0x3FB8]  }
0x2f: {  	lr =	sadd.s32 s0, s3;
	s0 =	sld [smem:$0x3FAF]  }
0x30: {  	s3 =	sld [smem:$0x3FB2]  }
0x31: {  	[smem:$0x3FBB] =	sst s10  }
0x32: {  	s10 =	sld [smem:$0x3FB9];
	_ =	sdelay $0x3  }
0x33: {  	p0 =	seq.s32 s10, $0x1;
	s10 =	sld [smem:$0x3FBB];
	_ =	sdelay $0x3  }
0x34: {  	[smem:$0x3FBB] =	sst s10  }
0x35: {  	s10 =	sld [smem:$0x3FBA];
	_ =	sdelay $0x3  }
0x36: {  	p1 =	seq.s32 s10, $0x1;
	s10 =	sld [smem:$0x3FBB];
	_ =	sdelay $0x3  }
0x37: {  	[smem:$0x3FBB] =	sst s10  }
0x38: {  	s10 =	sld [smem:$0x3FBC]  }
0x39: {  	_ = 	snop;
	(pc) =	sbr.ind lr, $3  }
0x3a: {  	_ = 	snop  }
0x3b: {  	_ = 	snop  }
0x3c: {  	p2 =	seq.s32 s10, $0x1;
	s10 =	sld [smem:$0x3FBB]  }
0x3d: {  	_ =	shalt  }
0x3e: {  	_ =	shalt  }
0x3f: {  	_ =	shalt  }
0x40: {  	_ =	shalt  }
0x41: {  	_ =	shalt  }
0x42: {  	_ =	shalt  }
0x43: {  	_ =	shalt  }
0x44: {  	_ =	shalt  }
0x45: {  	_ =	shalt  }
0x46: {  	_ =	shalt  }
0x47: {  	_ =	shalt  }
0x48: {  	_ =	shalt  }
0x49: {  	_ =	shalt  }
0x4a: {  	_ =	shalt  }
0x4b: {  	_ =	shalt  }
0x4c: {  	_ =	shalt  }
0x4d: {  	_ =	shalt  }
0x4e: {  	_ =	shalt  }
0x4f: {  	_ =	shalt  }
0x50: {  	_ =	shalt  }
0x51: {  	_ =	shalt  }
0x52: {  	_ =	shalt  }
0x53: {  	_ =	shalt  }
0x54: {  	_ =	shalt  }
0x55: {  	_ =	shalt  }
0x56: {  	_ =	shalt  }
0x57: {  	_ =	shalt  }
0x58: {  	_ =	shalt  }
0x59: {  	_ =	shalt  }
0x5a: {  	_ =	shalt  }
0x5b: {  	_ =	shalt  }
0x5c: {  	_ =	shalt  }
0x5d: {  	_ =	shalt  }
0x5e: {  	_ =	shalt  }
0x5f: {  	_ =	shalt  }
0x60: {  	_ =	shalt  }
0x61: {  	_ =	shalt  }
0x62: {  	_ =	shalt  }
0x63: {  	_ =	shalt  }
0x64: {  	_ =	shalt  }
0x65: {  	_ =	shalt  }
0x66: {  	_ =	shalt  }
0x67: {  	_ =	shalt  }
0x68: {  	_ =	shalt  }
0x69: {  	_ =	shalt  }
0x6a: {  	_ =	shalt  }
0x6b: {  	_ =	shalt  }
0x6c: {  	_ =	shalt  }
0x6d: {  	_ =	shalt  }
0x6e: {  	_ =	shalt  }
0x6f: {  	_ =	shalt  }
0x70: {  	_ =	shalt  }
0x71: {  	_ =	shalt  }
0x72: {  	_ =	shalt  }
0x73: {  	_ =	shalt  }
0x74: {  	_ =	shalt  }
0x75: {  	_ =	shalt  }
0x76: {  	_ =	shalt  }
0x77: {  	_ =	shalt  }
0x78: {  	_ =	shalt  }
0x79: {  	_ =	shalt  }
0x7a: {  	_ =	shalt  }
0x7b: {  	_ =	shalt  }
0x7c: {  	_ =	shalt  }
0x7d: {  	_ =	shalt  }
0x7e: {  	_ =	shalt  }
0x7f: {  	_ =	shalt  }
0x80: {  	_ =	shalt  }
0x81: {  	_ =	shalt  }
0x82: {  	_ =	shalt  }
0x83: {  	_ =	shalt  }
0x84: {  	_ =	shalt  }
0x85: {  	_ =	shalt  }
0x86: {  	_ =	shalt  }
0x87: {  	_ =	shalt  }
.Lfunc_end0:
.L_simem_size_0:
called_computation.1_lowered:
.L_overlay_start_0:
0x88: {  	s2 =	sld [smem:$0x3FD9]  }
0x89: {  	s3 =	sld [smem:$0x3FFE];
	_ =	sdelay $0x1  }
0x8a: {  	s1 =	srdreg.scid  }
0x8b: {  	s0 =	sand.u32 $0x1, s1  }
0x8c: {  	s17 =	sshll.u32 s0, $0xA;
	s2 =	sadd.s32 s3, s2  }
0x8d: {  	s2 =	sadd.s32 s2, s17  }
0x8e: {  	[smem:$0x3FC7] =	sst s2  }
0x8f: {  	_ = 	snop  }
0x90: {  	s2 =	sld [smem:$0x3FC9];
	(tm) =	ssettm $0x1  }
0x91: {  	s18 =	sld [smem:$0x3FFB];
	_ =	sdelay $0x3  }
0x92: {  	_ =	strace s18  }
0x93: {  	s3 =	sld [smem:$0x3FFC];
	_ =	sdelay $0x3  }
0x94: {  	_ =	strace s3  }
0x95: {  	s3 =	sld [smem:$0x3FFD];
	_ =	sdelay $0x3  }
0x96: {  	_ =	strace s3  }
0x97: {  	_ =	strace $0x8FFFFFFF  }
0x98: {  	s19 =	sld [smem:$0x3FDB];
	_ =	sdelay $0x1  }
0x99: {  	s4 =	simm.s32 $_scs_section_size  }
0x9a: {  	s5 =	simm.s32 $_size__tile_overlayer_lowered;
	s6 =	simm.s32 $_tile_overlayer_lowered  }
0x9b: {  	s22 =	simm.s32 $0x1BFF;
	s21 =	sshll.u32 s6, $0x1;
	s3 =	sadd.s32 s4, s19  }
0x9c: {  	s7 =	simm.s32 $0x0;
	s20 =	sshll.u32 s5, $0x1;
	s5 =	sadd.s32 s21, s3  }
0x9d: {  	[timem:s7], [sflag:s22] =	dma.local [hbm:s5], s20  }
0x9e: {  	_ =	swait.ge [sflag:s22], s20  }
0x9f: {  	s4 =	ssub.s32 $0x0, s20;
	[sflag:s22] =	ssyncset.done $0x0  }
0xa0: {  	[sflag:s22] =	ssyncadd.s32 s4;
	_ =	sdelay $0x1  }
0xa1: {  	s23 =	simm.s32 $0x1B8B  }
0xa2: {  	_ =	swait.ge [sflag:s23], $0x1  }
0xa3: {  	[sflag:s23] =	ssyncset.done $0x0  }
0xa4: {  	s25 =	simm.s32 $0x1B8E;
	s24 =	sld [smem:$0x3FFE];
	[sflag:s23] =	ssyncadd.s32 $0xFFFFFFFF  }
0xa5: {  	s26 =	simm.s32 $execute0_lowered;
	[smem:$0x3FD2] =	sst s25  }
0xa6: {  	s5 =	sshll.u32 s26, $0x1;
	_ =	strace $0x80000049;
	[dreg:$0x1] =	wrdreg $0xFFFFFFFF  }
0xa7: {  	s28 =	simm.s32 $_size_execute0_lowered;
	s3 =	sadd.s32 s3, s5;
	[dreg:$0x0] =	wrdreg $0x0  }
0xa8: {  	s5 =	sshll.u32 s28, $0x1;
	[dreg:$0x2] =	wrdreg s3  }
0xa9: {  	[dreg:$0x3] =	wrdreg s5  }
0xaa: {  	[dreg:$0x4] =	wrdreg $0xC0  }
0xab: {  	_ =	task [dreg:s7], $0x5FFFF  }
0xac: {  	[dreg:$0x1] =	wrdreg $0xFFFFFFFF  }
0xad: {  	[dreg:$0x0] =	wrdreg $0x60  }
0xae: {  	[dreg:$0x2] =	wrdreg s2  }
0xaf: {  	[dreg:$0x3] =	wrdreg s24  }
0xb0: {  	[dreg:$0x4] =	wrdreg $0x120000  }
0xb1: {  	[dreg:$0x5] =	wrdreg $0x9  }
0xb2: {  	_ =	task.clear_ibuf [dreg:s7], $0x6FFFF;
	_ =	strace $0x90000049  }
0xb3: {  	s29 =	simm.s32 $0x9;
	_ =	strace $0x8000004B  }
0xb4: {  	_ =	swait.ge [sflag:s29], $0x1  }
0xb5: {  	[sflag:s29] =	ssyncadd.s32 $0xFFFFFFFF  }
0xb6: {  	_ =	strace $0x9000004B  }
0xb7: {  	_ =	sfence  }
0xb8: {  	s30 =	sld [smem:$0x0];
	_ =	sdelay $0x2  }
0xb9: {  	s31 =	sshll.u32 s1, $0xD;
	s1 =	sshrl.u32 s1, $0x2  }
0xba: {  	s3 =	sand.u32 $0x4000, s31;
	s1 =	sadd.s32 s1, s30  }
0xbb: {  	s0 =	sor.u32 s3, s0;
	s1 =	sshll.u32 s1, $0x11  }
0xbc: {  	s0 =	sor.u32 s1, s0  }
0xbd: {  	s0 =	sadd.s32 $0x8F2B, s0  }
0xbe: {  	[sflag:s0] =	ssyncadd.remote.s32 $0x1  }
0xbf: {  	_ =	sfence.sel $0xFFFF  }
0xc0: {  	[dreg:$0x0] =	wrdreg $0xFFFFFFFF;
	(pc) =	sbr.abs _section_cstart, $3  }
0xc1: {  	[dreg:$0x1] =	wrdreg $0xFFFFFFFF  }
0xc2: {  	_ =	task.clear_ibuf [dreg:s7], $0x2FFFF;
	_ =	strace $0x9FFFFFFF  }
0xc3: {  	(tm) =	ssettm $0x7FFFFFFF  }
tec
execute0_lowered:
.L_overlay_start_1:
0x0: {  	(tag) =	ssettag $0x1  }
0x1: {  	s5 =	rddreg [dreg:$0x0]  }
0x2: {  	s4 =	rddreg [dreg:$0x1]  }
0x3: {  	s7 =	rddreg [dreg:$0x2];
	s1 =	simm.s32 $0x0  }
0x4: {  	s2 =	srdreg.scid;
	s0 =	stileid.u32;
	s12 =	simm.s32 $0x1  }
0x5: {  	s13 =	simm.s32 $0x10000;
	s14 =	simm.s32 $0x80;
	s15 =	simm.s32 $0x400  }
0x6: {  	s16 =	simm.s32 $0x1000;
	s17 =	simm.s32 $0x14000;
	s19 =	simm.s32 $0x16000  }
0x7: {  	s20 =	simm.s32 $0x0;
	[smem:$0x7FF] =	sst s1;
	s6 =	sand.u32 $0x1, s2  }
0x8: {  	s3 =	sadd.s32 $0x1800, s4;
	s11 =	sshll.u32 s0, $0x1;
	s26 =	sshll.u32 s0, $0xD  }
0x9: {  	s29 =	sshll.u32 s0, $0x7;
	s31 =	sshll.u32 s0, $0xC;
	_ =	strace $0x8000004A  }
0xa: {  	s2 =	sshll.u32 s6, $0x4;
	s9 =	ssub.s32 $0x2, s6;
	s18 =	sor.u32 s6, s11  }
0xb: {  	s6 =	sand.u32 $0x10000, s26;
	s30 =	sand.u32 $0x380, s29;
	s11 =	simm.s32 $0x2  }
0xc: {  	s8 =	sadd.s32 s2, s4;
	s4 =	sadd.s32 $0x2400, s4;
	s10 =	sshrl.u32 s9, $0x1  }
0xd: {  	s28 =	sshll.u32 s18, $0xD;
	s6 =	sadd.s32 s6, s7;
	s7 =	sadd.s32 s31, s7  }
0xe: {  	p0 =	sne.s32 s18, $0x0;
	s18 =	simm.s32 $0x100;
	s9 =	ssub.s32 s9, s10  }
0xf: {  	s5 =	sadd.s32 s5, s28;
	s6 =	sadd.s32 s30, s6;
	s8 =	sadd.s32 s29, s8  }
0x10: {  	v0 =	vimm.s32 $0x0;
	v1 =	vimm.s32 $0x1;
	s10 =	simm.s32 $0x16200;
	s8 =	sadd.s32 $0x1C00, s8;
	s9 =	smax.u32 s9, $0x1  }
.LBB2_1:
0x11: {  	[tilespmem:s1], [sflag:$0x1] =	stream.linear.gather [hbm4b:s5+s1], $0x10000, $0x38;
	[tilespmem:$0x18400] =	vst v63  }
0x12: {  	_ = 	snop  }
0x13: {  	[tilespmem:s10], [sflag:$0x2] =	stream.linear.gather [hbm4b:s3+s1], $0x2000, $0x38;
	[tilespmem:$0x18400] =	vst v63  }
0x14: {  	_ =	swait.ge [sflag:s11], $0x2000  }
0x15: {  	[sflag:s11] =	ssyncset.done $0x0  }
0x16: {  	s21 =	simm.s32 $0x40;
	s22 =	simm.s32 $0x0;
	v2 =	vimm.s32 $0x0;
	[sflag:s11] =	ssyncadd.s32 $0xFFFFE000  }
.LBB2_2:
0x17: {  	p1 =	sne.s32 s21, $0x7FC0;
	[tilespmem:s22+$0x10000] =	vst v2;
	s22 =	smov.u32 s21;
	s21 =	sadd.s32 $0x40, s21  }
.Ltmp0:
0x18: {  	(pc) =	sbr.rel @p1 .LBB2_2-.Ltmp0, $2  }
0x19: {  	_ =	sdelay $0x2  }
0x1a: {  	v2 =	vimm.s32 $0x0;
	s22 =	sshra.s32 s22, $0x2  }
0x1b: {  	s21 =	simm.s32 $0x0  }
0x1c: {  	s23 =	sand.u32 $0x70, s21;
	s24 =	sand.u32 $0xF00, s21  }
0x1d: {  	[tilespmem:s22+$0x10000] =	vst v2;
	s31 =	simm.s32 $0x10;
	s0 =	simm.s32 $0x20;
	s26 =	sor.u32 s23, s24  }
0x1e: {  	s22 =	sand.u32 $0x70, s31;
	s23 =	sand.u32 $0xF00, s0;
	s24 =	sadd.s32 $0x16200, s26;
	v3 =	vld [tilespmem:s26+$0x16200]  }
0x1f: {  	s2 =	simm.s32 $0x20;
	s31 =	simm.s32 $0x40;
	s25 =	sor.u32 s22, s23;
	v4 =	vld [tilespmem:s24+$0x80]  }
0x20: {  	s22 =	sand.u32 $0xF00, s31;
	s23 =	sadd.s32 $0x16200, s25;
	v5 =	vld [tilespmem:s25+$0x16200];
	s24 =	sand.u32 $0x70, s2  }
0x21: {  	v7 =	vld [tilespmem:s23+$0x80];
	s24 =	sor.u32 s24, s22  }
0x22: {  	s22 =	sadd.s32 $0x16200, s24;
	v8 =	vld [tilespmem:s24+$0x16200]  }
0x23: {  	v9 =	vld [tilespmem:s22+$0x80];
	_ =	sdelay $0x1  }
0x24: {  	v6 =	vadd.s32 v3, v4  }
0x25: {  	(xrf0) =	vadd.scan.msk.s32 $0xffff, v6  }
0x26: {  	v5 =	vadd.s32 v5, v7  }
0x27: {  	(xrf0) =	vadd.scan.msk.s32 $0xffff, v5;
	v4 =	vadd.s32 v8, v9  }
0x28: {  	(xrf0) =	vadd.scan.msk.s32 $0xffff, v4;
	_ =	sdelay $0x2  }
0x29: {  	v10, _, _ =	vpop (xrf0)  }
0x2a: {  	(v2sf) =	vpush v10, $0xF  }
0x2b: {  	s0 =	simm.s32 $0x30;
	s2 =	simm.s32 $0x60;
	v8, _, _ =	vpop (xrf0)  }
0x2c: {  	s23 =	sand.u32 $0xF00, s2;
	s22 =	sand.u32 $0x70, s0;
	(v2sf) =	vpush v8, $0xF;
	v7, _, _ =	vpop (xrf0)  }
0x2d: {  	s23 =	sor.u32 s22, s23;
	(v2sf) =	vpush v7, $0xF  }
0x2e: {  	s22 =	sadd.s32 $0x16200, s23;
	v3 =	vld [tilespmem:s23+$0x16200]  }
0x2f: {  	v9 =	vld [tilespmem:s22+$0x80];
	_ =	sdelay $0x1  }
0x30: {  	s28 =	simm.s32 $0x80;
	s31 =	simm.s32 $0x40  }
0x31: {  	s29 =	sand.u32 $0xF00, s28;
	s22 =	sand.u32 $0x70, s31  }
0x32: {  	s29 =	sor.u32 s22, s29  }
0x33: {  	v12 =	vimm.s32 $0x0;
	s31 =	sadd.s32 $0x16200, s29;
	v13 =	vld [tilespmem:s29+$0x16200];
	v3 =	vadd.s32 v3, v9  }
0x34: {  	v11 =	vimm.s32 $0x0;
	v14 =	vld [tilespmem:s31+$0x80];
	v9 =	vadd.s32 s21, v10;
	v10 =	vimm.s32 $0x0;
	(xrf0) =	vadd.scan.msk.s32 $0xffff, v3  }
0x35: {  	s30 =	simm.s32 $0x50;
	s29 =	simm.s32 $0x0;
	vm1 =	vlt.s32 v9, $0x80000;
	vm0 =	vlt.s32 v9, $0x80001;
	v9 =	vimm.s32 $0x0  }
.LBB2_4:
0x36: {  	s31 =	sand.u32 $0x70, s30;
	s28 =	sadd.s32 $0x20, s28;
	v15 =	vsel vm1, $0x1, v0;
	v16 =	vnsel vm1, $0x0, v6;
	v17 =	vsel vm0, $0x1, v0;
	p1 =	sne.s32 s30, $0x7F0  }
.Ltmp1:
0x37: {  	s30 =	sadd.s32 $0x10, s30;
	s0 =	sand.u32 $0xF00, s28;
	v10 =	vadd.s32 v15, v10;
	v12 =	vadd.s32 v12, v16;
	v15 =	vnsel vm0, $0x0, v6;
	(pc) =	sbr.rel @p1 .LBB2_4-.Ltmp1, $4  }
0x38: {  	v11 =	vadd.s32 v17, v11;
	v6 =	vmovc v5;
	v5 =	vmovc v4;
	v4 =	vmov v3;
	s0 =	sor.u32 s31, s0;
	v9 =	vadd.s32 v9, v15;
	s31 =	spop (v2sf)  }
0x39: {  	s2 =	sadd.s32 $0x16200, s0;
	v3 =	vadd.s32 v13, v14;
	v13 =	vld [tilespmem:s0+$0x16200];
	s29 =	sadd.s32 s29, s31  }
0x3a: {  	v14 =	vld [tilespmem:s2+$0x80];
	(xrf0) =	vadd.scan.msk.s32 $0xffff, v3;
	v15 =	vadd.s32 s29, v8;
	v8 =	vmov v7;
	v7, _, _ =	vpop (xrf0)  }
0x3b: {  	(v2sf) =	vpush v7, $0xF;
	vm1 =	vlt.s32 v15, $0x80000;
	vm0 =	vlt.s32 v15, $0x80001  }
0x3c: {  	_ =	sdelay $0x3  }
0x3d: {  	v15, _, _ =	vpop (xrf0)  }
0x3e: {  	(v2sf) =	vpush v15, $0xF;
	_ =	sdelay $0x2  }
0x3f: {  	v16 =	vnsel vm1, $0x0, v6  }
0x40: {  	s0 =	spop (v2sf);
	v17 =	vsel vm0, $0x1, v0;
	v6 =	vnsel vm0, $0x0, v6;
	v12 =	vadd.s32 v12, v16  }
0x41: {  	s0 =	sadd.s32 s29, s0;
	v6 =	vadd.s32 v9, v6;
	s2 =	spop (v2sf);
	v9 =	vld [tilespmem:s26+$0x17280];
	v13 =	vadd.s32 v13, v14;
	v14 =	vsel vm1, $0x1, v0  }
0x42: {  	v11 =	vadd.s32 v17, v11;
	v8 =	vadd.s32 s0, v8;
	s0 =	sadd.s32 s0, s2;
	(xrf0) =	vadd.scan.msk.s32 $0xffff, v13;
	v10 =	vadd.s32 v14, v10;
	v14 =	vld [tilespmem:s26+$0x17200]  }
0x43: {  	vm0 =	vlt.s32 v8, $0x80000;
	vm1 =	vlt.s32 v8, $0x80001;
	v7 =	vadd.s32 s0, v7  }
0x44: {  	v18 =	vld [tilespmem:s25+$0x17200];
	v8 =	vsel vm0, $0x1, v0;
	v16 =	vnsel vm0, $0x0, v5;
	v17 =	vsel vm1, $0x1, v0  }
0x45: {  	v5 =	vnsel vm1, $0x0, v5;
	vm0 =	vlt.s32 v7, $0x80000;
	vm1 =	vlt.s32 v7, $0x80001;
	v7 =	vld [tilespmem:s24+$0x17280]  }
0x46: {  	v8 =	vadd.s32 v8, v10;
	v10 =	vadd.s32 v12, v16;
	v16 =	vld [tilespmem:s25+$0x17280];
	v19 =	vnsel vm0, $0x0, v4  }
0x47: {  	v11 =	vadd.s32 v17, v11;
	v17 =	vld [tilespmem:s24+$0x17200];
	v19 =	vadd.s32 v10, v19;
	v10 =	vadd.s32 v14, v9  }
0x48: {  	v5 =	vadd.s32 v6, v5;
	v6 =	vsel vm0, $0x1, v0;
	v12, _, _ =	vpop (xrf0);
	(xrf0) =	vadd.scan.msk.s32 $0xffff, v10;
	s28 =	spop (v2sf)  }
0x49: {  	v4 =	vnsel vm1, $0x0, v4;
	v6 =	vadd.s32 v6, v8;
	s0 =	sadd.s32 s0, s28  }
0x4a: {  	v8 =	vsel vm1, $0x1, v0;
	v4 =	vadd.s32 v5, v4;
	v5 =	vadd.s32 s0, v15  }
0x4b: {  	v11 =	vadd.s32 v8, v11;
	v8 =	vadd.s32 v18, v16;
	vm0 =	vlt.s32 v5, $0x80000;
	s29 =	spop (v2sf)  }
0x4c: {  	v7 =	vadd.s32 v17, v7;
	(xrf0) =	vadd.scan.msk.s32 $0xffff, v8;
	vm1 =	vlt.s32 v5, $0x80001;
	v5 =	vsel vm0, $0x1, v0;
	s0 =	sadd.s32 s0, s29  }
0x4d: {  	(xrf0) =	vadd.scan.msk.s32 $0xffff, v7;
	v5 =	vadd.s32 v5, v6;
	v6 =	vadd.s32 s0, v12  }
0x4e: {  	(v2sf) =	vpush v12, $0xF;
	v17, _, _ =	vpop (xrf0);
	v9 =	vnsel vm0, $0x0, v3;
	vm0 =	vlt.s32 v6, $0x80000  }
0x4f: {  	(v2sf) =	vpush v17, $0xF;
	v14 =	vsel vm1, $0x1, v0;
	v12 =	vnsel vm0, $0x0, v13  }
0x50: {  	v3 =	vnsel vm1, $0x0, v3;
	v9 =	vadd.s32 v19, v9;
	v11 =	vadd.s32 v14, v11  }
0x51: {  	v3 =	vadd.s32 v4, v3;
	vm1 =	vlt.s32 v6, $0x80001;
	v4 =	vsel vm0, $0x1, v0  }
0x52: {  	v16 =	vsel vm1, $0x1, v0;
	v6 =	vadd.s32 v4, v5;
	v5 =	vadd.s32 v9, v12;
	v12, _, _ =	vpop (xrf0)  }
0x53: {  	v4 =	vadd.s32 v16, v11;
	(v2sf) =	vpush v12, $0xF;
	v11, _, _ =	vpop (xrf0)  }
0x54: {  	(v2sf) =	vpush v11, $0xF  }
0x55: {  	v15 =	vld [tilespmem:s23+$0x17200]  }
0x56: {  	v14 =	vld [tilespmem:s23+$0x17280];
	_ =	sdelay $0x1  }
0x57: {  	s30 =	simm.s32 $0x80  }
0x58: {  	s0 =	sand.u32 $0xF00, s30  }
0x59: {  	s0 =	sor.u32 s22, s0;
	v9 =	vnsel vm1, $0x0, v13  }
0x5a: {  	v13 =	vld [tilespmem:s0+$0x17200];
	v3 =	vadd.s32 v3, v9;
	v9 =	vadd.s32 v15, v14;
	v14 =	vadd.s32 s21, v17  }
0x5b: {  	vm1 =	vlt.s32 v14, $0x80000;
	vm0 =	vlt.s32 v14, $0x80001;
	v14 =	vld [tilespmem:s0+$0x17280];
	(xrf0) =	vadd.scan.msk.s32 $0xffff, v9  }
0x5c: {  	s23 =	simm.s32 $0xA0;
	s22 =	simm.s32 $0x50;
	v16 =	vimm.s32 $0x0;
	s31 =	spop (v2sf);
	v17 =	vimm.s32 $0x0;
	v15 =	vimm.s32 $0x0  }
.LBB2_6:
0x5d: {  	s0 =	sand.u32 $0x70, s22;
	s2 =	sand.u32 $0xF00, s23;
	v18 =	vsel vm1, $0x1, v0;
	v19 =	vnsel vm1, $0x0, v10;
	v20 =	vsel vm0, $0x1, v0;
	p1 =	sne.s32 s22, $0x7F0  }
.Ltmp2:
0x5e: {  	s0 =	sor.u32 s0, s2;
	v2 =	vadd.s32 v18, v2;
	v17 =	vadd.s32 v17, v19;
	v18 =	vnsel vm0, $0x0, v10;
	v10 =	vmovc v8;
	v8 =	vmovc v7;
	(pc) =	sbr.rel @p1 .LBB2_6-.Ltmp2, $4  }
0x5f: {  	s22 =	sadd.s32 $0x10, s22;
	v15 =	vadd.s32 v20, v15;
	v7 =	vmov v9;
	v16 =	vadd.s32 v16, v18;
	s2 =	spop (v2sf)  }
0x60: {  	v9 =	vadd.s32 v13, v14;
	v13 =	vld [tilespmem:s0+$0x17200];
	s21 =	sadd.s32 s21, s2  }
0x61: {  	v14 =	vld [tilespmem:s0+$0x17280];
	(xrf0) =	vadd.scan.msk.s32 $0xffff, v9;
	v18 =	vadd.s32 s21, v12;
	v12 =	vmov v11;
	v11, _, _ =	vpop (xrf0)  }
0x62: {  	s23 =	sadd.s32 $0x20, s23;
	(v2sf) =	vpush v11, $0xF;
	vm1 =	vlt.s32 v18, $0x80000;
	vm0 =	vlt.s32 v18, $0x80001  }
0x63: {  	_ =	sdelay $0x3  }
0x64: {  	v18, _, _ =	vpop (xrf0)  }
0x65: {  	(v2sf) =	vpush v18, $0xF;
	_ =	sdelay $0x4  }
0x66: {  	v19 =	vsel vm1, $0x1, v0;
	s0 =	spop (v2sf);
	v20 =	vnsel vm1, $0x0, v10  }
0x67: {  	v44 =	vsel vm0, $0x1, v0;
	v45 =	vnsel vm0, $0x0, v10;
	v2 =	vadd.s32 v19, v2;
	s0 =	sadd.s32 s21, s0  }
0x68: {  	v17 =	vadd.s32 v17, v20;
	v15 =	vadd.s32 v44, v15;
	s2 =	spop (v2sf);
	v12 =	vadd.s32 s0, v12  }
0x69: {  	v10 =	vadd.s32 v16, v45;
	s0 =	sadd.s32 s0, s2;
	vm8 =	vlt.s32 v12, $0x80000;
	v13 =	vadd.s32 v13, v14  }
0x6a: {  	vm9 =	vlt.s32 v12, $0x80001;
	v11 =	vadd.s32 s0, v11;
	v46 =	vsel vm8, $0x1, v0  }
0x6b: {  	(xrf0) =	vadd.scan.msk.s32 $0xffff, v13;
	v47 =	vnsel vm8, $0x0, v8;
	v48 =	vsel vm9, $0x1, v0;
	v50 =	vnsel vm9, $0x0, v8  }
0x6c: {  	vm10 =	vlt.s32 v11, $0x80000;
	vm11 =	vlt.s32 v11, $0x80001;
	v2 =	vadd.s32 v46, v2  }
0x6d: {  	v49 =	vadd.s32 v17, v47;
	v51 =	vadd.s32 v48, v15;
	v8 =	vadd.s32 v10, v50;
	s28 =	spop (v2sf)  }
0x6e: {  	v52 =	vsel vm10, $0x1, v0;
	v53 =	vnsel vm10, $0x0, v7;
	v54 =	vsel vm11, $0x1, v0;
	s0 =	sadd.s32 s0, s28  }
0x6f: {  	v7 =	vnsel vm11, $0x0, v7;
	v2 =	vadd.s32 v52, v2;
	v57 =	vadd.s32 s0, v18  }
0x70: {  	(xrf0) =	vadd.scan.msk.s32 $0xffff, v6;
	v55 =	vadd.s32 v49, v53;
	v56 =	vadd.s32 v54, v51;
	vm12 =	vlt.s32 v57, $0x80000;
	s29 =	spop (v2sf)  }
0x71: {  	(xrf0) =	vadd.scan.msk.s32 $0xffff, v5;
	v58, _, _ =	vpop (xrf0);
	vm13 =	vlt.s32 v57, $0x80001;
	v59 =	vsel vm12, $0x1, v0;
	v60 =	vnsel vm12, $0x0, v9;
	s0 =	sadd.s32 s0, s29  }
0x72: {  	(xrf0) =	vadd.scan.msk.s32 $0xffff, v4;
	v6 =	vsel vm13, $0x1, v0;
	v2 =	vadd.s32 v59, v2;
	v61 =	vadd.s32 s0, v58  }
0x73: {  	(xrf0) =	vadd.scan.msk.s32 $0xffff, v3;
	v5 =	vadd.s32 v55, v60;
	v3 =	vadd.s32 v6, v56;
	vm14 =	vlt.s32 v61, $0x80000  }
0x74: {  	vm15 =	vlt.s32 v61, $0x80001;
	v63 =	vsel vm14, $0x1, v0;
	v4 =	vnsel vm14, $0x0, v13  }
0x75: {  	v6 =	vsel vm15, $0x1, v0;
	v2 =	vadd.s32 v63, v2;
	v4 =	vadd.s32 v5, v4  }
0x76: {  	v7 =	vadd.s32 v8, v7;
	v62 =	vnsel vm13, $0x0, v9;
	v3 =	vadd.s32 v6, v3;
	(xrf0) =	vadd.scan.msk.s32 $0xffff, v2  }
0x77: {  	v5 =	vnsel vm15, $0x0, v13;
	v2 =	vadd.s32 v7, v62;
	(xrf0) =	vadd.scan.msk.s32 $0xffff, v4  }
0x78: {  	(v2sf) =	vpush v58, $0xF;
	v2 =	vadd.s32 v2, v5;
	v4, _, _ =	vpop (xrf0);
	(xrf0) =	vadd.scan.msk.s32 $0xffff, v3  }
0x79: {  	(v2sf) =	vpush v4, $0xF;
	v3, _, _ =	vpop (xrf0)  }
0x7a: {  	v5, _, _ =	vpop (xrf0);
	(v2sf) =	vpush v3, $0xF  }
0x7b: {  	(xrf0) =	vadd.scan.msk.s32 $0xffff, v2;
	v2, _, _ =	vpop (xrf0);
	(v2sf) =	vpush v5, $0xF  }
0x7c: {  	v3, _, _ =	vpop (xrf0);
	(v2sf) =	vpush v2, $0xF  }
0x7d: {  	v2, _, _ =	vpop (xrf0);
	(v2sf) =	vpush v3, $0xF  }
0x7e: {  	(v2sf) =	vpush v2, $0xF;
	v6, _, _ =	vpop (xrf0)  }
0x7f: {  	(v2sf) =	vpush v6, $0xF;
	_ =	sdelay $0x2  }
0x80: {  	v2, _, _ =	vpop (xrf0)  }
0x81: {  	(v2sf) =	vpush v2, $0xF;
	_ =	sdelay $0x3  }
0x82: {  	s30 =	spop (v2sf)  }
0x83: {  	s0 =	spop (v2sf)  }
0x84: {  	s23 =	spop (v2sf)  }
0x85: {  	s31 =	spop (v2sf)  }
0x86: {  	s24 =	spop (v2sf)  }
0x87: {  	s25 =	spop (v2sf)  }
0x88: {  	s22 =	spop (v2sf)  }
0x89: {  	p1 =	sne.s32 s0, s31;
	s26 =	spop (v2sf)  }
0x8a: {  	p2 =	sne.s32 @!p1 s25, s26  }
0x8b: {  	p2 =	por p1, p2  }
.Ltmp3:
0x8c: {  	_ = 	snop;
	(pc) =	sbr.rel @p2 .LBB2_8-.Ltmp3, $4  }
0x8d: {  	s21 =	spop (v2sf)  }
0x8e: {  	_ =	swait.ge [sflag:s12], $0x10000  }
0x8f: {  	v3 =	vbroadcast v3, $0xF;
	v2 =	vbroadcast v4, $0xF;
	[sflag:s12] =	ssyncset.done $0x0  }
0x90: {  	v4 =	vbroadcast v5, $0xF;
	v5 =	vbroadcast v6, $0xF;
	s26 =	simm.s32 $0xFFFFFFFC;
	s25 =	simm.s32 $0x80;
	[sflag:s12] =	ssyncadd.s32 $0xFFFF0000  }
0x91: {  	v6 =	vld [tilespmem:s25+$0x40];
	_ =	sdelay $0x4  }
0x92: {  	v7 =	vshra.s32 v6, $0x1F  }
0x93: {  	v7 =	vand.u32 $0x7FFFFFFF, v7  }
0x94: {  	v6 =	vxor.u32 v6, v7  }
0x95: {  	v7 =	vshra.s32 v6, $0x15  }
0x96: {  	v6 =	vshrl.u32 v6, $0xA;
	v7 =	vadd.s32 $0x400, v7  }
0x97: {  	v6 =	vand.u32 $0x7FF, v6;
	vm0 =	veq.s32 v7, v3  }
0x98: {  	v6 =	vor.u32 $0x800, v6;
	_ =	sdelay $0x1  }
0x99: {  	v8 =	vld [tilespmem:s25+$0xFFFFFF80]  }
0x9a: {  	v7 =	vld [tilespmem:s25+$0xFFFFFFC0];
	_ =	sdelay $0x1  }
0x9b: {  	[tilespmem:v6+s13+$0x0] =	vst.idx.add.s32.msk vm0, v1  }
0x9c: {  	v6 =	vld [tilespmem:s25+$0x50];
	_ =	sdelay $0x1  }
0x9d: {  	v11 =	vshra.s32 v8, $0x1F;
	v10 =	vshra.s32 v7, $0x1F  }
0x9e: {  	v11 =	vand.u32 $0x7FFFFFFF, v11;
	v10 =	vand.u32 $0x7FFFFFFF, v10  }
0x9f: {  	v8 =	vxor.u32 v8, v11;
	v7 =	vxor.u32 v7, v10  }
0xa0: {  	v10 =	vshra.s32 v8, $0x15;
	v8 =	vshrl.u32 v8, $0xA;
	v13 =	vshra.s32 v6, $0x1F  }
0xa1: {  	v11 =	vshra.s32 v7, $0x15;
	v10 =	vadd.s32 $0x400, v10;
	v13 =	vand.u32 $0x7FFFFFFF, v13  }
0xa2: {  	v9 =	vld [tilespmem:s25+$0x0];
	v7 =	vshrl.u32 v7, $0xA;
	v8 =	vand.u32 $0x7FF, v8;
	v6 =	vxor.u32 v6, v13  }
0xa3: {  	v11 =	vadd.s32 $0x400, v11;
	vm0 =	veq.s32 v10, v2;
	v10 =	vshra.s32 v6, $0x15  }
0xa4: {  	vm1 =	veq.s32 v11, v2;
	v6 =	vshrl.u32 v6, $0xA;
	v10 =	vadd.s32 $0x400, v10  }
0xa5: {  	v7 =	vand.u32 $0x7FF, v7;
	v6 =	vand.u32 $0x7FF, v6;
	vm2 =	veq.s32 v10, v3  }
0xa6: {  	v6 =	vor.u32 $0x800, v6  }
0xa7: {  	v12 =	vshra.s32 v9, $0x1F  }
0xa8: {  	v12 =	vand.u32 $0x7FFFFFFF, v12  }
0xa9: {  	v9 =	vxor.u32 v9, v12;
	[tilespmem:v8+s13+$0x0] =	vst.idx.add.s32.msk vm0, v1  }
0xaa: {  	[tilespmem:v7+s13+$0x0] =	vst.idx.add.s32.msk vm1, v1;
	v10 =	vshra.s32 v9, $0x15  }
0xab: {  	v9 =	vshrl.u32 v9, $0xA;
	v10 =	vadd.s32 $0x400, v10;
	[tilespmem:v6+s13+$0x0] =	vst.idx.add.s32.msk vm2, v1  }
0xac: {  	v9 =	vand.u32 $0x7FF, v9;
	vm3 =	veq.s32 v10, v3;
	v6 =	vld [tilespmem:s25+$0x60]  }
0xad: {  	v7 =	vld [tilespmem:s25+$0xFFFFFF90];
	v8 =	vor.u32 $0x800, v9;
	_ =	sdelay $0x2  }
0xae: {  	v9 =	vld [tilespmem:s25+$0xFFFFFFD0]  }
0xaf: {  	v10 =	vshra.s32 v6, $0x1F  }
0xb0: {  	v11 =	vshra.s32 v7, $0x1F;
	[tilespmem:v8+s13+$0x0] =	vst.idx.add.s32.msk vm3, v1;
	v10 =	vand.u32 $0x7FFFFFFF, v10  }
0xb1: {  	v11 =	vand.u32 $0x7FFFFFFF, v11;
	v8 =	vld [tilespmem:s25+$0x10];
	v6 =	vxor.u32 v6, v10  }
0xb2: {  	v7 =	vxor.u32 v7, v11;
	v11 =	vshra.s32 v6, $0x15  }
0xb3: {  	s26 =	simm.s32 $0x180;
	v12 =	vshra.s32 v9, $0x1F;
	v6 =	vshrl.u32 v6, $0xA;
	v11 =	vadd.s32 $0x400, v11  }
0xb4: {  	v13 =	vshra.s32 v7, $0x15;
	v6 =	vand.u32 $0x7FF, v6;
	vm0 =	veq.s32 v11, v3;
	v11 =	vld [tilespmem:s26+$0x40]  }
0xb5: {  	v7 =	vshrl.u32 v7, $0xA;
	v10 =	vand.u32 $0x7FFFFFFF, v12;
	v6 =	vor.u32 $0x800, v6  }
0xb6: {  	v7 =	vand.u32 $0x7FF, v7;
	v12 =	vshra.s32 v8, $0x1F;
	v9 =	vxor.u32 v9, v10  }
0xb7: {  	v10 =	vand.u32 $0x7FFFFFFF, v12;
	v12 =	vadd.s32 $0x400, v13;
	v13 =	vshra.s32 v9, $0x15  }
0xb8: {  	v14 =	vld [tilespmem:s26+$0xFFFFFFC0];
	v8 =	vxor.u32 v8, v10;
	vm1 =	veq.s32 v12, v2;
	v9 =	vshrl.u32 v9, $0xA  }
0xb9: {  	v15 =	vld [tilespmem:s26+$0x0];
	v10 =	vadd.s32 $0x400, v13;
	v13 =	vshra.s32 v8, $0x15;
	v16 =	vshra.s32 v11, $0x1F  }
0xba: {  	v8 =	vshrl.u32 v8, $0xA;
	v9 =	vand.u32 $0x7FF, v9;
	[tilespmem:v6+s13+$0x0] =	vst.idx.add.s32.msk vm0, v1;
	v6 =	vand.u32 $0x7FFFFFFF, v16  }
0xbb: {  	v12 =	vld [tilespmem:s26+$0xFFFFFF80];
	v13 =	vadd.s32 $0x400, v13;
	vm2 =	veq.s32 v10, v2;
	v6 =	vxor.u32 v11, v6  }
0xbc: {  	v8 =	vand.u32 $0x7FF, v8;
	vm0 =	veq.s32 v13, v3;
	v10 =	vld [tilespmem:s25+$0x70];
	v11 =	vshra.s32 v6, $0x15  }
0xbd: {  	v8 =	vor.u32 $0x800, v8;
	v6 =	vshrl.u32 v6, $0xA;
	v11 =	vadd.s32 $0x400, v11  }
0xbe: {  	v13 =	vshra.s32 v14, $0x1F;
	v6 =	vand.u32 $0x7FF, v6;
	vm3 =	veq.s32 v11, v3  }
0xbf: {  	[tilespmem:v7+s13+$0x0] =	vst.idx.add.s32.msk vm1, v1;
	v7 =	vand.u32 $0x7FFFFFFF, v13;
	v13 =	vshra.s32 v15, $0x1F;
	v6 =	vor.u32 $0x800, v6  }
0xc0: {  	v13 =	vand.u32 $0x7FFFFFFF, v13;
	v11 =	vshra.s32 v12, $0x1F  }
0xc1: {  	[tilespmem:v9+s13+$0x0] =	vst.idx.add.s32.msk vm2, v1;
	v7 =	vxor.u32 v14, v7;
	v9 =	vand.u32 $0x7FFFFFFF, v11;
	v11 =	vshra.s32 v10, $0x1F  }
0xc2: {  	[tilespmem:v8+s13+$0x0] =	vst.idx.add.s32.msk vm0, v1;
	v8 =	vxor.u32 v12, v9;
	v9 =	vand.u32 $0x7FFFFFFF, v11;
	v11 =	vxor.u32 v15, v13  }
0xc3: {  	v12 =	vshra.s32 v8, $0x15;
	v13 =	vshra.s32 v7, $0x15;
	v9 =	vxor.u32 v10, v9;
	v10 =	vld [tilespmem:s25+$0xFFFFFFA0]  }
0xc4: {  	v8 =	vshrl.u32 v8, $0xA;
	v7 =	vshrl.u32 v7, $0xA;
	v15 =	vshra.s32 v11, $0x15;
	[tilespmem:v6+s13+$0x0] =	vst.idx.add.s32.msk vm3, v1  }
0xc5: {  	v12 =	vadd.s32 $0x400, v12;
	v14 =	vshra.s32 v9, $0x15;
	v6 =	vshrl.u32 v11, $0xA;
	v11 =	vld [tilespmem:s26+$0x50]  }
0xc6: {  	v13 =	vadd.s32 $0x400, v13;
	v8 =	vand.u32 $0x7FF, v8;
	v14 =	vadd.s32 $0x400, v14  }
0xc7: {  	v7 =	vand.u32 $0x7FF, v7;
	vm1 =	veq.s32 v12, v2;
	vm0 =	veq.s32 v14, v3;
	v14 =	vld [tilespmem:s25+$0xFFFFFFE0]  }
0xc8: {  	v61 =	vld [tilespmem:s25+$0x20];
	v9 =	vshrl.u32 v9, $0xA;
	v15 =	vadd.s32 $0x400, v15;
	vm2 =	veq.s32 v13, v2  }
0xc9: {  	v9 =	vand.u32 $0x7FF, v9;
	vm3 =	veq.s32 v15, v3;
	v6 =	vand.u32 $0x7FF, v6  }
0xca: {  	v6 =	vor.u32 $0x800, v6;
	v12 =	vshra.s32 v10, $0x1F;
	v13 =	vshra.s32 v11, $0x1F  }
0xcb: {  	v9 =	vor.u32 $0x800, v9;
	v12 =	vand.u32 $0x7FFFFFFF, v12;
	v13 =	vand.u32 $0x7FFFFFFF, v13  }
0xcc: {  	v10 =	vxor.u32 v10, v12;
	v15 =	vshra.s32 v14, $0x1F;
	v11 =	vxor.u32 v11, v13  }
0xcd: {  	[tilespmem:v8+s13+$0x0] =	vst.idx.add.s32.msk vm1, v1;
	v15 =	vand.u32 $0x7FFFFFFF, v15;
	v13 =	vshra.s32 v61, $0x1F;
	v8 =	vshra.s32 v11, $0x15  }
0xce: {  	[tilespmem:v7+s13+$0x0] =	vst.idx.add.s32.msk vm2, v1;
	v12 =	vand.u32 $0x7FFFFFFF, v13;
	v7 =	vadd.s32 $0x400, v8;
	v8 =	vshrl.u32 v11, $0xA  }
0xcf: {  	[tilespmem:v6+s13+$0x0] =	vst.idx.add.s32.msk vm3, v1;
	v13 =	vxor.u32 v14, v15;
	vm2 =	veq.s32 v7, v3;
	v7 =	vand.u32 $0x7FF, v8  }
0xd0: {  	v11 =	vxor.u32 v61, v12;
	v12 =	vld [tilespmem:s26+$0xFFFFFF90];
	v14 =	vshra.s32 v13, $0x15;
	v7 =	vor.u32 $0x800, v7  }
0xd1: {  	v15 =	vld [tilespmem:s26+$0xFFFFFFD0];
	v8 =	vshra.s32 v10, $0x15;
	v16 =	vshra.s32 v11, $0x15;
	v11 =	vshrl.u32 v11, $0xA  }
0xd2: {  	v62 =	vld [tilespmem:s26+$0x10];
	v10 =	vshrl.u32 v10, $0xA;
	v6 =	vadd.s32 $0x400, v8;
	v8 =	vadd.s32 $0x400, v14  }
0xd3: {  	v14 =	vadd.s32 $0x400, v16;
	v11 =	vand.u32 $0x7FF, v11;
	vm3 =	veq.s32 v6, v2  }
0xd4: {  	v6 =	vshrl.u32 v13, $0xA;
	vm4 =	veq.s32 v8, v2;
	vm1 =	veq.s32 v14, v3  }
0xd5: {  	v8 =	vand.u32 $0x7FF, v10;
	v14 =	vor.u32 $0x800, v11;
	v10 =	vshra.s32 v12, $0x1F;
	[tilespmem:v7+s13+$0x0] =	vst.idx.add.s32.msk vm2, v1  }
0xd6: {  	v6 =	vand.u32 $0x7FF, v6;
	v13 =	vshra.s32 v15, $0x1F;
	v7 =	vand.u32 $0x7FFFFFFF, v10;
	v11 =	vld [tilespmem:s26+$0x60]  }
0xd7: {  	v10 =	vand.u32 $0x7FFFFFFF, v13;
	v7 =	vxor.u32 v12, v7;
	v12 =	vshra.s32 v62, $0x1F  }
0xd8: {  	v10 =	vxor.u32 v15, v10;
	v13 =	vshra.s32 v7, $0x15;
	v12 =	vand.u32 $0x7FFFFFFF, v12  }
0xd9: {  	v15 =	vshra.s32 v10, $0x15;
	v63 =	vshrl.u32 v7, $0xA;
	v12 =	vxor.u32 v62, v12  }
0xda: {  	[tilespmem:v8+s13+$0x0] =	vst.idx.add.s32.msk vm3, v1;
	v13 =	vadd.s32 $0x400, v13;
	v8 =	vadd.s32 $0x400, v15;
	v15 =	vshra.s32 v12, $0x15  }
0xdb: {  	[tilespmem:v9+s13+$0x0] =	vst.idx.add.s32.msk vm0, v1;
	v12 =	vshrl.u32 v12, $0xA;
	vm3 =	veq.s32 v13, v2;
	v7 =	vshra.s32 v11, $0x1F  }
0xdc: {  	[tilespmem:v6+s13+$0x0] =	vst.idx.add.s32.msk vm4, v1;
	v13 =	vshrl.u32 v10, $0xA;
	v15 =	vadd.s32 $0x400, v15;
	v10 =	vand.u32 $0x7FFFFFFF, v7  }
0xdd: {  	[tilespmem:v14+s13+$0x0] =	vst.idx.add.s32.msk vm1, v1;
	v12 =	vand.u32 $0x7FF, v12;
	vm2 =	veq.s32 v15, v3;
	v15 =	vxor.u32 v11, v10  }
0xde: {  	v6 =	vld [tilespmem:s25+$0xFFFFFFB0];
	vm4 =	veq.s32 v8, v2;
	v8 =	vor.u32 $0x800, v12;
	v12 =	vshra.s32 v15, $0x15  }
0xdf: {  	v7 =	vld [tilespmem:s25+$0xFFFFFFF0];
	v9 =	vadd.s32 $0x400, v12  }
0xe0: {  	vm0 =	veq.s32 v9, v3;
	v9 =	vld [tilespmem:s25+$0x30];
	_ =	sdelay $0x1  }
0xe1: {  	v10 =	vand.u32 $0x7FF, v63;
	v12 =	vshrl.u32 v15, $0xA  }
0xe2: {  	v11 =	vand.u32 $0x7FF, v13;
	v13 =	vshra.s32 v6, $0x1F;
	v12 =	vand.u32 $0x7FF, v12  }
0xe3: {  	s28 =	simm.s32 $0x4;
	v13 =	vand.u32 $0x7FFFFFFF, v13;
	s25 =	simm.s32 $0x280;
	v12 =	vor.u32 $0x800, v12;
	v14 =	vshra.s32 v7, $0x1F  }
.LBB2_11:
0xe4: {  	v15 =	vld [tilespmem:s25+$0x40];
	s28 =	sadd.s32 $0x4, s28;
	v6 =	vxor.u32 v6, v13;
	v13 =	vand.u32 $0x7FFFFFFF, v14;
	v14 =	vshra.s32 v9, $0x1F  }
0xe5: {  	v16 =	vld [tilespmem:s25+$0xFFFFFFC0];
	p1 =	slt.u32 s28, $0x3FC;
	v17 =	vshra.s32 v6, $0x15;
	v7 =	vxor.u32 v7, v13;
	v13 =	vand.u32 $0x7FFFFFFF, v14  }
0xe6: {  	v14 =	vld [tilespmem:s25+$0x0];
	v17 =	vadd.s32 $0x400, v17;
	v18 =	vshra.s32 v7, $0x15;
	v9 =	vxor.u32 v9, v13  }
0xe7: {  	v13 =	vld [tilespmem:s25+$0xFFFFFF80];
	v18 =	vadd.s32 $0x400, v18;
	v19 =	vshra.s32 v9, $0x15;
	v9 =	vshrl.u32 v9, $0xA  }
0xe8: {  	v6 =	vshrl.u32 v6, $0xA;
	[tilespmem:v12+s13+$0x0] =	vst.idx.add.s32.msk vm0, v1;
	v12 =	vadd.s32 $0x400, v19;
	v9 =	vand.u32 $0x7FF, v9  }
0xe9: {  	v7 =	vshrl.u32 v7, $0xA;
	vm0 =	veq.s32 v17, v2;
	v19 =	vshra.s32 v15, $0x1F;
	v20 =	vld [tilespmem:s26+$0x70]  }
0xea: {  	vm1 =	veq.s32 v18, v2;
	v17 =	vshra.s32 v16, $0x1F;
	v19 =	vand.u32 $0x7FFFFFFF, v19;
	[tilespmem:v10+s13+$0x0] =	vst.idx.add.s32.msk vm3, v1  }
0xeb: {  	v10 =	vand.u32 $0x7FFFFFFF, v17;
	v17 =	vshra.s32 v14, $0x1F;
	v15 =	vxor.u32 v15, v19;
	[tilespmem:v11+s13+$0x0] =	vst.idx.add.s32.msk vm4, v1  }
0xec: {  	v11 =	vshra.s32 v13, $0x1F;
	v17 =	vand.u32 $0x7FFFFFFF, v17;
	v18 =	vshra.s32 v15, $0x15;
	[tilespmem:v8+s13+$0x0] =	vst.idx.add.s32.msk vm2, v1  }
0xed: {  	v15 =	vshrl.u32 v15, $0xA;
	v8 =	vand.u32 $0x7FFFFFFF, v11;
	v11 =	vadd.s32 $0x400, v18;
	v18 =	vld [tilespmem:s26+$0xFFFFFFA0]  }
0xee: {  	vm2 =	veq.s32 v11, v3;
	v11 =	vand.u32 $0x7FF, v15;
	v15 =	vld [tilespmem:s26+$0xFFFFFFE0];
	v19 =	vshra.s32 v20, $0x1F  }
0xef: {  	v8 =	vxor.u32 v13, v8;
	v11 =	vor.u32 $0x800, v11;
	v13 =	vld [tilespmem:s26+$0x20];
	v19 =	vand.u32 $0x7FFFFFFF, v19  }
0xf0: {  	v10 =	vxor.u32 v16, v10;
	v14 =	vxor.u32 v14, v17;
	v16 =	vxor.u32 v20, v19  }
0xf1: {  	v17 =	vshra.s32 v8, $0x15;
	v19 =	vshra.s32 v10, $0x15;
	v20 =	vshra.s32 v16, $0x15  }
0xf2: {  	v21 =	vshra.s32 v14, $0x15;
	v16 =	vshrl.u32 v16, $0xA;
	v20 =	vadd.s32 $0x400, v20  }
0xf3: {  	v14 =	vshrl.u32 v14, $0xA;
	v16 =	vand.u32 $0x7FF, v16;
	vm3 =	veq.s32 v20, v3  }
0xf4: {  	v17 =	vadd.s32 $0x400, v17;
	v19 =	vadd.s32 $0x400, v19;
	[tilespmem:v11+s13+$0x0] =	vst.idx.add.s32.msk vm2, v1;
	v11 =	vor.u32 $0x800, v16  }
0xf5: {  	v8 =	vshrl.u32 v8, $0xA;
	v14 =	vand.u32 $0x7FF, v14;
	v16 =	vadd.s32 $0x400, v21;
	v20 =	vld [tilespmem:s25+$0x50]  }
0xf6: {  	v10 =	vshrl.u32 v10, $0xA;
	vm4 =	veq.s32 v19, v2;
	vm2 =	veq.s32 v17, v2  }
0xf7: {  	v8 =	vand.u32 $0x7FF, v8;
	v14 =	vor.u32 $0x800, v14;
	vm5 =	veq.s32 v16, v3  }
0xf8: {  	v10 =	vand.u32 $0x7FF, v10;
	v17 =	vshra.s32 v15, $0x1F;
	v16 =	vshra.s32 v18, $0x1F  }
0xf9: {  	v19 =	vshra.s32 v13, $0x1F;
	v17 =	vand.u32 $0x7FFFFFFF, v17;
	v16 =	vand.u32 $0x7FFFFFFF, v16;
	[tilespmem:v11+s13+$0x0] =	vst.idx.add.s32.msk vm3, v1  }
0xfa: {  	v16 =	vxor.u32 v18, v16;
	v18 =	vand.u32 $0x7FFFFFFF, v19;
	v11 =	vshra.s32 v20, $0x1F  }
0xfb: {  	v15 =	vxor.u32 v15, v17;
	v13 =	vxor.u32 v13, v18;
	v11 =	vand.u32 $0x7FFFFFFF, v11  }
0xfc: {  	v17 =	vshra.s32 v15, $0x15;
	[tilespmem:v8+s13+$0x0] =	vst.idx.add.s32.msk vm2, v1;
	v8 =	vxor.u32 v20, v11;
	v11 =	vshra.s32 v16, $0x15  }
0xfd: {  	v18 =	vshra.s32 v13, $0x15;
	v13 =	vshrl.u32 v13, $0xA;
	[tilespmem:v10+s13+$0x0] =	vst.idx.add.s32.msk vm4, v1;
	v10 =	vshra.s32 v8, $0x15  }
0xfe: {  	v8 =	vshrl.u32 v8, $0xA;
	v11 =	vadd.s32 $0x400, v11;
	[tilespmem:v14+s13+$0x0] =	vst.idx.add.s32.msk vm5, v1;
	v10 =	vadd.s32 $0x400, v10  }
0xff: {  	v8 =	vand.u32 $0x7FF, v8;
	v14 =	vld [tilespmem:s25+$0xFFFFFF90];
	vm4 =	veq.s32 v10, v3;
	v10 =	vadd.s32 $0x400, v17  }
0x100: {  	v18 =	vadd.s32 $0x400, v18;
	v13 =	vand.u32 $0x7FF, v13;
	v8 =	vor.u32 $0x800, v8;
	v17 =	vld [tilespmem:s25+$0xFFFFFFD0]  }
0x101: {  	v16 =	vshrl.u32 v16, $0xA;
	vm6 =	veq.s32 v11, v2;
	v11 =	vshrl.u32 v15, $0xA;
	v19 =	vld [tilespmem:s25+$0x10]  }
0x102: {  	vm2 =	veq.s32 v18, v3;
	vm3 =	veq.s32 v10, v2;
	v10 =	vor.u32 $0x800, v13  }
0x103: {  	vm5 =	veq.s32 v12, v3;
	v11 =	vand.u32 $0x7FF, v11;
	v13 =	vand.u32 $0x7FF, v16  }
0x104: {  	v15 =	vand.u32 $0x7FF, v6;
	v16 =	vor.u32 $0x800, v9;
	v12 =	vshra.s32 v14, $0x1F  }
0x105: {  	v6 =	vand.u32 $0x7FFFFFFF, v12;
	v9 =	vshra.s32 v17, $0x1F;
	[tilespmem:v8+s13+$0x0] =	vst.idx.add.s32.msk vm4, v1;
	v12 =	vand.u32 $0x7FF, v7  }
0x106: {  	v6 =	vxor.u32 v14, v6;
	v7 =	vand.u32 $0x7FFFFFFF, v9;
	v8 =	vshra.s32 v19, $0x1F;
	v9 =	vld [tilespmem:s25+$0x60]  }
0x107: {  	v14 =	vshra.s32 v6, $0x15;
	v7 =	vxor.u32 v17, v7;
	v8 =	vand.u32 $0x7FFFFFFF, v8  }
0x108: {  	v14 =	vadd.s32 $0x400, v14;
	v17 =	vshra.s32 v7, $0x15;
	v8 =	vxor.u32 v19, v8;
	[tilespmem:v13+s13+$0x0] =	vst.idx.add.s32.msk vm6, v1  }
0x109: {  	v13 =	vadd.s32 $0x400, v17;
	v17 =	vshra.s32 v8, $0x15;
	v8 =	vshrl.u32 v8, $0xA;
	[tilespmem:v11+s13+$0x0] =	vst.idx.add.s32.msk vm3, v1  }
0x10a: {  	v11 =	vshrl.u32 v6, $0xA;
	v17 =	vadd.s32 $0x400, v17;
	v8 =	vand.u32 $0x7FF, v8;
	[tilespmem:v10+s13+$0x0] =	vst.idx.add.s32.msk vm2, v1  }
0x10b: {  	vm3 =	veq.s32 v14, v2;
	v14 =	vshrl.u32 v7, $0xA;
	v7 =	vshra.s32 v9, $0x1F;
	v6 =	vld [tilespmem:s26+$0xFFFFFFB0]  }
0x10c: {  	vm4 =	veq.s32 v13, v2;
	vm2 =	veq.s32 v17, v3;
	v13 =	vand.u32 $0x7FFFFFFF, v7;
	v7 =	vld [tilespmem:s26+$0xFFFFFFF0]  }
.Ltmp4:
0x10d: {  	v10 =	vand.u32 $0x7FF, v11;
	v8 =	vor.u32 $0x800, v8;
	v13 =	vxor.u32 v9, v13;
	v9 =	vld [tilespmem:s26+$0x30];
	s26 =	smov.u32 s25;
	(pc) =	sbr.rel @p1 .LBB2_11-.Ltmp4, $4  }
0x10e: {  	v11 =	vand.u32 $0x7FF, v14;
	v14 =	vshra.s32 v13, $0x15;
	[tilespmem:v15+s13+$0x0] =	vst.idx.add.s32.msk vm0, v1  }
0x10f: {  	v13 =	vshrl.u32 v13, $0xA;
	v14 =	vadd.s32 $0x400, v14;
	[tilespmem:v12+s13+$0x0] =	vst.idx.add.s32.msk vm1, v1  }
0x110: {  	v12 =	vand.u32 $0x7FF, v13;
	vm0 =	veq.s32 v14, v3;
	v13 =	vshra.s32 v6, $0x1F;
	[tilespmem:v16+s13+$0x0] =	vst.idx.add.s32.msk vm5, v1  }
0x111: {  	s25 =	sadd.s32 $0x100, s25;
	v12 =	vor.u32 $0x800, v12;
	v13 =	vand.u32 $0x7FFFFFFF, v13;
	v14 =	vshra.s32 v7, $0x1F  }
0x112: {  	_ =	sdelay $0x4  }
0x113: {  	[tilespmem:v10+s13+$0x0] =	vst.idx.add.s32.msk vm3, v1  }
0x114: {  	[tilespmem:v11+s13+$0x0] =	vst.idx.add.s32.msk vm4, v1  }
0x115: {  	[tilespmem:v8+s13+$0x0] =	vst.idx.add.s32.msk vm2, v1  }
0x116: {  	v37 =	vld [tilespmem:s26+$0xFFFFFFA0]  }
0x117: {  	v38 =	vld [tilespmem:s26+$0xFFFFFFE0]  }
0x118: {  	v39 =	vld [tilespmem:s26+$0x20];
	_ =	sdelay $0x2  }
0x119: {  	v15 =	vshra.s32 v37, $0x1F  }
0x11a: {  	v16 =	vshra.s32 v38, $0x1F;
	v15 =	vand.u32 $0x7FFFFFFF, v15  }
0x11b: {  	v40 =	vshra.s32 v39, $0x1F;
	v16 =	vand.u32 $0x7FFFFFFF, v16;
	v8 =	vxor.u32 v37, v15  }
0x11c: {  	v15 =	vand.u32 $0x7FFFFFFF, v40;
	v10 =	vxor.u32 v38, v16;
	v41 =	vshra.s32 v8, $0x15  }
0x11d: {  	v11 =	vxor.u32 v39, v15;
	v42 =	vshra.s32 v10, $0x15;
	v8 =	vshrl.u32 v8, $0xA  }
0x11e: {  	v10 =	vshrl.u32 v10, $0xA;
	v16 =	vadd.s32 $0x400, v41;
	v43 =	vshra.s32 v11, $0x15  }
0x11f: {  	v11 =	vshrl.u32 v11, $0xA;
	v15 =	vadd.s32 $0x400, v42;
	vm1 =	veq.s32 v16, v2  }
0x120: {  	v8 =	vand.u32 $0x7FF, v8;
	v16 =	vadd.s32 $0x400, v43;
	vm8 =	veq.s32 v15, v2  }
0x121: {  	[tilespmem:v12+s13+$0x0] =	vst.idx.add.s32.msk vm0, v1;
	v10 =	vand.u32 $0x7FF, v10;
	v11 =	vand.u32 $0x7FF, v11;
	vm9 =	veq.s32 v16, v3  }
0x122: {  	v12 =	vld [tilespmem:s26+$0x70];
	v11 =	vor.u32 $0x800, v11  }
0x123: {  	v14 =	vand.u32 $0x7FFFFFFF, v14  }
0x124: {  	v6 =	vxor.u32 v6, v13;
	v44 =	vshra.s32 v9, $0x1F;
	v7 =	vxor.u32 v7, v14  }
0x125: {  	v45 =	vshra.s32 v6, $0x15;
	v13 =	vand.u32 $0x7FFFFFFF, v44;
	v6 =	vshrl.u32 v6, $0xA;
	[tilespmem:v8+s13+$0x0] =	vst.idx.add.s32.msk vm1, v1  }
0x126: {  	v46 =	vshra.s32 v7, $0x15;
	v47 =	vadd.s32 $0x400, v45;
	v48 =	vxor.u32 v9, v13;
	[tilespmem:v10+s13+$0x0] =	vst.idx.add.s32.msk vm8, v1  }
0x127: {  	v7 =	vshrl.u32 v7, $0xA;
	v6 =	vand.u32 $0x7FF, v6;
	v51 =	vshra.s32 v12, $0x1F;
	[tilespmem:v11+s13+$0x0] =	vst.idx.add.s32.msk vm9, v1  }
0x128: {  	v49 =	vadd.s32 $0x400, v46;
	v50 =	vshra.s32 v48, $0x15;
	v52 =	vand.u32 $0x7FFFFFFF, v51;
	v53 =	vld [tilespmem:s26+$0xFFFFFFB0]  }
0x129: {  	v9 =	vshrl.u32 v48, $0xA;
	vm10 =	veq.s32 v47, v2;
	v54 =	vxor.u32 v12, v52;
	v55 =	vld [tilespmem:s26+$0xFFFFFFF0]  }
0x12a: {  	v7 =	vand.u32 $0x7FF, v7;
	v9 =	vand.u32 $0x7FF, v9;
	v12 =	vshra.s32 v54, $0x15;
	v56 =	vld [tilespmem:s26+$0x30]  }
0x12b: {  	vm11 =	veq.s32 v49, v2;
	v9 =	vor.u32 $0x800, v9;
	v12 =	vadd.s32 $0x400, v12  }
0x12c: {  	vm12 =	veq.s32 v12, v3;
	v10 =	vadd.s32 $0x400, v50;
	v8 =	vshrl.u32 v54, $0xA  }
0x12d: {  	v8 =	vand.u32 $0x7FF, v8;
	vm13 =	veq.s32 v10, v3;
	v57 =	vshra.s32 v53, $0x1F  }
0x12e: {  	v8 =	vor.u32 $0x800, v8;
	v58 =	vshra.s32 v55, $0x1F;
	v10 =	vand.u32 $0x7FFFFFFF, v57  }
0x12f: {  	v12 =	vand.u32 $0x7FFFFFFF, v58;
	v59 =	vshra.s32 v56, $0x1F;
	v10 =	vxor.u32 v53, v10  }
0x130: {  	v11 =	vxor.u32 v55, v12;
	v60 =	vand.u32 $0x7FFFFFFF, v59;
	v14 =	vshra.s32 v10, $0x15  }
0x131: {  	v62 =	vshra.s32 v11, $0x15;
	v12 =	vxor.u32 v56, v60;
	v10 =	vshrl.u32 v10, $0xA  }
0x132: {  	v11 =	vshrl.u32 v11, $0xA;
	v61 =	vadd.s32 $0x400, v14;
	v14 =	vadd.s32 $0x400, v62  }
0x133: {  	v15 =	vshra.s32 v12, $0x15;
	v12 =	vshrl.u32 v12, $0xA;
	vm14 =	veq.s32 v61, v2  }
0x134: {  	v10 =	vand.u32 $0x7FF, v10;
	v15 =	vadd.s32 $0x400, v15;
	vm5 =	veq.s32 v14, v2  }
0x135: {  	[tilespmem:v6+s13+$0x0] =	vst.idx.add.s32.msk vm10, v1;
	v11 =	vand.u32 $0x7FF, v11;
	v63 =	vand.u32 $0x7FF, v12;
	vm15 =	veq.s32 v15, v3  }
0x136: {  	[tilespmem:v7+s13+$0x0] =	vst.idx.add.s32.msk vm11, v1;
	v6 =	vor.u32 $0x800, v63  }
.Ltmp5:
0x137: {  	[tilespmem:v8+s13+$0x0] =	vst.idx.add.s32.msk vm12, v1;
	(pc) =	sbr.rel .LBB2_20-.Ltmp5, $4  }
0x138: {  	[tilespmem:v9+s13+$0x0] =	vst.idx.add.s32.msk vm13, v1  }
0x139: {  	[tilespmem:v10+s13+$0x0] =	vst.idx.add.s32.msk vm14, v1  }
0x13a: {  	[tilespmem:v11+s13+$0x0] =	vst.idx.add.s32.msk vm5, v1  }
0x13b: {  	[tilespmem:v6+s13+$0x0] =	vst.idx.add.s32.msk vm15, v1  }
.LBB2_8:
0x13c: {  	s25 =	simm.s32 @p1 $0x80  }
0x13d: {  	v6 =	vld [tilespmem:s25+$0x40];
	_ =	sdelay $0x4  }
0x13e: {  	v7 =	vshra.s32 v6, $0x1F  }
0x13f: {  	v7 =	vand.u32 $0x7FFFFFFF, v7  }
0x140: {  	v6 =	vxor.u32 v6, v7  }
0x141: {  	v7 =	vshra.s32 v6, $0x15  }
0x142: {  	v6 =	vshrl.u32 v6, $0xA;
	v7 =	vadd.s32 $0x400, v7  }
0x143: {  	v6 =	vand.u32 $0x7FF, v6;
	vm0 =	veq.s32 v7, v3  }
0x144: {  	v8 =	vor.u32 $0x800, v6;
	vm1 =	veq.s32 v7, v5;
	v7 =	vld [tilespmem:s25+$0xFFFFFF80]  }
0x145: {  	v6 =	vor.u32 $0x1800, v6  }
0x146: {  	v9 =	vld [tilespmem:s25+$0xFFFFFFC0];
	_ =	sdelay $0x2  }
0x147: {  	[tilespmem:v8+s13+$0x0] =	vst.idx.add.s32.msk vm0, v1;
	v8 =	vshra.s32 v7, $0x1F  }
0x148: {  	[tilespmem:v6+s13+$0x0] =	vst.idx.add.s32.msk vm1, v1;
	v8 =	vand.u32 $0x7FFFFFFF, v8  }
0x149: {  	v6 =	vshra.s32 v9, $0x1F;
	v10 =	vld [tilespmem:s25+$0x50];
	v7 =	vxor.u32 v7, v8  }
0x14a: {  	v6 =	vand.u32 $0x7FFFFFFF, v6;
	v8 =	vshra.s32 v7, $0x15  }
0x14b: {  	v6 =	vxor.u32 v9, v6;
	v7 =	vshrl.u32 v7, $0xA;
	v8 =	vadd.s32 $0x400, v8  }
0x14c: {  	v9 =	vshra.s32 v6, $0x15;
	v6 =	vshrl.u32 v6, $0xA;
	vm0 =	veq.s32 v8, v2  }
0x14d: {  	v7 =	vand.u32 $0x7FF, v7;
	v9 =	vadd.s32 $0x400, v9;
	vm1 =	veq.s32 v8, v4  }
0x14e: {  	v12 =	vor.u32 $0x1000, v7;
	vm2 =	veq.s32 v9, v2;
	v8 =	vshra.s32 v10, $0x1F  }
0x14f: {  	v11 =	vld [tilespmem:s25+$0x0];
	v6 =	vand.u32 $0x7FF, v6;
	vm3 =	veq.s32 v9, v4;
	v8 =	vand.u32 $0x7FFFFFFF, v8  }
0x150: {  	v9 =	vor.u32 $0x1000, v6;
	v8 =	vxor.u32 v10, v8  }
0x151: {  	v10 =	vshra.s32 v8, $0x15  }
0x152: {  	v8 =	vshrl.u32 v8, $0xA;
	v10 =	vadd.s32 $0x400, v10;
	[tilespmem:v7+s13+$0x0] =	vst.idx.add.s32.msk vm0, v1  }
0x153: {  	v7 =	vand.u32 $0x7FF, v8;
	vm0 =	veq.s32 v10, v3;
	[tilespmem:v12+s13+$0x0] =	vst.idx.add.s32.msk vm1, v1  }
0x154: {  	v8 =	vshra.s32 v11, $0x1F;
	v12 =	vor.u32 $0x800, v7;
	vm1 =	veq.s32 v10, v5;
	[tilespmem:v6+s13+$0x0] =	vst.idx.add.s32.msk vm2, v1  }
0x155: {  	v8 =	vand.u32 $0x7FFFFFFF, v8;
	v6 =	vor.u32 $0x1800, v7;
	[tilespmem:v9+s13+$0x0] =	vst.idx.add.s32.msk vm3, v1  }
0x156: {  	v7 =	vxor.u32 v11, v8;
	v9 =	vld [tilespmem:s25+$0xFFFFFF90]  }
0x157: {  	v8 =	vshra.s32 v7, $0x15  }
0x158: {  	v7 =	vshrl.u32 v7, $0xA;
	v10 =	vld [tilespmem:s25+$0xFFFFFFD0];
	v8 =	vadd.s32 $0x400, v8  }
0x159: {  	v7 =	vand.u32 $0x7FF, v7;
	vm2 =	veq.s32 v8, v3;
	[tilespmem:v12+s13+$0x0] =	vst.idx.add.s32.msk vm0, v1  }
0x15a: {  	vm0 =	veq.s32 v8, v5;
	v8 =	vor.u32 $0x800, v7;
	[tilespmem:v6+s13+$0x0] =	vst.idx.add.s32.msk vm1, v1  }
0x15b: {  	v11 =	vshra.s32 v9, $0x1F;
	v6 =	vor.u32 $0x1800, v7;
	v7 =	vld [tilespmem:s25+$0x60]  }
0x15c: {  	v11 =	vand.u32 $0x7FFFFFFF, v11  }
0x15d: {  	v9 =	vxor.u32 v9, v11  }
0x15e: {  	v12 =	vshra.s32 v10, $0x1F;
	v11 =	vshra.s32 v9, $0x15  }
0x15f: {  	v11 =	vadd.s32 $0x400, v11;
	[tilespmem:v8+s13+$0x0] =	vst.idx.add.s32.msk vm2, v1;
	v8 =	vand.u32 $0x7FFFFFFF, v12  }
0x160: {  	[tilespmem:v6+s13+$0x0] =	vst.idx.add.s32.msk vm0, v1;
	v6 =	vxor.u32 v10, v8;
	v8 =	vshrl.u32 v9, $0xA;
	v9 =	vshra.s32 v7, $0x1F  }
0x161: {  	vm0 =	veq.s32 v11, v2;
	v9 =	vand.u32 $0x7FFFFFFF, v9  }
0x162: {  	v10 =	vld [tilespmem:s25+$0x10];
	v12 =	vshra.s32 v6, $0x15;
	v6 =	vshrl.u32 v6, $0xA;
	v7 =	vxor.u32 v7, v9  }
0x163: {  	v8 =	vand.u32 $0x7FF, v8;
	v12 =	vadd.s32 $0x400, v12;
	v9 =	vshra.s32 v7, $0x15  }
0x164: {  	vm1 =	veq.s32 v12, v2;
	v7 =	vshrl.u32 v7, $0xA;
	v9 =	vadd.s32 $0x400, v9  }
0x165: {  	v6 =	vand.u32 $0x7FF, v6;
	v7 =	vand.u32 $0x7FF, v7;
	vm3 =	veq.s32 v9, v3  }
0x166: {  	s26 =	simm.s32 @p1 $0xFFFFFFFC;
	v14 =	vor.u32 $0x800, v7;
	vm5 =	veq.s32 v9, v5  }
0x167: {  	s28 =	sadd.s32 $0x4, s26;
	v13 =	vshra.s32 v10, $0x1F;
	v7 =	vor.u32 $0x1800, v7  }
0x168: {  	p3 =	slt.u32 s28, $0x3FC;
	v9 =	vand.u32 $0x7FFFFFFF, v13  }
.Ltmp6:
0x169: {  	[tilespmem:v8+s13+$0x0] =	vst.idx.add.s32.msk vm0, v1;
	v9 =	vxor.u32 v10, v9;
	(pc) =	sbr.rel @!p3 .LBB2_9-.Ltmp6, $4  }
0x16a: {  	vm2 =	veq.s32 v12, v4;
	v10 =	vshra.s32 v9, $0x15;
	v9 =	vshrl.u32 v9, $0xA;
	[tilespmem:v6+s13+$0x0] =	vst.idx.add.s32.msk vm1, v1  }
0x16b: {  	vm1 =	veq.s32 v11, v4;
	v10 =	vadd.s32 $0x400, v10;
	v13 =	vand.u32 $0x7FF, v9;
	[tilespmem:v14+s13+$0x0] =	vst.idx.add.s32.msk vm3, v1  }
0x16c: {  	v11 =	vor.u32 $0x1000, v8;
	vm4 =	veq.s32 v10, v5;
	v9 =	vor.u32 $0x800, v13;
	[tilespmem:v7+s13+$0x0] =	vst.idx.add.s32.msk vm5, v1  }
0x16d: {  	p1 =	por $0x0, $0x0;
	p2 =	por $0x0, $0x0;
	s26 =	sadd.s32 $0x100, s25;
	v8 =	vor.u32 $0x1800, v13;
	vm3 =	veq.s32 v10, v3;
	v10 =	vor.u32 $0x1000, v6;
	v12 =	vld [tilespmem:s25+$0x70]  }
0x16e: {  	v6 =	vld [tilespmem:s26+$0x40]  }
0x16f: {  	v13 =	vld [tilespmem:s26+$0xFFFFFFC0]  }
0x170: {  	v16 =	vld [tilespmem:s26+$0xFFFFFF80]  }
0x171: {  	v14 =	vld [tilespmem:s26+$0x0];
	_ =	sdelay $0x1  }
0x172: {  	v7 =	vshra.s32 v12, $0x1F  }
0x173: {  	v15 =	vshra.s32 v6, $0x1F;
	v7 =	vand.u32 $0x7FFFFFFF, v7;
	v17 =	vshra.s32 v13, $0x1F  }
0x174: {  	[tilespmem:v10+s13+$0x0] =	vst.idx.add.s32.msk vm2, v1;
	v10 =	vshra.s32 v16, $0x1F;
	v15 =	vand.u32 $0x7FFFFFFF, v15;
	v7 =	vxor.u32 v12, v7  }
0x175: {  	[tilespmem:v9+s13+$0x0] =	vst.idx.add.s32.msk vm3, v1;
	v12 =	vshra.s32 v14, $0x1F;
	v9 =	vand.u32 $0x7FFFFFFF, v10;
	v6 =	vxor.u32 v6, v15  }
0x176: {  	[tilespmem:v8+s13+$0x0] =	vst.idx.add.s32.msk vm4, v1;
	v8 =	vand.u32 $0x7FFFFFFF, v17;
	v18 =	vshrl.u32 v6, $0xA;
	v6 =	vshra.s32 v6, $0x15  }
0x177: {  	v15 =	vshra.s32 v7, $0x15;
	v7 =	vshrl.u32 v7, $0xA;
	v19 =	vadd.s32 $0x400, v6  }
0x178: {  	[tilespmem:v11+s13+$0x0] =	vst.idx.add.s32.msk vm1, v1;
	v9 =	vxor.u32 v16, v9;
	v11 =	vand.u32 $0x7FF, v18;
	vm1 =	veq.s32 v19, v3  }
0x179: {  	v8 =	vxor.u32 v13, v8;
	v18 =	vor.u32 $0x800, v11;
	vm2 =	veq.s32 v19, v5  }
0x17a: {  	v12 =	vand.u32 $0x7FFFFFFF, v12;
	v15 =	vadd.s32 $0x400, v15;
	v10 =	vor.u32 $0x1800, v11  }
0x17b: {  	v7 =	vand.u32 $0x7FF, v7;
	v13 =	vshra.s32 v9, $0x15;
	v16 =	vshra.s32 v8, $0x15  }
0x17c: {  	v12 =	vxor.u32 v14, v12;
	vm0 =	veq.s32 v15, v3;
	vm5 =	veq.s32 v15, v5;
	v15 =	vld [tilespmem:s25+$0xFFFFFFE0]  }
0x17d: {  	v9 =	vshrl.u32 v9, $0xA;
	v8 =	vshrl.u32 v8, $0xA;
	v6 =	vor.u32 $0x800, v7;
	v11 =	vld [tilespmem:s25+$0xFFFFFFA0]  }
0x17e: {  	v7 =	vor.u32 $0x1800, v7;
	v14 =	vshra.s32 v12, $0x15;
	v13 =	vadd.s32 $0x400, v13;
	[tilespmem:v18+s13+$0x0] =	vst.idx.add.s32.msk vm1, v1  }
0x17f: {  	v16 =	vadd.s32 $0x400, v16;
	v12 =	vshrl.u32 v12, $0xA;
	v9 =	vand.u32 $0x7FF, v9;
	[tilespmem:v10+s13+$0x0] =	vst.idx.add.s32.msk vm2, v1  }
0x180: {  	v8 =	vand.u32 $0x7FF, v8;
	vm1 =	veq.s32 v13, v2;
	v10 =	vadd.s32 $0x400, v14;
	v14 =	vld [tilespmem:s26+$0x50]  }
0x181: {  	v17 =	vld [tilespmem:s25+$0x20];
	v12 =	vand.u32 $0x7FF, v12;
	vm3 =	veq.s32 v16, v2;
	vm4 =	veq.s32 v16, v4  }
0x182: {  	v19 =	vshra.s32 v15, $0x1F;
	vm2 =	veq.s32 v13, v4;
	v13 =	vor.u32 $0x1000, v9  }
0x183: {  	vm6 =	veq.s32 v10, v3;
	vm7 =	veq.s32 v10, v5;
	v10 =	vshra.s32 v11, $0x1F  }
0x184: {  	v16 =	vor.u32 $0x1000, v8;
	v19 =	vand.u32 $0x7FFFFFFF, v19;
	v10 =	vand.u32 $0x7FFFFFFF, v10  }
0x185: {  	v18 =	vor.u32 $0x800, v12;
	v10 =	vxor.u32 v11, v10;
	v11 =	vshra.s32 v14, $0x1F  }
0x186: {  	v12 =	vor.u32 $0x1800, v12;
	[tilespmem:v9+s13+$0x0] =	vst.idx.add.s32.msk vm1, v1;
	v9 =	vshra.s32 v17, $0x1F;
	v11 =	vand.u32 $0x7FFFFFFF, v11  }
0x187: {  	v15 =	vxor.u32 v15, v19;
	[tilespmem:v8+s13+$0x0] =	vst.idx.add.s32.msk vm3, v1;
	v9 =	vand.u32 $0x7FFFFFFF, v9;
	v11 =	vxor.u32 v14, v11  }
0x188: {  	[tilespmem:v13+s13+$0x0] =	vst.idx.add.s32.msk vm2, v1;
	v13 =	vshra.s32 v10, $0x15;
	v10 =	vshrl.u32 v10, $0xA;
	v8 =	vshra.s32 v11, $0x15  }
0x189: {  	[tilespmem:v16+s13+$0x0] =	vst.idx.add.s32.msk vm4, v1;
	v9 =	vxor.u32 v17, v9;
	v11 =	vshrl.u32 v11, $0xA;
	v8 =	vadd.s32 $0x400, v8  }
0x18a: {  	[tilespmem:v18+s13+$0x0] =	vst.idx.add.s32.msk vm6, v1;
	v13 =	vadd.s32 $0x400, v13;
	v11 =	vand.u32 $0x7FF, v11;
	vm1 =	veq.s32 v8, v3  }
0x18b: {  	v10 =	vand.u32 $0x7FF, v10;
	[tilespmem:v12+s13+$0x0] =	vst.idx.add.s32.msk vm7, v1;
	v12 =	vor.u32 $0x800, v11;
	vm2 =	veq.s32 v8, v5  }
0x18c: {  	v14 =	vshra.s32 v15, $0x15;
	v8 =	vshrl.u32 v15, $0xA;
	v15 =	vld [tilespmem:s26+$0xFFFFFF90];
	v11 =	vor.u32 $0x1800, v11  }
0x18d: {  	v17 =	vld [tilespmem:s26+$0xFFFFFFD0];
	v16 =	vshra.s32 v9, $0x15;
	v9 =	vshrl.u32 v9, $0xA;
	vm3 =	veq.s32 v13, v2  }
0x18e: {  	vm4 =	veq.s32 v13, v4;
	v14 =	vadd.s32 $0x400, v14;
	v16 =	vadd.s32 $0x400, v16;
	v18 =	vld [tilespmem:s26+$0x10]  }
0x18f: {  	v9 =	vand.u32 $0x7FF, v9;
	vm6 =	veq.s32 v14, v2;
	v8 =	vand.u32 $0x7FF, v8  }
0x190: {  	vm7 =	veq.s32 v14, v4;
	v14 =	vor.u32 $0x800, v9;
	v13 =	vor.u32 $0x1000, v8;
	[tilespmem:v12+s13+$0x0] =	vst.idx.add.s32.msk vm1, v1  }
0x191: {  	vm1 =	veq.s32 v16, v3;
	v12 =	vor.u32 $0x1000, v10;
	[tilespmem:v11+s13+$0x0] =	vst.idx.add.s32.msk vm2, v1;
	v11 =	vshra.s32 v15, $0x1F  }
0x192: {  	vm2 =	veq.s32 v16, v5;
	v16 =	vshra.s32 v17, $0x1F;
	v11 =	vand.u32 $0x7FFFFFFF, v11;
	v19 =	vld [tilespmem:s26+$0x60]  }
0x193: {  	v11 =	vxor.u32 v15, v11;
	v15 =	vand.u32 $0x7FFFFFFF, v16;
	v16 =	vshra.s32 v18, $0x1F  }
0x194: {  	v9 =	vor.u32 $0x1800, v9;
	[tilespmem:v10+s13+$0x0] =	vst.idx.add.s32.msk vm3, v1;
	v10 =	vxor.u32 v17, v15;
	v15 =	vand.u32 $0x7FFFFFFF, v16  }
0x195: {  	[tilespmem:v8+s13+$0x0] =	vst.idx.add.s32.msk vm6, v1;
	v16 =	vshra.s32 v11, $0x15;
	v11 =	vshrl.u32 v11, $0xA;
	v15 =	vxor.u32 v18, v15  }
0x196: {  	[tilespmem:v12+s13+$0x0] =	vst.idx.add.s32.msk vm4, v1;
	v12 =	vshra.s32 v10, $0x15;
	v10 =	vshrl.u32 v10, $0xA;
	v17 =	vshra.s32 v15, $0x15  }
0x197: {  	[tilespmem:v13+s13+$0x0] =	vst.idx.add.s32.msk vm7, v1;
	v8 =	vshrl.u32 v15, $0xA;
	v15 =	vadd.s32 $0x400, v16;
	v16 =	vshra.s32 v19, $0x1F  }
0x198: {  	v13 =	vand.u32 $0x7FF, v11;
	v18 =	vld [tilespmem:s25+$0xFFFFFFF0];
	v12 =	vadd.s32 $0x400, v12;
	v11 =	vand.u32 $0x7FFFFFFF, v16  }
0x199: {  	[tilespmem:v14+s13+$0x0] =	vst.idx.add.s32.msk vm1, v1;
	v14 =	vadd.s32 $0x400, v17;
	v16 =	vand.u32 $0x7FF, v10;
	v10 =	vxor.u32 v19, v11  }
0x19a: {  	[tilespmem:v9+s13+$0x0] =	vst.idx.add.s32.msk vm2, v1;
	v8 =	vand.u32 $0x7FF, v8;
	vm6 =	veq.s32 v15, v2;
	v9 =	vshra.s32 v10, $0x15  }
0x19b: {  	v17 =	vld [tilespmem:s25+$0xFFFFFFB0];
	vm7 =	veq.s32 v12, v2;
	v10 =	vshrl.u32 v10, $0xA;
	v9 =	vadd.s32 $0x400, v9  }
0x19c: {  	vm1 =	veq.s32 v15, v4;
	v15 =	vld [tilespmem:s25+$0x30];
	v10 =	vand.u32 $0x7FF, v10;
	vm8 =	veq.s32 v9, v3  }
0x19d: {  	vm2 =	veq.s32 v12, v4;
	v12 =	vor.u32 $0x800, v10;
	vm9 =	veq.s32 v9, v5  }
0x19e: {  	s28 =	sadd.s32 $0x4, s28;
	[tilespmem:v6+s13+$0x0] =	vst.idx.add.s32.msk vm0, v1;
	vm3 =	veq.s32 v14, v3;
	vm4 =	veq.s32 v14, v5;
	v6 =	vor.u32 $0x1800, v10  }
0x19f: {  	p3 =	slt.u32 s28, $0x3FC;
	[tilespmem:v7+s13+$0x0] =	vst.idx.add.s32.msk vm5, v1;
	v11 =	vor.u32 $0x1000, v13;
	v10 =	vor.u32 $0x1000, v16;
	v9 =	vor.u32 $0x800, v8  }
.Ltmp7:
0x1a0: {  	v8 =	vor.u32 $0x1800, v8;
	v7 =	vshra.s32 v17, $0x1F;
	[tilespmem:v13+s13+$0x0] =	vst.idx.add.s32.msk vm6, v1;
	v13 =	vshra.s32 v18, $0x1F;
	(pc) =	sbr.rel @!p3 .LBB2_14-.Ltmp7, $4  }
0x1a1: {  	[tilespmem:v16+s13+$0x0] =	vst.idx.add.s32.msk vm7, v1;
	v7 =	vand.u32 $0x7FFFFFFF, v7;
	v14 =	vshra.s32 v15, $0x1F;
	v13 =	vand.u32 $0x7FFFFFFF, v13  }
0x1a2: {  	v16 =	vxor.u32 v17, v7;
	v17 =	vxor.u32 v18, v13;
	[tilespmem:v12+s13+$0x0] =	vst.idx.add.s32.msk vm8, v1;
	v12 =	vand.u32 $0x7FFFFFFF, v14  }
0x1a3: {  	v13 =	vshra.s32 v16, $0x15;
	v7 =	vshra.s32 v17, $0x15;
	[tilespmem:v6+s13+$0x0] =	vst.idx.add.s32.msk vm9, v1;
	v14 =	vxor.u32 v15, v12  }
0x1a4: {  	p1 =	por $0x1, $0x1;
	s25 =	sadd.s32 $0x100, s26;
	v15 =	vshrl.u32 v16, $0xA;
	v16 =	vshrl.u32 v17, $0xA;
	v12 =	vld [tilespmem:s26+$0x70];
	v17 =	vshra.s32 v14, $0x15  }
0x1a5: {  	v18 =	vld [tilespmem:s25+$0x40];
	v6 =	vadd.s32 $0x400, v13;
	v7 =	vadd.s32 $0x400, v7;
	v13 =	vshrl.u32 v14, $0xA  }
0x1a6: {  	v14 =	vld [tilespmem:s25+$0xFFFFFFC0];
	v15 =	vand.u32 $0x7FF, v15;
	v16 =	vand.u32 $0x7FF, v16;
	v17 =	vadd.s32 $0x400, v17  }
0x1a7: {  	v19 =	vld [tilespmem:s25+$0x0];
	vm11 =	veq.s32 v6, v2;
	vm10 =	veq.s32 v6, v4;
	v6 =	vand.u32 $0x7FF, v13  }
0x1a8: {  	vm9 =	veq.s32 v7, v2;
	vm8 =	veq.s32 v7, v4;
	vm5 =	veq.s32 v17, v3  }
0x1a9: {  	v13 =	vor.u32 $0x1000, v15;
	vm0 =	veq.s32 v17, v5;
	v20 =	vor.u32 $0x1000, v16  }
0x1aa: {  	v63 =	vor.u32 $0x800, v6;
	v7 =	vshra.s32 v12, $0x1F;
	v17 =	vshra.s32 v18, $0x1F  }
0x1ab: {  	v7 =	vand.u32 $0x7FFFFFFF, v7;
	v21 =	vshra.s32 v14, $0x1F;
	v17 =	vand.u32 $0x7FFFFFFF, v17  }
0x1ac: {  	v22 =	vshra.s32 v19, $0x1F;
	v7 =	vxor.u32 v12, v7;
	v12 =	vld [tilespmem:s25+$0xFFFFFF80];
	v17 =	vxor.u32 v18, v17  }
0x1ad: {  	v18 =	vshra.s32 v7, $0x15;
	v7 =	vshrl.u32 v7, $0xA;
	v23 =	vshrl.u32 v17, $0xA  }
0x1ae: {  	v18 =	vadd.s32 $0x400, v18;
	v17 =	vshra.s32 v17, $0x15;
	v24 =	vand.u32 $0x7FF, v7  }
0x1af: {  	[tilespmem:v11+s13+$0x0] =	vst.idx.add.s32.msk vm1, v1;
	vm6 =	veq.s32 v18, v3;
	v11 =	vadd.s32 $0x400, v17;
	v7 =	vor.u32 $0x800, v24  }
0x1b0: {  	[tilespmem:v10+s13+$0x0] =	vst.idx.add.s32.msk vm2, v1;
	vm7 =	veq.s32 v18, v5;
	v17 =	vand.u32 $0x7FF, v23;
	vm1 =	veq.s32 v11, v3  }
0x1b1: {  	[tilespmem:v9+s13+$0x0] =	vst.idx.add.s32.msk vm3, v1;
	v18 =	vor.u32 $0x800, v17;
	vm2 =	veq.s32 v11, v5;
	v9 =	vshra.s32 v12, $0x1F  }
0x1b2: {  	[tilespmem:v8+s13+$0x0] =	vst.idx.add.s32.msk vm4, v1;
	v11 =	vor.u32 $0x1800, v17;
	v8 =	vand.u32 $0x7FFFFFFF, v9;
	v9 =	vand.u32 $0x7FFFFFFF, v21  }
0x1b3: {  	v10 =	vor.u32 $0x1800, v24;
	v17 =	vld [tilespmem:s26+$0xFFFFFFA0];
	v8 =	vxor.u32 v12, v8;
	v9 =	vxor.u32 v14, v9  }
0x1b4: {  	v12 =	vand.u32 $0x7FFFFFFF, v22;
	v14 =	vld [tilespmem:s26+$0xFFFFFFE0];
	v56 =	vshra.s32 v8, $0x15;
	v57 =	vshra.s32 v9, $0x15  }
0x1b5: {  	v12 =	vxor.u32 v19, v12;
	v19 =	vld [tilespmem:s26+$0x20];
	v8 =	vshrl.u32 v8, $0xA;
	v9 =	vshrl.u32 v9, $0xA  }
0x1b6: {  	v58 =	vshra.s32 v12, $0x15;
	v21 =	vadd.s32 $0x400, v56;
	v22 =	vadd.s32 $0x400, v57;
	[tilespmem:v18+s13+$0x0] =	vst.idx.add.s32.msk vm1, v1  }
0x1b7: {  	v12 =	vshrl.u32 v12, $0xA;
	v8 =	vand.u32 $0x7FF, v8;
	v9 =	vand.u32 $0x7FF, v9;
	[tilespmem:v11+s13+$0x0] =	vst.idx.add.s32.msk vm2, v1  }
0x1b8: {  	v18 =	vadd.s32 $0x400, v58;
	vm2 =	veq.s32 v21, v2;
	v11 =	vand.u32 $0x7FF, v12;
	v12 =	vld [tilespmem:s25+$0x50]  }
0x1b9: {  	vm3 =	veq.s32 v21, v4;
	vm4 =	veq.s32 v22, v2;
	vm12 =	veq.s32 v22, v4  }
0x1ba: {  	v59 =	vor.u32 $0x1000, v8;
	v60 =	vor.u32 $0x1000, v9;
	vm13 =	veq.s32 v18, v3  }
0x1bb: {  	[tilespmem:v15+s13+$0x0] =	vst.idx.add.s32.msk vm11, v1;
	vm1 =	veq.s32 v18, v5;
	v18 =	vshra.s32 v17, $0x1F;
	v15 =	vor.u32 $0x800, v11  }
0x1bc: {  	[tilespmem:v13+s13+$0x0] =	vst.idx.add.s32.msk vm10, v1;
	v11 =	vor.u32 $0x1800, v11;
	v13 =	vand.u32 $0x7FFFFFFF, v18;
	v18 =	vshra.s32 v14, $0x1F  }
0x1bd: {  	[tilespmem:v16+s13+$0x0] =	vst.idx.add.s32.msk vm9, v1;
	v61 =	vshra.s32 v19, $0x1F;
	v18 =	vand.u32 $0x7FFFFFFF, v18;
	v16 =	vshra.s32 v12, $0x1F  }
0x1be: {  	v13 =	vxor.u32 v17, v13;
	v14 =	vxor.u32 v14, v18;
	[tilespmem:v8+s13+$0x0] =	vst.idx.add.s32.msk vm2, v1;
	v8 =	vand.u32 $0x7FFFFFFF, v16  }
0x1bf: {  	v17 =	vshra.s32 v14, $0x15;
	v14 =	vshrl.u32 v14, $0xA;
	[tilespmem:v9+s13+$0x0] =	vst.idx.add.s32.msk vm4, v1;
	v8 =	vxor.u32 v12, v8  }
0x1c0: {  	v23 =	vand.u32 $0x7FFFFFFF, v61;
	v14 =	vand.u32 $0x7FF, v14;
	[tilespmem:v60+s13+$0x0] =	vst.idx.add.s32.msk vm12, v1;
	v9 =	vshra.s32 v8, $0x15  }
0x1c1: {  	[tilespmem:v15+s13+$0x0] =	vst.idx.add.s32.msk vm13, v1;
	v16 =	vxor.u32 v19, v23;
	v8 =	vshrl.u32 v8, $0xA;
	v9 =	vadd.s32 $0x400, v9  }
0x1c2: {  	[tilespmem:v59+s13+$0x0] =	vst.idx.add.s32.msk vm3, v1;
	v12 =	vshra.s32 v13, $0x15;
	v8 =	vand.u32 $0x7FF, v8;
	vm2 =	veq.s32 v9, v3  }
0x1c3: {  	[tilespmem:v11+s13+$0x0] =	vst.idx.add.s32.msk vm1, v1;
	v18 =	vshra.s32 v16, $0x15;
	v11 =	vor.u32 $0x800, v8;
	vm4 =	veq.s32 v9, v5  }
0x1c4: {  	v13 =	vshrl.u32 v13, $0xA;
	v15 =	vld [tilespmem:s25+$0xFFFFFF90];
	v12 =	vadd.s32 $0x400, v12;
	v8 =	vor.u32 $0x1800, v8  }
0x1c5: {  	vm14 =	veq.s32 v12, v2;
	v9 =	vshrl.u32 v16, $0xA;
	v16 =	vadd.s32 $0x400, v17;
	v17 =	vld [tilespmem:s25+$0xFFFFFFD0]  }
0x1c6: {  	v19 =	vld [tilespmem:s25+$0x10];
	v13 =	vand.u32 $0x7FF, v13;
	v18 =	vadd.s32 $0x400, v18;
	vm12 =	veq.s32 v16, v2  }
0x1c7: {  	vm15 =	veq.s32 v12, v4;
	v9 =	vand.u32 $0x7FF, v9;
	vm3 =	veq.s32 v16, v4  }
0x1c8: {  	vm1 =	veq.s32 v18, v3;
	v12 =	vor.u32 $0x1000, v14;
	v16 =	vor.u32 $0x800, v9;
	[tilespmem:v11+s13+$0x0] =	vst.idx.add.s32.msk vm2, v1  }
0x1c9: {  	v9 =	vor.u32 $0x1800, v9;
	v11 =	vor.u32 $0x1000, v13;
	[tilespmem:v8+s13+$0x0] =	vst.idx.add.s32.msk vm4, v1;
	v8 =	vshra.s32 v15, $0x1F  }
0x1ca: {  	vm2 =	veq.s32 v18, v5;
	v18 =	vshra.s32 v17, $0x1F;
	v8 =	vand.u32 $0x7FFFFFFF, v8;
	v62 =	vld [tilespmem:s25+$0x60]  }
0x1cb: {  	[tilespmem:v13+s13+$0x0] =	vst.idx.add.s32.msk vm14, v1;
	v8 =	vxor.u32 v15, v8;
	v15 =	vand.u32 $0x7FFFFFFF, v18;
	v18 =	vshra.s32 v19, $0x1F  }
0x1cc: {  	[tilespmem:v14+s13+$0x0] =	vst.idx.add.s32.msk vm12, v1;
	v15 =	vxor.u32 v17, v15;
	v17 =	vshra.s32 v8, $0x15;
	v18 =	vand.u32 $0x7FFFFFFF, v18  }
0x1cd: {  	[tilespmem:v12+s13+$0x0] =	vst.idx.add.s32.msk vm3, v1;
	v8 =	vshrl.u32 v8, $0xA;
	v13 =	vshra.s32 v15, $0x15;
	v18 =	vxor.u32 v19, v18  }
0x1ce: {  	[tilespmem:v11+s13+$0x0] =	vst.idx.add.s32.msk vm15, v1;
	v11 =	vshrl.u32 v15, $0xA;
	v14 =	vadd.s32 $0x400, v17;
	v12 =	vand.u32 $0x7FF, v8  }
0x1cf: {  	[tilespmem:v63+s13+$0x0] =	vst.idx.add.s32.msk vm5, v1;
	v15 =	vshra.s32 v18, $0x15;
	v18 =	vshrl.u32 v18, $0xA;
	v17 =	vshra.s32 v62, $0x1F  }
0x1d0: {  	[tilespmem:v16+s13+$0x0] =	vst.idx.add.s32.msk vm1, v1;
	v13 =	vadd.s32 $0x400, v13;
	v8 =	vadd.s32 $0x400, v15;
	v15 =	vand.u32 $0x7FFFFFFF, v17  }
0x1d1: {  	v16 =	vand.u32 $0x7FF, v11;
	[tilespmem:v9+s13+$0x0] =	vst.idx.add.s32.msk vm2, v1;
	vm13 =	veq.s32 v14, v2;
	v11 =	vxor.u32 v62, v15  }
0x1d2: {  	vm1 =	veq.s32 v14, v4;
	v14 =	vld [tilespmem:s26+$0xFFFFFFB0];
	vm14 =	veq.s32 v13, v2;
	v9 =	vshra.s32 v11, $0x15  }
0x1d3: {  	vm2 =	veq.s32 v13, v4;
	v15 =	vld [tilespmem:s26+$0xFFFFFFF0];
	v11 =	vshrl.u32 v11, $0xA;
	v9 =	vadd.s32 $0x400, v9  }
0x1d4: {  	v17 =	vand.u32 $0x7FF, v18;
	v18 =	vld [tilespmem:s26+$0x30];
	v13 =	vand.u32 $0x7FF, v11;
	vm15 =	veq.s32 v9, v3  }
0x1d5: {  	v6 =	vor.u32 $0x1800, v6;
	[tilespmem:v7+s13+$0x0] =	vst.idx.add.s32.msk vm6, v1;
	v7 =	vor.u32 $0x800, v13;
	vm6 =	veq.s32 v9, v5  }
0x1d6: {  	[tilespmem:v10+s13+$0x0] =	vst.idx.add.s32.msk vm7, v1;
	v10 =	vor.u32 $0x1000, v16;
	vm3 =	veq.s32 v8, v3;
	s26 =	sadd.s32 $0x4, s28;
	v13 =	vor.u32 $0x1800, v13  }
0x1d7: {  	[tilespmem:v20+s13+$0x0] =	vst.idx.add.s32.msk vm8, v1;
	vm4 =	veq.s32 v8, v5;
	v8 =	vor.u32 $0x1800, v17;
	p3 =	slt.u32 s26, $0x3FC;
	v11 =	vor.u32 $0x1000, v12  }
.Ltmp8:
0x1d8: {  	v9 =	vor.u32 $0x800, v17;
	[tilespmem:v12+s13+$0x0] =	vst.idx.add.s32.msk vm13, v1;
	v12 =	vshra.s32 v14, $0x1F;
	v17 =	vshra.s32 v15, $0x1F;
	(pc) =	sbr.rel @!p3 .LBB2_16-.Ltmp8, $4  }
0x1d9: {  	[tilespmem:v16+s13+$0x0] =	vst.idx.add.s32.msk vm14, v1;
	v12 =	vand.u32 $0x7FFFFFFF, v12;
	v16 =	vand.u32 $0x7FFFFFFF, v17;
	v17 =	vshra.s32 v18, $0x1F  }
0x1da: {  	v19 =	vxor.u32 v14, v12;
	v16 =	vxor.u32 v15, v16;
	v12 =	vand.u32 $0x7FFFFFFF, v17;
	[tilespmem:v7+s13+$0x0] =	vst.idx.add.s32.msk vm15, v1  }
0x1db: {  	v15 =	vshrl.u32 v19, $0xA;
	v14 =	vxor.u32 v18, v12;
	v7 =	vshra.s32 v16, $0x15;
	[tilespmem:v13+s13+$0x0] =	vst.idx.add.s32.msk vm6, v1  }
0x1dc: {  	p2 =	por $0x1, $0x1;
	s28 =	sadd.s32 $0x100, s25;
	v16 =	vshrl.u32 v16, $0xA;
	v17 =	vshra.s32 v14, $0x15;
	v13 =	vshra.s32 v19, $0x15;
	v12 =	vld [tilespmem:s25+$0x70]  }
.LBB2_17:
0x1dd: {  	v13 =	vadd.s32 $0x400, v13  }
0x1de: {  	v18 =	vld [tilespmem:s28+$0x40];
	v19 =	vadd.s32 $0x400, v7;
	v7 =	vshrl.u32 v14, $0xA;
	vm6 =	vmmov vm0  }
0x1df: {  	v15 =	vand.u32 $0x7FF, v15;
	v16 =	vand.u32 $0x7FF, v16;
	v17 =	vadd.s32 $0x400, v17;
	v14 =	vld [tilespmem:s28+$0xFFFFFFC0]  }
0x1e0: {  	vm10 =	veq.s32 v13, v2;
	vm9 =	veq.s32 v13, v4;
	v7 =	vand.u32 $0x7FF, v7;
	v20 =	vld [tilespmem:s28+$0x0]  }
0x1e1: {  	vm8 =	veq.s32 v19, v2;
	vm7 =	veq.s32 v19, v4;
	vm5 =	veq.s32 v17, v3;
	v13 =	vld [tilespmem:s28+$0xFFFFFF80]  }
0x1e2: {  	v19 =	vor.u32 $0x1000, v15;
	vm0 =	veq.s32 v17, v5;
	[tilespmem:v11+s13+$0x0] =	vst.idx.add.s32.msk vm1, v1;
	v11 =	vshra.s32 v12, $0x1F  }
0x1e3: {  	s26 =	sadd.s32 $0x4, s26;
	v17 =	vshra.s32 v18, $0x1F;
	[tilespmem:v10+s13+$0x0] =	vst.idx.add.s32.msk vm2, v1;
	v10 =	vand.u32 $0x7FFFFFFF, v11;
	v11 =	vor.u32 $0x1000, v16  }
0x1e4: {  	p3 =	slt.u32 s26, $0x3FC;
	v21 =	vshra.s32 v14, $0x1F;
	v17 =	vand.u32 $0x7FFFFFFF, v17;
	[tilespmem:v9+s13+$0x0] =	vst.idx.add.s32.msk vm3, v1;
	v9 =	vxor.u32 v12, v10  }
0x1e5: {  	v10 =	vshra.s32 v20, $0x1F;
	v12 =	vxor.u32 v18, v17;
	[tilespmem:v8+s13+$0x0] =	vst.idx.add.s32.msk vm4, v1;
	v8 =	vshra.s32 v9, $0x15  }
0x1e6: {  	v9 =	vshrl.u32 v9, $0xA;
	v17 =	vshrl.u32 v12, $0xA;
	v18 =	vld [tilespmem:s25+$0xFFFFFFA0];
	v8 =	vadd.s32 $0x400, v8  }
0x1e7: {  	v12 =	vshra.s32 v12, $0x15;
	v9 =	vand.u32 $0x7FF, v9;
	v22 =	vld [tilespmem:s25+$0xFFFFFFE0];
	vm2 =	veq.s32 v8, v3  }
0x1e8: {  	v12 =	vadd.s32 $0x400, v12;
	v24 =	vor.u32 $0x800, v9;
	vm3 =	veq.s32 v8, v5;
	v23 =	vld [tilespmem:s25+$0x20]  }
0x1e9: {  	v8 =	vand.u32 $0x7FF, v17;
	v9 =	vor.u32 $0x1800, v9;
	vm1 =	veq.s32 v12, v3;
	[tilespmem:v15+s13+$0x0] =	vst.idx.add.s32.msk vm10, v1  }
0x1ea: {  	v17 =	vor.u32 $0x800, v8;
	vm4 =	veq.s32 v12, v5;
	v15 =	vshra.s32 v13, $0x1F;
	[tilespmem:v19+s13+$0x0] =	vst.idx.add.s32.msk vm9, v1  }
0x1eb: {  	v8 =	vor.u32 $0x1800, v8;
	v12 =	vand.u32 $0x7FFFFFFF, v15;
	v15 =	vand.u32 $0x7FFFFFFF, v21;
	[tilespmem:v16+s13+$0x0] =	vst.idx.add.s32.msk vm8, v1  }
0x1ec: {  	v10 =	vand.u32 $0x7FFFFFFF, v10;
	v12 =	vxor.u32 v13, v12;
	v13 =	vxor.u32 v14, v15;
	[tilespmem:v11+s13+$0x0] =	vst.idx.add.s32.msk vm7, v1  }
0x1ed: {  	v10 =	vxor.u32 v20, v10;
	v11 =	vshra.s32 v12, $0x15;
	v14 =	vshra.s32 v13, $0x15;
	[tilespmem:v24+s13+$0x0] =	vst.idx.add.s32.msk vm2, v1  }
0x1ee: {  	v15 =	vshra.s32 v10, $0x15;
	v12 =	vshrl.u32 v12, $0xA;
	v13 =	vshrl.u32 v13, $0xA;
	[tilespmem:v9+s13+$0x0] =	vst.idx.add.s32.msk vm3, v1  }
0x1ef: {  	v10 =	vshrl.u32 v10, $0xA;
	v9 =	vadd.s32 $0x400, v11;
	v11 =	vadd.s32 $0x400, v14;
	[tilespmem:v17+s13+$0x0] =	vst.idx.add.s32.msk vm1, v1  }
0x1f0: {  	v12 =	vand.u32 $0x7FF, v12;
	v13 =	vand.u32 $0x7FF, v13;
	v14 =	vadd.s32 $0x400, v15;
	[tilespmem:v8+s13+$0x0] =	vst.idx.add.s32.msk vm4, v1  }
0x1f1: {  	vm7 =	veq.s32 v9, v4;
	vm4 =	veq.s32 v9, v2;
	v8 =	vand.u32 $0x7FF, v10;
	v9 =	vld [tilespmem:s28+$0x50]  }
0x1f2: {  	vm8 =	veq.s32 v11, v2;
	vm3 =	veq.s32 v11, v4;
	vm2 =	veq.s32 v14, v3  }
0x1f3: {  	v11 =	vor.u32 $0x1000, v13;
	vm1 =	veq.s32 v14, v5;
	v10 =	vor.u32 $0x1000, v12;
	[tilespmem:v6+s13+$0x0] =	vst.idx.add.s32.msk vm6, v1  }
0x1f4: {  	v14 =	vshra.s32 v18, $0x1F;
	v6 =	vor.u32 $0x800, v8;
	v8 =	vor.u32 $0x1800, v8  }
0x1f5: {  	v16 =	vshra.s32 v23, $0x1F;
	v15 =	vshra.s32 v22, $0x1F;
	v14 =	vand.u32 $0x7FFFFFFF, v14  }
0x1f6: {  	v16 =	vand.u32 $0x7FFFFFFF, v16;
	v15 =	vand.u32 $0x7FFFFFFF, v15;
	v17 =	vshra.s32 v9, $0x1F  }
0x1f7: {  	v15 =	vxor.u32 v22, v15;
	v14 =	vxor.u32 v18, v14;
	[tilespmem:v12+s13+$0x0] =	vst.idx.add.s32.msk vm4, v1;
	v12 =	vand.u32 $0x7FFFFFFF, v17  }
0x1f8: {  	[tilespmem:v10+s13+$0x0] =	vst.idx.add.s32.msk vm7, v1;
	v9 =	vxor.u32 v9, v12;
	v10 =	vshra.s32 v14, $0x15;
	v12 =	vxor.u32 v23, v16  }
0x1f9: {  	v16 =	vshra.s32 v15, $0x15;
	[tilespmem:v13+s13+$0x0] =	vst.idx.add.s32.msk vm8, v1;
	v13 =	vshra.s32 v9, $0x15;
	v17 =	vshra.s32 v12, $0x15  }
0x1fa: {  	v9 =	vshrl.u32 v9, $0xA;
	[tilespmem:v11+s13+$0x0] =	vst.idx.add.s32.msk vm3, v1;
	v11 =	vadd.s32 $0x400, v13;
	v13 =	vshrl.u32 v14, $0xA  }
0x1fb: {  	[tilespmem:v6+s13+$0x0] =	vst.idx.add.s32.msk vm2, v1;
	vm2 =	veq.s32 v11, v3;
	v6 =	vand.u32 $0x7FF, v9;
	v9 =	vshrl.u32 v15, $0xA  }
0x1fc: {  	vm7 =	veq.s32 v11, v5;
	v11 =	vshrl.u32 v12, $0xA;
	[tilespmem:v8+s13+$0x0] =	vst.idx.add.s32.msk vm1, v1;
	v8 =	vor.u32 $0x800, v6  }
0x1fd: {  	v10 =	vadd.s32 $0x400, v10;
	v14 =	vadd.s32 $0x400, v16;
	v6 =	vor.u32 $0x1800, v6;
	v12 =	vld [tilespmem:s28+$0xFFFFFF90]  }
0x1fe: {  	v16 =	vadd.s32 $0x400, v17;
	v13 =	vand.u32 $0x7FF, v13;
	v9 =	vand.u32 $0x7FF, v9;
	v15 =	vld [tilespmem:s28+$0xFFFFFFD0]  }
0x1ff: {  	vm8 =	veq.s32 v10, v2;
	vm6 =	veq.s32 v10, v4;
	v10 =	vand.u32 $0x7FF, v11;
	v17 =	vld [tilespmem:s28+$0x10]  }
0x200: {  	vm4 =	veq.s32 v14, v2;
	vm3 =	veq.s32 v14, v4;
	vm1 =	veq.s32 v16, v3  }
0x201: {  	v11 =	vor.u32 $0x1000, v9;
	[tilespmem:v8+s13+$0x0] =	vst.idx.add.s32.msk vm2, v1;
	v8 =	vor.u32 $0x1000, v13;
	vm2 =	veq.s32 v16, v5  }
0x202: {  	v14 =	vshra.s32 v12, $0x1F;
	[tilespmem:v6+s13+$0x0] =	vst.idx.add.s32.msk vm7, v1;
	v6 =	vor.u32 $0x800, v10;
	v10 =	vor.u32 $0x1800, v10  }
0x203: {  	v19 =	vor.u32 $0x800, v7;
	v14 =	vand.u32 $0x7FFFFFFF, v14;
	v16 =	vshra.s32 v15, $0x1F;
	v18 =	vld [tilespmem:s28+$0x60]  }
0x204: {  	v12 =	vxor.u32 v12, v14;
	v14 =	vand.u32 $0x7FFFFFFF, v16;
	v16 =	vshra.s32 v17, $0x1F  }
0x205: {  	v20 =	vshra.s32 v12, $0x15;
	v14 =	vxor.u32 v15, v14;
	v15 =	vand.u32 $0x7FFFFFFF, v16;
	[tilespmem:v13+s13+$0x0] =	vst.idx.add.s32.msk vm8, v1  }
0x206: {  	v12 =	vshrl.u32 v12, $0xA;
	v13 =	vshra.s32 v14, $0x15;
	v15 =	vxor.u32 v17, v15;
	[tilespmem:v8+s13+$0x0] =	vst.idx.add.s32.msk vm6, v1  }
0x207: {  	v8 =	vshrl.u32 v14, $0xA;
	v14 =	vshra.s32 v15, $0x15;
	v15 =	vshrl.u32 v15, $0xA;
	[tilespmem:v9+s13+$0x0] =	vst.idx.add.s32.msk vm4, v1  }
0x208: {  	v9 =	vadd.s32 $0x400, v20;
	v13 =	vadd.s32 $0x400, v13;
	v16 =	vshra.s32 v18, $0x1F;
	[tilespmem:v11+s13+$0x0] =	vst.idx.add.s32.msk vm3, v1  }
0x209: {  	v12 =	vand.u32 $0x7FF, v12;
	v14 =	vadd.s32 $0x400, v14;
	v11 =	vand.u32 $0x7FFFFFFF, v16;
	[tilespmem:v6+s13+$0x0] =	vst.idx.add.s32.msk vm1, v1  }
0x20a: {  	v16 =	vand.u32 $0x7FF, v8;
	v6 =	vand.u32 $0x7FF, v15;
	v8 =	vxor.u32 v18, v11;
	[tilespmem:v10+s13+$0x0] =	vst.idx.add.s32.msk vm2, v1  }
0x20b: {  	vm6 =	veq.s32 v9, v2;
	vm1 =	veq.s32 v9, v4;
	v9 =	vshra.s32 v8, $0x15;
	v15 =	vld [tilespmem:s25+$0xFFFFFFB0]  }
0x20c: {  	vm7 =	veq.s32 v13, v2;
	v8 =	vshrl.u32 v8, $0xA;
	v9 =	vadd.s32 $0x400, v9;
	v17 =	vld [tilespmem:s25+$0xFFFFFFF0]  }
0x20d: {  	vm2 =	veq.s32 v13, v4;
	v8 =	vand.u32 $0x7FF, v8;
	vm8 =	veq.s32 v9, v3;
	v18 =	vld [tilespmem:s25+$0x30];
	s25 =	smov.u32 s28  }
0x20e: {  	vm3 =	veq.s32 v14, v3;
	v13 =	vor.u32 $0x800, v8;
	vm9 =	veq.s32 v9, v5;
	[tilespmem:v19+s13+$0x0] =	vst.idx.add.s32.msk vm5, v1  }
0x20f: {  	vm4 =	veq.s32 v14, v5;
	v11 =	vor.u32 $0x1000, v12;
	v14 =	vor.u32 $0x1800, v8  }
0x210: {  	v10 =	vor.u32 $0x1000, v16;
	v9 =	vor.u32 $0x800, v6;
	v8 =	vor.u32 $0x1800, v6  }
.Ltmp9:
0x211: {  	v6 =	vor.u32 $0x1800, v7;
	[tilespmem:v12+s13+$0x0] =	vst.idx.add.s32.msk vm6, v1;
	v12 =	vshra.s32 v15, $0x1F;
	v19 =	vshra.s32 v17, $0x1F;
	(pc) =	sbr.rel @p3 .LBB2_17-.Ltmp9, $4  }
0x212: {  	[tilespmem:v16+s13+$0x0] =	vst.idx.add.s32.msk vm7, v1;
	v7 =	vand.u32 $0x7FFFFFFF, v12;
	v12 =	vand.u32 $0x7FFFFFFF, v19;
	v16 =	vshra.s32 v18, $0x1F  }
0x213: {  	[tilespmem:v13+s13+$0x0] =	vst.idx.add.s32.msk vm8, v1;
	v15 =	vxor.u32 v15, v7;
	v17 =	vxor.u32 v17, v12;
	v12 =	vand.u32 $0x7FFFFFFF, v16  }
0x214: {  	[tilespmem:v14+s13+$0x0] =	vst.idx.add.s32.msk vm9, v1;
	v13 =	vshra.s32 v15, $0x15;
	v7 =	vshra.s32 v17, $0x15;
	v14 =	vxor.u32 v18, v12  }
0x215: {  	s28 =	sadd.s32 $0x100, s28;
	v15 =	vshrl.u32 v15, $0xA;
	v16 =	vshrl.u32 v17, $0xA;
	v12 =	vld [tilespmem:s25+$0x70];
	v17 =	vshra.s32 v14, $0x15  }
0x216: {  	s26 =	smov.u32 s25  }
.LBB2_19:
0x217: {  	_ =	sdelay $0x4  }
0x218: {  	[tilespmem:v11+s13+$0x0] =	vst.idx.add.s32.msk vm1, v1  }
0x219: {  	[tilespmem:v10+s13+$0x0] =	vst.idx.add.s32.msk vm2, v1  }
0x21a: {  	[tilespmem:v9+s13+$0x0] =	vst.idx.add.s32.msk vm3, v1  }
0x21b: {  	[tilespmem:v8+s13+$0x0] =	vst.idx.add.s32.msk vm4, v1  }
0x21c: {  	v43 =	vld [tilespmem:s26+$0xFFFFFFA0]  }
0x21d: {  	v44 =	vld [tilespmem:s26+$0xFFFFFFE0]  }
0x21e: {  	v45 =	vld [tilespmem:s26+$0x20];
	_ =	sdelay $0x3  }
0x21f: {  	v46 =	vshra.s32 v43, $0x1F  }
0x220: {  	v18 =	vshra.s32 v44, $0x1F;
	v11 =	vand.u32 $0x7FFFFFFF, v46;
	v19 =	vshra.s32 v45, $0x1F  }
0x221: {  	v18 =	vand.u32 $0x7FFFFFFF, v18;
	v19 =	vand.u32 $0x7FFFFFFF, v19;
	v8 =	vxor.u32 v43, v11  }
0x222: {  	v9 =	vxor.u32 v44, v18;
	v11 =	vshra.s32 v8, $0x15;
	v10 =	vxor.u32 v45, v19  }
0x223: {  	v18 =	vshra.s32 v9, $0x15;
	v8 =	vshrl.u32 v8, $0xA;
	v11 =	vadd.s32 $0x400, v11  }
0x224: {  	v9 =	vshrl.u32 v9, $0xA;
	v18 =	vadd.s32 $0x400, v18;
	vm13 =	veq.s32 v11, v2  }
0x225: {  	v19 =	vshra.s32 v10, $0x15;
	v8 =	vand.u32 $0x7FF, v8;
	vm15 =	veq.s32 v18, v2  }
0x226: {  	v10 =	vshrl.u32 v10, $0xA;
	v9 =	vand.u32 $0x7FF, v9;
	vm14 =	veq.s32 v11, v4  }
0x227: {  	v47 =	vor.u32 $0x1000, v8;
	v19 =	vadd.s32 $0x400, v19;
	vm9 =	veq.s32 v18, v4  }
0x228: {  	v10 =	vand.u32 $0x7FF, v10;
	v48 =	vor.u32 $0x1000, v9;
	vm5 =	veq.s32 v19, v3  }
0x229: {  	v20 =	vor.u32 $0x800, v10  }
0x22a: {  	v7 =	vadd.s32 @p1 $0x400, v7;
	[tilespmem:v8+s13+$0x0] =	vst.idx.add.s32.msk vm13, v1  }
0x22b: {  	vm3 =	veq.s32 @p1 v7, v2;
	v49 =	vshra.s32 v12, $0x1F;
	vm6 =	veq.s32 v19, v5;
	[tilespmem:v9+s13+$0x0] =	vst.idx.add.s32.msk vm15, v1  }
0x22c: {  	vm2 =	veq.s32 @p1 v7, v4;
	v7 =	vand.u32 $0x7FFFFFFF, v49;
	v10 =	vor.u32 $0x1800, v10;
	[tilespmem:v47+s13+$0x0] =	vst.idx.add.s32.msk vm14, v1  }
0x22d: {  	v7 =	vxor.u32 v12, v7;
	[tilespmem:v48+s13+$0x0] =	vst.idx.add.s32.msk vm9, v1  }
0x22e: {  	v12 =	vshra.s32 v7, $0x15;
	[tilespmem:v20+s13+$0x0] =	vst.idx.add.s32.msk vm5, v1  }
0x22f: {  	vm0 =	vmmov @p2 vm0;
	v7 =	vshrl.u32 v7, $0xA;
	v12 =	vadd.s32 $0x400, v12;
	v50 =	vld [tilespmem:s26+$0xFFFFFFB0]  }
0x230: {  	v7 =	vand.u32 $0x7FF, v7;
	v8 =	vadd.s32 @p1 $0x400, v13;
	v13 =	vand.u32 @p1 $0x7FF, v16;
	v51 =	vld [tilespmem:s26+$0xFFFFFFF0]  }
0x231: {  	vm7 =	veq.s32 v12, v3;
	v53 =	vor.u32 $0x800, v7;
	vm8 =	veq.s32 v12, v5;
	[tilespmem:v10+s13+$0x0] =	vst.idx.add.s32.msk vm6, v1  }
0x232: {  	v7 =	vor.u32 $0x1800, v7;
	v11 =	vand.u32 @p1 $0x7FF, v15;
	v9 =	vshrl.u32 @p1 v14, $0xA;
	v52 =	vld [tilespmem:s26+$0x30]  }
0x233: {  	v14 =	vadd.s32 @p1 $0x400, v17;
	vm5 =	veq.s32 @p1 v8, v2;
	vm4 =	veq.s32 @p1 v8, v4  }
0x234: {  	v9 =	vand.u32 @p1 $0x7FF, v9;
	vm1 =	veq.s32 @p1 v14, v3;
	vm6 =	veq.s32 @p1 v14, v5  }
0x235: {  	v10 =	vor.u32 @p1 $0x1000, v11;
	v14 =	vor.u32 @p1 $0x1000, v13;
	[tilespmem:v13+s13+$0x0] =	vst.idx.add.s32.msk @p1 vm3, v1;
	vm3 =	vmmov @p1 vm6  }
0x236: {  	[tilespmem:v6+s13+$0x0] =	vst.idx.add.s32.msk @p2 vm0, v1;
	vm0 =	vmmov @p1 vm3;
	v54 =	vshra.s32 v50, $0x1F;
	v55 =	vshra.s32 v51, $0x1F  }
0x237: {  	v12 =	vand.u32 $0x7FFFFFFF, v54;
	v18 =	vand.u32 $0x7FFFFFFF, v55;
	v56 =	vshra.s32 v52, $0x1F  }
0x238: {  	v12 =	vxor.u32 v50, v12;
	v8 =	vxor.u32 v51, v18;
	v18 =	vor.u32 @p1 $0x800, v9  }
0x239: {  	v9 =	vor.u32 @p1 $0x1800, v9;
	v15 =	vand.u32 $0x7FFFFFFF, v56;
	v57 =	vshra.s32 v12, $0x15  }
0x23a: {  	[tilespmem:v53+s13+$0x0] =	vst.idx.add.s32.msk vm7, v1;
	v15 =	vxor.u32 v52, v15;
	v58 =	vshra.s32 v8, $0x15;
	v59 =	vshrl.u32 v12, $0xA  }
0x23b: {  	[tilespmem:v11+s13+$0x0] =	vst.idx.add.s32.msk @p1 vm5, v1;
	v8 =	vshrl.u32 v8, $0xA;
	v9 =	vpsel p1, v9, v0;
	v11 =	vadd.s32 $0x400, v57  }
0x23c: {  	[tilespmem:v7+s13+$0x0] =	vst.idx.add.s32.msk vm8, v1;
	v60 =	vshra.s32 v15, $0x15;
	v61 =	vadd.s32 $0x400, v58;
	vm10 =	veq.s32 v11, v2  }
0x23d: {  	[tilespmem:v10+s13+$0x0] =	vst.idx.add.s32.msk @p1 vm4, v1;
	v10 =	vand.u32 $0x7FF, v59;
	v7 =	vshrl.u32 v15, $0xA;
	vm12 =	veq.s32 v61, v2  }
0x23e: {  	v8 =	vand.u32 $0x7FF, v8;
	vm11 =	veq.s32 v11, v4;
	v62 =	vor.u32 $0x1000, v10  }
0x23f: {  	[tilespmem:v14+s13+$0x0] =	vst.idx.add.s32.msk @p1 vm2, v1;
	vm13 =	veq.s32 v61, v4;
	v6 =	vadd.s32 $0x400, v60;
	v63 =	vor.u32 $0x1000, v8  }
0x240: {  	v7 =	vand.u32 $0x7FF, v7;
	vm14 =	veq.s32 v6, v3;
	vm15 =	veq.s32 v6, v5;
	[tilespmem:v18+s13+$0x0] =	vst.idx.add.s32.msk @p1 vm1, v1  }
0x241: {  	v6 =	vor.u32 $0x800, v7;
	vm3 =	vmmov vm15;
	[tilespmem:v9+s13+$0x0] =	vst.idx.add.s32.msk @p1 vm0, v1  }
0x242: {  	v7 =	vor.u32 $0x1800, v7;
	[tilespmem:v10+s13+$0x0] =	vst.idx.add.s32.msk vm10, v1  }
0x243: {  	[tilespmem:v8+s13+$0x0] =	vst.idx.add.s32.msk vm12, v1  }
0x244: {  	[tilespmem:v62+s13+$0x0] =	vst.idx.add.s32.msk vm11, v1  }
0x245: {  	[tilespmem:v63+s13+$0x0] =	vst.idx.add.s32.msk vm13, v1  }
0x246: {  	[tilespmem:v6+s13+$0x0] =	vst.idx.add.s32.msk vm14, v1  }
0x247: {  	[tilespmem:v7+s13+$0x0] =	vst.idx.add.s32.msk vm3, v1  }
.LBB2_20:
0x248: {  	[spmem:s6] =	stream.strided.scatter [tilespmem:s13], [sflag:$0x2], $0x2000, s15, s14, $0x38;
	[tilespmem:$0x18400] =	vst v63  }
0x249: {  	_ =	swait.ge [sflag:s11], $0x2000  }
0x24a: {  	[sflag:s11] =	ssyncset.done $0x0  }
0x24b: {  	[sflag:s11] =	ssyncadd.s32 $0xFFFFE000  }
0x24c: {  	[bflag:$0x0] =	sbarrier.arrive $0xFFFF  }
0x24d: {  	[tilespmem:s17], [sflag:$0x2] =	stream.strided.gather [spmem:s7], $0x2000, s13, s16, $0x38;
	[tilespmem:$0x18400] =	vst v63  }
0x24e: {  	s0 =	simm.s32 $0x0;
	_ =	swait.ge [sflag:s11], $0x2000  }
0x24f: {  	s2 =	sand.u32 $0x70, s0;
	s0 =	sand.u32 $0xC00, s0;
	[sflag:s11] =	ssyncset.done $0x0  }
0x250: {  	s0 =	sor.u32 s2, s0;
	[sflag:s11] =	ssyncadd.s32 $0xFFFFE000  }
0x251: {  	v6 =	vld [tilespmem:s0+$0x14000]  }
0x252: {  	v7 =	vld [tilespmem:s0+$0x14080]  }
0x253: {  	v8 =	vld [tilespmem:s0+$0x14100]  }
0x254: {  	v9 =	vld [tilespmem:s0+$0x14180]  }
0x255: {  	v10 =	vld [tilespmem:s0+$0x14200]  }
0x256: {  	v11 =	vld [tilespmem:s0+$0x14280]  }
0x257: {  	v12 =	vld [tilespmem:s0+$0x14300]  }
0x258: {  	v13 =	vld [tilespmem:s0+$0x14380]  }
0x259: {  	v14 =	vld [tilespmem:s0+$0x15000]  }
0x25a: {  	v15 =	vld [tilespmem:s0+$0x15080]  }
0x25b: {  	v16 =	vld [tilespmem:s0+$0x15100]  }
0x25c: {  	v17 =	vld [tilespmem:s0+$0x15180]  }
0x25d: {  	v18 =	vld [tilespmem:s0+$0x15200]  }
0x25e: {  	s30 =	simm.s32 $0x10;
	s25 =	simm.s32 $0x80;
	v19 =	vld [tilespmem:s0+$0x15280]  }
0x25f: {  	s25 =	sand.u32 $0xC00, s25;
	s2 =	sand.u32 $0x70, s30;
	v20 =	vld [tilespmem:s0+$0x15300]  }
0x260: {  	s2 =	sor.u32 s2, s25;
	v21 =	vld [tilespmem:s0+$0x15380]  }
0x261: {  	v6 =	vadd.s32 v6, v7;
	v7 =	vld [tilespmem:s2+$0x14000]  }
0x262: {  	v6 =	vadd.s32 v8, v6;
	v8 =	vld [tilespmem:s2+$0x14080]  }
0x263: {  	v6 =	vadd.s32 v9, v6;
	v9 =	vld [tilespmem:s2+$0x14100]  }
0x264: {  	v6 =	vadd.s32 v10, v6;
	v10 =	vld [tilespmem:s2+$0x14180]  }
0x265: {  	v6 =	vadd.s32 v11, v6;
	v11 =	vld [tilespmem:s2+$0x14200]  }
0x266: {  	v61 =	vld [tilespmem:s2+$0x14280];
	v6 =	vadd.s32 v12, v6  }
0x267: {  	v6 =	vadd.s32 v13, v6;
	v7 =	vadd.s32 v7, v8;
	v8 =	vld [tilespmem:s2+$0x14300]  }
0x268: {  	v6 =	vadd.s32 v14, v6;
	v7 =	vadd.s32 v9, v7;
	v9 =	vld [tilespmem:s2+$0x14380]  }
0x269: {  	v6 =	vadd.s32 v15, v6;
	v7 =	vadd.s32 v10, v7;
	v10 =	vld [tilespmem:s2+$0x15000]  }
0x26a: {  	v6 =	vadd.s32 v16, v6;
	v7 =	vadd.s32 v11, v7;
	v11 =	vld [tilespmem:s2+$0x15080]  }
0x26b: {  	v62 =	vld [tilespmem:s2+$0x15100];
	v6 =	vadd.s32 v17, v6;
	v7 =	vadd.s32 v61, v7  }
0x26c: {  	v63 =	vadd.s32 v18, v6;
	v7 =	vadd.s32 v8, v7;
	v6 =	vld [tilespmem:s2+$0x15180]  }
0x26d: {  	s22 =	ssub.s32 $0x7FFFF, s22;
	s28 =	simm.s32 $0x100;
	v8 =	vadd.s32 v19, v63;
	v9 =	vadd.s32 v9, v7;
	v7 =	vld [tilespmem:s2+$0x15200]  }
0x26e: {  	s31 =	simm.s32 $0x20;
	s26 =	sand.u32 $0xC00, s28;
	s25 =	ssub.s32 $0x7FFFF, s23;
	v13 =	vadd.s32 v20, v8;
	v9 =	vadd.s32 v10, v9;
	v8 =	vld [tilespmem:s2+$0x15280]  }
0x26f: {  	s23 =	ssub.s32 $0x80000, s24;
	s24 =	simm.s32 $0x16000;
	s0 =	sand.u32 $0x70, s31;
	v10 =	vadd.s32 v21, v13;
	v11 =	vadd.s32 v11, v9;
	v9 =	vld [tilespmem:s2+$0x15300]  }
0x270: {  	s21 =	ssub.s32 $0x80000, s21;
	s29 =	simm.s32 $0x30;
	s26 =	sor.u32 s0, s26;
	[tilespmem:s24+$0x0] =	vst v10;
	v11 =	vadd.s32 v62, v11;
	v10 =	vld [tilespmem:s2+$0x15380]  }
.LBB2_21:
0x271: {  	p1 =	sne.s32 s29, $0x1F0;
	v12 =	vld [tilespmem:s26+$0x14000];
	v6 =	vadd.s32 v6, v11  }
0x272: {  	v11 =	vld [tilespmem:s26+$0x14080];
	v6 =	vadd.s32 v7, v6  }
0x273: {  	v7 =	vld [tilespmem:s26+$0x14100];
	v6 =	vadd.s32 v8, v6  }
0x274: {  	v8 =	vld [tilespmem:s26+$0x14180];
	v6 =	vadd.s32 v9, v6  }
0x275: {  	s24 =	sadd.s32 $0x10, s24;
	v9 =	vld [tilespmem:s26+$0x14200];
	v6 =	vadd.s32 v10, v6  }
0x276: {  	v10 =	vld [tilespmem:s26+$0x14280];
	[tilespmem:s24+$0x0] =	vst v6  }
0x277: {  	v6 =	vadd.s32 v12, v11;
	v11 =	vld [tilespmem:s26+$0x14300]  }
0x278: {  	v6 =	vadd.s32 v7, v6;
	v7 =	vld [tilespmem:s26+$0x14380]  }
0x279: {  	v6 =	vadd.s32 v8, v6;
	v8 =	vld [tilespmem:s26+$0x15000]  }
0x27a: {  	v6 =	vadd.s32 v9, v6;
	v9 =	vld [tilespmem:s26+$0x15080]  }
0x27b: {  	v6 =	vadd.s32 v10, v6;
	v10 =	vld [tilespmem:s26+$0x15100]  }
.Ltmp10:
0x27c: {  	v11 =	vadd.s32 v11, v6;
	v6 =	vld [tilespmem:s26+$0x15180];
	(pc) =	sbr.rel @p1 .LBB2_21-.Ltmp10, $4  }
0x27d: {  	v11 =	vadd.s32 v7, v11;
	v7 =	vld [tilespmem:s26+$0x15200]  }
0x27e: {  	s28 =	sadd.s32 $0x80, s28;
	v11 =	vadd.s32 v8, v11;
	v8 =	vld [tilespmem:s26+$0x15280]  }
0x27f: {  	s0 =	sand.u32 $0x70, s29;
	s2 =	sand.u32 $0xC00, s28;
	v11 =	vadd.s32 v9, v11;
	v9 =	vld [tilespmem:s26+$0x15300]  }
0x280: {  	s29 =	sadd.s32 $0x10, s29;
	v11 =	vadd.s32 v10, v11;
	v10 =	vld [tilespmem:s26+$0x15380];
	s26 =	sor.u32 s0, s2  }
0x281: {  	v12 =	vld [tilespmem:s26+$0x14000]  }
0x282: {  	v13 =	vld [tilespmem:s26+$0x14080]  }
0x283: {  	v14 =	vld [tilespmem:s26+$0x14100]  }
0x284: {  	v15 =	vld [tilespmem:s26+$0x14180]  }
0x285: {  	v16 =	vld [tilespmem:s26+$0x14200]  }
0x286: {  	v17 =	vld [tilespmem:s26+$0x14280]  }
0x287: {  	v51 =	vld [tilespmem:s26+$0x14300];
	v12 =	vadd.s32 v12, v13  }
0x288: {  	v52 =	vld [tilespmem:s26+$0x14380];
	v12 =	vadd.s32 v14, v12  }
0x289: {  	v53 =	vld [tilespmem:s26+$0x15000];
	v12 =	vadd.s32 v15, v12  }
0x28a: {  	v54 =	vld [tilespmem:s26+$0x15080];
	v12 =	vadd.s32 v16, v12  }
0x28b: {  	v55 =	vld [tilespmem:s26+$0x15100];
	v12 =	vadd.s32 v17, v12  }
0x28c: {  	v56 =	vld [tilespmem:s26+$0x15180];
	v12 =	vadd.s32 v51, v12  }
0x28d: {  	v58 =	vld [tilespmem:s26+$0x15200];
	v57 =	vadd.s32 v52, v12  }
0x28e: {  	v6 =	vadd.s32 v6, v11;
	v60 =	vld [tilespmem:s26+$0x15280];
	v59 =	vadd.s32 v53, v57  }
0x28f: {  	v61 =	vld [tilespmem:s26+$0x15300];
	v6 =	vadd.s32 v7, v6;
	v7 =	vadd.s32 v54, v59  }
0x290: {  	v62 =	vld [tilespmem:s26+$0x15380];
	vm0 =	vcmask @!p0 $0xB08;
	v7 =	vadd.s32 v55, v7  }
0x291: {  	vm1 =	vcmask @!p0 $0x300;
	vm3 =	vcmask @!p0 $0x1310;
	v7 =	vadd.s32 v56, v7  }
0x292: {  	vm2 =	vmor @!p0 vm1, vm0;
	v6 =	vadd.s32 v8, v6;
	v7 =	vadd.s32 v58, v7  }
0x293: {  	vm2 =	vmor @!p0 vm2, vm3;
	v6 =	vadd.s32 v9, v6;
	v7 =	vadd.s32 v60, v7  }
0x294: {  	s0 =	sadd.s32 $0x10, s24;
	vm3 =	vcmask @!p0 $0x1B18;
	v6 =	vadd.s32 v10, v6;
	v7 =	vadd.s32 v61, v7  }
0x295: {  	vm2 =	vmor @!p0 vm2, vm3;
	vm3 =	vcmask @!p0 $0x2320;
	[tilespmem:s0+$0x0] =	vst v6;
	s0 =	sadd.s32 $0x10, s0;
	v63 =	vadd.s32 v62, v7  }
0x296: {  	vm2 =	vmor @!p0 vm2, vm3;
	vm3 =	vcmask @!p0 $0x2B28;
	[tilespmem:s0+$0x0] =	vst v63  }
0x297: {  	vm2 =	vmor @!p0 vm2, vm3;
	vm3 =	vcmask @!p0 $0x3330;
	[hbm4b:s8+s14] =	stream.strided.scatter [tilespmem:s19], [sflag:$0x2], $0x200, s18, s14, $0x38;
	[tilespmem:$0x18400] =	vst v63  }
0x298: {  	v6 =	vmov @!p0 s25;
	vm2 =	vmor @!p0 vm2, vm3;
	vm3 =	vcmask @!p0 $0x3B38;
	_ =	swait.ge [sflag:s11], $0x200  }
0x299: {  	v6 =	vnsel @!p0 vm1, $0x0, v6;
	vm1 =	vcmask @!p0 $0x704;
	vm2 =	vmor @!p0 vm2, vm3;
	[sflag:s11] =	ssyncset.done $0x0  }
0x29a: {  	v2 =	vsel @!p0 vm2, v2, v3;
	v3 =	vsel @!p0 vm1, s23, v6;
	[sflag:s11] =	ssyncadd.s32 $0xFFFFFE00  }
0x29b: {  	v3 =	vsel @!p0 vm0, s22, v3;
	vm0 =	vcmask @!p0 $0xF0C;
	[tilespmem:$0x18200] =	vst @!p0 v2;
	v2 =	vsel @!p0 vm2, v4, v5  }
0x29c: {  	s20 =	sadd.s32 $0x1, s20;
	[tilespmem:$0x18280] =	vst @!p0 v2;
	v2 =	vsel @!p0 vm0, s21, v3  }
0x29d: {  	s2 =	simm.s32 @!p0 $0x18200;
	p1 =	sne.s32 s20, s9;
	s0 =	simm.s32 @!p0 $0x0;
	[tilespmem:$0x18300] =	vst @!p0 v2  }
0x29e: {  	[hbm4b:s4+s0] =	stream.linear.scatter @!p0 [tilespmem:s2], [sflag:$0x2], $0x180, $0x38;
	[tilespmem:$0x18400] =	vst v63  }
.Ltmp11:
0x29f: {  	_ = 	snop;
	(pc) =	sbr.rel @p1 .LBB2_1-.Ltmp11, $4  }
.Ltmp12:
0x2a0: {  	s0 =	simm.s32 @!p0 $0x2;
	(pc) =	sbr.rel @!p1 .LBB2_23-.Ltmp12, $4  }
0x2a1: {  	_ =	swait.ge @!p0 [sflag:s0], $0x180  }
0x2a2: {  	[sflag:s0] =	ssyncset.done @!p0 $0x0  }
0x2a3: {  	[sflag:s0] =	ssyncadd.s32 @!p0 $0xFFFFFE80  }
0x2a4: {  	_ = 	snop  }
.LBB2_9:
.Ltmp13:
0x2a5: {  	(pc) =	sbr.rel .LBB2_19-.Ltmp13, $2  }
0x2a6: {  	_ =	sdelay $0x2  }
0x2a7: {  	s26 =	smov.u32 s25  }
.LBB2_14:
.Ltmp14:
0x2a8: {  	(pc) =	sbr.rel .LBB2_19-.Ltmp14, $2  }
0x2a9: {  	_ =	sdelay $0x2  }
0x2aa: {  	_ = 	snop  }
.LBB2_16:
.Ltmp15:
0x2ab: {  	(pc) =	sbr.rel .LBB2_19-.Ltmp15, $2  }
0x2ac: {  	_ =	sdelay $0x2  }
0x2ad: {  	s26 =	smov.u32 s25  }
.LBB2_23:
0x2ae: {  	_ =	sfence.sel $0x180000  }
0x2af: {  	[bflag:$0x0] =	sbarrier.arrive $0xFFFF  }
0x2b0: {  	_ =	strace $0x9000004A  }
0x2b1: {  	s0 =	stileid.u32;
	[bflag:$0x2] =	sbarrier.arrive $0xFFFF  }
0x2b2: {  	p0 =	sne.s32 s0, $0x0;
	s0 =	rddreg [dreg:$0x3]  }
0x2b3: {  	s0 =	sadd.s32 @!p0 $0x100000, s0  }
0x2b4: {  	[sflag:s0] =	ssyncadd.tile.s32 @!p0 $0x1;
	_ =	shalt  }
.Lfunc_end2:
_tile_overlayer_lowered:
.L_overlay_start_2:
0x2b5: {  	(tag) =	ssettag $0x2  }
0x2b6: {  	s0 =	rddreg [dreg:$0x0];
	s2 =	stileid.u32  }
0x2b7: {  	s1 =	rddreg [dreg:$0x1];
	p0 =	sne.s32 s2, $0x0  }
0x2b8: {  	s3 =	rddreg [dreg:$0x2];
	[bflag:$0x3] =	sbarrier.arrive $0xFFFF;
	s2 =	simm.s32 @!p0 $0x1C02  }
0x2b9: {  	[timem:s3], [sflag:s2] =	dma.local @!p0 [hbm:s0], s1  }
0x2ba: {  	s0 =	simm.s32 @!p0 $0x2  }
0x2bb: {  	_ =	swait.ge @!p0 [sflag:s0], s1  }
0x2bc: {  	s1 =	ssub.s32 @!p0 $0x0, s1;
	[sflag:s0] =	ssyncset.done @!p0 $0x0  }
0x2bd: {  	[sflag:s0] =	ssyncadd.s32 @!p0 s1  }
0x2be: {  	[bflag:$0x3] =	sbarrier.arrive $0xFFFF  }
0x2bf: {  	_ =	shalt  }

</sc_bundles>
